<compile_context>
chip_gen: v7x
topology: tpu7x:2x2x1
jax: 0.10.2.dev20260603
libtpu: 0.0.44.dev20260713+nightly
codegen_flags: <defaults>
</compile_context>

<pallas_src>
import jax
import jax.numpy as jnp
from jax import lax
from jax.experimental import pallas as pl
from jax.experimental.pallas import tpu as pltpu
from jax.experimental.pallas import tpu_sc as plsc

N_NODES = 10000
N_EDGES = 320000
D_IN = 128
D_HID = 128
D_OUT = 112
D = 128

NC = 2
NS = 16
NW = NC * NS
NA = 10240
TRASH = 10200
RCH = 64
RCHUNKS = 10
CHUNK = 96
NCHUNKS = 105
EPW = CHUNK * NCHUNKS
E_PAD = EPW * NW


def _fill(ref, nrows, ncols, val):
    v = jnp.full((16,), val, jnp.float32)

    def body(r, _):
        for j in range(ncols // 16):
            ref[r, pl.ds(j * 16, 16)] = v
        return 0

    lax.fori_loop(0, nrows, body, 0)


def _make_agg(with_counts):
    out_type = [jax.ShapeDtypeStruct((NC, NA, D), jnp.float32)]
    if with_counts:
        out_type.append(jax.ShapeDtypeStruct((NC, NA, D), jnp.float32))

    scratch = [
        pltpu.VMEM((CHUNK,), jnp.int32),
        pltpu.VMEM((CHUNK,), jnp.int32),
        pltpu.VMEM((CHUNK, D), jnp.float32),
        pltpu.VMEM_SHARED((NA, D), jnp.float32),
        pltpu.SemaphoreType.DMA,
    ]

    def body(table, src, dst, *rest):
        if with_counts:
            (sum_out, cnt_out, src_v, dst_v, rows_v, acc, gsem) = rest
        else:
            (sum_out, src_v, dst_v, rows_v, acc, gsem) = rest

        sid = lax.axis_index("s")
        cid = lax.axis_index("c")
        wid = cid * NS + sid
        ebase = wid * EPW

        def zero_acc():
            for k in range(RCHUNKS):
                roff = (sid * RCHUNKS + k) * RCH
                pltpu.sync_copy(rows_v.at[pl.ds(0, RCH)],
                                acc.at[pl.ds(roff, RCH)])

        def write_acc(out):
            for k in range(RCHUNKS):
                roff = (sid * RCHUNKS + k) * RCH
                pltpu.sync_copy(acc.at[pl.ds(roff, RCH)],
                                rows_v.at[pl.ds(0, RCH)])
                pltpu.sync_copy(rows_v.at[pl.ds(0, RCH)],
                                out.at[cid, pl.ds(roff, RCH)])

        _fill(rows_v, CHUNK, D, 0.0)
        zero_acc()
        plsc.subcore_barrier()

        if with_counts:
            _fill(rows_v, CHUNK, D, 1.0)

            def cnt_body(c, _):
                off = ebase + c * CHUNK
                pltpu.sync_copy(dst.at[pl.ds(off, CHUNK)], dst_v)
                pltpu.sync_copy(rows_v, acc.at[dst_v], add=True)
                return 0

            lax.fori_loop(0, NCHUNKS, cnt_body, 0)
            plsc.subcore_barrier()
            write_acc(cnt_out)
            _fill(rows_v, CHUNK, D, 0.0)
            zero_acc()
            plsc.subcore_barrier()

        def chunk_body(c, _):
            off = ebase + c * CHUNK
            pltpu.sync_copy(src.at[pl.ds(off, CHUNK)], src_v)
            pltpu.sync_copy(dst.at[pl.ds(off, CHUNK)], dst_v)
            pltpu.async_copy(table.at[src_v], rows_v, gsem).wait()
            pltpu.sync_copy(rows_v, acc.at[dst_v], add=True)
            return 0

        lax.fori_loop(0, NCHUNKS, chunk_body, 0)
        plsc.subcore_barrier()
        write_acc(sum_out)

    mesh = plsc.VectorSubcoreMesh(core_axis_name="c", subcore_axis_name="s")
    return pl.kernel(body, out_type=out_type, mesh=mesh,
                     scratch_types=scratch)


_agg_with_counts = _make_agg(True)
_agg_no_counts = _make_agg(False)


BN = 256


def _layer1_tc(sum_ref, inv_ref, x_ref, wl_ref, bl_ref, wr_ref, out_ref):
    mean = (sum_ref[0] + sum_ref[1]) * inv_ref[...]
    h = (jnp.dot(mean, wl_ref[...], preferred_element_type=jnp.float32)
         + jnp.dot(x_ref[...], wr_ref[...], preferred_element_type=jnp.float32)
         + bl_ref[...])
    out_ref[...] = jnp.maximum(h, 0.0)


def _layer2_tc(sum_ref, inv_ref, h_ref, wl_ref, bl_ref, wr_ref, wo_ref,
               bo_ref, out_ref):
    mean = (sum_ref[0] + sum_ref[1]) * inv_ref[...]
    h = (jnp.dot(mean, wl_ref[...], preferred_element_type=jnp.float32)
         + jnp.dot(h_ref[...], wr_ref[...], preferred_element_type=jnp.float32)
         + bl_ref[...])
    h = jnp.maximum(h, 0.0)
    out_ref[...] = (jnp.dot(h, wo_ref[...], preferred_element_type=jnp.float32)
                    + bo_ref[...])


def _row_block(d):
    return pl.BlockSpec((BN, d), lambda i: (i, 0))


def _part_block(d):
    return pl.BlockSpec((NC, BN, d), lambda i: (0, i, 0))


def _full_block(a, b):
    return pl.BlockSpec((a, b), lambda i: (0, 0))


_GRID = (pl.cdiv(N_NODES, BN),)

_layer1_call = pl.pallas_call(
    _layer1_tc,
    grid=_GRID,
    in_specs=[_part_block(D), _row_block(1), _row_block(D_IN),
              _full_block(D_IN, D_HID), _full_block(1, D_HID),
              _full_block(D_IN, D_HID)],
    out_specs=_row_block(D_HID),
    out_shape=jax.ShapeDtypeStruct((N_NODES, D_HID), jnp.float32),
)

_layer2_call = pl.pallas_call(
    _layer2_tc,
    grid=_GRID,
    in_specs=[_part_block(D), _row_block(1), _row_block(D_HID),
              _full_block(D_HID, D_HID), _full_block(1, D_HID),
              _full_block(D_HID, D_HID), _full_block(D_HID, D_OUT),
              _full_block(1, D_OUT)],
    out_specs=_row_block(D_OUT),
    out_shape=jax.ShapeDtypeStruct((N_NODES, D_OUT), jnp.float32),
)


def kernel(x, edge_index, W_l1, b_l1, W_r1, W_l2, b_l2, W_r2, W_out, b_out):
    ei = edge_index.astype(jnp.int32)
    npad = E_PAD - N_EDGES
    src_p = jnp.concatenate([ei[0], jnp.zeros((npad,), jnp.int32)])
    dst_p = jnp.concatenate([ei[1], jnp.full((npad,), TRASH, jnp.int32)])

    sum1, cnt = _agg_with_counts(x, src_p, dst_p)
    inv = (1.0 / jnp.clip(cnt[0, :, 0] + cnt[1, :, 0], 1.0, None))
    inv = inv.reshape(NA, 1)
    h1 = _layer1_call(sum1, inv, x, W_l1, b_l1.reshape(1, D_HID), W_r1)

    (sum2,) = _agg_no_counts(h1, src_p, dst_p)
    out = _layer2_call(sum2, inv, h1, W_l2, b_l2.reshape(1, D_HID), W_r2,
                       W_out, b_out.reshape(1, D_OUT))
    return out

# --- scband reference (transcript-rebuilt; emitter-appended) ---
"""Pipeline reference for scband-graph-sage-79061757985056 (READ-ONLY COPY).

The authoritative reference and input builder live on the scoring server;
editing this copy changes nothing except your own understanding.
"""

import jax, jax.numpy as jnp
import numpy as np

N_NODES = 10000
N_EDGES = 320000
D_IN = 128
D_HID = 128
D_OUT = 112


def setup_inputs(seed: int = 0) -> dict:
    key = jax.random.key(seed)
    ks = jax.random.split(key, 10)
    x = jax.random.normal(ks[0], (N_NODES, D_IN), dtype=jnp.float32)
    edge_index = jax.random.randint(ks[1], (2, N_EDGES), 0, N_NODES, dtype=jnp.int64)
    s1 = 1.0 / np.sqrt(D_IN)
    s2 = 1.0 / np.sqrt(D_HID)
    W_l1 = jax.random.uniform(ks[2], (D_IN, D_HID), jnp.float32, -s1, s1)
    b_l1 = jax.random.uniform(ks[3], (D_HID,), jnp.float32, -s1, s1)
    W_r1 = jax.random.uniform(ks[4], (D_IN, D_HID), jnp.float32, -s1, s1)
    W_l2 = jax.random.uniform(ks[5], (D_HID, D_HID), jnp.float32, -s2, s2)
    b_l2 = jax.random.uniform(ks[6], (D_HID,), jnp.float32, -s2, s2)
    W_r2 = jax.random.uniform(ks[7], (D_HID, D_HID), jnp.float32, -s2, s2)
    W_out = jax.random.uniform(ks[8], (D_HID, D_OUT), jnp.float32, -s2, s2)
    b_out = jax.random.uniform(ks[9], (D_OUT,), jnp.float32, -s2, s2)
    return {"x": x, "edge_index": edge_index, "W_l1": W_l1, "b_l1": b_l1, "W_r1": W_r1,
            "W_l2": W_l2, "b_l2": b_l2, "W_r2": W_r2, "W_out": W_out, "b_out": b_out}


def _sage_conv(x, src, dst, W_l, b_l, W_r, num_nodes):
    # PyG SAGEConv with mean aggregation:
    # out = lin_l(mean_{j in N(i)} x_j) + lin_r(x_i)
    msgs = jnp.take(x, src, axis=0)  # gather source features per edge
    summed = jax.ops.segment_sum(msgs, dst, num_segments=num_nodes)
    counts = jax.ops.segment_sum(jnp.ones((src.shape[0],), dtype=x.dtype), dst, num_segments=num_nodes)
    mean = summed / jnp.clip(counts, 1.0, None)[:, None]
    return mean @ W_l + b_l + x @ W_r


def reference(x, edge_index, W_l1, b_l1, W_r1, W_l2, b_l2, W_r2, W_out, b_out):
    src = edge_index[0]
    dst = edge_index[1]
    n = x.shape[0]
    h = _sage_conv(x, src, dst, W_l1, b_l1, W_r1, n)
    h = jax.nn.relu(h)
    # dropout is identity in eval mode
    h = _sage_conv(h, src, dst, W_l2, b_l2, W_r2, n)
    h = jax.nn.relu(h)
    out = h @ W_out + b_out
    return out

if __name__ == "__main__":
    import jax
    _d = setup_inputs()
    print(jax.jit(kernel)(*tuple(_d.values())))

</pallas_src>

<mosaic_0001>
#map = affine_map<(d0, d1) -> (0, 0)>
#map1 = affine_map<(d0, d1) -> (0)>
#map2 = affine_map<(d0, d1) -> (0, 0, 0)>
module attributes {stable_mosaic.version = 14 : i64} {
  func.func @body(%arg0: i32, %arg1: i32, %arg2: memref<10000x128xf32, #tpu.memory_space<hbm>>, %arg3: memref<322560xi32, #tpu.memory_space<hbm>>, %arg4: memref<322560xi32, #tpu.memory_space<hbm>>, %arg5: memref<2x10240x128xf32, #tpu.memory_space<hbm>>, %arg6: memref<96xi32, #tpu.memory_space<vmem>>, %arg7: memref<96xi32, #tpu.memory_space<vmem>>, %arg8: memref<96x128xf32, #tpu.memory_space<vmem>>, %arg9: memref<10240x128xf32, #tpu.memory_space<vmem_shared>>, %arg10: memref<!tpu.dma_semaphore, #tpu.memory_space<semaphore_mem>>) attributes {dimension_semantics = [#tpu.dimension_semantics<core_parallel>, #tpu.dimension_semantics<subcore_parallel>], iteration_bounds = array<i64: 2, 16>, scalar_prefetch = 0 : i64, scratch_operands = 5 : i64, tpu.core_type = #tpu.core_type<sc_vector_subcore>, window_params = [{transform_indices = #map}, {transform_indices = #map1}, {transform_indices = #map1}, {transform_indices = #map2}]} {
    %mul3A = arith.constant 16 : i32
    %mul3A_0 = arith.muli %arg0, %mul3A : i32
    %add3A = arith.addi %mul3A_0, %arg1 : i32
    %mul3A_1 = arith.constant 10080 : i32
    %mul3A_2 = arith.muli %add3A, %mul3A_1 : i32
    %broadcast_in_dim3A = arith.constant 0.000000e+00 : f32
    %broadcast_in_dim3A_3 = vector.broadcast %broadcast_in_dim3A : f32 to vector<16xf32>
    %scan3A = arith.constant 0 : i32
    %scan3A_4 = arith.constant 0 : i32
    %scan3A_5 = arith.constant 96 : i32
    %scan3A_6 = arith.addi %scan3A_4, %scan3A_5 : i32
    %scan3A_7 = arith.constant 1 : i32
    %scan3A_8 = scf.for %scan3A_138 = %scan3A_4 to %scan3A_6 step %scan3A_7 iter_args(%scan3A_139 = %scan3A) -> (i32)  : i32 {
      %swap3A = arith.index_cast %scan3A_138 : i32 to index
      %swap3A_140 = arith.constant 0 : index
      %swap3A_141 = tpu.vector_load %arg8[%swap3A, %swap3A_140] {strides = array<i32>} : memref<96x128xf32, #tpu.memory_space<vmem>>, vector<1x16xf32>,
      %swap3A_142 = vector.shape_cast %swap3A_141 : vector<1x16xf32> to vector<16xf32>
      %swap3A_143 = vector.shape_cast %broadcast_in_dim3A_3 : vector<16xf32> to vector<1x16xf32>
      tpu.vector_store %arg8[%swap3A, %swap3A_140], %swap3A_143 {strides = array<i32>} : memref<96x128xf32, #tpu.memory_space<vmem>>, vector<1x16xf32>,
      %swap3A_144 = arith.index_cast %scan3A_138 : i32 to index
      %swap3A_145 = arith.constant 16 : index
      %swap3A_146 = tpu.vector_load %arg8[%swap3A_144, %swap3A_145] {strides = array<i32>} : memref<96x128xf32, #tpu.memory_space<vmem>>, vector<1x16xf32>,
      %swap3A_147 = vector.shape_cast %swap3A_146 : vector<1x16xf32> to vector<16xf32>
      %swap3A_148 = vector.shape_cast %broadcast_in_dim3A_3 : vector<16xf32> to vector<1x16xf32>
      tpu.vector_store %arg8[%swap3A_144, %swap3A_145], %swap3A_148 {strides = array<i32>} : memref<96x128xf32, #tpu.memory_space<vmem>>, vector<1x16xf32>,
      %swap3A_149 = arith.index_cast %scan3A_138 : i32 to index
      %swap3A_150 = arith.constant 32 : index
      %swap3A_151 = tpu.vector_load %arg8[%swap3A_149, %swap3A_150] {strides = array<i32>} : memref<96x128xf32, #tpu.memory_space<vmem>>, vector<1x16xf32>,
      %swap3A_152 = vector.shape_cast %swap3A_151 : vector<1x16xf32> to vector<16xf32>
      %swap3A_153 = vector.shape_cast %broadcast_in_dim3A_3 : vector<16xf32> to vector<1x16xf32>
      tpu.vector_store %arg8[%swap3A_149, %swap3A_150], %swap3A_153 {strides = array<i32>} : memref<96x128xf32, #tpu.memory_space<vmem>>, vector<1x16xf32>,
      %swap3A_154 = arith.index_cast %scan3A_138 : i32 to index
      %swap3A_155 = arith.constant 48 : index
      %swap3A_156 = tpu.vector_load %arg8[%swap3A_154, %swap3A_155] {strides = array<i32>} : memref<96x128xf32, #tpu.memory_space<vmem>>, vector<1x16xf32>,
      %swap3A_157 = vector.shape_cast %swap3A_156 : vector<1x16xf32> to vector<16xf32>
      %swap3A_158 = vector.shape_cast %broadcast_in_dim3A_3 : vector<16xf32> to vector<1x16xf32>
      tpu.vector_store %arg8[%swap3A_154, %swap3A_155], %swap3A_158 {strides = array<i32>} : memref<96x128xf32, #tpu.memory_space<vmem>>, vector<1x16xf32>,
      %swap3A_159 = arith.index_cast %scan3A_138 : i32 to index
      %swap3A_160 = arith.constant 64 : index
      %swap3A_161 = tpu.vector_load %arg8[%swap3A_159, %swap3A_160] {strides = array<i32>} : memref<96x128xf32, #tpu.memory_space<vmem>>, vector<1x16xf32>,
      %swap3A_162 = vector.shape_cast %swap3A_161 : vector<1x16xf32> to vector<16xf32>
      %swap3A_163 = vector.shape_cast %broadcast_in_dim3A_3 : vector<16xf32> to vector<1x16xf32>
      tpu.vector_store %arg8[%swap3A_159, %swap3A_160], %swap3A_163 {strides = array<i32>} : memref<96x128xf32, #tpu.memory_space<vmem>>, vector<1x16xf32>,
      %swap3A_164 = arith.index_cast %scan3A_138 : i32 to index
      %swap3A_165 = arith.constant 80 : index
      %swap3A_166 = tpu.vector_load %arg8[%swap3A_164, %swap3A_165] {strides = array<i32>} : memref<96x128xf32, #tpu.memory_space<vmem>>, vector<1x16xf32>,
      %swap3A_167 = vector.shape_cast %swap3A_166 : vector<1x16xf32> to vector<16xf32>
      %swap3A_168 = vector.shape_cast %broadcast_in_dim3A_3 : vector<16xf32> to vector<1x16xf32>
      tpu.vector_store %arg8[%swap3A_164, %swap3A_165], %swap3A_168 {strides = array<i32>} : memref<96x128xf32, #tpu.memory_space<vmem>>, vector<1x16xf32>,
      %swap3A_169 = arith.index_cast %scan3A_138 : i32 to index
      %swap3A_170 = arith.constant 96 : index
      %swap3A_171 = tpu.vector_load %arg8[%swap3A_169, %swap3A_170] {strides = array<i32>} : memref<96x128xf32, #tpu.memory_space<vmem>>, vector<1x16xf32>,
      %swap3A_172 = vector.shape_cast %swap3A_171 : vector<1x16xf32> to vector<16xf32>
      %swap3A_173 = vector.shape_cast %broadcast_in_dim3A_3 : vector<16xf32> to vector<1x16xf32>
      tpu.vector_store %arg8[%swap3A_169, %swap3A_170], %swap3A_173 {strides = array<i32>} : memref<96x128xf32, #tpu.memory_space<vmem>>, vector<1x16xf32>,
      %swap3A_174 = arith.index_cast %scan3A_138 : i32 to index
      %swap3A_175 = arith.constant 112 : index
      %swap3A_176 = tpu.vector_load %arg8[%swap3A_174, %swap3A_175] {strides = array<i32>} : memref<96x128xf32, #tpu.memory_space<vmem>>, vector<1x16xf32>,
      %swap3A_177 = vector.shape_cast %swap3A_176 : vector<1x16xf32> to vector<16xf32>
      %swap3A_178 = vector.shape_cast %broadcast_in_dim3A_3 : vector<16xf32> to vector<1x16xf32>
      tpu.vector_store %arg8[%swap3A_174, %swap3A_175], %swap3A_178 {strides = array<i32>} : memref<96x128xf32, #tpu.memory_space<vmem>>, vector<1x16xf32>,
      %scan3A_179 = arith.constant 0 : i32
      scf.yield %scan3A_179 : i32
    }
    %scan3A_9 = arith.constant 96 : i32
    %mul3A_10 = arith.constant 10 : i32
    %mul3A_11 = arith.muli %arg1, %mul3A_10 : i32
    %add3A_12 = arith.constant 0 : i32
    %add3A_13 = arith.addi %mul3A_11, %add3A_12 : i32
    %mul3A_14 = arith.constant 64 : i32
    %mul3A_15 = arith.muli %add3A_13, %mul3A_14 : i32
    "tpu.region"() ({
      %run_scoped3A = tpu.sem_alloc : memref<!tpu.dma_semaphore, #tpu.memory_space<semaphore_mem>>
      %dma_start3A = arith.constant 0 : i32
      %dma_start3A_138 = arith.constant 0 : i32
      %dma_start3A_139 = tpu.memref_slice %arg8[%dma_start3A, %dma_start3A_138] : memref<96x128xf32, #tpu.memory_space<vmem>> -> memref<64x128xf32, #tpu.memory_space<vmem>>
      %dma_start3A_140 = arith.constant 0 : i32
      %dma_start3A_141 = tpu.memref_slice %arg9[%mul3A_15, %dma_start3A_140] : memref<10240x128xf32, #tpu.memory_space<vmem_shared>> -> memref<64x128xf32, #tpu.memory_space<vmem_shared>>
      %dma_start3A_142 = arith.constant 0 : i32
      %dma_start3A_143 = tpu.memref_slice %arg9[%mul3A_15, %dma_start3A_142] : memref<10240x128xf32, #tpu.memory_space<vmem_shared>> -> memref<64x128xf32, #tpu.memory_space<vmem_shared>>
      %dma_start3A_144 = arith.constant 0 : i32
      %dma_start3A_145 = arith.constant 0 : i32
      %dma_start3A_146 = tpu.memref_slice %arg8[%dma_start3A_144, %dma_start3A_145] : memref<96x128xf32, #tpu.memory_space<vmem>> -> memref<64x128xf32, #tpu.memory_space<vmem>>
      tpu.enqueue_dma source(%dma_start3A_146 : memref<64x128xf32, #tpu.memory_space<vmem>>) target(%dma_start3A_143 : memref<64x128xf32, #tpu.memory_space<vmem_shared>>) target_semaphore(%run_scoped3A : memref<!tpu.dma_semaphore, #tpu.memory_space<semaphore_mem>>)
      %dma_wait3A = arith.constant 0 : i32
      %dma_wait3A_147 = arith.constant 0 : i32
      %dma_wait3A_148 = tpu.memref_slice %arg8[%dma_wait3A, %dma_wait3A_147] : memref<96x128xf32, #tpu.memory_space<vmem>> -> memref<64x128xf32, #tpu.memory_space<vmem>>
      %dma_wait3A_149 = arith.constant 0 : i32
      %dma_wait3A_150 = tpu.memref_slice %arg9[%mul3A_15, %dma_wait3A_149] : memref<10240x128xf32, #tpu.memory_space<vmem_shared>> -> memref<64x128xf32, #tpu.memory_space<vmem_shared>>
      %dma_wait3A_151 = arith.constant 0 : i32
      %dma_wait3A_152 = tpu.memref_slice %arg9[%mul3A_15, %dma_wait3A_151] : memref<10240x128xf32, #tpu.memory_space<vmem_shared>> -> memref<64x128xf32, #tpu.memory_space<vmem_shared>>
      %dma_wait3A_153 = arith.constant 0 : i32
      %dma_wait3A_154 = arith.constant 0 : i32
      %dma_wait3A_155 = tpu.memref_slice %arg8[%dma_wait3A_153, %dma_wait3A_154] : memref<96x128xf32, #tpu.memory_space<vmem>> -> memref<64x128xf32, #tpu.memory_space<vmem>>
      tpu.wait_dma2 semaphore(%run_scoped3A : memref<!tpu.dma_semaphore, #tpu.memory_space<semaphore_mem>>) src(%dma_wait3A_155 : memref<64x128xf32, #tpu.memory_space<vmem>>) dst(%dma_wait3A_152 : memref<64x128xf32, #tpu.memory_space<vmem_shared>>)
      tpu.yield
    }) : () -> ()
    %mul3A_16 = arith.constant 10 : i32
    %mul3A_17 = arith.muli %arg1, %mul3A_16 : i32
    %add3A_18 = arith.constant 1 : i32
    %add3A_19 = arith.addi %mul3A_17, %add3A_18 : i32
    %mul3A_20 = arith.constant 64 : i32
    %mul3A_21 = arith.muli %add3A_19, %mul3A_20 : i32
    "tpu.region"() ({
      %run_scoped3A = tpu.sem_alloc : memref<!tpu.dma_semaphore, #tpu.memory_space<semaphore_mem>>
      %dma_start3A = arith.constant 0 : i32
      %dma_start3A_138 = arith.constant 0 : i32
      %dma_start3A_139 = tpu.memref_slice %arg8[%dma_start3A, %dma_start3A_138] : memref<96x128xf32, #tpu.memory_space<vmem>> -> memref<64x128xf32, #tpu.memory_space<vmem>>
      %dma_start3A_140 = arith.constant 0 : i32
      %dma_start3A_141 = tpu.memref_slice %arg9[%mul3A_21, %dma_start3A_140] : memref<10240x128xf32, #tpu.memory_space<vmem_shared>> -> memref<64x128xf32, #tpu.memory_space<vmem_shared>>
      %dma_start3A_142 = arith.constant 0 : i32
      %dma_start3A_143 = tpu.memref_slice %arg9[%mul3A_21, %dma_start3A_142] : memref<10240x128xf32, #tpu.memory_space<vmem_shared>> -> memref<64x128xf32, #tpu.memory_space<vmem_shared>>
      %dma_start3A_144 = arith.constant 0 : i32
      %dma_start3A_145 = arith.constant 0 : i32
      %dma_start3A_146 = tpu.memref_slice %arg8[%dma_start3A_144, %dma_start3A_145] : memref<96x128xf32, #tpu.memory_space<vmem>> -> memref<64x128xf32, #tpu.memory_space<vmem>>
      tpu.enqueue_dma source(%dma_start3A_146 : memref<64x128xf32, #tpu.memory_space<vmem>>) target(%dma_start3A_143 : memref<64x128xf32, #tpu.memory_space<vmem_shared>>) target_semaphore(%run_scoped3A : memref<!tpu.dma_semaphore, #tpu.memory_space<semaphore_mem>>)
      %dma_wait3A = arith.constant 0 : i32
      %dma_wait3A_147 = arith.constant 0 : i32
      %dma_wait3A_148 = tpu.memref_slice %arg8[%dma_wait3A, %dma_wait3A_147] : memref<96x128xf32, #tpu.memory_space<vmem>> -> memref<64x128xf32, #tpu.memory_space<vmem>>
      %dma_wait3A_149 = arith.constant 0 : i32
      %dma_wait3A_150 = tpu.memref_slice %arg9[%mul3A_21, %dma_wait3A_149] : memref<10240x128xf32, #tpu.memory_space<vmem_shared>> -> memref<64x128xf32, #tpu.memory_space<vmem_shared>>
      %dma_wait3A_151 = arith.constant 0 : i32
      %dma_wait3A_152 = tpu.memref_slice %arg9[%mul3A_21, %dma_wait3A_151] : memref<10240x128xf32, #tpu.memory_space<vmem_shared>> -> memref<64x128xf32, #tpu.memory_space<vmem_shared>>
      %dma_wait3A_153 = arith.constant 0 : i32
      %dma_wait3A_154 = arith.constant 0 : i32
      %dma_wait3A_155 = tpu.memref_slice %arg8[%dma_wait3A_153, %dma_wait3A_154] : memref<96x128xf32, #tpu.memory_space<vmem>> -> memref<64x128xf32, #tpu.memory_space<vmem>>
      tpu.wait_dma2 semaphore(%run_scoped3A : memref<!tpu.dma_semaphore, #tpu.memory_space<semaphore_mem>>) src(%dma_wait3A_155 : memref<64x128xf32, #tpu.memory_space<vmem>>) dst(%dma_wait3A_152 : memref<64x128xf32, #tpu.memory_space<vmem_shared>>)
      tpu.yield
    }) : () -> ()
    %mul3A_22 = arith.constant 10 : i32
    %mul3A_23 = arith.muli %arg1, %mul3A_22 : i32
    %add3A_24 = arith.constant 2 : i32
    %add3A_25 = arith.addi %mul3A_23, %add3A_24 : i32
    %mul3A_26 = arith.constant 64 : i32
    %mul3A_27 = arith.muli %add3A_25, %mul3A_26 : i32
    "tpu.region"() ({
      %run_scoped3A = tpu.sem_alloc : memref<!tpu.dma_semaphore, #tpu.memory_space<semaphore_mem>>
      %dma_start3A = arith.constant 0 : i32
      %dma_start3A_138 = arith.constant 0 : i32
      %dma_start3A_139 = tpu.memref_slice %arg8[%dma_start3A, %dma_start3A_138] : memref<96x128xf32, #tpu.memory_space<vmem>> -> memref<64x128xf32, #tpu.memory_space<vmem>>
      %dma_start3A_140 = arith.constant 0 : i32
      %dma_start3A_141 = tpu.memref_slice %arg9[%mul3A_27, %dma_start3A_140] : memref<10240x128xf32, #tpu.memory_space<vmem_shared>> -> memref<64x128xf32, #tpu.memory_space<vmem_shared>>
      %dma_start3A_142 = arith.constant 0 : i32
      %dma_start3A_143 = tpu.memref_slice %arg9[%mul3A_27, %dma_start3A_142] : memref<10240x128xf32, #tpu.memory_space<vmem_shared>> -> memref<64x128xf32, #tpu.memory_space<vmem_shared>>
      %dma_start3A_144 = arith.constant 0 : i32
      %dma_start3A_145 = arith.constant 0 : i32
      %dma_start3A_146 = tpu.memref_slice %arg8[%dma_start3A_144, %dma_start3A_145] : memref<96x128xf32, #tpu.memory_space<vmem>> -> memref<64x128xf32, #tpu.memory_space<vmem>>
      tpu.enqueue_dma source(%dma_start3A_146 : memref<64x128xf32, #tpu.memory_space<vmem>>) target(%dma_start3A_143 : memref<64x128xf32, #tpu.memory_space<vmem_shared>>) target_semaphore(%run_scoped3A : memref<!tpu.dma_semaphore, #tpu.memory_space<semaphore_mem>>)
      %dma_wait3A = arith.constant 0 : i32
      %dma_wait3A_147 = arith.constant 0 : i32
      %dma_wait3A_148 = tpu.memref_slice %arg8[%dma_wait3A, %dma_wait3A_147] : memref<96x128xf32, #tpu.memory_space<vmem>> -> memref<64x128xf32, #tpu.memory_space<vmem>>
      %dma_wait3A_149 = arith.constant 0 : i32
      %dma_wait3A_150 = tpu.memref_slice %arg9[%mul3A_27, %dma_wait3A_149] : memref<10240x128xf32, #tpu.memory_space<vmem_shared>> -> memref<64x128xf32, #tpu.memory_space<vmem_shared>>
      %dma_wait3A_151 = arith.constant 0 : i32
      %dma_wait3A_152 = tpu.memref_slice %arg9[%mul3A_27, %dma_wait3A_151] : memref<10240x128xf32, #tpu.memory_space<vmem_shared>> -> memref<64x128xf32, #tpu.memory_space<vmem_shared>>
      %dma_wait3A_153 = arith.constant 0 : i32
      %dma_wait3A_154 = arith.constant 0 : i32
      %dma_wait3A_155 = tpu.memref_slice %arg8[%dma_wait3A_153, %dma_wait3A_154] : memref<96x128xf32, #tpu.memory_space<vmem>> -> memref<64x128xf32, #tpu.memory_space<vmem>>
      tpu.wait_dma2 semaphore(%run_scoped3A : memref<!tpu.dma_semaphore, #tpu.memory_space<semaphore_mem>>) src(%dma_wait3A_155 : memref<64x128xf32, #tpu.memory_space<vmem>>) dst(%dma_wait3A_152 : memref<64x128xf32, #tpu.memory_space<vmem_shared>>)
      tpu.yield
    }) : () -> ()
    %mul3A_28 = arith.constant 10 : i32
    %mul3A_29 = arith.muli %arg1, %mul3A_28 : i32
    %add3A_30 = arith.constant 3 : i32
    %add3A_31 = arith.addi %mul3A_29, %add3A_30 : i32
    %mul3A_32 = arith.constant 64 : i32
    %mul3A_33 = arith.muli %add3A_31, %mul3A_32 : i32
    "tpu.region"() ({
      %run_scoped3A = tpu.sem_alloc : memref<!tpu.dma_semaphore, #tpu.memory_space<semaphore_mem>>
      %dma_start3A = arith.constant 0 : i32
      %dma_start3A_138 = arith.constant 0 : i32
      %dma_start3A_139 = tpu.memref_slice %arg8[%dma_start3A, %dma_start3A_138] : memref<96x128xf32, #tpu.memory_space<vmem>> -> memref<64x128xf32, #tpu.memory_space<vmem>>
      %dma_start3A_140 = arith.constant 0 : i32
      %dma_start3A_141 = tpu.memref_slice %arg9[%mul3A_33, %dma_start3A_140] : memref<10240x128xf32, #tpu.memory_space<vmem_shared>> -> memref<64x128xf32, #tpu.memory_space<vmem_shared>>
      %dma_start3A_142 = arith.constant 0 : i32
      %dma_start3A_143 = tpu.memref_slice %arg9[%mul3A_33, %dma_start3A_142] : memref<10240x128xf32, #tpu.memory_space<vmem_shared>> -> memref<64x128xf32, #tpu.memory_space<vmem_shared>>
      %dma_start3A_144 = arith.constant 0 : i32
      %dma_start3A_145 = arith.constant 0 : i32
      %dma_start3A_146 = tpu.memref_slice %arg8[%dma_start3A_144, %dma_start3A_145] : memref<96x128xf32, #tpu.memory_space<vmem>> -> memref<64x128xf32, #tpu.memory_space<vmem>>
      tpu.enqueue_dma source(%dma_start3A_146 : memref<64x128xf32, #tpu.memory_space<vmem>>) target(%dma_start3A_143 : memref<64x128xf32, #tpu.memory_space<vmem_shared>>) target_semaphore(%run_scoped3A : memref<!tpu.dma_semaphore, #tpu.memory_space<semaphore_mem>>)
      %dma_wait3A = arith.constant 0 : i32
      %dma_wait3A_147 = arith.constant 0 : i32
      %dma_wait3A_148 = tpu.memref_slice %arg8[%dma_wait3A, %dma_wait3A_147] : memref<96x128xf32, #tpu.memory_space<vmem>> -> memref<64x128xf32, #tpu.memory_space<vmem>>
      %dma_wait3A_149 = arith.constant 0 : i32
      %dma_wait3A_150 = tpu.memref_slice %arg9[%mul3A_33, %dma_wait3A_149] : memref<10240x128xf32, #tpu.memory_space<vmem_shared>> -> memref<64x128xf32, #tpu.memory_space<vmem_shared>>
      %dma_wait3A_151 = arith.constant 0 : i32
      %dma_wait3A_152 = tpu.memref_slice %arg9[%mul3A_33, %dma_wait3A_151] : memref<10240x128xf32, #tpu.memory_space<vmem_shared>> -> memref<64x128xf32, #tpu.memory_space<vmem_shared>>
      %dma_wait3A_153 = arith.constant 0 : i32
      %dma_wait3A_154 = arith.constant 0 : i32
      %dma_wait3A_155 = tpu.memref_slice %arg8[%dma_wait3A_153, %dma_wait3A_154] : memref<96x128xf32, #tpu.memory_space<vmem>> -> memref<64x128xf32, #tpu.memory_space<vmem>>
      tpu.wait_dma2 semaphore(%run_scoped3A : memref<!tpu.dma_semaphore, #tpu.memory_space<semaphore_mem>>) src(%dma_wait3A_155 : memref<64x128xf32, #tpu.memory_space<vmem>>) dst(%dma_wait3A_152 : memref<64x128xf32, #tpu.memory_space<vmem_shared>>)
      tpu.yield
    }) : () -> ()
    %mul3A_34 = arith.constant 10 : i32
    %mul3A_35 = arith.muli %arg1, %mul3A_34 : i32
    %add3A_36 = arith.constant 4 : i32
    %add3A_37 = arith.addi %mul3A_35, %add3A_36 : i32
    %mul3A_38 = arith.constant 64 : i32
    %mul3A_39 = arith.muli %add3A_37, %mul3A_38 : i32
    "tpu.region"() ({
      %run_scoped3A = tpu.sem_alloc : memref<!tpu.dma_semaphore, #tpu.memory_space<semaphore_mem>>
      %dma_start3A = arith.constant 0 : i32
      %dma_start3A_138 = arith.constant 0 : i32
      %dma_start3A_139 = tpu.memref_slice %arg8[%dma_start3A, %dma_start3A_138] : memref<96x128xf32, #tpu.memory_space<vmem>> -> memref<64x128xf32, #tpu.memory_space<vmem>>
      %dma_start3A_140 = arith.constant 0 : i32
      %dma_start3A_141 = tpu.memref_slice %arg9[%mul3A_39, %dma_start3A_140] : memref<10240x128xf32, #tpu.memory_space<vmem_shared>> -> memref<64x128xf32, #tpu.memory_space<vmem_shared>>
      %dma_start3A_142 = arith.constant 0 : i32
      %dma_start3A_143 = tpu.memref_slice %arg9[%mul3A_39, %dma_start3A_142] : memref<10240x128xf32, #tpu.memory_space<vmem_shared>> -> memref<64x128xf32, #tpu.memory_space<vmem_shared>>
      %dma_start3A_144 = arith.constant 0 : i32
      %dma_start3A_145 = arith.constant 0 : i32
      %dma_start3A_146 = tpu.memref_slice %arg8[%dma_start3A_144, %dma_start3A_145] : memref<96x128xf32, #tpu.memory_space<vmem>> -> memref<64x128xf32, #tpu.memory_space<vmem>>
      tpu.enqueue_dma source(%dma_start3A_146 : memref<64x128xf32, #tpu.memory_space<vmem>>) target(%dma_start3A_143 : memref<64x128xf32, #tpu.memory_space<vmem_shared>>) target_semaphore(%run_scoped3A : memref<!tpu.dma_semaphore, #tpu.memory_space<semaphore_mem>>)
      %dma_wait3A = arith.constant 0 : i32
      %dma_wait3A_147 = arith.constant 0 : i32
      %dma_wait3A_148 = tpu.memref_slice %arg8[%dma_wait3A, %dma_wait3A_147] : memref<96x128xf32, #tpu.memory_space<vmem>> -> memref<64x128xf32, #tpu.memory_space<vmem>>
      %dma_wait3A_149 = arith.constant 0 : i32
      %dma_wait3A_150 = tpu.memref_slice %arg9[%mul3A_39, %dma_wait3A_149] : memref<10240x128xf32, #tpu.memory_space<vmem_shared>> -> memref<64x128xf32, #tpu.memory_space<vmem_shared>>
      %dma_wait3A_151 = arith.constant 0 : i32
      %dma_wait3A_152 = tpu.memref_slice %arg9[%mul3A_39, %dma_wait3A_151] : memref<10240x128xf32, #tpu.memory_space<vmem_shared>> -> memref<64x128xf32, #tpu.memory_space<vmem_shared>>
      %dma_wait3A_153 = arith.constant 0 : i32
      %dma_wait3A_154 = arith.constant 0 : i32
      %dma_wait3A_155 = tpu.memref_slice %arg8[%dma_wait3A_153, %dma_wait3A_154] : memref<96x128xf32, #tpu.memory_space<vmem>> -> memref<64x128xf32, #tpu.memory_space<vmem>>
      tpu.wait_dma2 semaphore(%run_scoped3A : memref<!tpu.dma_semaphore, #tpu.memory_space<semaphore_mem>>) src(%dma_wait3A_155 : memref<64x128xf32, #tpu.memory_space<vmem>>) dst(%dma_wait3A_152 : memref<64x128xf32, #tpu.memory_space<vmem_shared>>)
      tpu.yield
    }) : () -> ()
    %mul3A_40 = arith.constant 10 : i32
    %mul3A_41 = arith.muli %arg1, %mul3A_40 : i32
    %add3A_42 = arith.constant 5 : i32
    %add3A_43 = arith.addi %mul3A_41, %add3A_42 : i32
    %mul3A_44 = arith.constant 64 : i32
    %mul3A_45 = arith.muli %add3A_43, %mul3A_44 : i32
    "tpu.region"() ({
      %run_scoped3A = tpu.sem_alloc : memref<!tpu.dma_semaphore, #tpu.memory_space<semaphore_mem>>
      %dma_start3A = arith.constant 0 : i32
      %dma_start3A_138 = arith.constant 0 : i32
      %dma_start3A_139 = tpu.memref_slice %arg8[%dma_start3A, %dma_start3A_138] : memref<96x128xf32, #tpu.memory_space<vmem>> -> memref<64x128xf32, #tpu.memory_space<vmem>>
      %dma_start3A_140 = arith.constant 0 : i32
      %dma_start3A_141 = tpu.memref_slice %arg9[%mul3A_45, %dma_start3A_140] : memref<10240x128xf32, #tpu.memory_space<vmem_shared>> -> memref<64x128xf32, #tpu.memory_space<vmem_shared>>
      %dma_start3A_142 = arith.constant 0 : i32
      %dma_start3A_143 = tpu.memref_slice %arg9[%mul3A_45, %dma_start3A_142] : memref<10240x128xf32, #tpu.memory_space<vmem_shared>> -> memref<64x128xf32, #tpu.memory_space<vmem_shared>>
      %dma_start3A_144 = arith.constant 0 : i32
      %dma_start3A_145 = arith.constant 0 : i32
      %dma_start3A_146 = tpu.memref_slice %arg8[%dma_start3A_144, %dma_start3A_145] : memref<96x128xf32, #tpu.memory_space<vmem>> -> memref<64x128xf32, #tpu.memory_space<vmem>>
      tpu.enqueue_dma source(%dma_start3A_146 : memref<64x128xf32, #tpu.memory_space<vmem>>) target(%dma_start3A_143 : memref<64x128xf32, #tpu.memory_space<vmem_shared>>) target_semaphore(%run_scoped3A : memref<!tpu.dma_semaphore, #tpu.memory_space<semaphore_mem>>)
      %dma_wait3A = arith.constant 0 : i32
      %dma_wait3A_147 = arith.constant 0 : i32
      %dma_wait3A_148 = tpu.memref_slice %arg8[%dma_wait3A, %dma_wait3A_147] : memref<96x128xf32, #tpu.memory_space<vmem>> -> memref<64x128xf32, #tpu.memory_space<vmem>>
      %dma_wait3A_149 = arith.constant 0 : i32
      %dma_wait3A_150 = tpu.memref_slice %arg9[%mul3A_45, %dma_wait3A_149] : memref<10240x128xf32, #tpu.memory_space<vmem_shared>> -> memref<64x128xf32, #tpu.memory_space<vmem_shared>>
      %dma_wait3A_151 = arith.constant 0 : i32
      %dma_wait3A_152 = tpu.memref_slice %arg9[%mul3A_45, %dma_wait3A_151] : memref<10240x128xf32, #tpu.memory_space<vmem_shared>> -> memref<64x128xf32, #tpu.memory_space<vmem_shared>>
      %dma_wait3A_153 = arith.constant 0 : i32
      %dma_wait3A_154 = arith.constant 0 : i32
      %dma_wait3A_155 = tpu.memref_slice %arg8[%dma_wait3A_153, %dma_wait3A_154] : memref<96x128xf32, #tpu.memory_space<vmem>> -> memref<64x128xf32, #tpu.memory_space<vmem>>
      tpu.wait_dma2 semaphore(%run_scoped3A : memref<!tpu.dma_semaphore, #tpu.memory_space<semaphore_mem>>) src(%dma_wait3A_155 : memref<64x128xf32, #tpu.memory_space<vmem>>) dst(%dma_wait3A_152 : memref<64x128xf32, #tpu.memory_space<vmem_shared>>)
      tpu.yield
    }) : () -> ()
    %mul3A_46 = arith.constant 10 : i32
    %mul3A_47 = arith.muli %arg1, %mul3A_46 : i32
    %add3A_48 = arith.constant 6 : i32
    %add3A_49 = arith.addi %mul3A_47, %add3A_48 : i32
    %mul3A_50 = arith.constant 64 : i32
    %mul3A_51 = arith.muli %add3A_49, %mul3A_50 : i32
    "tpu.region"() ({
      %run_scoped3A = tpu.sem_alloc : memref<!tpu.dma_semaphore, #tpu.memory_space<semaphore_mem>>
      %dma_start3A = arith.constant 0 : i32
      %dma_start3A_138 = arith.constant 0 : i32
      %dma_start3A_139 = tpu.memref_slice %arg8[%dma_start3A, %dma_start3A_138] : memref<96x128xf32, #tpu.memory_space<vmem>> -> memref<64x128xf32, #tpu.memory_space<vmem>>
      %dma_start3A_140 = arith.constant 0 : i32
      %dma_start3A_141 = tpu.memref_slice %arg9[%mul3A_51, %dma_start3A_140] : memref<10240x128xf32, #tpu.memory_space<vmem_shared>> -> memref<64x128xf32, #tpu.memory_space<vmem_shared>>
      %dma_start3A_142 = arith.constant 0 : i32
      %dma_start3A_143 = tpu.memref_slice %arg9[%mul3A_51, %dma_start3A_142] : memref<10240x128xf32, #tpu.memory_space<vmem_shared>> -> memref<64x128xf32, #tpu.memory_space<vmem_shared>>
      %dma_start3A_144 = arith.constant 0 : i32
      %dma_start3A_145 = arith.constant 0 : i32
      %dma_start3A_146 = tpu.memref_slice %arg8[%dma_start3A_144, %dma_start3A_145] : memref<96x128xf32, #tpu.memory_space<vmem>> -> memref<64x128xf32, #tpu.memory_space<vmem>>
      tpu.enqueue_dma source(%dma_start3A_146 : memref<64x128xf32, #tpu.memory_space<vmem>>) target(%dma_start3A_143 : memref<64x128xf32, #tpu.memory_space<vmem_shared>>) target_semaphore(%run_scoped3A : memref<!tpu.dma_semaphore, #tpu.memory_space<semaphore_mem>>)
      %dma_wait3A = arith.constant 0 : i32
      %dma_wait3A_147 = arith.constant 0 : i32
      %dma_wait3A_148 = tpu.memref_slice %arg8[%dma_wait3A, %dma_wait3A_147] : memref<96x128xf32, #tpu.memory_space<vmem>> -> memref<64x128xf32, #tpu.memory_space<vmem>>
      %dma_wait3A_149 = arith.constant 0 : i32
      %dma_wait3A_150 = tpu.memref_slice %arg9[%mul3A_51, %dma_wait3A_149] : memref<10240x128xf32, #tpu.memory_space<vmem_shared>> -> memref<64x128xf32, #tpu.memory_space<vmem_shared>>
      %dma_wait3A_151 = arith.constant 0 : i32
      %dma_wait3A_152 = tpu.memref_slice %arg9[%mul3A_51, %dma_wait3A_151] : memref<10240x128xf32, #tpu.memory_space<vmem_shared>> -> memref<64x128xf32, #tpu.memory_space<vmem_shared>>
      %dma_wait3A_153 = arith.constant 0 : i32
      %dma_wait3A_154 = arith.constant 0 : i32
      %dma_wait3A_155 = tpu.memref_slice %arg8[%dma_wait3A_153, %dma_wait3A_154] : memref<96x128xf32, #tpu.memory_space<vmem>> -> memref<64x128xf32, #tpu.memory_space<vmem>>
      tpu.wait_dma2 semaphore(%run_scoped3A : memref<!tpu.dma_semaphore, #tpu.memory_space<semaphore_mem>>) src(%dma_wait3A_155 : memref<64x128xf32, #tpu.memory_space<vmem>>) dst(%dma_wait3A_152 : memref<64x128xf32, #tpu.memory_space<vmem_shared>>)
      tpu.yield
    }) : () -> ()
    %mul3A_52 = arith.constant 10 : i32
    %mul3A_53 = arith.muli %arg1, %mul3A_52 : i32
    %add3A_54 = arith.constant 7 : i32
    %add3A_55 = arith.addi %mul3A_53, %add3A_54 : i32
    %mul3A_56 = arith.constant 64 : i32
    %mul3A_57 = arith.muli %add3A_55, %mul3A_56 : i32
    "tpu.region"() ({
      %run_scoped3A = tpu.sem_alloc : memref<!tpu.dma_semaphore, #tpu.memory_space<semaphore_mem>>
      %dma_start3A = arith.constant 0 : i32
      %dma_start3A_138 = arith.constant 0 : i32
      %dma_start3A_139 = tpu.memref_slice %arg8[%dma_start3A, %dma_start3A_138] : memref<96x128xf32, #tpu.memory_space<vmem>> -> memref<64x128xf32, #tpu.memory_space<vmem>>
      %dma_start3A_140 = arith.constant 0 : i32
      %dma_start3A_141 = tpu.memref_slice %arg9[%mul3A_57, %dma_start3A_140] : memref<10240x128xf32, #tpu.memory_space<vmem_shared>> -> memref<64x128xf32, #tpu.memory_space<vmem_shared>>
      %dma_start3A_142 = arith.constant 0 : i32
      %dma_start3A_143 = tpu.memref_slice %arg9[%mul3A_57, %dma_start3A_142] : memref<10240x128xf32, #tpu.memory_space<vmem_shared>> -> memref<64x128xf32, #tpu.memory_space<vmem_shared>>
      %dma_start3A_144 = arith.constant 0 : i32
      %dma_start3A_145 = arith.constant 0 : i32
      %dma_start3A_146 = tpu.memref_slice %arg8[%dma_start3A_144, %dma_start3A_145] : memref<96x128xf32, #tpu.memory_space<vmem>> -> memref<64x128xf32, #tpu.memory_space<vmem>>
      tpu.enqueue_dma source(%dma_start3A_146 : memref<64x128xf32, #tpu.memory_space<vmem>>) target(%dma_start3A_143 : memref<64x128xf32, #tpu.memory_space<vmem_shared>>) target_semaphore(%run_scoped3A : memref<!tpu.dma_semaphore, #tpu.memory_space<semaphore_mem>>)
      %dma_wait3A = arith.constant 0 : i32
      %dma_wait3A_147 = arith.constant 0 : i32
      %dma_wait3A_148 = tpu.memref_slice %arg8[%dma_wait3A, %dma_wait3A_147] : memref<96x128xf32, #tpu.memory_space<vmem>> -> memref<64x128xf32, #tpu.memory_space<vmem>>
      %dma_wait3A_149 = arith.constant 0 : i32
      %dma_wait3A_150 = tpu.memref_slice %arg9[%mul3A_57, %dma_wait3A_149] : memref<10240x128xf32, #tpu.memory_space<vmem_shared>> -> memref<64x128xf32, #tpu.memory_space<vmem_shared>>
      %dma_wait3A_151 = arith.constant 0 : i32
      %dma_wait3A_152 = tpu.memref_slice %arg9[%mul3A_57, %dma_wait3A_151] : memref<10240x128xf32, #tpu.memory_space<vmem_shared>> -> memref<64x128xf32, #tpu.memory_space<vmem_shared>>
      %dma_wait3A_153 = arith.constant 0 : i32
      %dma_wait3A_154 = arith.constant 0 : i32
      %dma_wait3A_155 = tpu.memref_slice %arg8[%dma_wait3A_153, %dma_wait3A_154] : memref<96x128xf32, #tpu.memory_space<vmem>> -> memref<64x128xf32, #tpu.memory_space<vmem>>
      tpu.wait_dma2 semaphore(%run_scoped3A : memref<!tpu.dma_semaphore, #tpu.memory_space<semaphore_mem>>) src(%dma_wait3A_155 : memref<64x128xf32, #tpu.memory_space<vmem>>) dst(%dma_wait3A_152 : memref<64x128xf32, #tpu.memory_space<vmem_shared>>)
      tpu.yield
    }) : () -> ()
    %mul3A_58 = arith.constant 10 : i32
    %mul3A_59 = arith.muli %arg1, %mul3A_58 : i32
    %add3A_60 = arith.constant 8 : i32
    %add3A_61 = arith.addi %mul3A_59, %add3A_60 : i32
    %mul3A_62 = arith.constant 64 : i32
    %mul3A_63 = arith.muli %add3A_61, %mul3A_62 : i32
    "tpu.region"() ({
      %run_scoped3A = tpu.sem_alloc : memref<!tpu.dma_semaphore, #tpu.memory_space<semaphore_mem>>
      %dma_start3A = arith.constant 0 : i32
      %dma_start3A_138 = arith.constant 0 : i32
      %dma_start3A_139 = tpu.memref_slice %arg8[%dma_start3A, %dma_start3A_138] : memref<96x128xf32, #tpu.memory_space<vmem>> -> memref<64x128xf32, #tpu.memory_space<vmem>>
      %dma_start3A_140 = arith.constant 0 : i32
      %dma_start3A_141 = tpu.memref_slice %arg9[%mul3A_63, %dma_start3A_140] : memref<10240x128xf32, #tpu.memory_space<vmem_shared>> -> memref<64x128xf32, #tpu.memory_space<vmem_shared>>
      %dma_start3A_142 = arith.constant 0 : i32
      %dma_start3A_143 = tpu.memref_slice %arg9[%mul3A_63, %dma_start3A_142] : memref<10240x128xf32, #tpu.memory_space<vmem_shared>> -> memref<64x128xf32, #tpu.memory_space<vmem_shared>>
      %dma_start3A_144 = arith.constant 0 : i32
      %dma_start3A_145 = arith.constant 0 : i32
      %dma_start3A_146 = tpu.memref_slice %arg8[%dma_start3A_144, %dma_start3A_145] : memref<96x128xf32, #tpu.memory_space<vmem>> -> memref<64x128xf32, #tpu.memory_space<vmem>>
      tpu.enqueue_dma source(%dma_start3A_146 : memref<64x128xf32, #tpu.memory_space<vmem>>) target(%dma_start3A_143 : memref<64x128xf32, #tpu.memory_space<vmem_shared>>) target_semaphore(%run_scoped3A : memref<!tpu.dma_semaphore, #tpu.memory_space<semaphore_mem>>)
      %dma_wait3A = arith.constant 0 : i32
      %dma_wait3A_147 = arith.constant 0 : i32
      %dma_wait3A_148 = tpu.memref_slice %arg8[%dma_wait3A, %dma_wait3A_147] : memref<96x128xf32, #tpu.memory_space<vmem>> -> memref<64x128xf32, #tpu.memory_space<vmem>>
      %dma_wait3A_149 = arith.constant 0 : i32
      %dma_wait3A_150 = tpu.memref_slice %arg9[%mul3A_63, %dma_wait3A_149] : memref<10240x128xf32, #tpu.memory_space<vmem_shared>> -> memref<64x128xf32, #tpu.memory_space<vmem_shared>>
      %dma_wait3A_151 = arith.constant 0 : i32
      %dma_wait3A_152 = tpu.memref_slice %arg9[%mul3A_63, %dma_wait3A_151] : memref<10240x128xf32, #tpu.memory_space<vmem_shared>> -> memref<64x128xf32, #tpu.memory_space<vmem_shared>>
      %dma_wait3A_153 = arith.constant 0 : i32
      %dma_wait3A_154 = arith.constant 0 : i32
      %dma_wait3A_155 = tpu.memref_slice %arg8[%dma_wait3A_153, %dma_wait3A_154] : memref<96x128xf32, #tpu.memory_space<vmem>> -> memref<64x128xf32, #tpu.memory_space<vmem>>
      tpu.wait_dma2 semaphore(%run_scoped3A : memref<!tpu.dma_semaphore, #tpu.memory_space<semaphore_mem>>) src(%dma_wait3A_155 : memref<64x128xf32, #tpu.memory_space<vmem>>) dst(%dma_wait3A_152 : memref<64x128xf32, #tpu.memory_space<vmem_shared>>)
      tpu.yield
    }) : () -> ()
    %mul3A_64 = arith.constant 10 : i32
    %mul3A_65 = arith.muli %arg1, %mul3A_64 : i32
    %add3A_66 = arith.constant 9 : i32
    %add3A_67 = arith.addi %mul3A_65, %add3A_66 : i32
    %mul3A_68 = arith.constant 64 : i32
    %mul3A_69 = arith.muli %add3A_67, %mul3A_68 : i32
    "tpu.region"() ({
      %run_scoped3A = tpu.sem_alloc : memref<!tpu.dma_semaphore, #tpu.memory_space<semaphore_mem>>
      %dma_start3A = arith.constant 0 : i32
      %dma_start3A_138 = arith.constant 0 : i32
      %dma_start3A_139 = tpu.memref_slice %arg8[%dma_start3A, %dma_start3A_138] : memref<96x128xf32, #tpu.memory_space<vmem>> -> memref<64x128xf32, #tpu.memory_space<vmem>>
      %dma_start3A_140 = arith.constant 0 : i32
      %dma_start3A_141 = tpu.memref_slice %arg9[%mul3A_69, %dma_start3A_140] : memref<10240x128xf32, #tpu.memory_space<vmem_shared>> -> memref<64x128xf32, #tpu.memory_space<vmem_shared>>
      %dma_start3A_142 = arith.constant 0 : i32
      %dma_start3A_143 = tpu.memref_slice %arg9[%mul3A_69, %dma_start3A_142] : memref<10240x128xf32, #tpu.memory_space<vmem_shared>> -> memref<64x128xf32, #tpu.memory_space<vmem_shared>>
      %dma_start3A_144 = arith.constant 0 : i32
      %dma_start3A_145 = arith.constant 0 : i32
      %dma_start3A_146 = tpu.memref_slice %arg8[%dma_start3A_144, %dma_start3A_145] : memref<96x128xf32, #tpu.memory_space<vmem>> -> memref<64x128xf32, #tpu.memory_space<vmem>>
      tpu.enqueue_dma source(%dma_start3A_146 : memref<64x128xf32, #tpu.memory_space<vmem>>) target(%dma_start3A_143 : memref<64x128xf32, #tpu.memory_space<vmem_shared>>) target_semaphore(%run_scoped3A : memref<!tpu.dma_semaphore, #tpu.memory_space<semaphore_mem>>)
      %dma_wait3A = arith.constant 0 : i32
      %dma_wait3A_147 = arith.constant 0 : i32
      %dma_wait3A_148 = tpu.memref_slice %arg8[%dma_wait3A, %dma_wait3A_147] : memref<96x128xf32, #tpu.memory_space<vmem>> -> memref<64x128xf32, #tpu.memory_space<vmem>>
      %dma_wait3A_149 = arith.constant 0 : i32
      %dma_wait3A_150 = tpu.memref_slice %arg9[%mul3A_69, %dma_wait3A_149] : memref<10240x128xf32, #tpu.memory_space<vmem_shared>> -> memref<64x128xf32, #tpu.memory_space<vmem_shared>>
      %dma_wait3A_151 = arith.constant 0 : i32
      %dma_wait3A_152 = tpu.memref_slice %arg9[%mul3A_69, %dma_wait3A_151] : memref<10240x128xf32, #tpu.memory_space<vmem_shared>> -> memref<64x128xf32, #tpu.memory_space<vmem_shared>>
      %dma_wait3A_153 = arith.constant 0 : i32
      %dma_wait3A_154 = arith.constant 0 : i32
      %dma_wait3A_155 = tpu.memref_slice %arg8[%dma_wait3A_153, %dma_wait3A_154] : memref<96x128xf32, #tpu.memory_space<vmem>> -> memref<64x128xf32, #tpu.memory_space<vmem>>
      tpu.wait_dma2 semaphore(%run_scoped3A : memref<!tpu.dma_semaphore, #tpu.memory_space<semaphore_mem>>) src(%dma_wait3A_155 : memref<64x128xf32, #tpu.memory_space<vmem>>) dst(%dma_wait3A_152 : memref<64x128xf32, #tpu.memory_space<vmem_shared>>)
      tpu.yield
    }) : () -> ()
    %barrier3A = arith.constant 0 : index
    tpu.barrier barrier_id(%barrier3A)
    %scan3A_70 = arith.constant 0 : i32
    %scan3A_71 = arith.constant 0 : i32
    %scan3A_72 = arith.constant 105 : i32
    %scan3A_73 = arith.addi %scan3A_71, %scan3A_72 : i32
    %scan3A_74 = arith.constant 1 : i32
    %scan3A_75 = scf.for %scan3A_138 = %scan3A_71 to %scan3A_73 step %scan3A_74 iter_args(%scan3A_139 = %scan3A_70) -> (i32)  : i32 {
      %mul3A_140 = arith.constant 96 : i32
      %mul3A_141 = arith.muli %scan3A_138, %mul3A_140 : i32
      %add3A_142 = arith.addi %mul3A_2, %mul3A_141 : i32
      "tpu.region"() ({
        %run_scoped3A = tpu.sem_alloc : memref<!tpu.dma_semaphore, #tpu.memory_space<semaphore_mem>>
        %dma_start3A_148 = tpu.memref_slice %arg3[%add3A_142] : memref<322560xi32, #tpu.memory_space<hbm>> -> memref<96xi32, #tpu.memory_space<hbm>>
        %dma_start3A_149 = tpu.memref_slice %arg3[%add3A_142] : memref<322560xi32, #tpu.memory_space<hbm>> -> memref<96xi32, #tpu.memory_space<hbm>>
        tpu.enqueue_dma source(%dma_start3A_149 : memref<96xi32, #tpu.memory_space<hbm>>) target(%arg6 : memref<96xi32, #tpu.memory_space<vmem>>) target_semaphore(%run_scoped3A : memref<!tpu.dma_semaphore, #tpu.memory_space<semaphore_mem>>)
        %dma_wait3A_150 = tpu.memref_slice %arg3[%add3A_142] : memref<322560xi32, #tpu.memory_space<hbm>> -> memref<96xi32, #tpu.memory_space<hbm>>
        %dma_wait3A_151 = tpu.memref_slice %arg3[%add3A_142] : memref<322560xi32, #tpu.memory_space<hbm>> -> memref<96xi32, #tpu.memory_space<hbm>>
        tpu.wait_dma2 semaphore(%run_scoped3A : memref<!tpu.dma_semaphore, #tpu.memory_space<semaphore_mem>>) src(%dma_wait3A_151 : memref<96xi32, #tpu.memory_space<hbm>>) dst(%arg6 : memref<96xi32, #tpu.memory_space<vmem>>)
        tpu.yield
      }) : () -> ()
      "tpu.region"() ({
        %run_scoped3A = tpu.sem_alloc : memref<!tpu.dma_semaphore, #tpu.memory_space<semaphore_mem>>
        %dma_start3A_148 = tpu.memref_slice %arg4[%add3A_142] : memref<322560xi32, #tpu.memory_space<hbm>> -> memref<96xi32, #tpu.memory_space<hbm>>
        %dma_start3A_149 = tpu.memref_slice %arg4[%add3A_142] : memref<322560xi32, #tpu.memory_space<hbm>> -> memref<96xi32, #tpu.memory_space<hbm>>
        tpu.enqueue_dma source(%dma_start3A_149 : memref<96xi32, #tpu.memory_space<hbm>>) target(%arg7 : memref<96xi32, #tpu.memory_space<vmem>>) target_semaphore(%run_scoped3A : memref<!tpu.dma_semaphore, #tpu.memory_space<semaphore_mem>>)
        %dma_wait3A_150 = tpu.memref_slice %arg4[%add3A_142] : memref<322560xi32, #tpu.memory_space<hbm>> -> memref<96xi32, #tpu.memory_space<hbm>>
        %dma_wait3A_151 = tpu.memref_slice %arg4[%add3A_142] : memref<322560xi32, #tpu.memory_space<hbm>> -> memref<96xi32, #tpu.memory_space<hbm>>
        tpu.wait_dma2 semaphore(%run_scoped3A : memref<!tpu.dma_semaphore, #tpu.memory_space<semaphore_mem>>) src(%dma_wait3A_151 : memref<96xi32, #tpu.memory_space<hbm>>) dst(%arg7 : memref<96xi32, #tpu.memory_space<vmem>>)
        tpu.yield
      }) : () -> ()
      %dma_start3A = arith.constant 0 : i32
      %dma_start3A_143 = arith.constant 0 : i32
      %dma_start3A_144 = tpu.memref_slice %arg2[%dma_start3A, %dma_start3A_143] : memref<10000x128xf32, #tpu.memory_space<hbm>> -> memref<10000x128xf32, #tpu.memory_space<hbm>>
      tpu.enqueue_indirect_dma source(%dma_start3A_144 : memref<10000x128xf32, #tpu.memory_space<hbm>>) target(%arg8 : memref<96x128xf32, #tpu.memory_space<vmem>>) offsets(%arg6 : memref<96xi32, #tpu.memory_space<vmem>>) semaphore(%arg10 : memref<!tpu.dma_semaphore, #tpu.memory_space<semaphore_mem>>)
      %dma_wait3A = arith.constant 0 : i32
      %dma_wait3A_145 = arith.constant 0 : i32
      %dma_wait3A_146 = tpu.memref_slice %arg2[%dma_wait3A, %dma_wait3A_145] : memref<10000x128xf32, #tpu.memory_space<hbm>> -> memref<10000x128xf32, #tpu.memory_space<hbm>>
      tpu.wait_indirect_dma semaphore(%arg10 : memref<!tpu.dma_semaphore, #tpu.memory_space<semaphore_mem>>) src(%dma_wait3A_146 : memref<10000x128xf32, #tpu.memory_space<hbm>>) dst(%arg8 : memref<96x128xf32, #tpu.memory_space<vmem>>)
      "tpu.region"() ({
        %run_scoped3A = tpu.sem_alloc : memref<!tpu.dma_semaphore, #tpu.memory_space<semaphore_mem>>
        %dma_start3A_148 = arith.constant 0 : i32
        %dma_start3A_149 = arith.constant 0 : i32
        %dma_start3A_150 = tpu.memref_slice %arg9[%dma_start3A_148, %dma_start3A_149] : memref<10240x128xf32, #tpu.memory_space<vmem_shared>> -> memref<10240x128xf32, #tpu.memory_space<vmem_shared>>
        tpu.enqueue_indirect_dma source(%arg8 : memref<96x128xf32, #tpu.memory_space<vmem>>) target(%dma_start3A_150 : memref<10240x128xf32, #tpu.memory_space<vmem_shared>>) offsets(%arg7 : memref<96xi32, #tpu.memory_space<vmem>>) semaphore(%run_scoped3A : memref<!tpu.dma_semaphore, #tpu.memory_space<semaphore_mem>>) {add = true}
        %dma_wait3A_151 = arith.constant 0 : i32
        %dma_wait3A_152 = arith.constant 0 : i32
        %dma_wait3A_153 = tpu.memref_slice %arg9[%dma_wait3A_151, %dma_wait3A_152] : memref<10240x128xf32, #tpu.memory_space<vmem_shared>> -> memref<10240x128xf32, #tpu.memory_space<vmem_shared>>
        tpu.wait_indirect_dma semaphore(%run_scoped3A : memref<!tpu.dma_semaphore, #tpu.memory_space<semaphore_mem>>) src(%arg8 : memref<96x128xf32, #tpu.memory_space<vmem>>) dst(%dma_wait3A_153 : memref<10240x128xf32, #tpu.memory_space<vmem_shared>>)
        tpu.yield
      }) : () -> ()
      %scan3A_147 = arith.constant 0 : i32
      scf.yield %scan3A_147 : i32
    }
    %scan3A_76 = arith.constant 105 : i32
    %barrier3A_77 = arith.constant 0 : index
    tpu.barrier barrier_id(%barrier3A_77)
    %mul3A_78 = arith.constant 10 : i32
    %mul3A_79 = arith.muli %arg1, %mul3A_78 : i32
    %add3A_80 = arith.constant 0 : i32
    %add3A_81 = arith.addi %mul3A_79, %add3A_80 : i32
    %mul3A_82 = arith.constant 64 : i32
    %mul3A_83 = arith.muli %add3A_81, %mul3A_82 : i32
    "tpu.region"() ({
      %run_scoped3A = tpu.sem_alloc : memref<!tpu.dma_semaphore, #tpu.memory_space<semaphore_mem>>
      %dma_start3A = arith.constant 0 : i32
      %dma_start3A_138 = arith.constant 0 : i32
      %dma_start3A_139 = tpu.memref_slice %arg8[%dma_start3A, %dma_start3A_138] : memref<96x128xf32, #tpu.memory_space<vmem>> -> memref<64x128xf32, #tpu.memory_space<vmem>>
      %dma_start3A_140 = arith.constant 0 : i32
      %dma_start3A_141 = tpu.memref_slice %arg9[%mul3A_83, %dma_start3A_140] : memref<10240x128xf32, #tpu.memory_space<vmem_shared>> -> memref<64x128xf32, #tpu.memory_space<vmem_shared>>
      %dma_start3A_142 = arith.constant 0 : i32
      %dma_start3A_143 = arith.constant 0 : i32
      %dma_start3A_144 = tpu.memref_slice %arg8[%dma_start3A_142, %dma_start3A_143] : memref<96x128xf32, #tpu.memory_space<vmem>> -> memref<64x128xf32, #tpu.memory_space<vmem>>
      %dma_start3A_145 = arith.constant 0 : i32
      %dma_start3A_146 = tpu.memref_slice %arg9[%mul3A_83, %dma_start3A_145] : memref<10240x128xf32, #tpu.memory_space<vmem_shared>> -> memref<64x128xf32, #tpu.memory_space<vmem_shared>>
      tpu.enqueue_dma source(%dma_start3A_146 : memref<64x128xf32, #tpu.memory_space<vmem_shared>>) target(%dma_start3A_144 : memref<64x128xf32, #tpu.memory_space<vmem>>) target_semaphore(%run_scoped3A : memref<!tpu.dma_semaphore, #tpu.memory_space<semaphore_mem>>)
      %dma_wait3A = arith.constant 0 : i32
      %dma_wait3A_147 = arith.constant 0 : i32
      %dma_wait3A_148 = tpu.memref_slice %arg8[%dma_wait3A, %dma_wait3A_147] : memref<96x128xf32, #tpu.memory_space<vmem>> -> memref<64x128xf32, #tpu.memory_space<vmem>>
      %dma_wait3A_149 = arith.constant 0 : i32
      %dma_wait3A_150 = tpu.memref_slice %arg9[%mul3A_83, %dma_wait3A_149] : memref<10240x128xf32, #tpu.memory_space<vmem_shared>> -> memref<64x128xf32, #tpu.memory_space<vmem_shared>>
      %dma_wait3A_151 = arith.constant 0 : i32
      %dma_wait3A_152 = arith.constant 0 : i32
      %dma_wait3A_153 = tpu.memref_slice %arg8[%dma_wait3A_151, %dma_wait3A_152] : memref<96x128xf32, #tpu.memory_space<vmem>> -> memref<64x128xf32, #tpu.memory_space<vmem>>
      %dma_wait3A_154 = arith.constant 0 : i32
      %dma_wait3A_155 = tpu.memref_slice %arg9[%mul3A_83, %dma_wait3A_154] : memref<10240x128xf32, #tpu.memory_space<vmem_shared>> -> memref<64x128xf32, #tpu.memory_space<vmem_shared>>
      tpu.wait_dma2 semaphore(%run_scoped3A : memref<!tpu.dma_semaphore, #tpu.memory_space<semaphore_mem>>) src(%dma_wait3A_155 : memref<64x128xf32, #tpu.memory_space<vmem_shared>>) dst(%dma_wait3A_153 : memref<64x128xf32, #tpu.memory_space<vmem>>)
      tpu.yield
    }) : () -> ()
    "tpu.region"() ({
      %run_scoped3A = tpu.sem_alloc : memref<!tpu.dma_semaphore, #tpu.memory_space<semaphore_mem>>
      %dma_start3A = arith.constant 0 : i32
      %dma_start3A_138 = arith.constant 0 : i32
      %dma_start3A_139 = tpu.memref_slice %arg8[%dma_start3A, %dma_start3A_138] : memref<96x128xf32, #tpu.memory_space<vmem>> -> memref<64x128xf32, #tpu.memory_space<vmem>>
      %dma_start3A_140 = arith.constant 0 : i32
      %dma_start3A_141 = tpu.memref_slice %arg5[%arg0, %mul3A_83, %dma_start3A_140] : memref<2x10240x128xf32, #tpu.memory_space<hbm>> -> memref<1x64x128xf32, #tpu.memory_space<hbm>>
      %dma_start3A_142 = tpu.memref_squeeze %dma_start3A_141 : memref<1x64x128xf32, #tpu.memory_space<hbm>> -> memref<64x128xf32, #tpu.memory_space<hbm>>
      %dma_start3A_143 = arith.constant 0 : i32
      %dma_start3A_144 = tpu.memref_slice %arg5[%arg0, %mul3A_83, %dma_start3A_143] : memref<2x10240x128xf32, #tpu.memory_space<hbm>> -> memref<1x64x128xf32, #tpu.memory_space<hbm>>
      %dma_start3A_145 = tpu.memref_squeeze %dma_start3A_144 : memref<1x64x128xf32, #tpu.memory_space<hbm>> -> memref<64x128xf32, #tpu.memory_space<hbm>>
      %dma_start3A_146 = arith.constant 0 : i32
      %dma_start3A_147 = arith.constant 0 : i32
      %dma_start3A_148 = tpu.memref_slice %arg8[%dma_start3A_146, %dma_start3A_147] : memref<96x128xf32, #tpu.memory_space<vmem>> -> memref<64x128xf32, #tpu.memory_space<vmem>>
      tpu.enqueue_dma source(%dma_start3A_148 : memref<64x128xf32, #tpu.memory_space<vmem>>) target(%dma_start3A_145 : memref<64x128xf32, #tpu.memory_space<hbm>>) target_semaphore(%run_scoped3A : memref<!tpu.dma_semaphore, #tpu.memory_space<semaphore_mem>>)
      %dma_wait3A = arith.constant 0 : i32
      %dma_wait3A_149 = arith.constant 0 : i32
      %dma_wait3A_150 = tpu.memref_slice %arg8[%dma_wait3A, %dma_wait3A_149] : memref<96x128xf32, #tpu.memory_space<vmem>> -> memref<64x128xf32, #tpu.memory_space<vmem>>
      %dma_wait3A_151 = arith.constant 0 : i32
      %dma_wait3A_152 = tpu.memref_slice %arg5[%arg0, %mul3A_83, %dma_wait3A_151] : memref<2x10240x128xf32, #tpu.memory_space<hbm>> -> memref<1x64x128xf32, #tpu.memory_space<hbm>>
      %dma_wait3A_153 = tpu.memref_squeeze %dma_wait3A_152 : memref<1x64x128xf32, #tpu.memory_space<hbm>> -> memref<64x128xf32, #tpu.memory_space<hbm>>
      %dma_wait3A_154 = arith.constant 0 : i32
      %dma_wait3A_155 = tpu.memref_slice %arg5[%arg0, %mul3A_83, %dma_wait3A_154] : memref<2x10240x128xf32, #tpu.memory_space<hbm>> -> memref<1x64x128xf32, #tpu.memory_space<hbm>>
      %dma_wait3A_156 = tpu.memref_squeeze %dma_wait3A_155 : memref<1x64x128xf32, #tpu.memory_space<hbm>> -> memref<64x128xf32, #tpu.memory_space<hbm>>
      %dma_wait3A_157 = arith.constant 0 : i32
      %dma_wait3A_158 = arith.constant 0 : i32
      %dma_wait3A_159 = tpu.memref_slice %arg8[%dma_wait3A_157, %dma_wait3A_158] : memref<96x128xf32, #tpu.memory_space<vmem>> -> memref<64x128xf32, #tpu.memory_space<vmem>>
      tpu.wait_dma2 semaphore(%run_scoped3A : memref<!tpu.dma_semaphore, #tpu.memory_space<semaphore_mem>>) src(%dma_wait3A_159 : memref<64x128xf32, #tpu.memory_space<vmem>>) dst(%dma_wait3A_156 : memref<64x128xf32, #tpu.memory_space<hbm>>)
      tpu.yield
    }) : () -> ()
    %mul3A_84 = arith.constant 10 : i32
    %mul3A_85 = arith.muli %arg1, %mul3A_84 : i32
    %add3A_86 = arith.constant 1 : i32
    %add3A_87 = arith.addi %mul3A_85, %add3A_86 : i32
    %mul3A_88 = arith.constant 64 : i32
    %mul3A_89 = arith.muli %add3A_87, %mul3A_88 : i32
    "tpu.region"() ({
      %run_scoped3A = tpu.sem_alloc : memref<!tpu.dma_semaphore, #tpu.memory_space<semaphore_mem>>
      %dma_start3A = arith.constant 0 : i32
      %dma_start3A_138 = arith.constant 0 : i32
      %dma_start3A_139 = tpu.memref_slice %arg8[%dma_start3A, %dma_start3A_138] : memref<96x128xf32, #tpu.memory_space<vmem>> -> memref<64x128xf32, #tpu.memory_space<vmem>>
      %dma_start3A_140 = arith.constant 0 : i32
      %dma_start3A_141 = tpu.memref_slice %arg9[%mul3A_89, %dma_start3A_140] : memref<10240x128xf32, #tpu.memory_space<vmem_shared>> -> memref<64x128xf32, #tpu.memory_space<vmem_shared>>
      %dma_start3A_142 = arith.constant 0 : i32
      %dma_start3A_143 = arith.constant 0 : i32
      %dma_start3A_144 = tpu.memref_slice %arg8[%dma_start3A_142, %dma_start3A_143] : memref<96x128xf32, #tpu.memory_space<vmem>> -> memref<64x128xf32, #tpu.memory_space<vmem>>
      %dma_start3A_145 = arith.constant 0 : i32
      %dma_start3A_146 = tpu.memref_slice %arg9[%mul3A_89, %dma_start3A_145] : memref<10240x128xf32, #tpu.memory_space<vmem_shared>> -> memref<64x128xf32, #tpu.memory_space<vmem_shared>>
      tpu.enqueue_dma source(%dma_start3A_146 : memref<64x128xf32, #tpu.memory_space<vmem_shared>>) target(%dma_start3A_144 : memref<64x128xf32, #tpu.memory_space<vmem>>) target_semaphore(%run_scoped3A : memref<!tpu.dma_semaphore, #tpu.memory_space<semaphore_mem>>)
      %dma_wait3A = arith.constant 0 : i32
      %dma_wait3A_147 = arith.constant 0 : i32
      %dma_wait3A_148 = tpu.memref_slice %arg8[%dma_wait3A, %dma_wait3A_147] : memref<96x128xf32, #tpu.memory_space<vmem>> -> memref<64x128xf32, #tpu.memory_space<vmem>>
      %dma_wait3A_149 = arith.constant 0 : i32
      %dma_wait3A_150 = tpu.memref_slice %arg9[%mul3A_89, %dma_wait3A_149] : memref<10240x128xf32, #tpu.memory_space<vmem_shared>> -> memref<64x128xf32, #tpu.memory_space<vmem_shared>>
      %dma_wait3A_151 = arith.constant 0 : i32
      %dma_wait3A_152 = arith.constant 0 : i32
      %dma_wait3A_153 = tpu.memref_slice %arg8[%dma_wait3A_151, %dma_wait3A_152] : memref<96x128xf32, #tpu.memory_space<vmem>> -> memref<64x128xf32, #tpu.memory_space<vmem>>
      %dma_wait3A_154 = arith.constant 0 : i32
      %dma_wait3A_155 = tpu.memref_slice %arg9[%mul3A_89, %dma_wait3A_154] : memref<10240x128xf32, #tpu.memory_space<vmem_shared>> -> memref<64x128xf32, #tpu.memory_space<vmem_shared>>
      tpu.wait_dma2 semaphore(%run_scoped3A : memref<!tpu.dma_semaphore, #tpu.memory_space<semaphore_mem>>) src(%dma_wait3A_155 : memref<64x128xf32, #tpu.memory_space<vmem_shared>>) dst(%dma_wait3A_153 : memref<64x128xf32, #tpu.memory_space<vmem>>)
      tpu.yield
    }) : () -> ()
    "tpu.region"() ({
      %run_scoped3A = tpu.sem_alloc : memref<!tpu.dma_semaphore, #tpu.memory_space<semaphore_mem>>
      %dma_start3A = arith.constant 0 : i32
      %dma_start3A_138 = arith.constant 0 : i32
      %dma_start3A_139 = tpu.memref_slice %arg8[%dma_start3A, %dma_start3A_138] : memref<96x128xf32, #tpu.memory_space<vmem>> -> memref<64x128xf32, #tpu.memory_space<vmem>>
      %dma_start3A_140 = arith.constant 0 : i32
      %dma_start3A_141 = tpu.memref_slice %arg5[%arg0, %mul3A_89, %dma_start3A_140] : memref<2x10240x128xf32, #tpu.memory_space<hbm>> -> memref<1x64x128xf32, #tpu.memory_space<hbm>>
      %dma_start3A_142 = tpu.memref_squeeze %dma_start3A_141 : memref<1x64x128xf32, #tpu.memory_space<hbm>> -> memref<64x128xf32, #tpu.memory_space<hbm>>
      %dma_start3A_143 = arith.constant 0 : i32
      %dma_start3A_144 = tpu.memref_slice %arg5[%arg0, %mul3A_89, %dma_start3A_143] : memref<2x10240x128xf32, #tpu.memory_space<hbm>> -> memref<1x64x128xf32, #tpu.memory_space<hbm>>
      %dma_start3A_145 = tpu.memref_squeeze %dma_start3A_144 : memref<1x64x128xf32, #tpu.memory_space<hbm>> -> memref<64x128xf32, #tpu.memory_space<hbm>>
      %dma_start3A_146 = arith.constant 0 : i32
      %dma_start3A_147 = arith.constant 0 : i32
      %dma_start3A_148 = tpu.memref_slice %arg8[%dma_start3A_146, %dma_start3A_147] : memref<96x128xf32, #tpu.memory_space<vmem>> -> memref<64x128xf32, #tpu.memory_space<vmem>>
      tpu.enqueue_dma source(%dma_start3A_148 : memref<64x128xf32, #tpu.memory_space<vmem>>) target(%dma_start3A_145 : memref<64x128xf32, #tpu.memory_space<hbm>>) target_semaphore(%run_scoped3A : memref<!tpu.dma_semaphore, #tpu.memory_space<semaphore_mem>>)
      %dma_wait3A = arith.constant 0 : i32
      %dma_wait3A_149 = arith.constant 0 : i32
      %dma_wait3A_150 = tpu.memref_slice %arg8[%dma_wait3A, %dma_wait3A_149] : memref<96x128xf32, #tpu.memory_space<vmem>> -> memref<64x128xf32, #tpu.memory_space<vmem>>
      %dma_wait3A_151 = arith.constant 0 : i32
      %dma_wait3A_152 = tpu.memref_slice %arg5[%arg0, %mul3A_89, %dma_wait3A_151] : memref<2x10240x128xf32, #tpu.memory_space<hbm>> -> memref<1x64x128xf32, #tpu.memory_space<hbm>>
      %dma_wait3A_153 = tpu.memref_squeeze %dma_wait3A_152 : memref<1x64x128xf32, #tpu.memory_space<hbm>> -> memref<64x128xf32, #tpu.memory_space<hbm>>
      %dma_wait3A_154 = arith.constant 0 : i32
      %dma_wait3A_155 = tpu.memref_slice %arg5[%arg0, %mul3A_89, %dma_wait3A_154] : memref<2x10240x128xf32, #tpu.memory_space<hbm>> -> memref<1x64x128xf32, #tpu.memory_space<hbm>>
      %dma_wait3A_156 = tpu.memref_squeeze %dma_wait3A_155 : memref<1x64x128xf32, #tpu.memory_space<hbm>> -> memref<64x128xf32, #tpu.memory_space<hbm>>
      %dma_wait3A_157 = arith.constant 0 : i32
      %dma_wait3A_158 = arith.constant 0 : i32
      %dma_wait3A_159 = tpu.memref_slice %arg8[%dma_wait3A_157, %dma_wait3A_158] : memref<96x128xf32, #tpu.memory_space<vmem>> -> memref<64x128xf32, #tpu.memory_space<vmem>>
      tpu.wait_dma2 semaphore(%run_scoped3A : memref<!tpu.dma_semaphore, #tpu.memory_space<semaphore_mem>>) src(%dma_wait3A_159 : memref<64x128xf32, #tpu.memory_space<vmem>>) dst(%dma_wait3A_156 : memref<64x128xf32, #tpu.memory_space<hbm>>)
      tpu.yield
    }) : () -> ()
    %mul3A_90 = arith.constant 10 : i32
    %mul3A_91 = arith.muli %arg1, %mul3A_90 : i32
    %add3A_92 = arith.constant 2 : i32
    %add3A_93 = arith.addi %mul3A_91, %add3A_92 : i32
    %mul3A_94 = arith.constant 64 : i32
    %mul3A_95 = arith.muli %add3A_93, %mul3A_94 : i32
    "tpu.region"() ({
      %run_scoped3A = tpu.sem_alloc : memref<!tpu.dma_semaphore, #tpu.memory_space<semaphore_mem>>
      %dma_start3A = arith.constant 0 : i32
      %dma_start3A_138 = arith.constant 0 : i32
      %dma_start3A_139 = tpu.memref_slice %arg8[%dma_start3A, %dma_start3A_138] : memref<96x128xf32, #tpu.memory_space<vmem>> -> memref<64x128xf32, #tpu.memory_space<vmem>>
      %dma_start3A_140 = arith.constant 0 : i32
      %dma_start3A_141 = tpu.memref_slice %arg9[%mul3A_95, %dma_start3A_140] : memref<10240x128xf32, #tpu.memory_space<vmem_shared>> -> memref<64x128xf32, #tpu.memory_space<vmem_shared>>
      %dma_start3A_142 = arith.constant 0 : i32
      %dma_start3A_143 = arith.constant 0 : i32
      %dma_start3A_144 = tpu.memref_slice %arg8[%dma_start3A_142, %dma_start3A_143] : memref<96x128xf32, #tpu.memory_space<vmem>> -> memref<64x128xf32, #tpu.memory_space<vmem>>
      %dma_start3A_145 = arith.constant 0 : i32
      %dma_start3A_146 = tpu.memref_slice %arg9[%mul3A_95, %dma_start3A_145] : memref<10240x128xf32, #tpu.memory_space<vmem_shared>> -> memref<64x128xf32, #tpu.memory_space<vmem_shared>>
      tpu.enqueue_dma source(%dma_start3A_146 : memref<64x128xf32, #tpu.memory_space<vmem_shared>>) target(%dma_start3A_144 : memref<64x128xf32, #tpu.memory_space<vmem>>) target_semaphore(%run_scoped3A : memref<!tpu.dma_semaphore, #tpu.memory_space<semaphore_mem>>)
      %dma_wait3A = arith.constant 0 : i32
      %dma_wait3A_147 = arith.constant 0 : i32
      %dma_wait3A_148 = tpu.memref_slice %arg8[%dma_wait3A, %dma_wait3A_147] : memref<96x128xf32, #tpu.memory_space<vmem>> -> memref<64x128xf32, #tpu.memory_space<vmem>>
      %dma_wait3A_149 = arith.constant 0 : i32
      %dma_wait3A_150 = tpu.memref_slice %arg9[%mul3A_95, %dma_wait3A_149] : memref<10240x128xf32, #tpu.memory_space<vmem_shared>> -> memref<64x128xf32, #tpu.memory_space<vmem_shared>>
      %dma_wait3A_151 = arith.constant 0 : i32
      %dma_wait3A_152 = arith.constant 0 : i32
      %dma_wait3A_153 = tpu.memref_slice %arg8[%dma_wait3A_151, %dma_wait3A_152] : memref<96x128xf32, #tpu.memory_space<vmem>> -> memref<64x128xf32, #tpu.memory_space<vmem>>
      %dma_wait3A_154 = arith.constant 0 : i32
      %dma_wait3A_155 = tpu.memref_slice %arg9[%mul3A_95, %dma_wait3A_154] : memref<10240x128xf32, #tpu.memory_space<vmem_shared>> -> memref<64x128xf32, #tpu.memory_space<vmem_shared>>
      tpu.wait_dma2 semaphore(%run_scoped3A : memref<!tpu.dma_semaphore, #tpu.memory_space<semaphore_mem>>) src(%dma_wait3A_155 : memref<64x128xf32, #tpu.memory_space<vmem_shared>>) dst(%dma_wait3A_153 : memref<64x128xf32, #tpu.memory_space<vmem>>)
      tpu.yield
    }) : () -> ()
    "tpu.region"() ({
      %run_scoped3A = tpu.sem_alloc : memref<!tpu.dma_semaphore, #tpu.memory_space<semaphore_mem>>
      %dma_start3A = arith.constant 0 : i32
      %dma_start3A_138 = arith.constant 0 : i32
      %dma_start3A_139 = tpu.memref_slice %arg8[%dma_start3A, %dma_start3A_138] : memref<96x128xf32, #tpu.memory_space<vmem>> -> memref<64x128xf32, #tpu.memory_space<vmem>>
      %dma_start3A_140 = arith.constant 0 : i32
      %dma_start3A_141 = tpu.memref_slice %arg5[%arg0, %mul3A_95, %dma_start3A_140] : memref<2x10240x128xf32, #tpu.memory_space<hbm>> -> memref<1x64x128xf32, #tpu.memory_space<hbm>>
      %dma_start3A_142 = tpu.memref_squeeze %dma_start3A_141 : memref<1x64x128xf32, #tpu.memory_space<hbm>> -> memref<64x128xf32, #tpu.memory_space<hbm>>
      %dma_start3A_143 = arith.constant 0 : i32
      %dma_start3A_144 = tpu.memref_slice %arg5[%arg0, %mul3A_95, %dma_start3A_143] : memref<2x10240x128xf32, #tpu.memory_space<hbm>> -> memref<1x64x128xf32, #tpu.memory_space<hbm>>
      %dma_start3A_145 = tpu.memref_squeeze %dma_start3A_144 : memref<1x64x128xf32, #tpu.memory_space<hbm>> -> memref<64x128xf32, #tpu.memory_space<hbm>>
      %dma_start3A_146 = arith.constant 0 : i32
      %dma_start3A_147 = arith.constant 0 : i32
      %dma_start3A_148 = tpu.memref_slice %arg8[%dma_start3A_146, %dma_start3A_147] : memref<96x128xf32, #tpu.memory_space<vmem>> -> memref<64x128xf32, #tpu.memory_space<vmem>>
      tpu.enqueue_dma source(%dma_start3A_148 : memref<64x128xf32, #tpu.memory_space<vmem>>) target(%dma_start3A_145 : memref<64x128xf32, #tpu.memory_space<hbm>>) target_semaphore(%run_scoped3A : memref<!tpu.dma_semaphore, #tpu.memory_space<semaphore_mem>>)
      %dma_wait3A = arith.constant 0 : i32
      %dma_wait3A_149 = arith.constant 0 : i32
      %dma_wait3A_150 = tpu.memref_slice %arg8[%dma_wait3A, %dma_wait3A_149] : memref<96x128xf32, #tpu.memory_space<vmem>> -> memref<64x128xf32, #tpu.memory_space<vmem>>
      %dma_wait3A_151 = arith.constant 0 : i32
      %dma_wait3A_152 = tpu.memref_slice %arg5[%arg0, %mul3A_95, %dma_wait3A_151] : memref<2x10240x128xf32, #tpu.memory_space<hbm>> -> memref<1x64x128xf32, #tpu.memory_space<hbm>>
      %dma_wait3A_153 = tpu.memref_squeeze %dma_wait3A_152 : memref<1x64x128xf32, #tpu.memory_space<hbm>> -> memref<64x128xf32, #tpu.memory_space<hbm>>
      %dma_wait3A_154 = arith.constant 0 : i32
      %dma_wait3A_155 = tpu.memref_slice %arg5[%arg0, %mul3A_95, %dma_wait3A_154] : memref<2x10240x128xf32, #tpu.memory_space<hbm>> -> memref<1x64x128xf32, #tpu.memory_space<hbm>>
      %dma_wait3A_156 = tpu.memref_squeeze %dma_wait3A_155 : memref<1x64x128xf32, #tpu.memory_space<hbm>> -> memref<64x128xf32, #tpu.memory_space<hbm>>
      %dma_wait3A_157 = arith.constant 0 : i32
      %dma_wait3A_158 = arith.constant 0 : i32
      %dma_wait3A_159 = tpu.memref_slice %arg8[%dma_wait3A_157, %dma_wait3A_158] : memref<96x128xf32, #tpu.memory_space<vmem>> -> memref<64x128xf32, #tpu.memory_space<vmem>>
      tpu.wait_dma2 semaphore(%run_scoped3A : memref<!tpu.dma_semaphore, #tpu.memory_space<semaphore_mem>>) src(%dma_wait3A_159 : memref<64x128xf32, #tpu.memory_space<vmem>>) dst(%dma_wait3A_156 : memref<64x128xf32, #tpu.memory_space<hbm>>)
      tpu.yield
    }) : () -> ()
    %mul3A_96 = arith.constant 10 : i32
    %mul3A_97 = arith.muli %arg1, %mul3A_96 : i32
    %add3A_98 = arith.constant 3 : i32
    %add3A_99 = arith.addi %mul3A_97, %add3A_98 : i32
    %mul3A_100 = arith.constant 64 : i32
    %mul3A_101 = arith.muli %add3A_99, %mul3A_100 : i32
    "tpu.region"() ({
      %run_scoped3A = tpu.sem_alloc : memref<!tpu.dma_semaphore, #tpu.memory_space<semaphore_mem>>
      %dma_start3A = arith.constant 0 : i32
      %dma_start3A_138 = arith.constant 0 : i32
      %dma_start3A_139 = tpu.memref_slice %arg8[%dma_start3A, %dma_start3A_138] : memref<96x128xf32, #tpu.memory_space<vmem>> -> memref<64x128xf32, #tpu.memory_space<vmem>>
      %dma_start3A_140 = arith.constant 0 : i32
      %dma_start3A_141 = tpu.memref_slice %arg9[%mul3A_101, %dma_start3A_140] : memref<10240x128xf32, #tpu.memory_space<vmem_shared>> -> memref<64x128xf32, #tpu.memory_space<vmem_shared>>
      %dma_start3A_142 = arith.constant 0 : i32
      %dma_start3A_143 = arith.constant 0 : i32
      %dma_start3A_144 = tpu.memref_slice %arg8[%dma_start3A_142, %dma_start3A_143] : memref<96x128xf32, #tpu.memory_space<vmem>> -> memref<64x128xf32, #tpu.memory_space<vmem>>
      %dma_start3A_145 = arith.constant 0 : i32
      %dma_start3A_146 = tpu.memref_slice %arg9[%mul3A_101, %dma_start3A_145] : memref<10240x128xf32, #tpu.memory_space<vmem_shared>> -> memref<64x128xf32, #tpu.memory_space<vmem_shared>>
      tpu.enqueue_dma source(%dma_start3A_146 : memref<64x128xf32, #tpu.memory_space<vmem_shared>>) target(%dma_start3A_144 : memref<64x128xf32, #tpu.memory_space<vmem>>) target_semaphore(%run_scoped3A : memref<!tpu.dma_semaphore, #tpu.memory_space<semaphore_mem>>)
      %dma_wait3A = arith.constant 0 : i32
      %dma_wait3A_147 = arith.constant 0 : i32
      %dma_wait3A_148 = tpu.memref_slice %arg8[%dma_wait3A, %dma_wait3A_147] : memref<96x128xf32, #tpu.memory_space<vmem>> -> memref<64x128xf32, #tpu.memory_space<vmem>>
      %dma_wait3A_149 = arith.constant 0 : i32
      %dma_wait3A_150 = tpu.memref_slice %arg9[%mul3A_101, %dma_wait3A_149] : memref<10240x128xf32, #tpu.memory_space<vmem_shared>> -> memref<64x128xf32, #tpu.memory_space<vmem_shared>>
      %dma_wait3A_151 = arith.constant 0 : i32
      %dma_wait3A_152 = arith.constant 0 : i32
      %dma_wait3A_153 = tpu.memref_slice %arg8[%dma_wait3A_151, %dma_wait3A_152] : memref<96x128xf32, #tpu.memory_space<vmem>> -> memref<64x128xf32, #tpu.memory_space<vmem>>
      %dma_wait3A_154 = arith.constant 0 : i32
      %dma_wait3A_155 = tpu.memref_slice %arg9[%mul3A_101, %dma_wait3A_154] : memref<10240x128xf32, #tpu.memory_space<vmem_shared>> -> memref<64x128xf32, #tpu.memory_space<vmem_shared>>
      tpu.wait_dma2 semaphore(%run_scoped3A : memref<!tpu.dma_semaphore, #tpu.memory_space<semaphore_mem>>) src(%dma_wait3A_155 : memref<64x128xf32, #tpu.memory_space<vmem_shared>>) dst(%dma_wait3A_153 : memref<64x128xf32, #tpu.memory_space<vmem>>)
      tpu.yield
    }) : () -> ()
    "tpu.region"() ({
      %run_scoped3A = tpu.sem_alloc : memref<!tpu.dma_semaphore, #tpu.memory_space<semaphore_mem>>
      %dma_start3A = arith.constant 0 : i32
      %dma_start3A_138 = arith.constant 0 : i32
      %dma_start3A_139 = tpu.memref_slice %arg8[%dma_start3A, %dma_start3A_138] : memref<96x128xf32, #tpu.memory_space<vmem>> -> memref<64x128xf32, #tpu.memory_space<vmem>>
      %dma_start3A_140 = arith.constant 0 : i32
      %dma_start3A_141 = tpu.memref_slice %arg5[%arg0, %mul3A_101, %dma_start3A_140] : memref<2x10240x128xf32, #tpu.memory_space<hbm>> -> memref<1x64x128xf32, #tpu.memory_space<hbm>>
      %dma_start3A_142 = tpu.memref_squeeze %dma_start3A_141 : memref<1x64x128xf32, #tpu.memory_space<hbm>> -> memref<64x128xf32, #tpu.memory_space<hbm>>
      %dma_start3A_143 = arith.constant 0 : i32
      %dma_start3A_144 = tpu.memref_slice %arg5[%arg0, %mul3A_101, %dma_start3A_143] : memref<2x10240x128xf32, #tpu.memory_space<hbm>> -> memref<1x64x128xf32, #tpu.memory_space<hbm>>
      %dma_start3A_145 = tpu.memref_squeeze %dma_start3A_144 : memref<1x64x128xf32, #tpu.memory_space<hbm>> -> memref<64x128xf32, #tpu.memory_space<hbm>>
      %dma_start3A_146 = arith.constant 0 : i32
      %dma_start3A_147 = arith.constant 0 : i32
      %dma_start3A_148 = tpu.memref_slice %arg8[%dma_start3A_146, %dma_start3A_147] : memref<96x128xf32, #tpu.memory_space<vmem>> -> memref<64x128xf32, #tpu.memory_space<vmem>>
      tpu.enqueue_dma source(%dma_start3A_148 : memref<64x128xf32, #tpu.memory_space<vmem>>) target(%dma_start3A_145 : memref<64x128xf32, #tpu.memory_space<hbm>>) target_semaphore(%run_scoped3A : memref<!tpu.dma_semaphore, #tpu.memory_space<semaphore_mem>>)
      %dma_wait3A = arith.constant 0 : i32
      %dma_wait3A_149 = arith.constant 0 : i32
      %dma_wait3A_150 = tpu.memref_slice %arg8[%dma_wait3A, %dma_wait3A_149] : memref<96x128xf32, #tpu.memory_space<vmem>> -> memref<64x128xf32, #tpu.memory_space<vmem>>
      %dma_wait3A_151 = arith.constant 0 : i32
      %dma_wait3A_152 = tpu.memref_slice %arg5[%arg0, %mul3A_101, %dma_wait3A_151] : memref<2x10240x128xf32, #tpu.memory_space<hbm>> -> memref<1x64x128xf32, #tpu.memory_space<hbm>>
      %dma_wait3A_153 = tpu.memref_squeeze %dma_wait3A_152 : memref<1x64x128xf32, #tpu.memory_space<hbm>> -> memref<64x128xf32, #tpu.memory_space<hbm>>
      %dma_wait3A_154 = arith.constant 0 : i32
      %dma_wait3A_155 = tpu.memref_slice %arg5[%arg0, %mul3A_101, %dma_wait3A_154] : memref<2x10240x128xf32, #tpu.memory_space<hbm>> -> memref<1x64x128xf32, #tpu.memory_space<hbm>>
      %dma_wait3A_156 = tpu.memref_squeeze %dma_wait3A_155 : memref<1x64x128xf32, #tpu.memory_space<hbm>> -> memref<64x128xf32, #tpu.memory_space<hbm>>
      %dma_wait3A_157 = arith.constant 0 : i32
      %dma_wait3A_158 = arith.constant 0 : i32
      %dma_wait3A_159 = tpu.memref_slice %arg8[%dma_wait3A_157, %dma_wait3A_158] : memref<96x128xf32, #tpu.memory_space<vmem>> -> memref<64x128xf32, #tpu.memory_space<vmem>>
      tpu.wait_dma2 semaphore(%run_scoped3A : memref<!tpu.dma_semaphore, #tpu.memory_space<semaphore_mem>>) src(%dma_wait3A_159 : memref<64x128xf32, #tpu.memory_space<vmem>>) dst(%dma_wait3A_156 : memref<64x128xf32, #tpu.memory_space<hbm>>)
      tpu.yield
    }) : () -> ()
    %mul3A_102 = arith.constant 10 : i32
    %mul3A_103 = arith.muli %arg1, %mul3A_102 : i32
    %add3A_104 = arith.constant 4 : i32
    %add3A_105 = arith.addi %mul3A_103, %add3A_104 : i32
    %mul3A_106 = arith.constant 64 : i32
    %mul3A_107 = arith.muli %add3A_105, %mul3A_106 : i32
    "tpu.region"() ({
      %run_scoped3A = tpu.sem_alloc : memref<!tpu.dma_semaphore, #tpu.memory_space<semaphore_mem>>
      %dma_start3A = arith.constant 0 : i32
      %dma_start3A_138 = arith.constant 0 : i32
      %dma_start3A_139 = tpu.memref_slice %arg8[%dma_start3A, %dma_start3A_138] : memref<96x128xf32, #tpu.memory_space<vmem>> -> memref<64x128xf32, #tpu.memory_space<vmem>>
      %dma_start3A_140 = arith.constant 0 : i32
      %dma_start3A_141 = tpu.memref_slice %arg9[%mul3A_107, %dma_start3A_140] : memref<10240x128xf32, #tpu.memory_space<vmem_shared>> -> memref<64x128xf32, #tpu.memory_space<vmem_shared>>
      %dma_start3A_142 = arith.constant 0 : i32
      %dma_start3A_143 = arith.constant 0 : i32
      %dma_start3A_144 = tpu.memref_slice %arg8[%dma_start3A_142, %dma_start3A_143] : memref<96x128xf32, #tpu.memory_space<vmem>> -> memref<64x128xf32, #tpu.memory_space<vmem>>
      %dma_start3A_145 = arith.constant 0 : i32
      %dma_start3A_146 = tpu.memref_slice %arg9[%mul3A_107, %dma_start3A_145] : memref<10240x128xf32, #tpu.memory_space<vmem_shared>> -> memref<64x128xf32, #tpu.memory_space<vmem_shared>>
      tpu.enqueue_dma source(%dma_start3A_146 : memref<64x128xf32, #tpu.memory_space<vmem_shared>>) target(%dma_start3A_144 : memref<64x128xf32, #tpu.memory_space<vmem>>) target_semaphore(%run_scoped3A : memref<!tpu.dma_semaphore, #tpu.memory_space<semaphore_mem>>)
      %dma_wait3A = arith.constant 0 : i32
      %dma_wait3A_147 = arith.constant 0 : i32
      %dma_wait3A_148 = tpu.memref_slice %arg8[%dma_wait3A, %dma_wait3A_147] : memref<96x128xf32, #tpu.memory_space<vmem>> -> memref<64x128xf32, #tpu.memory_space<vmem>>
      %dma_wait3A_149 = arith.constant 0 : i32
      %dma_wait3A_150 = tpu.memref_slice %arg9[%mul3A_107, %dma_wait3A_149] : memref<10240x128xf32, #tpu.memory_space<vmem_shared>> -> memref<64x128xf32, #tpu.memory_space<vmem_shared>>
      %dma_wait3A_151 = arith.constant 0 : i32
      %dma_wait3A_152 = arith.constant 0 : i32
      %dma_wait3A_153 = tpu.memref_slice %arg8[%dma_wait3A_151, %dma_wait3A_152] : memref<96x128xf32, #tpu.memory_space<vmem>> -> memref<64x128xf32, #tpu.memory_space<vmem>>
      %dma_wait3A_154 = arith.constant 0 : i32
      %dma_wait3A_155 = tpu.memref_slice %arg9[%mul3A_107, %dma_wait3A_154] : memref<10240x128xf32, #tpu.memory_space<vmem_shared>> -> memref<64x128xf32, #tpu.memory_space<vmem_shared>>
      tpu.wait_dma2 semaphore(%run_scoped3A : memref<!tpu.dma_semaphore, #tpu.memory_space<semaphore_mem>>) src(%dma_wait3A_155 : memref<64x128xf32, #tpu.memory_space<vmem_shared>>) dst(%dma_wait3A_153 : memref<64x128xf32, #tpu.memory_space<vmem>>)
      tpu.yield
    }) : () -> ()
    "tpu.region"() ({
      %run_scoped3A = tpu.sem_alloc : memref<!tpu.dma_semaphore, #tpu.memory_space<semaphore_mem>>
      %dma_start3A = arith.constant 0 : i32
      %dma_start3A_138 = arith.constant 0 : i32
      %dma_start3A_139 = tpu.memref_slice %arg8[%dma_start3A, %dma_start3A_138] : memref<96x128xf32, #tpu.memory_space<vmem>> -> memref<64x128xf32, #tpu.memory_space<vmem>>
      %dma_start3A_140 = arith.constant 0 : i32
      %dma_start3A_141 = tpu.memref_slice %arg5[%arg0, %mul3A_107, %dma_start3A_140] : memref<2x10240x128xf32, #tpu.memory_space<hbm>> -> memref<1x64x128xf32, #tpu.memory_space<hbm>>
      %dma_start3A_142 = tpu.memref_squeeze %dma_start3A_141 : memref<1x64x128xf32, #tpu.memory_space<hbm>> -> memref<64x128xf32, #tpu.memory_space<hbm>>
      %dma_start3A_143 = arith.constant 0 : i32
      %dma_start3A_144 = tpu.memref_slice %arg5[%arg0, %mul3A_107, %dma_start3A_143] : memref<2x10240x128xf32, #tpu.memory_space<hbm>> -> memref<1x64x128xf32, #tpu.memory_space<hbm>>
      %dma_start3A_145 = tpu.memref_squeeze %dma_start3A_144 : memref<1x64x128xf32, #tpu.memory_space<hbm>> -> memref<64x128xf32, #tpu.memory_space<hbm>>
      %dma_start3A_146 = arith.constant 0 : i32
      %dma_start3A_147 = arith.constant 0 : i32
      %dma_start3A_148 = tpu.memref_slice %arg8[%dma_start3A_146, %dma_start3A_147] : memref<96x128xf32, #tpu.memory_space<vmem>> -> memref<64x128xf32, #tpu.memory_space<vmem>>
      tpu.enqueue_dma source(%dma_start3A_148 : memref<64x128xf32, #tpu.memory_space<vmem>>) target(%dma_start3A_145 : memref<64x128xf32, #tpu.memory_space<hbm>>) target_semaphore(%run_scoped3A : memref<!tpu.dma_semaphore, #tpu.memory_space<semaphore_mem>>)
      %dma_wait3A = arith.constant 0 : i32
      %dma_wait3A_149 = arith.constant 0 : i32
      %dma_wait3A_150 = tpu.memref_slice %arg8[%dma_wait3A, %dma_wait3A_149] : memref<96x128xf32, #tpu.memory_space<vmem>> -> memref<64x128xf32, #tpu.memory_space<vmem>>
      %dma_wait3A_151 = arith.constant 0 : i32
      %dma_wait3A_152 = tpu.memref_slice %arg5[%arg0, %mul3A_107, %dma_wait3A_151] : memref<2x10240x128xf32, #tpu.memory_space<hbm>> -> memref<1x64x128xf32, #tpu.memory_space<hbm>>
      %dma_wait3A_153 = tpu.memref_squeeze %dma_wait3A_152 : memref<1x64x128xf32, #tpu.memory_space<hbm>> -> memref<64x128xf32, #tpu.memory_space<hbm>>
      %dma_wait3A_154 = arith.constant 0 : i32
      %dma_wait3A_155 = tpu.memref_slice %arg5[%arg0, %mul3A_107, %dma_wait3A_154] : memref<2x10240x128xf32, #tpu.memory_space<hbm>> -> memref<1x64x128xf32, #tpu.memory_space<hbm>>
      %dma_wait3A_156 = tpu.memref_squeeze %dma_wait3A_155 : memref<1x64x128xf32, #tpu.memory_space<hbm>> -> memref<64x128xf32, #tpu.memory_space<hbm>>
      %dma_wait3A_157 = arith.constant 0 : i32
      %dma_wait3A_158 = arith.constant 0 : i32
      %dma_wait3A_159 = tpu.memref_slice %arg8[%dma_wait3A_157, %dma_wait3A_158] : memref<96x128xf32, #tpu.memory_space<vmem>> -> memref<64x128xf32, #tpu.memory_space<vmem>>
      tpu.wait_dma2 semaphore(%run_scoped3A : memref<!tpu.dma_semaphore, #tpu.memory_space<semaphore_mem>>) src(%dma_wait3A_159 : memref<64x128xf32, #tpu.memory_space<vmem>>) dst(%dma_wait3A_156 : memref<64x128xf32, #tpu.memory_space<hbm>>)
      tpu.yield
    }) : () -> ()
    %mul3A_108 = arith.constant 10 : i32
    %mul3A_109 = arith.muli %arg1, %mul3A_108 : i32
    %add3A_110 = arith.constant 5 : i32
    %add3A_111 = arith.addi %mul3A_109, %add3A_110 : i32
    %mul3A_112 = arith.constant 64 : i32
    %mul3A_113 = arith.muli %add3A_111, %mul3A_112 : i32
    "tpu.region"() ({
      %run_scoped3A = tpu.sem_alloc : memref<!tpu.dma_semaphore, #tpu.memory_space<semaphore_mem>>
      %dma_start3A = arith.constant 0 : i32
      %dma_start3A_138 = arith.constant 0 : i32
      %dma_start3A_139 = tpu.memref_slice %arg8[%dma_start3A, %dma_start3A_138] : memref<96x128xf32, #tpu.memory_space<vmem>> -> memref<64x128xf32, #tpu.memory_space<vmem>>
      %dma_start3A_140 = arith.constant 0 : i32
      %dma_start3A_141 = tpu.memref_slice %arg9[%mul3A_113, %dma_start3A_140] : memref<10240x128xf32, #tpu.memory_space<vmem_shared>> -> memref<64x128xf32, #tpu.memory_space<vmem_shared>>
      %dma_start3A_142 = arith.constant 0 : i32
      %dma_start3A_143 = arith.constant 0 : i32
      %dma_start3A_144 = tpu.memref_slice %arg8[%dma_start3A_142, %dma_start3A_143] : memref<96x128xf32, #tpu.memory_space<vmem>> -> memref<64x128xf32, #tpu.memory_space<vmem>>
      %dma_start3A_145 = arith.constant 0 : i32
      %dma_start3A_146 = tpu.memref_slice %arg9[%mul3A_113, %dma_start3A_145] : memref<10240x128xf32, #tpu.memory_space<vmem_shared>> -> memref<64x128xf32, #tpu.memory_space<vmem_shared>>
      tpu.enqueue_dma source(%dma_start3A_146 : memref<64x128xf32, #tpu.memory_space<vmem_shared>>) target(%dma_start3A_144 : memref<64x128xf32, #tpu.memory_space<vmem>>) target_semaphore(%run_scoped3A : memref<!tpu.dma_semaphore, #tpu.memory_space<semaphore_mem>>)
      %dma_wait3A = arith.constant 0 : i32
      %dma_wait3A_147 = arith.constant 0 : i32
      %dma_wait3A_148 = tpu.memref_slice %arg8[%dma_wait3A, %dma_wait3A_147] : memref<96x128xf32, #tpu.memory_space<vmem>> -> memref<64x128xf32, #tpu.memory_space<vmem>>
      %dma_wait3A_149 = arith.constant 0 : i32
      %dma_wait3A_150 = tpu.memref_slice %arg9[%mul3A_113, %dma_wait3A_149] : memref<10240x128xf32, #tpu.memory_space<vmem_shared>> -> memref<64x128xf32, #tpu.memory_space<vmem_shared>>
      %dma_wait3A_151 = arith.constant 0 : i32
      %dma_wait3A_152 = arith.constant 0 : i32
      %dma_wait3A_153 = tpu.memref_slice %arg8[%dma_wait3A_151, %dma_wait3A_152] : memref<96x128xf32, #tpu.memory_space<vmem>> -> memref<64x128xf32, #tpu.memory_space<vmem>>
      %dma_wait3A_154 = arith.constant 0 : i32
      %dma_wait3A_155 = tpu.memref_slice %arg9[%mul3A_113, %dma_wait3A_154] : memref<10240x128xf32, #tpu.memory_space<vmem_shared>> -> memref<64x128xf32, #tpu.memory_space<vmem_shared>>
      tpu.wait_dma2 semaphore(%run_scoped3A : memref<!tpu.dma_semaphore, #tpu.memory_space<semaphore_mem>>) src(%dma_wait3A_155 : memref<64x128xf32, #tpu.memory_space<vmem_shared>>) dst(%dma_wait3A_153 : memref<64x128xf32, #tpu.memory_space<vmem>>)
      tpu.yield
    }) : () -> ()
    "tpu.region"() ({
      %run_scoped3A = tpu.sem_alloc : memref<!tpu.dma_semaphore, #tpu.memory_space<semaphore_mem>>
      %dma_start3A = arith.constant 0 : i32
      %dma_start3A_138 = arith.constant 0 : i32
      %dma_start3A_139 = tpu.memref_slice %arg8[%dma_start3A, %dma_start3A_138] : memref<96x128xf32, #tpu.memory_space<vmem>> -> memref<64x128xf32, #tpu.memory_space<vmem>>
      %dma_start3A_140 = arith.constant 0 : i32
      %dma_start3A_141 = tpu.memref_slice %arg5[%arg0, %mul3A_113, %dma_start3A_140] : memref<2x10240x128xf32, #tpu.memory_space<hbm>> -> memref<1x64x128xf32, #tpu.memory_space<hbm>>
      %dma_start3A_142 = tpu.memref_squeeze %dma_start3A_141 : memref<1x64x128xf32, #tpu.memory_space<hbm>> -> memref<64x128xf32, #tpu.memory_space<hbm>>
      %dma_start3A_143 = arith.constant 0 : i32
      %dma_start3A_144 = tpu.memref_slice %arg5[%arg0, %mul3A_113, %dma_start3A_143] : memref<2x10240x128xf32, #tpu.memory_space<hbm>> -> memref<1x64x128xf32, #tpu.memory_space<hbm>>
      %dma_start3A_145 = tpu.memref_squeeze %dma_start3A_144 : memref<1x64x128xf32, #tpu.memory_space<hbm>> -> memref<64x128xf32, #tpu.memory_space<hbm>>
      %dma_start3A_146 = arith.constant 0 : i32
      %dma_start3A_147 = arith.constant 0 : i32
      %dma_start3A_148 = tpu.memref_slice %arg8[%dma_start3A_146, %dma_start3A_147] : memref<96x128xf32, #tpu.memory_space<vmem>> -> memref<64x128xf32, #tpu.memory_space<vmem>>
      tpu.enqueue_dma source(%dma_start3A_148 : memref<64x128xf32, #tpu.memory_space<vmem>>) target(%dma_start3A_145 : memref<64x128xf32, #tpu.memory_space<hbm>>) target_semaphore(%run_scoped3A : memref<!tpu.dma_semaphore, #tpu.memory_space<semaphore_mem>>)
      %dma_wait3A = arith.constant 0 : i32
      %dma_wait3A_149 = arith.constant 0 : i32
      %dma_wait3A_150 = tpu.memref_slice %arg8[%dma_wait3A, %dma_wait3A_149] : memref<96x128xf32, #tpu.memory_space<vmem>> -> memref<64x128xf32, #tpu.memory_space<vmem>>
      %dma_wait3A_151 = arith.constant 0 : i32
      %dma_wait3A_152 = tpu.memref_slice %arg5[%arg0, %mul3A_113, %dma_wait3A_151] : memref<2x10240x128xf32, #tpu.memory_space<hbm>> -> memref<1x64x128xf32, #tpu.memory_space<hbm>>
      %dma_wait3A_153 = tpu.memref_squeeze %dma_wait3A_152 : memref<1x64x128xf32, #tpu.memory_space<hbm>> -> memref<64x128xf32, #tpu.memory_space<hbm>>
      %dma_wait3A_154 = arith.constant 0 : i32
      %dma_wait3A_155 = tpu.memref_slice %arg5[%arg0, %mul3A_113, %dma_wait3A_154] : memref<2x10240x128xf32, #tpu.memory_space<hbm>> -> memref<1x64x128xf32, #tpu.memory_space<hbm>>
      %dma_wait3A_156 = tpu.memref_squeeze %dma_wait3A_155 : memref<1x64x128xf32, #tpu.memory_space<hbm>> -> memref<64x128xf32, #tpu.memory_space<hbm>>
      %dma_wait3A_157 = arith.constant 0 : i32
      %dma_wait3A_158 = arith.constant 0 : i32
      %dma_wait3A_159 = tpu.memref_slice %arg8[%dma_wait3A_157, %dma_wait3A_158] : memref<96x128xf32, #tpu.memory_space<vmem>> -> memref<64x128xf32, #tpu.memory_space<vmem>>
      tpu.wait_dma2 semaphore(%run_scoped3A : memref<!tpu.dma_semaphore, #tpu.memory_space<semaphore_mem>>) src(%dma_wait3A_159 : memref<64x128xf32, #tpu.memory_space<vmem>>) dst(%dma_wait3A_156 : memref<64x128xf32, #tpu.memory_space<hbm>>)
      tpu.yield
    }) : () -> ()
    %mul3A_114 = arith.constant 10 : i32
    %mul3A_115 = arith.muli %arg1, %mul3A_114 : i32
    %add3A_116 = arith.constant 6 : i32
    %add3A_117 = arith.addi %mul3A_115, %add3A_116 : i32
    %mul3A_118 = arith.constant 64 : i32
    %mul3A_119 = arith.muli %add3A_117, %mul3A_118 : i32
    "tpu.region"() ({
      %run_scoped3A = tpu.sem_alloc : memref<!tpu.dma_semaphore, #tpu.memory_space<semaphore_mem>>
      %dma_start3A = arith.constant 0 : i32
      %dma_start3A_138 = arith.constant 0 : i32
      %dma_start3A_139 = tpu.memref_slice %arg8[%dma_start3A, %dma_start3A_138] : memref<96x128xf32, #tpu.memory_space<vmem>> -> memref<64x128xf32, #tpu.memory_space<vmem>>
      %dma_start3A_140 = arith.constant 0 : i32
      %dma_start3A_141 = tpu.memref_slice %arg9[%mul3A_119, %dma_start3A_140] : memref<10240x128xf32, #tpu.memory_space<vmem_shared>> -> memref<64x128xf32, #tpu.memory_space<vmem_shared>>
      %dma_start3A_142 = arith.constant 0 : i32
      %dma_start3A_143 = arith.constant 0 : i32
      %dma_start3A_144 = tpu.memref_slice %arg8[%dma_start3A_142, %dma_start3A_143] : memref<96x128xf32, #tpu.memory_space<vmem>> -> memref<64x128xf32, #tpu.memory_space<vmem>>
      %dma_start3A_145 = arith.constant 0 : i32
      %dma_start3A_146 = tpu.memref_slice %arg9[%mul3A_119, %dma_start3A_145] : memref<10240x128xf32, #tpu.memory_space<vmem_shared>> -> memref<64x128xf32, #tpu.memory_space<vmem_shared>>
      tpu.enqueue_dma source(%dma_start3A_146 : memref<64x128xf32, #tpu.memory_space<vmem_shared>>) target(%dma_start3A_144 : memref<64x128xf32, #tpu.memory_space<vmem>>) target_semaphore(%run_scoped3A : memref<!tpu.dma_semaphore, #tpu.memory_space<semaphore_mem>>)
      %dma_wait3A = arith.constant 0 : i32
      %dma_wait3A_147 = arith.constant 0 : i32
      %dma_wait3A_148 = tpu.memref_slice %arg8[%dma_wait3A, %dma_wait3A_147] : memref<96x128xf32, #tpu.memory_space<vmem>> -> memref<64x128xf32, #tpu.memory_space<vmem>>
      %dma_wait3A_149 = arith.constant 0 : i32
      %dma_wait3A_150 = tpu.memref_slice %arg9[%mul3A_119, %dma_wait3A_149] : memref<10240x128xf32, #tpu.memory_space<vmem_shared>> -> memref<64x128xf32, #tpu.memory_space<vmem_shared>>
      %dma_wait3A_151 = arith.constant 0 : i32
      %dma_wait3A_152 = arith.constant 0 : i32
      %dma_wait3A_153 = tpu.memref_slice %arg8[%dma_wait3A_151, %dma_wait3A_152] : memref<96x128xf32, #tpu.memory_space<vmem>> -> memref<64x128xf32, #tpu.memory_space<vmem>>
      %dma_wait3A_154 = arith.constant 0 : i32
      %dma_wait3A_155 = tpu.memref_slice %arg9[%mul3A_119, %dma_wait3A_154] : memref<10240x128xf32, #tpu.memory_space<vmem_shared>> -> memref<64x128xf32, #tpu.memory_space<vmem_shared>>
      tpu.wait_dma2 semaphore(%run_scoped3A : memref<!tpu.dma_semaphore, #tpu.memory_space<semaphore_mem>>) src(%dma_wait3A_155 : memref<64x128xf32, #tpu.memory_space<vmem_shared>>) dst(%dma_wait3A_153 : memref<64x128xf32, #tpu.memory_space<vmem>>)
      tpu.yield
    }) : () -> ()
    "tpu.region"() ({
      %run_scoped3A = tpu.sem_alloc : memref<!tpu.dma_semaphore, #tpu.memory_space<semaphore_mem>>
      %dma_start3A = arith.constant 0 : i32
      %dma_start3A_138 = arith.constant 0 : i32
      %dma_start3A_139 = tpu.memref_slice %arg8[%dma_start3A, %dma_start3A_138] : memref<96x128xf32, #tpu.memory_space<vmem>> -> memref<64x128xf32, #tpu.memory_space<vmem>>
      %dma_start3A_140 = arith.constant 0 : i32
      %dma_start3A_141 = tpu.memref_slice %arg5[%arg0, %mul3A_119, %dma_start3A_140] : memref<2x10240x128xf32, #tpu.memory_space<hbm>> -> memref<1x64x128xf32, #tpu.memory_space<hbm>>
      %dma_start3A_142 = tpu.memref_squeeze %dma_start3A_141 : memref<1x64x128xf32, #tpu.memory_space<hbm>> -> memref<64x128xf32, #tpu.memory_space<hbm>>
      %dma_start3A_143 = arith.constant 0 : i32
      %dma_start3A_144 = tpu.memref_slice %arg5[%arg0, %mul3A_119, %dma_start3A_143] : memref<2x10240x128xf32, #tpu.memory_space<hbm>> -> memref<1x64x128xf32, #tpu.memory_space<hbm>>
      %dma_start3A_145 = tpu.memref_squeeze %dma_start3A_144 : memref<1x64x128xf32, #tpu.memory_space<hbm>> -> memref<64x128xf32, #tpu.memory_space<hbm>>
      %dma_start3A_146 = arith.constant 0 : i32
      %dma_start3A_147 = arith.constant 0 : i32
      %dma_start3A_148 = tpu.memref_slice %arg8[%dma_start3A_146, %dma_start3A_147] : memref<96x128xf32, #tpu.memory_space<vmem>> -> memref<64x128xf32, #tpu.memory_space<vmem>>
      tpu.enqueue_dma source(%dma_start3A_148 : memref<64x128xf32, #tpu.memory_space<vmem>>) target(%dma_start3A_145 : memref<64x128xf32, #tpu.memory_space<hbm>>) target_semaphore(%run_scoped3A : memref<!tpu.dma_semaphore, #tpu.memory_space<semaphore_mem>>)
      %dma_wait3A = arith.constant 0 : i32
      %dma_wait3A_149 = arith.constant 0 : i32
      %dma_wait3A_150 = tpu.memref_slice %arg8[%dma_wait3A, %dma_wait3A_149] : memref<96x128xf32, #tpu.memory_space<vmem>> -> memref<64x128xf32, #tpu.memory_space<vmem>>
      %dma_wait3A_151 = arith.constant 0 : i32
      %dma_wait3A_152 = tpu.memref_slice %arg5[%arg0, %mul3A_119, %dma_wait3A_151] : memref<2x10240x128xf32, #tpu.memory_space<hbm>> -> memref<1x64x128xf32, #tpu.memory_space<hbm>>
      %dma_wait3A_153 = tpu.memref_squeeze %dma_wait3A_152 : memref<1x64x128xf32, #tpu.memory_space<hbm>> -> memref<64x128xf32, #tpu.memory_space<hbm>>
      %dma_wait3A_154 = arith.constant 0 : i32
      %dma_wait3A_155 = tpu.memref_slice %arg5[%arg0, %mul3A_119, %dma_wait3A_154] : memref<2x10240x128xf32, #tpu.memory_space<hbm>> -> memref<1x64x128xf32, #tpu.memory_space<hbm>>
      %dma_wait3A_156 = tpu.memref_squeeze %dma_wait3A_155 : memref<1x64x128xf32, #tpu.memory_space<hbm>> -> memref<64x128xf32, #tpu.memory_space<hbm>>
      %dma_wait3A_157 = arith.constant 0 : i32
      %dma_wait3A_158 = arith.constant 0 : i32
      %dma_wait3A_159 = tpu.memref_slice %arg8[%dma_wait3A_157, %dma_wait3A_158] : memref<96x128xf32, #tpu.memory_space<vmem>> -> memref<64x128xf32, #tpu.memory_space<vmem>>
      tpu.wait_dma2 semaphore(%run_scoped3A : memref<!tpu.dma_semaphore, #tpu.memory_space<semaphore_mem>>) src(%dma_wait3A_159 : memref<64x128xf32, #tpu.memory_space<vmem>>) dst(%dma_wait3A_156 : memref<64x128xf32, #tpu.memory_space<hbm>>)
      tpu.yield
    }) : () -> ()
    %mul3A_120 = arith.constant 10 : i32
    %mul3A_121 = arith.muli %arg1, %mul3A_120 : i32
    %add3A_122 = arith.constant 7 : i32
    %add3A_123 = arith.addi %mul3A_121, %add3A_122 : i32
    %mul3A_124 = arith.constant 64 : i32
    %mul3A_125 = arith.muli %add3A_123, %mul3A_124 : i32
    "tpu.region"() ({
      %run_scoped3A = tpu.sem_alloc : memref<!tpu.dma_semaphore, #tpu.memory_space<semaphore_mem>>
      %dma_start3A = arith.constant 0 : i32
      %dma_start3A_138 = arith.constant 0 : i32
      %dma_start3A_139 = tpu.memref_slice %arg8[%dma_start3A, %dma_start3A_138] : memref<96x128xf32, #tpu.memory_space<vmem>> -> memref<64x128xf32, #tpu.memory_space<vmem>>
      %dma_start3A_140 = arith.constant 0 : i32
      %dma_start3A_141 = tpu.memref_slice %arg9[%mul3A_125, %dma_start3A_140] : memref<10240x128xf32, #tpu.memory_space<vmem_shared>> -> memref<64x128xf32, #tpu.memory_space<vmem_shared>>
      %dma_start3A_142 = arith.constant 0 : i32
      %dma_start3A_143 = arith.constant 0 : i32
      %dma_start3A_144 = tpu.memref_slice %arg8[%dma_start3A_142, %dma_start3A_143] : memref<96x128xf32, #tpu.memory_space<vmem>> -> memref<64x128xf32, #tpu.memory_space<vmem>>
      %dma_start3A_145 = arith.constant 0 : i32
      %dma_start3A_146 = tpu.memref_slice %arg9[%mul3A_125, %dma_start3A_145] : memref<10240x128xf32, #tpu.memory_space<vmem_shared>> -> memref<64x128xf32, #tpu.memory_space<vmem_shared>>
      tpu.enqueue_dma source(%dma_start3A_146 : memref<64x128xf32, #tpu.memory_space<vmem_shared>>) target(%dma_start3A_144 : memref<64x128xf32, #tpu.memory_space<vmem>>) target_semaphore(%run_scoped3A : memref<!tpu.dma_semaphore, #tpu.memory_space<semaphore_mem>>)
      %dma_wait3A = arith.constant 0 : i32
      %dma_wait3A_147 = arith.constant 0 : i32
      %dma_wait3A_148 = tpu.memref_slice %arg8[%dma_wait3A, %dma_wait3A_147] : memref<96x128xf32, #tpu.memory_space<vmem>> -> memref<64x128xf32, #tpu.memory_space<vmem>>
      %dma_wait3A_149 = arith.constant 0 : i32
      %dma_wait3A_150 = tpu.memref_slice %arg9[%mul3A_125, %dma_wait3A_149] : memref<10240x128xf32, #tpu.memory_space<vmem_shared>> -> memref<64x128xf32, #tpu.memory_space<vmem_shared>>
      %dma_wait3A_151 = arith.constant 0 : i32
      %dma_wait3A_152 = arith.constant 0 : i32
      %dma_wait3A_153 = tpu.memref_slice %arg8[%dma_wait3A_151, %dma_wait3A_152] : memref<96x128xf32, #tpu.memory_space<vmem>> -> memref<64x128xf32, #tpu.memory_space<vmem>>
      %dma_wait3A_154 = arith.constant 0 : i32
      %dma_wait3A_155 = tpu.memref_slice %arg9[%mul3A_125, %dma_wait3A_154] : memref<10240x128xf32, #tpu.memory_space<vmem_shared>> -> memref<64x128xf32, #tpu.memory_space<vmem_shared>>
      tpu.wait_dma2 semaphore(%run_scoped3A : memref<!tpu.dma_semaphore, #tpu.memory_space<semaphore_mem>>) src(%dma_wait3A_155 : memref<64x128xf32, #tpu.memory_space<vmem_shared>>) dst(%dma_wait3A_153 : memref<64x128xf32, #tpu.memory_space<vmem>>)
      tpu.yield
    }) : () -> ()
    "tpu.region"() ({
      %run_scoped3A = tpu.sem_alloc : memref<!tpu.dma_semaphore, #tpu.memory_space<semaphore_mem>>
      %dma_start3A = arith.constant 0 : i32
      %dma_start3A_138 = arith.constant 0 : i32
      %dma_start3A_139 = tpu.memref_slice %arg8[%dma_start3A, %dma_start3A_138] : memref<96x128xf32, #tpu.memory_space<vmem>> -> memref<64x128xf32, #tpu.memory_space<vmem>>
      %dma_start3A_140 = arith.constant 0 : i32
      %dma_start3A_141 = tpu.memref_slice %arg5[%arg0, %mul3A_125, %dma_start3A_140] : memref<2x10240x128xf32, #tpu.memory_space<hbm>> -> memref<1x64x128xf32, #tpu.memory_space<hbm>>
      %dma_start3A_142 = tpu.memref_squeeze %dma_start3A_141 : memref<1x64x128xf32, #tpu.memory_space<hbm>> -> memref<64x128xf32, #tpu.memory_space<hbm>>
      %dma_start3A_143 = arith.constant 0 : i32
      %dma_start3A_144 = tpu.memref_slice %arg5[%arg0, %mul3A_125, %dma_start3A_143] : memref<2x10240x128xf32, #tpu.memory_space<hbm>> -> memref<1x64x128xf32, #tpu.memory_space<hbm>>
      %dma_start3A_145 = tpu.memref_squeeze %dma_start3A_144 : memref<1x64x128xf32, #tpu.memory_space<hbm>> -> memref<64x128xf32, #tpu.memory_space<hbm>>
      %dma_start3A_146 = arith.constant 0 : i32
      %dma_start3A_147 = arith.constant 0 : i32
      %dma_start3A_148 = tpu.memref_slice %arg8[%dma_start3A_146, %dma_start3A_147] : memref<96x128xf32, #tpu.memory_space<vmem>> -> memref<64x128xf32, #tpu.memory_space<vmem>>
      tpu.enqueue_dma source(%dma_start3A_148 : memref<64x128xf32, #tpu.memory_space<vmem>>) target(%dma_start3A_145 : memref<64x128xf32, #tpu.memory_space<hbm>>) target_semaphore(%run_scoped3A : memref<!tpu.dma_semaphore, #tpu.memory_space<semaphore_mem>>)
      %dma_wait3A = arith.constant 0 : i32
      %dma_wait3A_149 = arith.constant 0 : i32
      %dma_wait3A_150 = tpu.memref_slice %arg8[%dma_wait3A, %dma_wait3A_149] : memref<96x128xf32, #tpu.memory_space<vmem>> -> memref<64x128xf32, #tpu.memory_space<vmem>>
      %dma_wait3A_151 = arith.constant 0 : i32
      %dma_wait3A_152 = tpu.memref_slice %arg5[%arg0, %mul3A_125, %dma_wait3A_151] : memref<2x10240x128xf32, #tpu.memory_space<hbm>> -> memref<1x64x128xf32, #tpu.memory_space<hbm>>
      %dma_wait3A_153 = tpu.memref_squeeze %dma_wait3A_152 : memref<1x64x128xf32, #tpu.memory_space<hbm>> -> memref<64x128xf32, #tpu.memory_space<hbm>>
      %dma_wait3A_154 = arith.constant 0 : i32
      %dma_wait3A_155 = tpu.memref_slice %arg5[%arg0, %mul3A_125, %dma_wait3A_154] : memref<2x10240x128xf32, #tpu.memory_space<hbm>> -> memref<1x64x128xf32, #tpu.memory_space<hbm>>
      %dma_wait3A_156 = tpu.memref_squeeze %dma_wait3A_155 : memref<1x64x128xf32, #tpu.memory_space<hbm>> -> memref<64x128xf32, #tpu.memory_space<hbm>>
      %dma_wait3A_157 = arith.constant 0 : i32
      %dma_wait3A_158 = arith.constant 0 : i32
      %dma_wait3A_159 = tpu.memref_slice %arg8[%dma_wait3A_157, %dma_wait3A_158] : memref<96x128xf32, #tpu.memory_space<vmem>> -> memref<64x128xf32, #tpu.memory_space<vmem>>
      tpu.wait_dma2 semaphore(%run_scoped3A : memref<!tpu.dma_semaphore, #tpu.memory_space<semaphore_mem>>) src(%dma_wait3A_159 : memref<64x128xf32, #tpu.memory_space<vmem>>) dst(%dma_wait3A_156 : memref<64x128xf32, #tpu.memory_space<hbm>>)
      tpu.yield
    }) : () -> ()
    %mul3A_126 = arith.constant 10 : i32
    %mul3A_127 = arith.muli %arg1, %mul3A_126 : i32
    %add3A_128 = arith.constant 8 : i32
    %add3A_129 = arith.addi %mul3A_127, %add3A_128 : i32
    %mul3A_130 = arith.constant 64 : i32
    %mul3A_131 = arith.muli %add3A_129, %mul3A_130 : i32
    "tpu.region"() ({
      %run_scoped3A = tpu.sem_alloc : memref<!tpu.dma_semaphore, #tpu.memory_space<semaphore_mem>>
      %dma_start3A = arith.constant 0 : i32
      %dma_start3A_138 = arith.constant 0 : i32
      %dma_start3A_139 = tpu.memref_slice %arg8[%dma_start3A, %dma_start3A_138] : memref<96x128xf32, #tpu.memory_space<vmem>> -> memref<64x128xf32, #tpu.memory_space<vmem>>
      %dma_start3A_140 = arith.constant 0 : i32
      %dma_start3A_141 = tpu.memref_slice %arg9[%mul3A_131, %dma_start3A_140] : memref<10240x128xf32, #tpu.memory_space<vmem_shared>> -> memref<64x128xf32, #tpu.memory_space<vmem_shared>>
      %dma_start3A_142 = arith.constant 0 : i32
      %dma_start3A_143 = arith.constant 0 : i32
      %dma_start3A_144 = tpu.memref_slice %arg8[%dma_start3A_142, %dma_start3A_143] : memref<96x128xf32, #tpu.memory_space<vmem>> -> memref<64x128xf32, #tpu.memory_space<vmem>>
      %dma_start3A_145 = arith.constant 0 : i32
      %dma_start3A_146 = tpu.memref_slice %arg9[%mul3A_131, %dma_start3A_145] : memref<10240x128xf32, #tpu.memory_space<vmem_shared>> -> memref<64x128xf32, #tpu.memory_space<vmem_shared>>
      tpu.enqueue_dma source(%dma_start3A_146 : memref<64x128xf32, #tpu.memory_space<vmem_shared>>) target(%dma_start3A_144 : memref<64x128xf32, #tpu.memory_space<vmem>>) target_semaphore(%run_scoped3A : memref<!tpu.dma_semaphore, #tpu.memory_space<semaphore_mem>>)
      %dma_wait3A = arith.constant 0 : i32
      %dma_wait3A_147 = arith.constant 0 : i32
      %dma_wait3A_148 = tpu.memref_slice %arg8[%dma_wait3A, %dma_wait3A_147] : memref<96x128xf32, #tpu.memory_space<vmem>> -> memref<64x128xf32, #tpu.memory_space<vmem>>
      %dma_wait3A_149 = arith.constant 0 : i32
      %dma_wait3A_150 = tpu.memref_slice %arg9[%mul3A_131, %dma_wait3A_149] : memref<10240x128xf32, #tpu.memory_space<vmem_shared>> -> memref<64x128xf32, #tpu.memory_space<vmem_shared>>
      %dma_wait3A_151 = arith.constant 0 : i32
      %dma_wait3A_152 = arith.constant 0 : i32
      %dma_wait3A_153 = tpu.memref_slice %arg8[%dma_wait3A_151, %dma_wait3A_152] : memref<96x128xf32, #tpu.memory_space<vmem>> -> memref<64x128xf32, #tpu.memory_space<vmem>>
      %dma_wait3A_154 = arith.constant 0 : i32
      %dma_wait3A_155 = tpu.memref_slice %arg9[%mul3A_131, %dma_wait3A_154] : memref<10240x128xf32, #tpu.memory_space<vmem_shared>> -> memref<64x128xf32, #tpu.memory_space<vmem_shared>>
      tpu.wait_dma2 semaphore(%run_scoped3A : memref<!tpu.dma_semaphore, #tpu.memory_space<semaphore_mem>>) src(%dma_wait3A_155 : memref<64x128xf32, #tpu.memory_space<vmem_shared>>) dst(%dma_wait3A_153 : memref<64x128xf32, #tpu.memory_space<vmem>>)
      tpu.yield
    }) : () -> ()
    "tpu.region"() ({
      %run_scoped3A = tpu.sem_alloc : memref<!tpu.dma_semaphore, #tpu.memory_space<semaphore_mem>>
      %dma_start3A = arith.constant 0 : i32
      %dma_start3A_138 = arith.constant 0 : i32
      %dma_start3A_139 = tpu.memref_slice %arg8[%dma_start3A, %dma_start3A_138] : memref<96x128xf32, #tpu.memory_space<vmem>> -> memref<64x128xf32, #tpu.memory_space<vmem>>
      %dma_start3A_140 = arith.constant 0 : i32
      %dma_start3A_141 = tpu.memref_slice %arg5[%arg0, %mul3A_131, %dma_start3A_140] : memref<2x10240x128xf32, #tpu.memory_space<hbm>> -> memref<1x64x128xf32, #tpu.memory_space<hbm>>
      %dma_start3A_142 = tpu.memref_squeeze %dma_start3A_141 : memref<1x64x128xf32, #tpu.memory_space<hbm>> -> memref<64x128xf32, #tpu.memory_space<hbm>>
      %dma_start3A_143 = arith.constant 0 : i32
      %dma_start3A_144 = tpu.memref_slice %arg5[%arg0, %mul3A_131, %dma_start3A_143] : memref<2x10240x128xf32, #tpu.memory_space<hbm>> -> memref<1x64x128xf32, #tpu.memory_space<hbm>>
      %dma_start3A_145 = tpu.memref_squeeze %dma_start3A_144 : memref<1x64x128xf32, #tpu.memory_space<hbm>> -> memref<64x128xf32, #tpu.memory_space<hbm>>
      %dma_start3A_146 = arith.constant 0 : i32
      %dma_start3A_147 = arith.constant 0 : i32
      %dma_start3A_148 = tpu.memref_slice %arg8[%dma_start3A_146, %dma_start3A_147] : memref<96x128xf32, #tpu.memory_space<vmem>> -> memref<64x128xf32, #tpu.memory_space<vmem>>
      tpu.enqueue_dma source(%dma_start3A_148 : memref<64x128xf32, #tpu.memory_space<vmem>>) target(%dma_start3A_145 : memref<64x128xf32, #tpu.memory_space<hbm>>) target_semaphore(%run_scoped3A : memref<!tpu.dma_semaphore, #tpu.memory_space<semaphore_mem>>)
      %dma_wait3A = arith.constant 0 : i32
      %dma_wait3A_149 = arith.constant 0 : i32
      %dma_wait3A_150 = tpu.memref_slice %arg8[%dma_wait3A, %dma_wait3A_149] : memref<96x128xf32, #tpu.memory_space<vmem>> -> memref<64x128xf32, #tpu.memory_space<vmem>>
      %dma_wait3A_151 = arith.constant 0 : i32
      %dma_wait3A_152 = tpu.memref_slice %arg5[%arg0, %mul3A_131, %dma_wait3A_151] : memref<2x10240x128xf32, #tpu.memory_space<hbm>> -> memref<1x64x128xf32, #tpu.memory_space<hbm>>
      %dma_wait3A_153 = tpu.memref_squeeze %dma_wait3A_152 : memref<1x64x128xf32, #tpu.memory_space<hbm>> -> memref<64x128xf32, #tpu.memory_space<hbm>>
      %dma_wait3A_154 = arith.constant 0 : i32
      %dma_wait3A_155 = tpu.memref_slice %arg5[%arg0, %mul3A_131, %dma_wait3A_154] : memref<2x10240x128xf32, #tpu.memory_space<hbm>> -> memref<1x64x128xf32, #tpu.memory_space<hbm>>
      %dma_wait3A_156 = tpu.memref_squeeze %dma_wait3A_155 : memref<1x64x128xf32, #tpu.memory_space<hbm>> -> memref<64x128xf32, #tpu.memory_space<hbm>>
      %dma_wait3A_157 = arith.constant 0 : i32
      %dma_wait3A_158 = arith.constant 0 : i32
      %dma_wait3A_159 = tpu.memref_slice %arg8[%dma_wait3A_157, %dma_wait3A_158] : memref<96x128xf32, #tpu.memory_space<vmem>> -> memref<64x128xf32, #tpu.memory_space<vmem>>
      tpu.wait_dma2 semaphore(%run_scoped3A : memref<!tpu.dma_semaphore, #tpu.memory_space<semaphore_mem>>) src(%dma_wait3A_159 : memref<64x128xf32, #tpu.memory_space<vmem>>) dst(%dma_wait3A_156 : memref<64x128xf32, #tpu.memory_space<hbm>>)
      tpu.yield
    }) : () -> ()
    %mul3A_132 = arith.constant 10 : i32
    %mul3A_133 = arith.muli %arg1, %mul3A_132 : i32
    %add3A_134 = arith.constant 9 : i32
    %add3A_135 = arith.addi %mul3A_133, %add3A_134 : i32
    %mul3A_136 = arith.constant 64 : i32
    %mul3A_137 = arith.muli %add3A_135, %mul3A_136 : i32
    "tpu.region"() ({
      %run_scoped3A = tpu.sem_alloc : memref<!tpu.dma_semaphore, #tpu.memory_space<semaphore_mem>>
      %dma_start3A = arith.constant 0 : i32
      %dma_start3A_138 = arith.constant 0 : i32
      %dma_start3A_139 = tpu.memref_slice %arg8[%dma_start3A, %dma_start3A_138] : memref<96x128xf32, #tpu.memory_space<vmem>> -> memref<64x128xf32, #tpu.memory_space<vmem>>
      %dma_start3A_140 = arith.constant 0 : i32
      %dma_start3A_141 = tpu.memref_slice %arg9[%mul3A_137, %dma_start3A_140] : memref<10240x128xf32, #tpu.memory_space<vmem_shared>> -> memref<64x128xf32, #tpu.memory_space<vmem_shared>>
      %dma_start3A_142 = arith.constant 0 : i32
      %dma_start3A_143 = arith.constant 0 : i32
      %dma_start3A_144 = tpu.memref_slice %arg8[%dma_start3A_142, %dma_start3A_143] : memref<96x128xf32, #tpu.memory_space<vmem>> -> memref<64x128xf32, #tpu.memory_space<vmem>>
      %dma_start3A_145 = arith.constant 0 : i32
      %dma_start3A_146 = tpu.memref_slice %arg9[%mul3A_137, %dma_start3A_145] : memref<10240x128xf32, #tpu.memory_space<vmem_shared>> -> memref<64x128xf32, #tpu.memory_space<vmem_shared>>
      tpu.enqueue_dma source(%dma_start3A_146 : memref<64x128xf32, #tpu.memory_space<vmem_shared>>) target(%dma_start3A_144 : memref<64x128xf32, #tpu.memory_space<vmem>>) target_semaphore(%run_scoped3A : memref<!tpu.dma_semaphore, #tpu.memory_space<semaphore_mem>>)
      %dma_wait3A = arith.constant 0 : i32
      %dma_wait3A_147 = arith.constant 0 : i32
      %dma_wait3A_148 = tpu.memref_slice %arg8[%dma_wait3A, %dma_wait3A_147] : memref<96x128xf32, #tpu.memory_space<vmem>> -> memref<64x128xf32, #tpu.memory_space<vmem>>
      %dma_wait3A_149 = arith.constant 0 : i32
      %dma_wait3A_150 = tpu.memref_slice %arg9[%mul3A_137, %dma_wait3A_149] : memref<10240x128xf32, #tpu.memory_space<vmem_shared>> -> memref<64x128xf32, #tpu.memory_space<vmem_shared>>
      %dma_wait3A_151 = arith.constant 0 : i32
      %dma_wait3A_152 = arith.constant 0 : i32
      %dma_wait3A_153 = tpu.memref_slice %arg8[%dma_wait3A_151, %dma_wait3A_152] : memref<96x128xf32, #tpu.memory_space<vmem>> -> memref<64x128xf32, #tpu.memory_space<vmem>>
      %dma_wait3A_154 = arith.constant 0 : i32
      %dma_wait3A_155 = tpu.memref_slice %arg9[%mul3A_137, %dma_wait3A_154] : memref<10240x128xf32, #tpu.memory_space<vmem_shared>> -> memref<64x128xf32, #tpu.memory_space<vmem_shared>>
      tpu.wait_dma2 semaphore(%run_scoped3A : memref<!tpu.dma_semaphore, #tpu.memory_space<semaphore_mem>>) src(%dma_wait3A_155 : memref<64x128xf32, #tpu.memory_space<vmem_shared>>) dst(%dma_wait3A_153 : memref<64x128xf32, #tpu.memory_space<vmem>>)
      tpu.yield
    }) : () -> ()
    "tpu.region"() ({
      %run_scoped3A = tpu.sem_alloc : memref<!tpu.dma_semaphore, #tpu.memory_space<semaphore_mem>>
      %dma_start3A = arith.constant 0 : i32
      %dma_start3A_138 = arith.constant 0 : i32
      %dma_start3A_139 = tpu.memref_slice %arg8[%dma_start3A, %dma_start3A_138] : memref<96x128xf32, #tpu.memory_space<vmem>> -> memref<64x128xf32, #tpu.memory_space<vmem>>
      %dma_start3A_140 = arith.constant 0 : i32
      %dma_start3A_141 = tpu.memref_slice %arg5[%arg0, %mul3A_137, %dma_start3A_140] : memref<2x10240x128xf32, #tpu.memory_space<hbm>> -> memref<1x64x128xf32, #tpu.memory_space<hbm>>
      %dma_start3A_142 = tpu.memref_squeeze %dma_start3A_141 : memref<1x64x128xf32, #tpu.memory_space<hbm>> -> memref<64x128xf32, #tpu.memory_space<hbm>>
      %dma_start3A_143 = arith.constant 0 : i32
      %dma_start3A_144 = tpu.memref_slice %arg5[%arg0, %mul3A_137, %dma_start3A_143] : memref<2x10240x128xf32, #tpu.memory_space<hbm>> -> memref<1x64x128xf32, #tpu.memory_space<hbm>>
      %dma_start3A_145 = tpu.memref_squeeze %dma_start3A_144 : memref<1x64x128xf32, #tpu.memory_space<hbm>> -> memref<64x128xf32, #tpu.memory_space<hbm>>
      %dma_start3A_146 = arith.constant 0 : i32
      %dma_start3A_147 = arith.constant 0 : i32
      %dma_start3A_148 = tpu.memref_slice %arg8[%dma_start3A_146, %dma_start3A_147] : memref<96x128xf32, #tpu.memory_space<vmem>> -> memref<64x128xf32, #tpu.memory_space<vmem>>
      tpu.enqueue_dma source(%dma_start3A_148 : memref<64x128xf32, #tpu.memory_space<vmem>>) target(%dma_start3A_145 : memref<64x128xf32, #tpu.memory_space<hbm>>) target_semaphore(%run_scoped3A : memref<!tpu.dma_semaphore, #tpu.memory_space<semaphore_mem>>)
      %dma_wait3A = arith.constant 0 : i32
      %dma_wait3A_149 = arith.constant 0 : i32
      %dma_wait3A_150 = tpu.memref_slice %arg8[%dma_wait3A, %dma_wait3A_149] : memref<96x128xf32, #tpu.memory_space<vmem>> -> memref<64x128xf32, #tpu.memory_space<vmem>>
      %dma_wait3A_151 = arith.constant 0 : i32
      %dma_wait3A_152 = tpu.memref_slice %arg5[%arg0, %mul3A_137, %dma_wait3A_151] : memref<2x10240x128xf32, #tpu.memory_space<hbm>> -> memref<1x64x128xf32, #tpu.memory_space<hbm>>
      %dma_wait3A_153 = tpu.memref_squeeze %dma_wait3A_152 : memref<1x64x128xf32, #tpu.memory_space<hbm>> -> memref<64x128xf32, #tpu.memory_space<hbm>>
      %dma_wait3A_154 = arith.constant 0 : i32
      %dma_wait3A_155 = tpu.memref_slice %arg5[%arg0, %mul3A_137, %dma_wait3A_154] : memref<2x10240x128xf32, #tpu.memory_space<hbm>> -> memref<1x64x128xf32, #tpu.memory_space<hbm>>
      %dma_wait3A_156 = tpu.memref_squeeze %dma_wait3A_155 : memref<1x64x128xf32, #tpu.memory_space<hbm>> -> memref<64x128xf32, #tpu.memory_space<hbm>>
      %dma_wait3A_157 = arith.constant 0 : i32
      %dma_wait3A_158 = arith.constant 0 : i32
      %dma_wait3A_159 = tpu.memref_slice %arg8[%dma_wait3A_157, %dma_wait3A_158] : memref<96x128xf32, #tpu.memory_space<vmem>> -> memref<64x128xf32, #tpu.memory_space<vmem>>
      tpu.wait_dma2 semaphore(%run_scoped3A : memref<!tpu.dma_semaphore, #tpu.memory_space<semaphore_mem>>) src(%dma_wait3A_159 : memref<64x128xf32, #tpu.memory_space<vmem>>) dst(%dma_wait3A_156 : memref<64x128xf32, #tpu.memory_space<hbm>>)
      tpu.yield
    }) : () -> ()
    return
  }
}

#map = affine_map<(d0, d1) -> (0, 0)>
#map1 = affine_map<(d0, d1) -> (0)>
#map2 = affine_map<(d0, d1) -> (0, 0, 0)>
module attributes {stable_mosaic.version = 14 : i64} {
  func.func @body(%arg0: i32, %arg1: i32, %arg2: memref<10000x128xf32, #tpu.memory_space<hbm>>, %arg3: memref<322560xi32, #tpu.memory_space<hbm>>, %arg4: memref<322560xi32, #tpu.memory_space<hbm>>, %arg5: memref<2x10240x128xf32, #tpu.memory_space<hbm>>, %arg6: memref<2x10240x128xf32, #tpu.memory_space<hbm>>, %arg7: memref<96xi32, #tpu.memory_space<vmem>>, %arg8: memref<96xi32, #tpu.memory_space<vmem>>, %arg9: memref<96x128xf32, #tpu.memory_space<vmem>>, %arg10: memref<10240x128xf32, #tpu.memory_space<vmem_shared>>, %arg11: memref<!tpu.dma_semaphore, #tpu.memory_space<semaphore_mem>>) attributes {dimension_semantics = [#tpu.dimension_semantics<core_parallel>, #tpu.dimension_semantics<subcore_parallel>], iteration_bounds = array<i64: 2, 16>, scalar_prefetch = 0 : i64, scratch_operands = 5 : i64, tpu.core_type = #tpu.core_type<sc_vector_subcore>, window_params = [{transform_indices = #map}, {transform_indices = #map1}, {transform_indices = #map1}, {transform_indices = #map2}, {transform_indices = #map2}]} {
    %mul3A = arith.constant 16 : i32
    %mul3A_0 = arith.muli %arg0, %mul3A : i32
    %add3A = arith.addi %mul3A_0, %arg1 : i32
    %mul3A_1 = arith.constant 10080 : i32
    %mul3A_2 = arith.muli %add3A, %mul3A_1 : i32
    %broadcast_in_dim3A = arith.constant 0.000000e+00 : f32
    %broadcast_in_dim3A_3 = vector.broadcast %broadcast_in_dim3A : f32 to vector<16xf32>
    %scan3A = arith.constant 0 : i32
    %scan3A_4 = arith.constant 0 : i32
    %scan3A_5 = arith.constant 96 : i32
    %scan3A_6 = arith.addi %scan3A_4, %scan3A_5 : i32
    %scan3A_7 = arith.constant 1 : i32
    %scan3A_8 = scf.for %scan3A_285 = %scan3A_4 to %scan3A_6 step %scan3A_7 iter_args(%scan3A_286 = %scan3A) -> (i32)  : i32 {
      %swap3A = arith.index_cast %scan3A_285 : i32 to index
      %swap3A_287 = arith.constant 0 : index
      %swap3A_288 = tpu.vector_load %arg9[%swap3A, %swap3A_287] {strides = array<i32>} : memref<96x128xf32, #tpu.memory_space<vmem>>, vector<1x16xf32>,
      %swap3A_289 = vector.shape_cast %swap3A_288 : vector<1x16xf32> to vector<16xf32>
      %swap3A_290 = vector.shape_cast %broadcast_in_dim3A_3 : vector<16xf32> to vector<1x16xf32>
      tpu.vector_store %arg9[%swap3A, %swap3A_287], %swap3A_290 {strides = array<i32>} : memref<96x128xf32, #tpu.memory_space<vmem>>, vector<1x16xf32>,
      %swap3A_291 = arith.index_cast %scan3A_285 : i32 to index
      %swap3A_292 = arith.constant 16 : index
      %swap3A_293 = tpu.vector_load %arg9[%swap3A_291, %swap3A_292] {strides = array<i32>} : memref<96x128xf32, #tpu.memory_space<vmem>>, vector<1x16xf32>,
      %swap3A_294 = vector.shape_cast %swap3A_293 : vector<1x16xf32> to vector<16xf32>
      %swap3A_295 = vector.shape_cast %broadcast_in_dim3A_3 : vector<16xf32> to vector<1x16xf32>
      tpu.vector_store %arg9[%swap3A_291, %swap3A_292], %swap3A_295 {strides = array<i32>} : memref<96x128xf32, #tpu.memory_space<vmem>>, vector<1x16xf32>,
      %swap3A_296 = arith.index_cast %scan3A_285 : i32 to index
      %swap3A_297 = arith.constant 32 : index
      %swap3A_298 = tpu.vector_load %arg9[%swap3A_296, %swap3A_297] {strides = array<i32>} : memref<96x128xf32, #tpu.memory_space<vmem>>, vector<1x16xf32>,
      %swap3A_299 = vector.shape_cast %swap3A_298 : vector<1x16xf32> to vector<16xf32>
      %swap3A_300 = vector.shape_cast %broadcast_in_dim3A_3 : vector<16xf32> to vector<1x16xf32>
      tpu.vector_store %arg9[%swap3A_296, %swap3A_297], %swap3A_300 {strides = array<i32>} : memref<96x128xf32, #tpu.memory_space<vmem>>, vector<1x16xf32>,
      %swap3A_301 = arith.index_cast %scan3A_285 : i32 to index
      %swap3A_302 = arith.constant 48 : index
      %swap3A_303 = tpu.vector_load %arg9[%swap3A_301, %swap3A_302] {strides = array<i32>} : memref<96x128xf32, #tpu.memory_space<vmem>>, vector<1x16xf32>,
      %swap3A_304 = vector.shape_cast %swap3A_303 : vector<1x16xf32> to vector<16xf32>
      %swap3A_305 = vector.shape_cast %broadcast_in_dim3A_3 : vector<16xf32> to vector<1x16xf32>
      tpu.vector_store %arg9[%swap3A_301, %swap3A_302], %swap3A_305 {strides = array<i32>} : memref<96x128xf32, #tpu.memory_space<vmem>>, vector<1x16xf32>,
      %swap3A_306 = arith.index_cast %scan3A_285 : i32 to index
      %swap3A_307 = arith.constant 64 : index
      %swap3A_308 = tpu.vector_load %arg9[%swap3A_306, %swap3A_307] {strides = array<i32>} : memref<96x128xf32, #tpu.memory_space<vmem>>, vector<1x16xf32>,
      %swap3A_309 = vector.shape_cast %swap3A_308 : vector<1x16xf32> to vector<16xf32>
      %swap3A_310 = vector.shape_cast %broadcast_in_dim3A_3 : vector<16xf32> to vector<1x16xf32>
      tpu.vector_store %arg9[%swap3A_306, %swap3A_307], %swap3A_310 {strides = array<i32>} : memref<96x128xf32, #tpu.memory_space<vmem>>, vector<1x16xf32>,
      %swap3A_311 = arith.index_cast %scan3A_285 : i32 to index
      %swap3A_312 = arith.constant 80 : index
      %swap3A_313 = tpu.vector_load %arg9[%swap3A_311, %swap3A_312] {strides = array<i32>} : memref<96x128xf32, #tpu.memory_space<vmem>>, vector<1x16xf32>,
      %swap3A_314 = vector.shape_cast %swap3A_313 : vector<1x16xf32> to vector<16xf32>
      %swap3A_315 = vector.shape_cast %broadcast_in_dim3A_3 : vector<16xf32> to vector<1x16xf32>
      tpu.vector_store %arg9[%swap3A_311, %swap3A_312], %swap3A_315 {strides = array<i32>} : memref<96x128xf32, #tpu.memory_space<vmem>>, vector<1x16xf32>,
      %swap3A_316 = arith.index_cast %scan3A_285 : i32 to index
      %swap3A_317 = arith.constant 96 : index
      %swap3A_318 = tpu.vector_load %arg9[%swap3A_316, %swap3A_317] {strides = array<i32>} : memref<96x128xf32, #tpu.memory_space<vmem>>, vector<1x16xf32>,
      %swap3A_319 = vector.shape_cast %swap3A_318 : vector<1x16xf32> to vector<16xf32>
      %swap3A_320 = vector.shape_cast %broadcast_in_dim3A_3 : vector<16xf32> to vector<1x16xf32>
      tpu.vector_store %arg9[%swap3A_316, %swap3A_317], %swap3A_320 {strides = array<i32>} : memref<96x128xf32, #tpu.memory_space<vmem>>, vector<1x16xf32>,
      %swap3A_321 = arith.index_cast %scan3A_285 : i32 to index
      %swap3A_322 = arith.constant 112 : index
      %swap3A_323 = tpu.vector_load %arg9[%swap3A_321, %swap3A_322] {strides = array<i32>} : memref<96x128xf32, #tpu.memory_space<vmem>>, vector<1x16xf32>,
      %swap3A_324 = vector.shape_cast %swap3A_323 : vector<1x16xf32> to vector<16xf32>
      %swap3A_325 = vector.shape_cast %broadcast_in_dim3A_3 : vector<16xf32> to vector<1x16xf32>
      tpu.vector_store %arg9[%swap3A_321, %swap3A_322], %swap3A_325 {strides = array<i32>} : memref<96x128xf32, #tpu.memory_space<vmem>>, vector<1x16xf32>,
      %scan3A_326 = arith.constant 0 : i32
      scf.yield %scan3A_326 : i32
    }
    %scan3A_9 = arith.constant 96 : i32
    %mul3A_10 = arith.constant 10 : i32
    %mul3A_11 = arith.muli %arg1, %mul3A_10 : i32
    %add3A_12 = arith.constant 0 : i32
    %add3A_13 = arith.addi %mul3A_11, %add3A_12 : i32
    %mul3A_14 = arith.constant 64 : i32
    %mul3A_15 = arith.muli %add3A_13, %mul3A_14 : i32
    "tpu.region"() ({
      %run_scoped3A = tpu.sem_alloc : memref<!tpu.dma_semaphore, #tpu.memory_space<semaphore_mem>>
      %dma_start3A = arith.constant 0 : i32
      %dma_start3A_285 = arith.constant 0 : i32
      %dma_start3A_286 = tpu.memref_slice %arg9[%dma_start3A, %dma_start3A_285] : memref<96x128xf32, #tpu.memory_space<vmem>> -> memref<64x128xf32, #tpu.memory_space<vmem>>
      %dma_start3A_287 = arith.constant 0 : i32
      %dma_start3A_288 = tpu.memref_slice %arg10[%mul3A_15, %dma_start3A_287] : memref<10240x128xf32, #tpu.memory_space<vmem_shared>> -> memref<64x128xf32, #tpu.memory_space<vmem_shared>>
      %dma_start3A_289 = arith.constant 0 : i32
      %dma_start3A_290 = tpu.memref_slice %arg10[%mul3A_15, %dma_start3A_289] : memref<10240x128xf32, #tpu.memory_space<vmem_shared>> -> memref<64x128xf32, #tpu.memory_space<vmem_shared>>
      %dma_start3A_291 = arith.constant 0 : i32
      %dma_start3A_292 = arith.constant 0 : i32
      %dma_start3A_293 = tpu.memref_slice %arg9[%dma_start3A_291, %dma_start3A_292] : memref<96x128xf32, #tpu.memory_space<vmem>> -> memref<64x128xf32, #tpu.memory_space<vmem>>
      tpu.enqueue_dma source(%dma_start3A_293 : memref<64x128xf32, #tpu.memory_space<vmem>>) target(%dma_start3A_290 : memref<64x128xf32, #tpu.memory_space<vmem_shared>>) target_semaphore(%run_scoped3A : memref<!tpu.dma_semaphore, #tpu.memory_space<semaphore_mem>>)
      %dma_wait3A = arith.constant 0 : i32
      %dma_wait3A_294 = arith.constant 0 : i32
      %dma_wait3A_295 = tpu.memref_slice %arg9[%dma_wait3A, %dma_wait3A_294] : memref<96x128xf32, #tpu.memory_space<vmem>> -> memref<64x128xf32, #tpu.memory_space<vmem>>
      %dma_wait3A_296 = arith.constant 0 : i32
      %dma_wait3A_297 = tpu.memref_slice %arg10[%mul3A_15, %dma_wait3A_296] : memref<10240x128xf32, #tpu.memory_space<vmem_shared>> -> memref<64x128xf32, #tpu.memory_space<vmem_shared>>
      %dma_wait3A_298 = arith.constant 0 : i32
      %dma_wait3A_299 = tpu.memref_slice %arg10[%mul3A_15, %dma_wait3A_298] : memref<10240x128xf32, #tpu.memory_space<vmem_shared>> -> memref<64x128xf32, #tpu.memory_space<vmem_shared>>
      %dma_wait3A_300 = arith.constant 0 : i32
      %dma_wait3A_301 = arith.constant 0 : i32
      %dma_wait3A_302 = tpu.memref_slice %arg9[%dma_wait3A_300, %dma_wait3A_301] : memref<96x128xf32, #tpu.memory_space<vmem>> -> memref<64x128xf32, #tpu.memory_space<vmem>>
      tpu.wait_dma2 semaphore(%run_scoped3A : memref<!tpu.dma_semaphore, #tpu.memory_space<semaphore_mem>>) src(%dma_wait3A_302 : memref<64x128xf32, #tpu.memory_space<vmem>>) dst(%dma_wait3A_299 : memref<64x128xf32, #tpu.memory_space<vmem_shared>>)
      tpu.yield
    }) : () -> ()
    %mul3A_16 = arith.constant 10 : i32
    %mul3A_17 = arith.muli %arg1, %mul3A_16 : i32
    %add3A_18 = arith.constant 1 : i32
    %add3A_19 = arith.addi %mul3A_17, %add3A_18 : i32
    %mul3A_20 = arith.constant 64 : i32
    %mul3A_21 = arith.muli %add3A_19, %mul3A_20 : i32
    "tpu.region"() ({
      %run_scoped3A = tpu.sem_alloc : memref<!tpu.dma_semaphore, #tpu.memory_space<semaphore_mem>>
      %dma_start3A = arith.constant 0 : i32
      %dma_start3A_285 = arith.constant 0 : i32
      %dma_start3A_286 = tpu.memref_slice %arg9[%dma_start3A, %dma_start3A_285] : memref<96x128xf32, #tpu.memory_space<vmem>> -> memref<64x128xf32, #tpu.memory_space<vmem>>
      %dma_start3A_287 = arith.constant 0 : i32
      %dma_start3A_288 = tpu.memref_slice %arg10[%mul3A_21, %dma_start3A_287] : memref<10240x128xf32, #tpu.memory_space<vmem_shared>> -> memref<64x128xf32, #tpu.memory_space<vmem_shared>>
      %dma_start3A_289 = arith.constant 0 : i32
      %dma_start3A_290 = tpu.memref_slice %arg10[%mul3A_21, %dma_start3A_289] : memref<10240x128xf32, #tpu.memory_space<vmem_shared>> -> memref<64x128xf32, #tpu.memory_space<vmem_shared>>
      %dma_start3A_291 = arith.constant 0 : i32
      %dma_start3A_292 = arith.constant 0 : i32
      %dma_start3A_293 = tpu.memref_slice %arg9[%dma_start3A_291, %dma_start3A_292] : memref<96x128xf32, #tpu.memory_space<vmem>> -> memref<64x128xf32, #tpu.memory_space<vmem>>
      tpu.enqueue_dma source(%dma_start3A_293 : memref<64x128xf32, #tpu.memory_space<vmem>>) target(%dma_start3A_290 : memref<64x128xf32, #tpu.memory_space<vmem_shared>>) target_semaphore(%run_scoped3A : memref<!tpu.dma_semaphore, #tpu.memory_space<semaphore_mem>>)
      %dma_wait3A = arith.constant 0 : i32
      %dma_wait3A_294 = arith.constant 0 : i32
      %dma_wait3A_295 = tpu.memref_slice %arg9[%dma_wait3A, %dma_wait3A_294] : memref<96x128xf32, #tpu.memory_space<vmem>> -> memref<64x128xf32, #tpu.memory_space<vmem>>
      %dma_wait3A_296 = arith.constant 0 : i32
      %dma_wait3A_297 = tpu.memref_slice %arg10[%mul3A_21, %dma_wait3A_296] : memref<10240x128xf32, #tpu.memory_space<vmem_shared>> -> memref<64x128xf32, #tpu.memory_space<vmem_shared>>
      %dma_wait3A_298 = arith.constant 0 : i32
      %dma_wait3A_299 = tpu.memref_slice %arg10[%mul3A_21, %dma_wait3A_298] : memref<10240x128xf32, #tpu.memory_space<vmem_shared>> -> memref<64x128xf32, #tpu.memory_space<vmem_shared>>
      %dma_wait3A_300 = arith.constant 0 : i32
      %dma_wait3A_301 = arith.constant 0 : i32
      %dma_wait3A_302 = tpu.memref_slice %arg9[%dma_wait3A_300, %dma_wait3A_301] : memref<96x128xf32, #tpu.memory_space<vmem>> -> memref<64x128xf32, #tpu.memory_space<vmem>>
      tpu.wait_dma2 semaphore(%run_scoped3A : memref<!tpu.dma_semaphore, #tpu.memory_space<semaphore_mem>>) src(%dma_wait3A_302 : memref<64x128xf32, #tpu.memory_space<vmem>>) dst(%dma_wait3A_299 : memref<64x128xf32, #tpu.memory_space<vmem_shared>>)
      tpu.yield
    }) : () -> ()
    %mul3A_22 = arith.constant 10 : i32
    %mul3A_23 = arith.muli %arg1, %mul3A_22 : i32
    %add3A_24 = arith.constant 2 : i32
    %add3A_25 = arith.addi %mul3A_23, %add3A_24 : i32
    %mul3A_26 = arith.constant 64 : i32
    %mul3A_27 = arith.muli %add3A_25, %mul3A_26 : i32
    "tpu.region"() ({
      %run_scoped3A = tpu.sem_alloc : memref<!tpu.dma_semaphore, #tpu.memory_space<semaphore_mem>>
      %dma_start3A = arith.constant 0 : i32
      %dma_start3A_285 = arith.constant 0 : i32
      %dma_start3A_286 = tpu.memref_slice %arg9[%dma_start3A, %dma_start3A_285] : memref<96x128xf32, #tpu.memory_space<vmem>> -> memref<64x128xf32, #tpu.memory_space<vmem>>
      %dma_start3A_287 = arith.constant 0 : i32
      %dma_start3A_288 = tpu.memref_slice %arg10[%mul3A_27, %dma_start3A_287] : memref<10240x128xf32, #tpu.memory_space<vmem_shared>> -> memref<64x128xf32, #tpu.memory_space<vmem_shared>>
      %dma_start3A_289 = arith.constant 0 : i32
      %dma_start3A_290 = tpu.memref_slice %arg10[%mul3A_27, %dma_start3A_289] : memref<10240x128xf32, #tpu.memory_space<vmem_shared>> -> memref<64x128xf32, #tpu.memory_space<vmem_shared>>
      %dma_start3A_291 = arith.constant 0 : i32
      %dma_start3A_292 = arith.constant 0 : i32
      %dma_start3A_293 = tpu.memref_slice %arg9[%dma_start3A_291, %dma_start3A_292] : memref<96x128xf32, #tpu.memory_space<vmem>> -> memref<64x128xf32, #tpu.memory_space<vmem>>
      tpu.enqueue_dma source(%dma_start3A_293 : memref<64x128xf32, #tpu.memory_space<vmem>>) target(%dma_start3A_290 : memref<64x128xf32, #tpu.memory_space<vmem_shared>>) target_semaphore(%run_scoped3A : memref<!tpu.dma_semaphore, #tpu.memory_space<semaphore_mem>>)
      %dma_wait3A = arith.constant 0 : i32
      %dma_wait3A_294 = arith.constant 0 : i32
      %dma_wait3A_295 = tpu.memref_slice %arg9[%dma_wait3A, %dma_wait3A_294] : memref<96x128xf32, #tpu.memory_space<vmem>> -> memref<64x128xf32, #tpu.memory_space<vmem>>
      %dma_wait3A_296 = arith.constant 0 : i32
      %dma_wait3A_297 = tpu.memref_slice %arg10[%mul3A_27, %dma_wait3A_296] : memref<10240x128xf32, #tpu.memory_space<vmem_shared>> -> memref<64x128xf32, #tpu.memory_space<vmem_shared>>
      %dma_wait3A_298 = arith.constant 0 : i32
      %dma_wait3A_299 = tpu.memref_slice %arg10[%mul3A_27, %dma_wait3A_298] : memref<10240x128xf32, #tpu.memory_space<vmem_shared>> -> memref<64x128xf32, #tpu.memory_space<vmem_shared>>
      %dma_wait3A_300 = arith.constant 0 : i32
      %dma_wait3A_301 = arith.constant 0 : i32
      %dma_wait3A_302 = tpu.memref_slice %arg9[%dma_wait3A_300, %dma_wait3A_301] : memref<96x128xf32, #tpu.memory_space<vmem>> -> memref<64x128xf32, #tpu.memory_space<vmem>>
      tpu.wait_dma2 semaphore(%run_scoped3A : memref<!tpu.dma_semaphore, #tpu.memory_space<semaphore_mem>>) src(%dma_wait3A_302 : memref<64x128xf32, #tpu.memory_space<vmem>>) dst(%dma_wait3A_299 : memref<64x128xf32, #tpu.memory_space<vmem_shared>>)
      tpu.yield
    }) : () -> ()
    %mul3A_28 = arith.constant 10 : i32
    %mul3A_29 = arith.muli %arg1, %mul3A_28 : i32
    %add3A_30 = arith.constant 3 : i32
    %add3A_31 = arith.addi %mul3A_29, %add3A_30 : i32
    %mul3A_32 = arith.constant 64 : i32
    %mul3A_33 = arith.muli %add3A_31, %mul3A_32 : i32
    "tpu.region"() ({
      %run_scoped3A = tpu.sem_alloc : memref<!tpu.dma_semaphore, #tpu.memory_space<semaphore_mem>>
      %dma_start3A = arith.constant 0 : i32
      %dma_start3A_285 = arith.constant 0 : i32
      %dma_start3A_286 = tpu.memref_slice %arg9[%dma_start3A, %dma_start3A_285] : memref<96x128xf32, #tpu.memory_space<vmem>> -> memref<64x128xf32, #tpu.memory_space<vmem>>
      %dma_start3A_287 = arith.constant 0 : i32
      %dma_start3A_288 = tpu.memref_slice %arg10[%mul3A_33, %dma_start3A_287] : memref<10240x128xf32, #tpu.memory_space<vmem_shared>> -> memref<64x128xf32, #tpu.memory_space<vmem_shared>>
      %dma_start3A_289 = arith.constant 0 : i32
      %dma_start3A_290 = tpu.memref_slice %arg10[%mul3A_33, %dma_start3A_289] : memref<10240x128xf32, #tpu.memory_space<vmem_shared>> -> memref<64x128xf32, #tpu.memory_space<vmem_shared>>
      %dma_start3A_291 = arith.constant 0 : i32
      %dma_start3A_292 = arith.constant 0 : i32
      %dma_start3A_293 = tpu.memref_slice %arg9[%dma_start3A_291, %dma_start3A_292] : memref<96x128xf32, #tpu.memory_space<vmem>> -> memref<64x128xf32, #tpu.memory_space<vmem>>
      tpu.enqueue_dma source(%dma_start3A_293 : memref<64x128xf32, #tpu.memory_space<vmem>>) target(%dma_start3A_290 : memref<64x128xf32, #tpu.memory_space<vmem_shared>>) target_semaphore(%run_scoped3A : memref<!tpu.dma_semaphore, #tpu.memory_space<semaphore_mem>>)
      %dma_wait3A = arith.constant 0 : i32
      %dma_wait3A_294 = arith.constant 0 : i32
      %dma_wait3A_295 = tpu.memref_slice %arg9[%dma_wait3A, %dma_wait3A_294] : memref<96x128xf32, #tpu.memory_space<vmem>> -> memref<64x128xf32, #tpu.memory_space<vmem>>
      %dma_wait3A_296 = arith.constant 0 : i32
      %dma_wait3A_297 = tpu.memref_slice %arg10[%mul3A_33, %dma_wait3A_296] : memref<10240x128xf32, #tpu.memory_space<vmem_shared>> -> memref<64x128xf32, #tpu.memory_space<vmem_shared>>
      %dma_wait3A_298 = arith.constant 0 : i32
      %dma_wait3A_299 = tpu.memref_slice %arg10[%mul3A_33, %dma_wait3A_298] : memref<10240x128xf32, #tpu.memory_space<vmem_shared>> -> memref<64x128xf32, #tpu.memory_space<vmem_shared>>
      %dma_wait3A_300 = arith.constant 0 : i32
      %dma_wait3A_301 = arith.constant 0 : i32
      %dma_wait3A_302 = tpu.memref_slice %arg9[%dma_wait3A_300, %dma_wait3A_301] : memref<96x128xf32, #tpu.memory_space<vmem>> -> memref<64x128xf32, #tpu.memory_space<vmem>>
      tpu.wait_dma2 semaphore(%run_scoped3A : memref<!tpu.dma_semaphore, #tpu.memory_space<semaphore_mem>>) src(%dma_wait3A_302 : memref<64x128xf32, #tpu.memory_space<vmem>>) dst(%dma_wait3A_299 : memref<64x128xf32, #tpu.memory_space<vmem_shared>>)
      tpu.yield
    }) : () -> ()
    %mul3A_34 = arith.constant 10 : i32
    %mul3A_35 = arith.muli %arg1, %mul3A_34 : i32
    %add3A_36 = arith.constant 4 : i32
    %add3A_37 = arith.addi %mul3A_35, %add3A_36 : i32
    %mul3A_38 = arith.constant 64 : i32
    %mul3A_39 = arith.muli %add3A_37, %mul3A_38 : i32
    "tpu.region"() ({
      %run_scoped3A = tpu.sem_alloc : memref<!tpu.dma_semaphore, #tpu.memory_space<semaphore_mem>>
      %dma_start3A = arith.constant 0 : i32
      %dma_start3A_285 = arith.constant 0 : i32
      %dma_start3A_286 = tpu.memref_slice %arg9[%dma_start3A, %dma_start3A_285] : memref<96x128xf32, #tpu.memory_space<vmem>> -> memref<64x128xf32, #tpu.memory_space<vmem>>
      %dma_start3A_287 = arith.constant 0 : i32
      %dma_start3A_288 = tpu.memref_slice %arg10[%mul3A_39, %dma_start3A_287] : memref<10240x128xf32, #tpu.memory_space<vmem_shared>> -> memref<64x128xf32, #tpu.memory_space<vmem_shared>>
      %dma_start3A_289 = arith.constant 0 : i32
      %dma_start3A_290 = tpu.memref_slice %arg10[%mul3A_39, %dma_start3A_289] : memref<10240x128xf32, #tpu.memory_space<vmem_shared>> -> memref<64x128xf32, #tpu.memory_space<vmem_shared>>
      %dma_start3A_291 = arith.constant 0 : i32
      %dma_start3A_292 = arith.constant 0 : i32
      %dma_start3A_293 = tpu.memref_slice %arg9[%dma_start3A_291, %dma_start3A_292] : memref<96x128xf32, #tpu.memory_space<vmem>> -> memref<64x128xf32, #tpu.memory_space<vmem>>
      tpu.enqueue_dma source(%dma_start3A_293 : memref<64x128xf32, #tpu.memory_space<vmem>>) target(%dma_start3A_290 : memref<64x128xf32, #tpu.memory_space<vmem_shared>>) target_semaphore(%run_scoped3A : memref<!tpu.dma_semaphore, #tpu.memory_space<semaphore_mem>>)
      %dma_wait3A = arith.constant 0 : i32
      %dma_wait3A_294 = arith.constant 0 : i32
      %dma_wait3A_295 = tpu.memref_slice %arg9[%dma_wait3A, %dma_wait3A_294] : memref<96x128xf32, #tpu.memory_space<vmem>> -> memref<64x128xf32, #tpu.memory_space<vmem>>
      %dma_wait3A_296 = arith.constant 0 : i32
      %dma_wait3A_297 = tpu.memref_slice %arg10[%mul3A_39, %dma_wait3A_296] : memref<10240x128xf32, #tpu.memory_space<vmem_shared>> -> memref<64x128xf32, #tpu.memory_space<vmem_shared>>
      %dma_wait3A_298 = arith.constant 0 : i32
      %dma_wait3A_299 = tpu.memref_slice %arg10[%mul3A_39, %dma_wait3A_298] : memref<10240x128xf32, #tpu.memory_space<vmem_shared>> -> memref<64x128xf32, #tpu.memory_space<vmem_shared>>
      %dma_wait3A_300 = arith.constant 0 : i32
      %dma_wait3A_301 = arith.constant 0 : i32
      %dma_wait3A_302 = tpu.memref_slice %arg9[%dma_wait3A_300, %dma_wait3A_301] : memref<96x128xf32, #tpu.memory_space<vmem>> -> memref<64x128xf32, #tpu.memory_space<vmem>>
      tpu.wait_dma2 semaphore(%run_scoped3A : memref<!tpu.dma_semaphore, #tpu.memory_space<semaphore_mem>>) src(%dma_wait3A_302 : memref<64x128xf32, #tpu.memory_space<vmem>>) dst(%dma_wait3A_299 : memref<64x128xf32, #tpu.memory_space<vmem_shared>>)
      tpu.yield
    }) : () -> ()
    %mul3A_40 = arith.constant 10 : i32
    %mul3A_41 = arith.muli %arg1, %mul3A_40 : i32
    %add3A_42 = arith.constant 5 : i32
    %add3A_43 = arith.addi %mul3A_41, %add3A_42 : i32
    %mul3A_44 = arith.constant 64 : i32
    %mul3A_45 = arith.muli %add3A_43, %mul3A_44 : i32
    "tpu.region"() ({
      %run_scoped3A = tpu.sem_alloc : memref<!tpu.dma_semaphore, #tpu.memory_space<semaphore_mem>>
      %dma_start3A = arith.constant 0 : i32
      %dma_start3A_285 = arith.constant 0 : i32
      %dma_start3A_286 = tpu.memref_slice %arg9[%dma_start3A, %dma_start3A_285] : memref<96x128xf32, #tpu.memory_space<vmem>> -> memref<64x128xf32, #tpu.memory_space<vmem>>
      %dma_start3A_287 = arith.constant 0 : i32
      %dma_start3A_288 = tpu.memref_slice %arg10[%mul3A_45, %dma_start3A_287] : memref<10240x128xf32, #tpu.memory_space<vmem_shared>> -> memref<64x128xf32, #tpu.memory_space<vmem_shared>>
      %dma_start3A_289 = arith.constant 0 : i32
      %dma_start3A_290 = tpu.memref_slice %arg10[%mul3A_45, %dma_start3A_289] : memref<10240x128xf32, #tpu.memory_space<vmem_shared>> -> memref<64x128xf32, #tpu.memory_space<vmem_shared>>
      %dma_start3A_291 = arith.constant 0 : i32
      %dma_start3A_292 = arith.constant 0 : i32
      %dma_start3A_293 = tpu.memref_slice %arg9[%dma_start3A_291, %dma_start3A_292] : memref<96x128xf32, #tpu.memory_space<vmem>> -> memref<64x128xf32, #tpu.memory_space<vmem>>
      tpu.enqueue_dma source(%dma_start3A_293 : memref<64x128xf32, #tpu.memory_space<vmem>>) target(%dma_start3A_290 : memref<64x128xf32, #tpu.memory_space<vmem_shared>>) target_semaphore(%run_scoped3A : memref<!tpu.dma_semaphore, #tpu.memory_space<semaphore_mem>>)
      %dma_wait3A = arith.constant 0 : i32
      %dma_wait3A_294 = arith.constant 0 : i32
      %dma_wait3A_295 = tpu.memref_slice %arg9[%dma_wait3A, %dma_wait3A_294] : memref<96x128xf32, #tpu.memory_space<vmem>> -> memref<64x128xf32, #tpu.memory_space<vmem>>
      %dma_wait3A_296 = arith.constant 0 : i32
      %dma_wait3A_297 = tpu.memref_slice %arg10[%mul3A_45, %dma_wait3A_296] : memref<10240x128xf32, #tpu.memory_space<vmem_shared>> -> memref<64x128xf32, #tpu.memory_space<vmem_shared>>
      %dma_wait3A_298 = arith.constant 0 : i32
      %dma_wait3A_299 = tpu.memref_slice %arg10[%mul3A_45, %dma_wait3A_298] : memref<10240x128xf32, #tpu.memory_space<vmem_shared>> -> memref<64x128xf32, #tpu.memory_space<vmem_shared>>
      %dma_wait3A_300 = arith.constant 0 : i32
      %dma_wait3A_301 = arith.constant 0 : i32
      %dma_wait3A_302 = tpu.memref_slice %arg9[%dma_wait3A_300, %dma_wait3A_301] : memref<96x128xf32, #tpu.memory_space<vmem>> -> memref<64x128xf32, #tpu.memory_space<vmem>>
      tpu.wait_dma2 semaphore(%run_scoped3A : memref<!tpu.dma_semaphore, #tpu.memory_space<semaphore_mem>>) src(%dma_wait3A_302 : memref<64x128xf32, #tpu.memory_space<vmem>>) dst(%dma_wait3A_299 : memref<64x128xf32, #tpu.memory_space<vmem_shared>>)
      tpu.yield
    }) : () -> ()
    %mul3A_46 = arith.constant 10 : i32
    %mul3A_47 = arith.muli %arg1, %mul3A_46 : i32
    %add3A_48 = arith.constant 6 : i32
    %add3A_49 = arith.addi %mul3A_47, %add3A_48 : i32
    %mul3A_50 = arith.constant 64 : i32
    %mul3A_51 = arith.muli %add3A_49, %mul3A_50 : i32
    "tpu.region"() ({
      %run_scoped3A = tpu.sem_alloc : memref<!tpu.dma_semaphore, #tpu.memory_space<semaphore_mem>>
      %dma_start3A = arith.constant 0 : i32
      %dma_start3A_285 = arith.constant 0 : i32
      %dma_start3A_286 = tpu.memref_slice %arg9[%dma_start3A, %dma_start3A_285] : memref<96x128xf32, #tpu.memory_space<vmem>> -> memref<64x128xf32, #tpu.memory_space<vmem>>
      %dma_start3A_287 = arith.constant 0 : i32
      %dma_start3A_288 = tpu.memref_slice %arg10[%mul3A_51, %dma_start3A_287] : memref<10240x128xf32, #tpu.memory_space<vmem_shared>> -> memref<64x128xf32, #tpu.memory_space<vmem_shared>>
      %dma_start3A_289 = arith.constant 0 : i32
      %dma_start3A_290 = tpu.memref_slice %arg10[%mul3A_51, %dma_start3A_289] : memref<10240x128xf32, #tpu.memory_space<vmem_shared>> -> memref<64x128xf32, #tpu.memory_space<vmem_shared>>
      %dma_start3A_291 = arith.constant 0 : i32
      %dma_start3A_292 = arith.constant 0 : i32
      %dma_start3A_293 = tpu.memref_slice %arg9[%dma_start3A_291, %dma_start3A_292] : memref<96x128xf32, #tpu.memory_space<vmem>> -> memref<64x128xf32, #tpu.memory_space<vmem>>
      tpu.enqueue_dma source(%dma_start3A_293 : memref<64x128xf32, #tpu.memory_space<vmem>>) target(%dma_start3A_290 : memref<64x128xf32, #tpu.memory_space<vmem_shared>>) target_semaphore(%run_scoped3A : memref<!tpu.dma_semaphore, #tpu.memory_space<semaphore_mem>>)
      %dma_wait3A = arith.constant 0 : i32
      %dma_wait3A_294 = arith.constant 0 : i32
      %dma_wait3A_295 = tpu.memref_slice %arg9[%dma_wait3A, %dma_wait3A_294] : memref<96x128xf32, #tpu.memory_space<vmem>> -> memref<64x128xf32, #tpu.memory_space<vmem>>
      %dma_wait3A_296 = arith.constant 0 : i32
      %dma_wait3A_297 = tpu.memref_slice %arg10[%mul3A_51, %dma_wait3A_296] : memref<10240x128xf32, #tpu.memory_space<vmem_shared>> -> memref<64x128xf32, #tpu.memory_space<vmem_shared>>
      %dma_wait3A_298 = arith.constant 0 : i32
      %dma_wait3A_299 = tpu.memref_slice %arg10[%mul3A_51, %dma_wait3A_298] : memref<10240x128xf32, #tpu.memory_space<vmem_shared>> -> memref<64x128xf32, #tpu.memory_space<vmem_shared>>
      %dma_wait3A_300 = arith.constant 0 : i32
      %dma_wait3A_301 = arith.constant 0 : i32
      %dma_wait3A_302 = tpu.memref_slice %arg9[%dma_wait3A_300, %dma_wait3A_301] : memref<96x128xf32, #tpu.memory_space<vmem>> -> memref<64x128xf32, #tpu.memory_space<vmem>>
      tpu.wait_dma2 semaphore(%run_scoped3A : memref<!tpu.dma_semaphore, #tpu.memory_space<semaphore_mem>>) src(%dma_wait3A_302 : memref<64x128xf32, #tpu.memory_space<vmem>>) dst(%dma_wait3A_299 : memref<64x128xf32, #tpu.memory_space<vmem_shared>>)
      tpu.yield
    }) : () -> ()
    %mul3A_52 = arith.constant 10 : i32
    %mul3A_53 = arith.muli %arg1, %mul3A_52 : i32
    %add3A_54 = arith.constant 7 : i32
    %add3A_55 = arith.addi %mul3A_53, %add3A_54 : i32
    %mul3A_56 = arith.constant 64 : i32
    %mul3A_57 = arith.muli %add3A_55, %mul3A_56 : i32
    "tpu.region"() ({
      %run_scoped3A = tpu.sem_alloc : memref<!tpu.dma_semaphore, #tpu.memory_space<semaphore_mem>>
      %dma_start3A = arith.constant 0 : i32
      %dma_start3A_285 = arith.constant 0 : i32
      %dma_start3A_286 = tpu.memref_slice %arg9[%dma_start3A, %dma_start3A_285] : memref<96x128xf32, #tpu.memory_space<vmem>> -> memref<64x128xf32, #tpu.memory_space<vmem>>
      %dma_start3A_287 = arith.constant 0 : i32
      %dma_start3A_288 = tpu.memref_slice %arg10[%mul3A_57, %dma_start3A_287] : memref<10240x128xf32, #tpu.memory_space<vmem_shared>> -> memref<64x128xf32, #tpu.memory_space<vmem_shared>>
      %dma_start3A_289 = arith.constant 0 : i32
      %dma_start3A_290 = tpu.memref_slice %arg10[%mul3A_57, %dma_start3A_289] : memref<10240x128xf32, #tpu.memory_space<vmem_shared>> -> memref<64x128xf32, #tpu.memory_space<vmem_shared>>
      %dma_start3A_291 = arith.constant 0 : i32
      %dma_start3A_292 = arith.constant 0 : i32
      %dma_start3A_293 = tpu.memref_slice %arg9[%dma_start3A_291, %dma_start3A_292] : memref<96x128xf32, #tpu.memory_space<vmem>> -> memref<64x128xf32, #tpu.memory_space<vmem>>
      tpu.enqueue_dma source(%dma_start3A_293 : memref<64x128xf32, #tpu.memory_space<vmem>>) target(%dma_start3A_290 : memref<64x128xf32, #tpu.memory_space<vmem_shared>>) target_semaphore(%run_scoped3A : memref<!tpu.dma_semaphore, #tpu.memory_space<semaphore_mem>>)
      %dma_wait3A = arith.constant 0 : i32
      %dma_wait3A_294 = arith.constant 0 : i32
      %dma_wait3A_295 = tpu.memref_slice %arg9[%dma_wait3A, %dma_wait3A_294] : memref<96x128xf32, #tpu.memory_space<vmem>> -> memref<64x128xf32, #tpu.memory_space<vmem>>
      %dma_wait3A_296 = arith.constant 0 : i32
      %dma_wait3A_297 = tpu.memref_slice %arg10[%mul3A_57, %dma_wait3A_296] : memref<10240x128xf32, #tpu.memory_space<vmem_shared>> -> memref<64x128xf32, #tpu.memory_space<vmem_shared>>
      %dma_wait3A_298 = arith.constant 0 : i32
      %dma_wait3A_299 = tpu.memref_slice %arg10[%mul3A_57, %dma_wait3A_298] : memref<10240x128xf32, #tpu.memory_space<vmem_shared>> -> memref<64x128xf32, #tpu.memory_space<vmem_shared>>
      %dma_wait3A_300 = arith.constant 0 : i32
      %dma_wait3A_301 = arith.constant 0 : i32
      %dma_wait3A_302 = tpu.memref_slice %arg9[%dma_wait3A_300, %dma_wait3A_301] : memref<96x128xf32, #tpu.memory_space<vmem>> -> memref<64x128xf32, #tpu.memory_space<vmem>>
      tpu.wait_dma2 semaphore(%run_scoped3A : memref<!tpu.dma_semaphore, #tpu.memory_space<semaphore_mem>>) src(%dma_wait3A_302 : memref<64x128xf32, #tpu.memory_space<vmem>>) dst(%dma_wait3A_299 : memref<64x128xf32, #tpu.memory_space<vmem_shared>>)
      tpu.yield
    }) : () -> ()
    %mul3A_58 = arith.constant 10 : i32
    %mul3A_59 = arith.muli %arg1, %mul3A_58 : i32
    %add3A_60 = arith.constant 8 : i32
    %add3A_61 = arith.addi %mul3A_59, %add3A_60 : i32
    %mul3A_62 = arith.constant 64 : i32
    %mul3A_63 = arith.muli %add3A_61, %mul3A_62 : i32
    "tpu.region"() ({
      %run_scoped3A = tpu.sem_alloc : memref<!tpu.dma_semaphore, #tpu.memory_space<semaphore_mem>>
      %dma_start3A = arith.constant 0 : i32
      %dma_start3A_285 = arith.constant 0 : i32
      %dma_start3A_286 = tpu.memref_slice %arg9[%dma_start3A, %dma_start3A_285] : memref<96x128xf32, #tpu.memory_space<vmem>> -> memref<64x128xf32, #tpu.memory_space<vmem>>
      %dma_start3A_287 = arith.constant 0 : i32
      %dma_start3A_288 = tpu.memref_slice %arg10[%mul3A_63, %dma_start3A_287] : memref<10240x128xf32, #tpu.memory_space<vmem_shared>> -> memref<64x128xf32, #tpu.memory_space<vmem_shared>>
      %dma_start3A_289 = arith.constant 0 : i32
      %dma_start3A_290 = tpu.memref_slice %arg10[%mul3A_63, %dma_start3A_289] : memref<10240x128xf32, #tpu.memory_space<vmem_shared>> -> memref<64x128xf32, #tpu.memory_space<vmem_shared>>
      %dma_start3A_291 = arith.constant 0 : i32
      %dma_start3A_292 = arith.constant 0 : i32
      %dma_start3A_293 = tpu.memref_slice %arg9[%dma_start3A_291, %dma_start3A_292] : memref<96x128xf32, #tpu.memory_space<vmem>> -> memref<64x128xf32, #tpu.memory_space<vmem>>
      tpu.enqueue_dma source(%dma_start3A_293 : memref<64x128xf32, #tpu.memory_space<vmem>>) target(%dma_start3A_290 : memref<64x128xf32, #tpu.memory_space<vmem_shared>>) target_semaphore(%run_scoped3A : memref<!tpu.dma_semaphore, #tpu.memory_space<semaphore_mem>>)
      %dma_wait3A = arith.constant 0 : i32
      %dma_wait3A_294 = arith.constant 0 : i32
      %dma_wait3A_295 = tpu.memref_slice %arg9[%dma_wait3A, %dma_wait3A_294] : memref<96x128xf32, #tpu.memory_space<vmem>> -> memref<64x128xf32, #tpu.memory_space<vmem>>
      %dma_wait3A_296 = arith.constant 0 : i32
      %dma_wait3A_297 = tpu.memref_slice %arg10[%mul3A_63, %dma_wait3A_296] : memref<10240x128xf32, #tpu.memory_space<vmem_shared>> -> memref<64x128xf32, #tpu.memory_space<vmem_shared>>
      %dma_wait3A_298 = arith.constant 0 : i32
      %dma_wait3A_299 = tpu.memref_slice %arg10[%mul3A_63, %dma_wait3A_298] : memref<10240x128xf32, #tpu.memory_space<vmem_shared>> -> memref<64x128xf32, #tpu.memory_space<vmem_shared>>
      %dma_wait3A_300 = arith.constant 0 : i32
      %dma_wait3A_301 = arith.constant 0 : i32
      %dma_wait3A_302 = tpu.memref_slice %arg9[%dma_wait3A_300, %dma_wait3A_301] : memref<96x128xf32, #tpu.memory_space<vmem>> -> memref<64x128xf32, #tpu.memory_space<vmem>>
      tpu.wait_dma2 semaphore(%run_scoped3A : memref<!tpu.dma_semaphore, #tpu.memory_space<semaphore_mem>>) src(%dma_wait3A_302 : memref<64x128xf32, #tpu.memory_space<vmem>>) dst(%dma_wait3A_299 : memref<64x128xf32, #tpu.memory_space<vmem_shared>>)
      tpu.yield
    }) : () -> ()
    %mul3A_64 = arith.constant 10 : i32
    %mul3A_65 = arith.muli %arg1, %mul3A_64 : i32
    %add3A_66 = arith.constant 9 : i32
    %add3A_67 = arith.addi %mul3A_65, %add3A_66 : i32
    %mul3A_68 = arith.constant 64 : i32
    %mul3A_69 = arith.muli %add3A_67, %mul3A_68 : i32
    "tpu.region"() ({
      %run_scoped3A = tpu.sem_alloc : memref<!tpu.dma_semaphore, #tpu.memory_space<semaphore_mem>>
      %dma_start3A = arith.constant 0 : i32
      %dma_start3A_285 = arith.constant 0 : i32
      %dma_start3A_286 = tpu.memref_slice %arg9[%dma_start3A, %dma_start3A_285] : memref<96x128xf32, #tpu.memory_space<vmem>> -> memref<64x128xf32, #tpu.memory_space<vmem>>
      %dma_start3A_287 = arith.constant 0 : i32
      %dma_start3A_288 = tpu.memref_slice %arg10[%mul3A_69, %dma_start3A_287] : memref<10240x128xf32, #tpu.memory_space<vmem_shared>> -> memref<64x128xf32, #tpu.memory_space<vmem_shared>>
      %dma_start3A_289 = arith.constant 0 : i32
      %dma_start3A_290 = tpu.memref_slice %arg10[%mul3A_69, %dma_start3A_289] : memref<10240x128xf32, #tpu.memory_space<vmem_shared>> -> memref<64x128xf32, #tpu.memory_space<vmem_shared>>
      %dma_start3A_291 = arith.constant 0 : i32
      %dma_start3A_292 = arith.constant 0 : i32
      %dma_start3A_293 = tpu.memref_slice %arg9[%dma_start3A_291, %dma_start3A_292] : memref<96x128xf32, #tpu.memory_space<vmem>> -> memref<64x128xf32, #tpu.memory_space<vmem>>
      tpu.enqueue_dma source(%dma_start3A_293 : memref<64x128xf32, #tpu.memory_space<vmem>>) target(%dma_start3A_290 : memref<64x128xf32, #tpu.memory_space<vmem_shared>>) target_semaphore(%run_scoped3A : memref<!tpu.dma_semaphore, #tpu.memory_space<semaphore_mem>>)
      %dma_wait3A = arith.constant 0 : i32
      %dma_wait3A_294 = arith.constant 0 : i32
      %dma_wait3A_295 = tpu.memref_slice %arg9[%dma_wait3A, %dma_wait3A_294] : memref<96x128xf32, #tpu.memory_space<vmem>> -> memref<64x128xf32, #tpu.memory_space<vmem>>
      %dma_wait3A_296 = arith.constant 0 : i32
      %dma_wait3A_297 = tpu.memref_slice %arg10[%mul3A_69, %dma_wait3A_296] : memref<10240x128xf32, #tpu.memory_space<vmem_shared>> -> memref<64x128xf32, #tpu.memory_space<vmem_shared>>
      %dma_wait3A_298 = arith.constant 0 : i32
      %dma_wait3A_299 = tpu.memref_slice %arg10[%mul3A_69, %dma_wait3A_298] : memref<10240x128xf32, #tpu.memory_space<vmem_shared>> -> memref<64x128xf32, #tpu.memory_space<vmem_shared>>
      %dma_wait3A_300 = arith.constant 0 : i32
      %dma_wait3A_301 = arith.constant 0 : i32
      %dma_wait3A_302 = tpu.memref_slice %arg9[%dma_wait3A_300, %dma_wait3A_301] : memref<96x128xf32, #tpu.memory_space<vmem>> -> memref<64x128xf32, #tpu.memory_space<vmem>>
      tpu.wait_dma2 semaphore(%run_scoped3A : memref<!tpu.dma_semaphore, #tpu.memory_space<semaphore_mem>>) src(%dma_wait3A_302 : memref<64x128xf32, #tpu.memory_space<vmem>>) dst(%dma_wait3A_299 : memref<64x128xf32, #tpu.memory_space<vmem_shared>>)
      tpu.yield
    }) : () -> ()
    %barrier3A = arith.constant 0 : index
    tpu.barrier barrier_id(%barrier3A)
    %broadcast_in_dim3A_70 = arith.constant 1.000000e+00 : f32
    %broadcast_in_dim3A_71 = vector.broadcast %broadcast_in_dim3A_70 : f32 to vector<16xf32>
    %scan3A_72 = arith.constant 0 : i32
    %scan3A_73 = arith.constant 0 : i32
    %scan3A_74 = arith.constant 96 : i32
    %scan3A_75 = arith.addi %scan3A_73, %scan3A_74 : i32
    %scan3A_76 = arith.constant 1 : i32
    %scan3A_77 = scf.for %scan3A_285 = %scan3A_73 to %scan3A_75 step %scan3A_76 iter_args(%scan3A_286 = %scan3A_72) -> (i32)  : i32 {
      %swap3A = arith.index_cast %scan3A_285 : i32 to index
      %swap3A_287 = arith.constant 0 : index
      %swap3A_288 = tpu.vector_load %arg9[%swap3A, %swap3A_287] {strides = array<i32>} : memref<96x128xf32, #tpu.memory_space<vmem>>, vector<1x16xf32>,
      %swap3A_289 = vector.shape_cast %swap3A_288 : vector<1x16xf32> to vector<16xf32>
      %swap3A_290 = vector.shape_cast %broadcast_in_dim3A_71 : vector<16xf32> to vector<1x16xf32>
      tpu.vector_store %arg9[%swap3A, %swap3A_287], %swap3A_290 {strides = array<i32>} : memref<96x128xf32, #tpu.memory_space<vmem>>, vector<1x16xf32>,
      %swap3A_291 = arith.index_cast %scan3A_285 : i32 to index
      %swap3A_292 = arith.constant 16 : index
      %swap3A_293 = tpu.vector_load %arg9[%swap3A_291, %swap3A_292] {strides = array<i32>} : memref<96x128xf32, #tpu.memory_space<vmem>>, vector<1x16xf32>,
      %swap3A_294 = vector.shape_cast %swap3A_293 : vector<1x16xf32> to vector<16xf32>
      %swap3A_295 = vector.shape_cast %broadcast_in_dim3A_71 : vector<16xf32> to vector<1x16xf32>
      tpu.vector_store %arg9[%swap3A_291, %swap3A_292], %swap3A_295 {strides = array<i32>} : memref<96x128xf32, #tpu.memory_space<vmem>>, vector<1x16xf32>,
      %swap3A_296 = arith.index_cast %scan3A_285 : i32 to index
      %swap3A_297 = arith.constant 32 : index
      %swap3A_298 = tpu.vector_load %arg9[%swap3A_296, %swap3A_297] {strides = array<i32>} : memref<96x128xf32, #tpu.memory_space<vmem>>, vector<1x16xf32>,
      %swap3A_299 = vector.shape_cast %swap3A_298 : vector<1x16xf32> to vector<16xf32>
      %swap3A_300 = vector.shape_cast %broadcast_in_dim3A_71 : vector<16xf32> to vector<1x16xf32>
      tpu.vector_store %arg9[%swap3A_296, %swap3A_297], %swap3A_300 {strides = array<i32>} : memref<96x128xf32, #tpu.memory_space<vmem>>, vector<1x16xf32>,
      %swap3A_301 = arith.index_cast %scan3A_285 : i32 to index
      %swap3A_302 = arith.constant 48 : index
      %swap3A_303 = tpu.vector_load %arg9[%swap3A_301, %swap3A_302] {strides = array<i32>} : memref<96x128xf32, #tpu.memory_space<vmem>>, vector<1x16xf32>,
      %swap3A_304 = vector.shape_cast %swap3A_303 : vector<1x16xf32> to vector<16xf32>
      %swap3A_305 = vector.shape_cast %broadcast_in_dim3A_71 : vector<16xf32> to vector<1x16xf32>
      tpu.vector_store %arg9[%swap3A_301, %swap3A_302], %swap3A_305 {strides = array<i32>} : memref<96x128xf32, #tpu.memory_space<vmem>>, vector<1x16xf32>,
      %swap3A_306 = arith.index_cast %scan3A_285 : i32 to index
      %swap3A_307 = arith.constant 64 : index
      %swap3A_308 = tpu.vector_load %arg9[%swap3A_306, %swap3A_307] {strides = array<i32>} : memref<96x128xf32, #tpu.memory_space<vmem>>, vector<1x16xf32>,
      %swap3A_309 = vector.shape_cast %swap3A_308 : vector<1x16xf32> to vector<16xf32>
      %swap3A_310 = vector.shape_cast %broadcast_in_dim3A_71 : vector<16xf32> to vector<1x16xf32>
      tpu.vector_store %arg9[%swap3A_306, %swap3A_307], %swap3A_310 {strides = array<i32>} : memref<96x128xf32, #tpu.memory_space<vmem>>, vector<1x16xf32>,
      %swap3A_311 = arith.index_cast %scan3A_285 : i32 to index
      %swap3A_312 = arith.constant 80 : index
      %swap3A_313 = tpu.vector_load %arg9[%swap3A_311, %swap3A_312] {strides = array<i32>} : memref<96x128xf32, #tpu.memory_space<vmem>>, vector<1x16xf32>,
      %swap3A_314 = vector.shape_cast %swap3A_313 : vector<1x16xf32> to vector<16xf32>
      %swap3A_315 = vector.shape_cast %broadcast_in_dim3A_71 : vector<16xf32> to vector<1x16xf32>
      tpu.vector_store %arg9[%swap3A_311, %swap3A_312], %swap3A_315 {strides = array<i32>} : memref<96x128xf32, #tpu.memory_space<vmem>>, vector<1x16xf32>,
      %swap3A_316 = arith.index_cast %scan3A_285 : i32 to index
      %swap3A_317 = arith.constant 96 : index
      %swap3A_318 = tpu.vector_load %arg9[%swap3A_316, %swap3A_317] {strides = array<i32>} : memref<96x128xf32, #tpu.memory_space<vmem>>, vector<1x16xf32>,
      %swap3A_319 = vector.shape_cast %swap3A_318 : vector<1x16xf32> to vector<16xf32>
      %swap3A_320 = vector.shape_cast %broadcast_in_dim3A_71 : vector<16xf32> to vector<1x16xf32>
      tpu.vector_store %arg9[%swap3A_316, %swap3A_317], %swap3A_320 {strides = array<i32>} : memref<96x128xf32, #tpu.memory_space<vmem>>, vector<1x16xf32>,
      %swap3A_321 = arith.index_cast %scan3A_285 : i32 to index
      %swap3A_322 = arith.constant 112 : index
      %swap3A_323 = tpu.vector_load %arg9[%swap3A_321, %swap3A_322] {strides = array<i32>} : memref<96x128xf32, #tpu.memory_space<vmem>>, vector<1x16xf32>,
      %swap3A_324 = vector.shape_cast %swap3A_323 : vector<1x16xf32> to vector<16xf32>
      %swap3A_325 = vector.shape_cast %broadcast_in_dim3A_71 : vector<16xf32> to vector<1x16xf32>
      tpu.vector_store %arg9[%swap3A_321, %swap3A_322], %swap3A_325 {strides = array<i32>} : memref<96x128xf32, #tpu.memory_space<vmem>>, vector<1x16xf32>,
      %scan3A_326 = arith.constant 0 : i32
      scf.yield %scan3A_326 : i32
    }
    %scan3A_78 = arith.constant 96 : i32
    %scan3A_79 = arith.constant 0 : i32
    %scan3A_80 = arith.constant 0 : i32
    %scan3A_81 = arith.constant 105 : i32
    %scan3A_82 = arith.addi %scan3A_80, %scan3A_81 : i32
    %scan3A_83 = arith.constant 1 : i32
    %scan3A_84 = scf.for %scan3A_285 = %scan3A_80 to %scan3A_82 step %scan3A_83 iter_args(%scan3A_286 = %scan3A_79) -> (i32)  : i32 {
      %mul3A_287 = arith.constant 96 : i32
      %mul3A_288 = arith.muli %scan3A_285, %mul3A_287 : i32
      %add3A_289 = arith.addi %mul3A_2, %mul3A_288 : i32
      "tpu.region"() ({
        %run_scoped3A = tpu.sem_alloc : memref<!tpu.dma_semaphore, #tpu.memory_space<semaphore_mem>>
        %dma_start3A = tpu.memref_slice %arg4[%add3A_289] : memref<322560xi32, #tpu.memory_space<hbm>> -> memref<96xi32, #tpu.memory_space<hbm>>
        %dma_start3A_291 = tpu.memref_slice %arg4[%add3A_289] : memref<322560xi32, #tpu.memory_space<hbm>> -> memref<96xi32, #tpu.memory_space<hbm>>
        tpu.enqueue_dma source(%dma_start3A_291 : memref<96xi32, #tpu.memory_space<hbm>>) target(%arg8 : memref<96xi32, #tpu.memory_space<vmem>>) target_semaphore(%run_scoped3A : memref<!tpu.dma_semaphore, #tpu.memory_space<semaphore_mem>>)
        %dma_wait3A = tpu.memref_slice %arg4[%add3A_289] : memref<322560xi32, #tpu.memory_space<hbm>> -> memref<96xi32, #tpu.memory_space<hbm>>
        %dma_wait3A_292 = tpu.memref_slice %arg4[%add3A_289] : memref<322560xi32, #tpu.memory_space<hbm>> -> memref<96xi32, #tpu.memory_space<hbm>>
        tpu.wait_dma2 semaphore(%run_scoped3A : memref<!tpu.dma_semaphore, #tpu.memory_space<semaphore_mem>>) src(%dma_wait3A_292 : memref<96xi32, #tpu.memory_space<hbm>>) dst(%arg8 : memref<96xi32, #tpu.memory_space<vmem>>)
        tpu.yield
      }) : () -> ()
      "tpu.region"() ({
        %run_scoped3A = tpu.sem_alloc : memref<!tpu.dma_semaphore, #tpu.memory_space<semaphore_mem>>
        %dma_start3A = arith.constant 0 : i32
        %dma_start3A_291 = arith.constant 0 : i32
        %dma_start3A_292 = tpu.memref_slice %arg10[%dma_start3A, %dma_start3A_291] : memref<10240x128xf32, #tpu.memory_space<vmem_shared>> -> memref<10240x128xf32, #tpu.memory_space<vmem_shared>>
        tpu.enqueue_indirect_dma source(%arg9 : memref<96x128xf32, #tpu.memory_space<vmem>>) target(%dma_start3A_292 : memref<10240x128xf32, #tpu.memory_space<vmem_shared>>) offsets(%arg8 : memref<96xi32, #tpu.memory_space<vmem>>) semaphore(%run_scoped3A : memref<!tpu.dma_semaphore, #tpu.memory_space<semaphore_mem>>) {add = true}
        %dma_wait3A = arith.constant 0 : i32
        %dma_wait3A_293 = arith.constant 0 : i32
        %dma_wait3A_294 = tpu.memref_slice %arg10[%dma_wait3A, %dma_wait3A_293] : memref<10240x128xf32, #tpu.memory_space<vmem_shared>> -> memref<10240x128xf32, #tpu.memory_space<vmem_shared>>
        tpu.wait_indirect_dma semaphore(%run_scoped3A : memref<!tpu.dma_semaphore, #tpu.memory_space<semaphore_mem>>) src(%arg9 : memref<96x128xf32, #tpu.memory_space<vmem>>) dst(%dma_wait3A_294 : memref<10240x128xf32, #tpu.memory_space<vmem_shared>>)
        tpu.yield
      }) : () -> ()
      %scan3A_290 = arith.constant 0 : i32
      scf.yield %scan3A_290 : i32
    }
    %scan3A_85 = arith.constant 105 : i32
    %barrier3A_86 = arith.constant 0 : index
    tpu.barrier barrier_id(%barrier3A_86)
    %mul3A_87 = arith.constant 10 : i32
    %mul3A_88 = arith.muli %arg1, %mul3A_87 : i32
    %add3A_89 = arith.constant 0 : i32
    %add3A_90 = arith.addi %mul3A_88, %add3A_89 : i32
    %mul3A_91 = arith.constant 64 : i32
    %mul3A_92 = arith.muli %add3A_90, %mul3A_91 : i32
    "tpu.region"() ({
      %run_scoped3A = tpu.sem_alloc : memref<!tpu.dma_semaphore, #tpu.memory_space<semaphore_mem>>
      %dma_start3A = arith.constant 0 : i32
      %dma_start3A_285 = arith.constant 0 : i32
      %dma_start3A_286 = tpu.memref_slice %arg9[%dma_start3A, %dma_start3A_285] : memref<96x128xf32, #tpu.memory_space<vmem>> -> memref<64x128xf32, #tpu.memory_space<vmem>>
      %dma_start3A_287 = arith.constant 0 : i32
      %dma_start3A_288 = tpu.memref_slice %arg10[%mul3A_92, %dma_start3A_287] : memref<10240x128xf32, #tpu.memory_space<vmem_shared>> -> memref<64x128xf32, #tpu.memory_space<vmem_shared>>
      %dma_start3A_289 = arith.constant 0 : i32
      %dma_start3A_290 = arith.constant 0 : i32
      %dma_start3A_291 = tpu.memref_slice %arg9[%dma_start3A_289, %dma_start3A_290] : memref<96x128xf32, #tpu.memory_space<vmem>> -> memref<64x128xf32, #tpu.memory_space<vmem>>
      %dma_start3A_292 = arith.constant 0 : i32
      %dma_start3A_293 = tpu.memref_slice %arg10[%mul3A_92, %dma_start3A_292] : memref<10240x128xf32, #tpu.memory_space<vmem_shared>> -> memref<64x128xf32, #tpu.memory_space<vmem_shared>>
      tpu.enqueue_dma source(%dma_start3A_293 : memref<64x128xf32, #tpu.memory_space<vmem_shared>>) target(%dma_start3A_291 : memref<64x128xf32, #tpu.memory_space<vmem>>) target_semaphore(%run_scoped3A : memref<!tpu.dma_semaphore, #tpu.memory_space<semaphore_mem>>)
      %dma_wait3A = arith.constant 0 : i32
      %dma_wait3A_294 = arith.constant 0 : i32
      %dma_wait3A_295 = tpu.memref_slice %arg9[%dma_wait3A, %dma_wait3A_294] : memref<96x128xf32, #tpu.memory_space<vmem>> -> memref<64x128xf32, #tpu.memory_space<vmem>>
      %dma_wait3A_296 = arith.constant 0 : i32
      %dma_wait3A_297 = tpu.memref_slice %arg10[%mul3A_92, %dma_wait3A_296] : memref<10240x128xf32, #tpu.memory_space<vmem_shared>> -> memref<64x128xf32, #tpu.memory_space<vmem_shared>>
      %dma_wait3A_298 = arith.constant 0 : i32
      %dma_wait3A_299 = arith.constant 0 : i32
      %dma_wait3A_300 = tpu.memref_slice %arg9[%dma_wait3A_298, %dma_wait3A_299] : memref<96x128xf32, #tpu.memory_space<vmem>> -> memref<64x128xf32, #tpu.memory_space<vmem>>
      %dma_wait3A_301 = arith.constant 0 : i32
      %dma_wait3A_302 = tpu.memref_slice %arg10[%mul3A_92, %dma_wait3A_301] : memref<10240x128xf32, #tpu.memory_space<vmem_shared>> -> memref<64x128xf32, #tpu.memory_space<vmem_shared>>
      tpu.wait_dma2 semaphore(%run_scoped3A : memref<!tpu.dma_semaphore, #tpu.memory_space<semaphore_mem>>) src(%dma_wait3A_302 : memref<64x128xf32, #tpu.memory_space<vmem_shared>>) dst(%dma_wait3A_300 : memref<64x128xf32, #tpu.memory_space<vmem>>)
      tpu.yield
    }) : () -> ()
    "tpu.region"() ({
      %run_scoped3A = tpu.sem_alloc : memref<!tpu.dma_semaphore, #tpu.memory_space<semaphore_mem>>
      %dma_start3A = arith.constant 0 : i32
      %dma_start3A_285 = arith.constant 0 : i32
      %dma_start3A_286 = tpu.memref_slice %arg9[%dma_start3A, %dma_start3A_285] : memref<96x128xf32, #tpu.memory_space<vmem>> -> memref<64x128xf32, #tpu.memory_space<vmem>>
      %dma_start3A_287 = arith.constant 0 : i32
      %dma_start3A_288 = tpu.memref_slice %arg6[%arg0, %mul3A_92, %dma_start3A_287] : memref<2x10240x128xf32, #tpu.memory_space<hbm>> -> memref<1x64x128xf32, #tpu.memory_space<hbm>>
      %dma_start3A_289 = tpu.memref_squeeze %dma_start3A_288 : memref<1x64x128xf32, #tpu.memory_space<hbm>> -> memref<64x128xf32, #tpu.memory_space<hbm>>
      %dma_start3A_290 = arith.constant 0 : i32
      %dma_start3A_291 = tpu.memref_slice %arg6[%arg0, %mul3A_92, %dma_start3A_290] : memref<2x10240x128xf32, #tpu.memory_space<hbm>> -> memref<1x64x128xf32, #tpu.memory_space<hbm>>
      %dma_start3A_292 = tpu.memref_squeeze %dma_start3A_291 : memref<1x64x128xf32, #tpu.memory_space<hbm>> -> memref<64x128xf32, #tpu.memory_space<hbm>>
      %dma_start3A_293 = arith.constant 0 : i32
      %dma_start3A_294 = arith.constant 0 : i32
      %dma_start3A_295 = tpu.memref_slice %arg9[%dma_start3A_293, %dma_start3A_294] : memref<96x128xf32, #tpu.memory_space<vmem>> -> memref<64x128xf32, #tpu.memory_space<vmem>>
      tpu.enqueue_dma source(%dma_start3A_295 : memref<64x128xf32, #tpu.memory_space<vmem>>) target(%dma_start3A_292 : memref<64x128xf32, #tpu.memory_space<hbm>>) target_semaphore(%run_scoped3A : memref<!tpu.dma_semaphore, #tpu.memory_space<semaphore_mem>>)
      %dma_wait3A = arith.constant 0 : i32
      %dma_wait3A_296 = arith.constant 0 : i32
      %dma_wait3A_297 = tpu.memref_slice %arg9[%dma_wait3A, %dma_wait3A_296] : memref<96x128xf32, #tpu.memory_space<vmem>> -> memref<64x128xf32, #tpu.memory_space<vmem>>
      %dma_wait3A_298 = arith.constant 0 : i32
      %dma_wait3A_299 = tpu.memref_slice %arg6[%arg0, %mul3A_92, %dma_wait3A_298] : memref<2x10240x128xf32, #tpu.memory_space<hbm>> -> memref<1x64x128xf32, #tpu.memory_space<hbm>>
      %dma_wait3A_300 = tpu.memref_squeeze %dma_wait3A_299 : memref<1x64x128xf32, #tpu.memory_space<hbm>> -> memref<64x128xf32, #tpu.memory_space<hbm>>
      %dma_wait3A_301 = arith.constant 0 : i32
      %dma_wait3A_302 = tpu.memref_slice %arg6[%arg0, %mul3A_92, %dma_wait3A_301] : memref<2x10240x128xf32, #tpu.memory_space<hbm>> -> memref<1x64x128xf32, #tpu.memory_space<hbm>>
      %dma_wait3A_303 = tpu.memref_squeeze %dma_wait3A_302 : memref<1x64x128xf32, #tpu.memory_space<hbm>> -> memref<64x128xf32, #tpu.memory_space<hbm>>
      %dma_wait3A_304 = arith.constant 0 : i32
      %dma_wait3A_305 = arith.constant 0 : i32
      %dma_wait3A_306 = tpu.memref_slice %arg9[%dma_wait3A_304, %dma_wait3A_305] : memref<96x128xf32, #tpu.memory_space<vmem>> -> memref<64x128xf32, #tpu.memory_space<vmem>>
      tpu.wait_dma2 semaphore(%run_scoped3A : memref<!tpu.dma_semaphore, #tpu.memory_space<semaphore_mem>>) src(%dma_wait3A_306 : memref<64x128xf32, #tpu.memory_space<vmem>>) dst(%dma_wait3A_303 : memref<64x128xf32, #tpu.memory_space<hbm>>)
      tpu.yield
    }) : () -> ()
    %mul3A_93 = arith.constant 10 : i32
    %mul3A_94 = arith.muli %arg1, %mul3A_93 : i32
    %add3A_95 = arith.constant 1 : i32
    %add3A_96 = arith.addi %mul3A_94, %add3A_95 : i32
    %mul3A_97 = arith.constant 64 : i32
    %mul3A_98 = arith.muli %add3A_96, %mul3A_97 : i32
    "tpu.region"() ({
      %run_scoped3A = tpu.sem_alloc : memref<!tpu.dma_semaphore, #tpu.memory_space<semaphore_mem>>
      %dma_start3A = arith.constant 0 : i32
      %dma_start3A_285 = arith.constant 0 : i32
      %dma_start3A_286 = tpu.memref_slice %arg9[%dma_start3A, %dma_start3A_285] : memref<96x128xf32, #tpu.memory_space<vmem>> -> memref<64x128xf32, #tpu.memory_space<vmem>>
      %dma_start3A_287 = arith.constant 0 : i32
      %dma_start3A_288 = tpu.memref_slice %arg10[%mul3A_98, %dma_start3A_287] : memref<10240x128xf32, #tpu.memory_space<vmem_shared>> -> memref<64x128xf32, #tpu.memory_space<vmem_shared>>
      %dma_start3A_289 = arith.constant 0 : i32
      %dma_start3A_290 = arith.constant 0 : i32
      %dma_start3A_291 = tpu.memref_slice %arg9[%dma_start3A_289, %dma_start3A_290] : memref<96x128xf32, #tpu.memory_space<vmem>> -> memref<64x128xf32, #tpu.memory_space<vmem>>
      %dma_start3A_292 = arith.constant 0 : i32
      %dma_start3A_293 = tpu.memref_slice %arg10[%mul3A_98, %dma_start3A_292] : memref<10240x128xf32, #tpu.memory_space<vmem_shared>> -> memref<64x128xf32, #tpu.memory_space<vmem_shared>>
      tpu.enqueue_dma source(%dma_start3A_293 : memref<64x128xf32, #tpu.memory_space<vmem_shared>>) target(%dma_start3A_291 : memref<64x128xf32, #tpu.memory_space<vmem>>) target_semaphore(%run_scoped3A : memref<!tpu.dma_semaphore, #tpu.memory_space<semaphore_mem>>)
      %dma_wait3A = arith.constant 0 : i32
      %dma_wait3A_294 = arith.constant 0 : i32
      %dma_wait3A_295 = tpu.memref_slice %arg9[%dma_wait3A, %dma_wait3A_294] : memref<96x128xf32, #tpu.memory_space<vmem>> -> memref<64x128xf32, #tpu.memory_space<vmem>>
      %dma_wait3A_296 = arith.constant 0 : i32
      %dma_wait3A_297 = tpu.memref_slice %arg10[%mul3A_98, %dma_wait3A_296] : memref<10240x128xf32, #tpu.memory_space<vmem_shared>> -> memref<64x128xf32, #tpu.memory_space<vmem_shared>>
      %dma_wait3A_298 = arith.constant 0 : i32
      %dma_wait3A_299 = arith.constant 0 : i32
      %dma_wait3A_300 = tpu.memref_slice %arg9[%dma_wait3A_298, %dma_wait3A_299] : memref<96x128xf32, #tpu.memory_space<vmem>> -> memref<64x128xf32, #tpu.memory_space<vmem>>
      %dma_wait3A_301 = arith.constant 0 : i32
      %dma_wait3A_302 = tpu.memref_slice %arg10[%mul3A_98, %dma_wait3A_301] : memref<10240x128xf32, #tpu.memory_space<vmem_shared>> -> memref<64x128xf32, #tpu.memory_space<vmem_shared>>
      tpu.wait_dma2 semaphore(%run_scoped3A : memref<!tpu.dma_semaphore, #tpu.memory_space<semaphore_mem>>) src(%dma_wait3A_302 : memref<64x128xf32, #tpu.memory_space<vmem_shared>>) dst(%dma_wait3A_300 : memref<64x128xf32, #tpu.memory_space<vmem>>)
      tpu.yield
    }) : () -> ()
    "tpu.region"() ({
      %run_scoped3A = tpu.sem_alloc : memref<!tpu.dma_semaphore, #tpu.memory_space<semaphore_mem>>
      %dma_start3A = arith.constant 0 : i32
      %dma_start3A_285 = arith.constant 0 : i32
      %dma_start3A_286 = tpu.memref_slice %arg9[%dma_start3A, %dma_start3A_285] : memref<96x128xf32, #tpu.memory_space<vmem>> -> memref<64x128xf32, #tpu.memory_space<vmem>>
      %dma_start3A_287 = arith.constant 0 : i32
      %dma_start3A_288 = tpu.memref_slice %arg6[%arg0, %mul3A_98, %dma_start3A_287] : memref<2x10240x128xf32, #tpu.memory_space<hbm>> -> memref<1x64x128xf32, #tpu.memory_space<hbm>>
      %dma_start3A_289 = tpu.memref_squeeze %dma_start3A_288 : memref<1x64x128xf32, #tpu.memory_space<hbm>> -> memref<64x128xf32, #tpu.memory_space<hbm>>
      %dma_start3A_290 = arith.constant 0 : i32
      %dma_start3A_291 = tpu.memref_slice %arg6[%arg0, %mul3A_98, %dma_start3A_290] : memref<2x10240x128xf32, #tpu.memory_space<hbm>> -> memref<1x64x128xf32, #tpu.memory_space<hbm>>
      %dma_start3A_292 = tpu.memref_squeeze %dma_start3A_291 : memref<1x64x128xf32, #tpu.memory_space<hbm>> -> memref<64x128xf32, #tpu.memory_space<hbm>>
      %dma_start3A_293 = arith.constant 0 : i32
      %dma_start3A_294 = arith.constant 0 : i32
      %dma_start3A_295 = tpu.memref_slice %arg9[%dma_start3A_293, %dma_start3A_294] : memref<96x128xf32, #tpu.memory_space<vmem>> -> memref<64x128xf32, #tpu.memory_space<vmem>>
      tpu.enqueue_dma source(%dma_start3A_295 : memref<64x128xf32, #tpu.memory_space<vmem>>) target(%dma_start3A_292 : memref<64x128xf32, #tpu.memory_space<hbm>>) target_semaphore(%run_scoped3A : memref<!tpu.dma_semaphore, #tpu.memory_space<semaphore_mem>>)
      %dma_wait3A = arith.constant 0 : i32
      %dma_wait3A_296 = arith.constant 0 : i32
      %dma_wait3A_297 = tpu.memref_slice %arg9[%dma_wait3A, %dma_wait3A_296] : memref<96x128xf32, #tpu.memory_space<vmem>> -> memref<64x128xf32, #tpu.memory_space<vmem>>
      %dma_wait3A_298 = arith.constant 0 : i32
      %dma_wait3A_299 = tpu.memref_slice %arg6[%arg0, %mul3A_98, %dma_wait3A_298] : memref<2x10240x128xf32, #tpu.memory_space<hbm>> -> memref<1x64x128xf32, #tpu.memory_space<hbm>>
      %dma_wait3A_300 = tpu.memref_squeeze %dma_wait3A_299 : memref<1x64x128xf32, #tpu.memory_space<hbm>> -> memref<64x128xf32, #tpu.memory_space<hbm>>
      %dma_wait3A_301 = arith.constant 0 : i32
      %dma_wait3A_302 = tpu.memref_slice %arg6[%arg0, %mul3A_98, %dma_wait3A_301] : memref<2x10240x128xf32, #tpu.memory_space<hbm>> -> memref<1x64x128xf32, #tpu.memory_space<hbm>>
      %dma_wait3A_303 = tpu.memref_squeeze %dma_wait3A_302 : memref<1x64x128xf32, #tpu.memory_space<hbm>> -> memref<64x128xf32, #tpu.memory_space<hbm>>
      %dma_wait3A_304 = arith.constant 0 : i32
      %dma_wait3A_305 = arith.constant 0 : i32
      %dma_wait3A_306 = tpu.memref_slice %arg9[%dma_wait3A_304, %dma_wait3A_305] : memref<96x128xf32, #tpu.memory_space<vmem>> -> memref<64x128xf32, #tpu.memory_space<vmem>>
      tpu.wait_dma2 semaphore(%run_scoped3A : memref<!tpu.dma_semaphore, #tpu.memory_space<semaphore_mem>>) src(%dma_wait3A_306 : memref<64x128xf32, #tpu.memory_space<vmem>>) dst(%dma_wait3A_303 : memref<64x128xf32, #tpu.memory_space<hbm>>)
      tpu.yield
    }) : () -> ()
    %mul3A_99 = arith.constant 10 : i32
    %mul3A_100 = arith.muli %arg1, %mul3A_99 : i32
    %add3A_101 = arith.constant 2 : i32
    %add3A_102 = arith.addi %mul3A_100, %add3A_101 : i32
    %mul3A_103 = arith.constant 64 : i32
    %mul3A_104 = arith.muli %add3A_102, %mul3A_103 : i32
    "tpu.region"() ({
      %run_scoped3A = tpu.sem_alloc : memref<!tpu.dma_semaphore, #tpu.memory_space<semaphore_mem>>
      %dma_start3A = arith.constant 0 : i32
      %dma_start3A_285 = arith.constant 0 : i32
      %dma_start3A_286 = tpu.memref_slice %arg9[%dma_start3A, %dma_start3A_285] : memref<96x128xf32, #tpu.memory_space<vmem>> -> memref<64x128xf32, #tpu.memory_space<vmem>>
      %dma_start3A_287 = arith.constant 0 : i32
      %dma_start3A_288 = tpu.memref_slice %arg10[%mul3A_104, %dma_start3A_287] : memref<10240x128xf32, #tpu.memory_space<vmem_shared>> -> memref<64x128xf32, #tpu.memory_space<vmem_shared>>
      %dma_start3A_289 = arith.constant 0 : i32
      %dma_start3A_290 = arith.constant 0 : i32
      %dma_start3A_291 = tpu.memref_slice %arg9[%dma_start3A_289, %dma_start3A_290] : memref<96x128xf32, #tpu.memory_space<vmem>> -> memref<64x128xf32, #tpu.memory_space<vmem>>
      %dma_start3A_292 = arith.constant 0 : i32
      %dma_start3A_293 = tpu.memref_slice %arg10[%mul3A_104, %dma_start3A_292] : memref<10240x128xf32, #tpu.memory_space<vmem_shared>> -> memref<64x128xf32, #tpu.memory_space<vmem_shared>>
      tpu.enqueue_dma source(%dma_start3A_293 : memref<64x128xf32, #tpu.memory_space<vmem_shared>>) target(%dma_start3A_291 : memref<64x128xf32, #tpu.memory_space<vmem>>) target_semaphore(%run_scoped3A : memref<!tpu.dma_semaphore, #tpu.memory_space<semaphore_mem>>)
      %dma_wait3A = arith.constant 0 : i32
      %dma_wait3A_294 = arith.constant 0 : i32
      %dma_wait3A_295 = tpu.memref_slice %arg9[%dma_wait3A, %dma_wait3A_294] : memref<96x128xf32, #tpu.memory_space<vmem>> -> memref<64x128xf32, #tpu.memory_space<vmem>>
      %dma_wait3A_296 = arith.constant 0 : i32
      %dma_wait3A_297 = tpu.memref_slice %arg10[%mul3A_104, %dma_wait3A_296] : memref<10240x128xf32, #tpu.memory_space<vmem_shared>> -> memref<64x128xf32, #tpu.memory_space<vmem_shared>>
      %dma_wait3A_298 = arith.constant 0 : i32
      %dma_wait3A_299 = arith.constant 0 : i32
      %dma_wait3A_300 = tpu.memref_slice %arg9[%dma_wait3A_298, %dma_wait3A_299] : memref<96x128xf32, #tpu.memory_space<vmem>> -> memref<64x128xf32, #tpu.memory_space<vmem>>
      %dma_wait3A_301 = arith.constant 0 : i32
      %dma_wait3A_302 = tpu.memref_slice %arg10[%mul3A_104, %dma_wait3A_301] : memref<10240x128xf32, #tpu.memory_space<vmem_shared>> -> memref<64x128xf32, #tpu.memory_space<vmem_shared>>
      tpu.wait_dma2 semaphore(%run_scoped3A : memref<!tpu.dma_semaphore, #tpu.memory_space<semaphore_mem>>) src(%dma_wait3A_302 : memref<64x128xf32, #tpu.memory_space<vmem_shared>>) dst(%dma_wait3A_300 : memref<64x128xf32, #tpu.memory_space<vmem>>)
      tpu.yield
    }) : () -> ()
    "tpu.region"() ({
      %run_scoped3A = tpu.sem_alloc : memref<!tpu.dma_semaphore, #tpu.memory_space<semaphore_mem>>
      %dma_start3A = arith.constant 0 : i32
      %dma_start3A_285 = arith.constant 0 : i32
      %dma_start3A_286 = tpu.memref_slice %arg9[%dma_start3A, %dma_start3A_285] : memref<96x128xf32, #tpu.memory_space<vmem>> -> memref<64x128xf32, #tpu.memory_space<vmem>>
      %dma_start3A_287 = arith.constant 0 : i32
      %dma_start3A_288 = tpu.memref_slice %arg6[%arg0, %mul3A_104, %dma_start3A_287] : memref<2x10240x128xf32, #tpu.memory_space<hbm>> -> memref<1x64x128xf32, #tpu.memory_space<hbm>>
      %dma_start3A_289 = tpu.memref_squeeze %dma_start3A_288 : memref<1x64x128xf32, #tpu.memory_space<hbm>> -> memref<64x128xf32, #tpu.memory_space<hbm>>
      %dma_start3A_290 = arith.constant 0 : i32
      %dma_start3A_291 = tpu.memref_slice %arg6[%arg0, %mul3A_104, %dma_start3A_290] : memref<2x10240x128xf32, #tpu.memory_space<hbm>> -> memref<1x64x128xf32, #tpu.memory_space<hbm>>
      %dma_start3A_292 = tpu.memref_squeeze %dma_start3A_291 : memref<1x64x128xf32, #tpu.memory_space<hbm>> -> memref<64x128xf32, #tpu.memory_space<hbm>>
      %dma_start3A_293 = arith.constant 0 : i32
      %dma_start3A_294 = arith.constant 0 : i32
      %dma_start3A_295 = tpu.memref_slice %arg9[%dma_start3A_293, %dma_start3A_294] : memref<96x128xf32, #tpu.memory_space<vmem>> -> memref<64x128xf32, #tpu.memory_space<vmem>>
      tpu.enqueue_dma source(%dma_start3A_295 : memref<64x128xf32, #tpu.memory_space<vmem>>) target(%dma_start3A_292 : memref<64x128xf32, #tpu.memory_space<hbm>>) target_semaphore(%run_scoped3A : memref<!tpu.dma_semaphore, #tpu.memory_space<semaphore_mem>>)
      %dma_wait3A = arith.constant 0 : i32
      %dma_wait3A_296 = arith.constant 0 : i32
      %dma_wait3A_297 = tpu.memref_slice %arg9[%dma_wait3A, %dma_wait3A_296] : memref<96x128xf32, #tpu.memory_space<vmem>> -> memref<64x128xf32, #tpu.memory_space<vmem>>
      %dma_wait3A_298 = arith.constant 0 : i32
      %dma_wait3A_299 = tpu.memref_slice %arg6[%arg0, %mul3A_104, %dma_wait3A_298] : memref<2x10240x128xf32, #tpu.memory_space<hbm>> -> memref<1x64x128xf32, #tpu.memory_space<hbm>>
      %dma_wait3A_300 = tpu.memref_squeeze %dma_wait3A_299 : memref<1x64x128xf32, #tpu.memory_space<hbm>> -> memref<64x128xf32, #tpu.memory_space<hbm>>
      %dma_wait3A_301 = arith.constant 0 : i32
      %dma_wait3A_302 = tpu.memref_slice %arg6[%arg0, %mul3A_104, %dma_wait3A_301] : memref<2x10240x128xf32, #tpu.memory_space<hbm>> -> memref<1x64x128xf32, #tpu.memory_space<hbm>>
      %dma_wait3A_303 = tpu.memref_squeeze %dma_wait3A_302 : memref<1x64x128xf32, #tpu.memory_space<hbm>> -> memref<64x128xf32, #tpu.memory_space<hbm>>
      %dma_wait3A_304 = arith.constant 0 : i32
      %dma_wait3A_305 = arith.constant 0 : i32
      %dma_wait3A_306 = tpu.memref_slice %arg9[%dma_wait3A_304, %dma_wait3A_305] : memref<96x128xf32, #tpu.memory_space<vmem>> -> memref<64x128xf32, #tpu.memory_space<vmem>>
      tpu.wait_dma2 semaphore(%run_scoped3A : memref<!tpu.dma_semaphore, #tpu.memory_space<semaphore_mem>>) src(%dma_wait3A_306 : memref<64x128xf32, #tpu.memory_space<vmem>>) dst(%dma_wait3A_303 : memref<64x128xf32, #tpu.memory_space<hbm>>)
      tpu.yield
    }) : () -> ()
    %mul3A_105 = arith.constant 10 : i32
    %mul3A_106 = arith.muli %arg1, %mul3A_105 : i32
    %add3A_107 = arith.constant 3 : i32
    %add3A_108 = arith.addi %mul3A_106, %add3A_107 : i32
    %mul3A_109 = arith.constant 64 : i32
    %mul3A_110 = arith.muli %add3A_108, %mul3A_109 : i32
    "tpu.region"() ({
      %run_scoped3A = tpu.sem_alloc : memref<!tpu.dma_semaphore, #tpu.memory_space<semaphore_mem>>
      %dma_start3A = arith.constant 0 : i32
      %dma_start3A_285 = arith.constant 0 : i32
      %dma_start3A_286 = tpu.memref_slice %arg9[%dma_start3A, %dma_start3A_285] : memref<96x128xf32, #tpu.memory_space<vmem>> -> memref<64x128xf32, #tpu.memory_space<vmem>>
      %dma_start3A_287 = arith.constant 0 : i32
      %dma_start3A_288 = tpu.memref_slice %arg10[%mul3A_110, %dma_start3A_287] : memref<10240x128xf32, #tpu.memory_space<vmem_shared>> -> memref<64x128xf32, #tpu.memory_space<vmem_shared>>
      %dma_start3A_289 = arith.constant 0 : i32
      %dma_start3A_290 = arith.constant 0 : i32
      %dma_start3A_291 = tpu.memref_slice %arg9[%dma_start3A_289, %dma_start3A_290] : memref<96x128xf32, #tpu.memory_space<vmem>> -> memref<64x128xf32, #tpu.memory_space<vmem>>
      %dma_start3A_292 = arith.constant 0 : i32
      %dma_start3A_293 = tpu.memref_slice %arg10[%mul3A_110, %dma_start3A_292] : memref<10240x128xf32, #tpu.memory_space<vmem_shared>> -> memref<64x128xf32, #tpu.memory_space<vmem_shared>>
      tpu.enqueue_dma source(%dma_start3A_293 : memref<64x128xf32, #tpu.memory_space<vmem_shared>>) target(%dma_start3A_291 : memref<64x128xf32, #tpu.memory_space<vmem>>) target_semaphore(%run_scoped3A : memref<!tpu.dma_semaphore, #tpu.memory_space<semaphore_mem>>)
      %dma_wait3A = arith.constant 0 : i32
      %dma_wait3A_294 = arith.constant 0 : i32
      %dma_wait3A_295 = tpu.memref_slice %arg9[%dma_wait3A, %dma_wait3A_294] : memref<96x128xf32, #tpu.memory_space<vmem>> -> memref<64x128xf32, #tpu.memory_space<vmem>>
      %dma_wait3A_296 = arith.constant 0 : i32
      %dma_wait3A_297 = tpu.memref_slice %arg10[%mul3A_110, %dma_wait3A_296] : memref<10240x128xf32, #tpu.memory_space<vmem_shared>> -> memref<64x128xf32, #tpu.memory_space<vmem_shared>>
      %dma_wait3A_298 = arith.constant 0 : i32
      %dma_wait3A_299 = arith.constant 0 : i32
      %dma_wait3A_300 = tpu.memref_slice %arg9[%dma_wait3A_298, %dma_wait3A_299] : memref<96x128xf32, #tpu.memory_space<vmem>> -> memref<64x128xf32, #tpu.memory_space<vmem>>
      %dma_wait3A_301 = arith.constant 0 : i32
      %dma_wait3A_302 = tpu.memref_slice %arg10[%mul3A_110, %dma_wait3A_301] : memref<10240x128xf32, #tpu.memory_space<vmem_shared>> -> memref<64x128xf32, #tpu.memory_space<vmem_shared>>
      tpu.wait_dma2 semaphore(%run_scoped3A : memref<!tpu.dma_semaphore, #tpu.memory_space<semaphore_mem>>) src(%dma_wait3A_302 : memref<64x128xf32, #tpu.memory_space<vmem_shared>>) dst(%dma_wait3A_300 : memref<64x128xf32, #tpu.memory_space<vmem>>)
      tpu.yield
    }) : () -> ()
    "tpu.region"() ({
      %run_scoped3A = tpu.sem_alloc : memref<!tpu.dma_semaphore, #tpu.memory_space<semaphore_mem>>
      %dma_start3A = arith.constant 0 : i32
      %dma_start3A_285 = arith.constant 0 : i32
      %dma_start3A_286 = tpu.memref_slice %arg9[%dma_start3A, %dma_start3A_285] : memref<96x128xf32, #tpu.memory_space<vmem>> -> memref<64x128xf32, #tpu.memory_space<vmem>>
      %dma_start3A_287 = arith.constant 0 : i32
      %dma_start3A_288 = tpu.memref_slice %arg6[%arg0, %mul3A_110, %dma_start3A_287] : memref<2x10240x128xf32, #tpu.memory_space<hbm>> -> memref<1x64x128xf32, #tpu.memory_space<hbm>>
      %dma_start3A_289 = tpu.memref_squeeze %dma_start3A_288 : memref<1x64x128xf32, #tpu.memory_space<hbm>> -> memref<64x128xf32, #tpu.memory_space<hbm>>
      %dma_start3A_290 = arith.constant 0 : i32
      %dma_start3A_291 = tpu.memref_slice %arg6[%arg0, %mul3A_110, %dma_start3A_290] : memref<2x10240x128xf32, #tpu.memory_space<hbm>> -> memref<1x64x128xf32, #tpu.memory_space<hbm>>
      %dma_start3A_292 = tpu.memref_squeeze %dma_start3A_291 : memref<1x64x128xf32, #tpu.memory_space<hbm>> -> memref<64x128xf32, #tpu.memory_space<hbm>>
      %dma_start3A_293 = arith.constant 0 : i32
      %dma_start3A_294 = arith.constant 0 : i32
      %dma_start3A_295 = tpu.memref_slice %arg9[%dma_start3A_293, %dma_start3A_294] : memref<96x128xf32, #tpu.memory_space<vmem>> -> memref<64x128xf32, #tpu.memory_space<vmem>>
      tpu.enqueue_dma source(%dma_start3A_295 : memref<64x128xf32, #tpu.memory_space<vmem>>) target(%dma_start3A_292 : memref<64x128xf32, #tpu.memory_space<hbm>>) target_semaphore(%run_scoped3A : memref<!tpu.dma_semaphore, #tpu.memory_space<semaphore_mem>>)
      %dma_wait3A = arith.constant 0 : i32
      %dma_wait3A_296 = arith.constant 0 : i32
      %dma_wait3A_297 = tpu.memref_slice %arg9[%dma_wait3A, %dma_wait3A_296] : memref<96x128xf32, #tpu.memory_space<vmem>> -> memref<64x128xf32, #tpu.memory_space<vmem>>
      %dma_wait3A_298 = arith.constant 0 : i32
      %dma_wait3A_299 = tpu.memref_slice %arg6[%arg0, %mul3A_110, %dma_wait3A_298] : memref<2x10240x128xf32, #tpu.memory_space<hbm>> -> memref<1x64x128xf32, #tpu.memory_space<hbm>>
      %dma_wait3A_300 = tpu.memref_squeeze %dma_wait3A_299 : memref<1x64x128xf32, #tpu.memory_space<hbm>> -> memref<64x128xf32, #tpu.memory_space<hbm>>
      %dma_wait3A_301 = arith.constant 0 : i32
      %dma_wait3A_302 = tpu.memref_slice %arg6[%arg0, %mul3A_110, %dma_wait3A_301] : memref<2x10240x128xf32, #tpu.memory_space<hbm>> -> memref<1x64x128xf32, #tpu.memory_space<hbm>>
      %dma_wait3A_303 = tpu.memref_squeeze %dma_wait3A_302 : memref<1x64x128xf32, #tpu.memory_space<hbm>> -> memref<64x128xf32, #tpu.memory_space<hbm>>
      %dma_wait3A_304 = arith.constant 0 : i32
      %dma_wait3A_305 = arith.constant 0 : i32
      %dma_wait3A_306 = tpu.memref_slice %arg9[%dma_wait3A_304, %dma_wait3A_305] : memref<96x128xf32, #tpu.memory_space<vmem>> -> memref<64x128xf32, #tpu.memory_space<vmem>>
      tpu.wait_dma2 semaphore(%run_scoped3A : memref<!tpu.dma_semaphore, #tpu.memory_space<semaphore_mem>>) src(%dma_wait3A_306 : memref<64x128xf32, #tpu.memory_space<vmem>>) dst(%dma_wait3A_303 : memref<64x128xf32, #tpu.memory_space<hbm>>)
      tpu.yield
    }) : () -> ()
    %mul3A_111 = arith.constant 10 : i32
    %mul3A_112 = arith.muli %arg1, %mul3A_111 : i32
    %add3A_113 = arith.constant 4 : i32
    %add3A_114 = arith.addi %mul3A_112, %add3A_113 : i32
    %mul3A_115 = arith.constant 64 : i32
    %mul3A_116 = arith.muli %add3A_114, %mul3A_115 : i32
    "tpu.region"() ({
      %run_scoped3A = tpu.sem_alloc : memref<!tpu.dma_semaphore, #tpu.memory_space<semaphore_mem>>
      %dma_start3A = arith.constant 0 : i32
      %dma_start3A_285 = arith.constant 0 : i32
      %dma_start3A_286 = tpu.memref_slice %arg9[%dma_start3A, %dma_start3A_285] : memref<96x128xf32, #tpu.memory_space<vmem>> -> memref<64x128xf32, #tpu.memory_space<vmem>>
      %dma_start3A_287 = arith.constant 0 : i32
      %dma_start3A_288 = tpu.memref_slice %arg10[%mul3A_116, %dma_start3A_287] : memref<10240x128xf32, #tpu.memory_space<vmem_shared>> -> memref<64x128xf32, #tpu.memory_space<vmem_shared>>
      %dma_start3A_289 = arith.constant 0 : i32
      %dma_start3A_290 = arith.constant 0 : i32
      %dma_start3A_291 = tpu.memref_slice %arg9[%dma_start3A_289, %dma_start3A_290] : memref<96x128xf32, #tpu.memory_space<vmem>> -> memref<64x128xf32, #tpu.memory_space<vmem>>
      %dma_start3A_292 = arith.constant 0 : i32
      %dma_start3A_293 = tpu.memref_slice %arg10[%mul3A_116, %dma_start3A_292] : memref<10240x128xf32, #tpu.memory_space<vmem_shared>> -> memref<64x128xf32, #tpu.memory_space<vmem_shared>>
      tpu.enqueue_dma source(%dma_start3A_293 : memref<64x128xf32, #tpu.memory_space<vmem_shared>>) target(%dma_start3A_291 : memref<64x128xf32, #tpu.memory_space<vmem>>) target_semaphore(%run_scoped3A : memref<!tpu.dma_semaphore, #tpu.memory_space<semaphore_mem>>)
      %dma_wait3A = arith.constant 0 : i32
      %dma_wait3A_294 = arith.constant 0 : i32
      %dma_wait3A_295 = tpu.memref_slice %arg9[%dma_wait3A, %dma_wait3A_294] : memref<96x128xf32, #tpu.memory_space<vmem>> -> memref<64x128xf32, #tpu.memory_space<vmem>>
      %dma_wait3A_296 = arith.constant 0 : i32
      %dma_wait3A_297 = tpu.memref_slice %arg10[%mul3A_116, %dma_wait3A_296] : memref<10240x128xf32, #tpu.memory_space<vmem_shared>> -> memref<64x128xf32, #tpu.memory_space<vmem_shared>>
      %dma_wait3A_298 = arith.constant 0 : i32
      %dma_wait3A_299 = arith.constant 0 : i32
      %dma_wait3A_300 = tpu.memref_slice %arg9[%dma_wait3A_298, %dma_wait3A_299] : memref<96x128xf32, #tpu.memory_space<vmem>> -> memref<64x128xf32, #tpu.memory_space<vmem>>
      %dma_wait3A_301 = arith.constant 0 : i32
      %dma_wait3A_302 = tpu.memref_slice %arg10[%mul3A_116, %dma_wait3A_301] : memref<10240x128xf32, #tpu.memory_space<vmem_shared>> -> memref<64x128xf32, #tpu.memory_space<vmem_shared>>
      tpu.wait_dma2 semaphore(%run_scoped3A : memref<!tpu.dma_semaphore, #tpu.memory_space<semaphore_mem>>) src(%dma_wait3A_302 : memref<64x128xf32, #tpu.memory_space<vmem_shared>>) dst(%dma_wait3A_300 : memref<64x128xf32, #tpu.memory_space<vmem>>)
      tpu.yield
    }) : () -> ()
    "tpu.region"() ({
      %run_scoped3A = tpu.sem_alloc : memref<!tpu.dma_semaphore, #tpu.memory_space<semaphore_mem>>
      %dma_start3A = arith.constant 0 : i32
      %dma_start3A_285 = arith.constant 0 : i32
      %dma_start3A_286 = tpu.memref_slice %arg9[%dma_start3A, %dma_start3A_285] : memref<96x128xf32, #tpu.memory_space<vmem>> -> memref<64x128xf32, #tpu.memory_space<vmem>>
      %dma_start3A_287 = arith.constant 0 : i32
      %dma_start3A_288 = tpu.memref_slice %arg6[%arg0, %mul3A_116, %dma_start3A_287] : memref<2x10240x128xf32, #tpu.memory_space<hbm>> -> memref<1x64x128xf32, #tpu.memory_space<hbm>>
      %dma_start3A_289 = tpu.memref_squeeze %dma_start3A_288 : memref<1x64x128xf32, #tpu.memory_space<hbm>> -> memref<64x128xf32, #tpu.memory_space<hbm>>
      %dma_start3A_290 = arith.constant 0 : i32
      %dma_start3A_291 = tpu.memref_slice %arg6[%arg0, %mul3A_116, %dma_start3A_290] : memref<2x10240x128xf32, #tpu.memory_space<hbm>> -> memref<1x64x128xf32, #tpu.memory_space<hbm>>
      %dma_start3A_292 = tpu.memref_squeeze %dma_start3A_291 : memref<1x64x128xf32, #tpu.memory_space<hbm>> -> memref<64x128xf32, #tpu.memory_space<hbm>>
      %dma_start3A_293 = arith.constant 0 : i32
      %dma_start3A_294 = arith.constant 0 : i32
      %dma_start3A_295 = tpu.memref_slice %arg9[%dma_start3A_293, %dma_start3A_294] : memref<96x128xf32, #tpu.memory_space<vmem>> -> memref<64x128xf32, #tpu.memory_space<vmem>>
      tpu.enqueue_dma source(%dma_start3A_295 : memref<64x128xf32, #tpu.memory_space<vmem>>) target(%dma_start3A_292 : memref<64x128xf32, #tpu.memory_space<hbm>>) target_semaphore(%run_scoped3A : memref<!tpu.dma_semaphore, #tpu.memory_space<semaphore_mem>>)
      %dma_wait3A = arith.constant 0 : i32
      %dma_wait3A_296 = arith.constant 0 : i32
      %dma_wait3A_297 = tpu.memref_slice %arg9[%dma_wait3A, %dma_wait3A_296] : memref<96x128xf32, #tpu.memory_space<vmem>> -> memref<64x128xf32, #tpu.memory_space<vmem>>
      %dma_wait3A_298 = arith.constant 0 : i32
      %dma_wait3A_299 = tpu.memref_slice %arg6[%arg0, %mul3A_116, %dma_wait3A_298] : memref<2x10240x128xf32, #tpu.memory_space<hbm>> -> memref<1x64x128xf32, #tpu.memory_space<hbm>>
      %dma_wait3A_300 = tpu.memref_squeeze %dma_wait3A_299 : memref<1x64x128xf32, #tpu.memory_space<hbm>> -> memref<64x128xf32, #tpu.memory_space<hbm>>
      %dma_wait3A_301 = arith.constant 0 : i32
      %dma_wait3A_302 = tpu.memref_slice %arg6[%arg0, %mul3A_116, %dma_wait3A_301] : memref<2x10240x128xf32, #tpu.memory_space<hbm>> -> memref<1x64x128xf32, #tpu.memory_space<hbm>>
      %dma_wait3A_303 = tpu.memref_squeeze %dma_wait3A_302 : memref<1x64x128xf32, #tpu.memory_space<hbm>> -> memref<64x128xf32, #tpu.memory_space<hbm>>
      %dma_wait3A_304 = arith.constant 0 : i32
      %dma_wait3A_305 = arith.constant 0 : i32
      %dma_wait3A_306 = tpu.memref_slice %arg9[%dma_wait3A_304, %dma_wait3A_305] : memref<96x128xf32, #tpu.memory_space<vmem>> -> memref<64x128xf32, #tpu.memory_space<vmem>>
      tpu.wait_dma2 semaphore(%run_scoped3A : memref<!tpu.dma_semaphore, #tpu.memory_space<semaphore_mem>>) src(%dma_wait3A_306 : memref<64x128xf32, #tpu.memory_space<vmem>>) dst(%dma_wait3A_303 : memref<64x128xf32, #tpu.memory_space<hbm>>)
      tpu.yield
    }) : () -> ()
    %mul3A_117 = arith.constant 10 : i32
    %mul3A_118 = arith.muli %arg1, %mul3A_117 : i32
    %add3A_119 = arith.constant 5 : i32
    %add3A_120 = arith.addi %mul3A_118, %add3A_119 : i32
    %mul3A_121 = arith.constant 64 : i32
    %mul3A_122 = arith.muli %add3A_120, %mul3A_121 : i32
    "tpu.region"() ({
      %run_scoped3A = tpu.sem_alloc : memref<!tpu.dma_semaphore, #tpu.memory_space<semaphore_mem>>
      %dma_start3A = arith.constant 0 : i32
      %dma_start3A_285 = arith.constant 0 : i32
      %dma_start3A_286 = tpu.memref_slice %arg9[%dma_start3A, %dma_start3A_285] : memref<96x128xf32, #tpu.memory_space<vmem>> -> memref<64x128xf32, #tpu.memory_space<vmem>>
      %dma_start3A_287 = arith.constant 0 : i32
      %dma_start3A_288 = tpu.memref_slice %arg10[%mul3A_122, %dma_start3A_287] : memref<10240x128xf32, #tpu.memory_space<vmem_shared>> -> memref<64x128xf32, #tpu.memory_space<vmem_shared>>
      %dma_start3A_289 = arith.constant 0 : i32
      %dma_start3A_290 = arith.constant 0 : i32
      %dma_start3A_291 = tpu.memref_slice %arg9[%dma_start3A_289, %dma_start3A_290] : memref<96x128xf32, #tpu.memory_space<vmem>> -> memref<64x128xf32, #tpu.memory_space<vmem>>
      %dma_start3A_292 = arith.constant 0 : i32
      %dma_start3A_293 = tpu.memref_slice %arg10[%mul3A_122, %dma_start3A_292] : memref<10240x128xf32, #tpu.memory_space<vmem_shared>> -> memref<64x128xf32, #tpu.memory_space<vmem_shared>>
      tpu.enqueue_dma source(%dma_start3A_293 : memref<64x128xf32, #tpu.memory_space<vmem_shared>>) target(%dma_start3A_291 : memref<64x128xf32, #tpu.memory_space<vmem>>) target_semaphore(%run_scoped3A : memref<!tpu.dma_semaphore, #tpu.memory_space<semaphore_mem>>)
      %dma_wait3A = arith.constant 0 : i32
      %dma_wait3A_294 = arith.constant 0 : i32
      %dma_wait3A_295 = tpu.memref_slice %arg9[%dma_wait3A, %dma_wait3A_294] : memref<96x128xf32, #tpu.memory_space<vmem>> -> memref<64x128xf32, #tpu.memory_space<vmem>>
      %dma_wait3A_296 = arith.constant 0 : i32
      %dma_wait3A_297 = tpu.memref_slice %arg10[%mul3A_122, %dma_wait3A_296] : memref<10240x128xf32, #tpu.memory_space<vmem_shared>> -> memref<64x128xf32, #tpu.memory_space<vmem_shared>>
      %dma_wait3A_298 = arith.constant 0 : i32
      %dma_wait3A_299 = arith.constant 0 : i32
      %dma_wait3A_300 = tpu.memref_slice %arg9[%dma_wait3A_298, %dma_wait3A_299] : memref<96x128xf32, #tpu.memory_space<vmem>> -> memref<64x128xf32, #tpu.memory_space<vmem>>
      %dma_wait3A_301 = arith.constant 0 : i32
      %dma_wait3A_302 = tpu.memref_slice %arg10[%mul3A_122, %dma_wait3A_301] : memref<10240x128xf32, #tpu.memory_space<vmem_shared>> -> memref<64x128xf32, #tpu.memory_space<vmem_shared>>
      tpu.wait_dma2 semaphore(%run_scoped3A : memref<!tpu.dma_semaphore, #tpu.memory_space<semaphore_mem>>) src(%dma_wait3A_302 : memref<64x128xf32, #tpu.memory_space<vmem_shared>>) dst(%dma_wait3A_300 : memref<64x128xf32, #tpu.memory_space<vmem>>)
      tpu.yield
    }) : () -> ()
    "tpu.region"() ({
      %run_scoped3A = tpu.sem_alloc : memref<!tpu.dma_semaphore, #tpu.memory_space<semaphore_mem>>
      %dma_start3A = arith.constant 0 : i32
      %dma_start3A_285 = arith.constant 0 : i32
      %dma_start3A_286 = tpu.memref_slice %arg9[%dma_start3A, %dma_start3A_285] : memref<96x128xf32, #tpu.memory_space<vmem>> -> memref<64x128xf32, #tpu.memory_space<vmem>>
      %dma_start3A_287 = arith.constant 0 : i32
      %dma_start3A_288 = tpu.memref_slice %arg6[%arg0, %mul3A_122, %dma_start3A_287] : memref<2x10240x128xf32, #tpu.memory_space<hbm>> -> memref<1x64x128xf32, #tpu.memory_space<hbm>>
      %dma_start3A_289 = tpu.memref_squeeze %dma_start3A_288 : memref<1x64x128xf32, #tpu.memory_space<hbm>> -> memref<64x128xf32, #tpu.memory_space<hbm>>
      %dma_start3A_290 = arith.constant 0 : i32
      %dma_start3A_291 = tpu.memref_slice %arg6[%arg0, %mul3A_122, %dma_start3A_290] : memref<2x10240x128xf32, #tpu.memory_space<hbm>> -> memref<1x64x128xf32, #tpu.memory_space<hbm>>
      %dma_start3A_292 = tpu.memref_squeeze %dma_start3A_291 : memref<1x64x128xf32, #tpu.memory_space<hbm>> -> memref<64x128xf32, #tpu.memory_space<hbm>>
      %dma_start3A_293 = arith.constant 0 : i32
      %dma_start3A_294 = arith.constant 0 : i32
      %dma_start3A_295 = tpu.memref_slice %arg9[%dma_start3A_293, %dma_start3A_294] : memref<96x128xf32, #tpu.memory_space<vmem>> -> memref<64x128xf32, #tpu.memory_space<vmem>>
      tpu.enqueue_dma source(%dma_start3A_295 : memref<64x128xf32, #tpu.memory_space<vmem>>) target(%dma_start3A_292 : memref<64x128xf32, #tpu.memory_space<hbm>>) target_semaphore(%run_scoped3A : memref<!tpu.dma_semaphore, #tpu.memory_space<semaphore_mem>>)
      %dma_wait3A = arith.constant 0 : i32
      %dma_wait3A_296 = arith.constant 0 : i32
      %dma_wait3A_297 = tpu.memref_slice %arg9[%dma_wait3A, %dma_wait3A_296] : memref<96x128xf32, #tpu.memory_space<vmem>> -> memref<64x128xf32, #tpu.memory_space<vmem>>
      %dma_wait3A_298 = arith.constant 0 : i32
      %dma_wait3A_299 = tpu.memref_slice %arg6[%arg0, %mul3A_122, %dma_wait3A_298] : memref<2x10240x128xf32, #tpu.memory_space<hbm>> -> memref<1x64x128xf32, #tpu.memory_space<hbm>>
      %dma_wait3A_300 = tpu.memref_squeeze %dma_wait3A_299 : memref<1x64x128xf32, #tpu.memory_space<hbm>> -> memref<64x128xf32, #tpu.memory_space<hbm>>
      %dma_wait3A_301 = arith.constant 0 : i32
      %dma_wait3A_302 = tpu.memref_slice %arg6[%arg0, %mul3A_122, %dma_wait3A_301] : memref<2x10240x128xf32, #tpu.memory_space<hbm>> -> memref<1x64x128xf32, #tpu.memory_space<hbm>>
      %dma_wait3A_303 = tpu.memref_squeeze %dma_wait3A_302 : memref<1x64x128xf32, #tpu.memory_space<hbm>> -> memref<64x128xf32, #tpu.memory_space<hbm>>
      %dma_wait3A_304 = arith.constant 0 : i32
      %dma_wait3A_305 = arith.constant 0 : i32
      %dma_wait3A_306 = tpu.memref_slice %arg9[%dma_wait3A_304, %dma_wait3A_305] : memref<96x128xf32, #tpu.memory_space<vmem>> -> memref<64x128xf32, #tpu.memory_space<vmem>>
      tpu.wait_dma2 semaphore(%run_scoped3A : memref<!tpu.dma_semaphore, #tpu.memory_space<semaphore_mem>>) src(%dma_wait3A_306 : memref<64x128xf32, #tpu.memory_space<vmem>>) dst(%dma_wait3A_303 : memref<64x128xf32, #tpu.memory_space<hbm>>)
      tpu.yield
    }) : () -> ()
    %mul3A_123 = arith.constant 10 : i32
    %mul3A_124 = arith.muli %arg1, %mul3A_123 : i32
    %add3A_125 = arith.constant 6 : i32
    %add3A_126 = arith.addi %mul3A_124, %add3A_125 : i32
    %mul3A_127 = arith.constant 64 : i32
    %mul3A_128 = arith.muli %add3A_126, %mul3A_127 : i32
    "tpu.region"() ({
      %run_scoped3A = tpu.sem_alloc : memref<!tpu.dma_semaphore, #tpu.memory_space<semaphore_mem>>
      %dma_start3A = arith.constant 0 : i32
      %dma_start3A_285 = arith.constant 0 : i32
      %dma_start3A_286 = tpu.memref_slice %arg9[%dma_start3A, %dma_start3A_285] : memref<96x128xf32, #tpu.memory_space<vmem>> -> memref<64x128xf32, #tpu.memory_space<vmem>>
      %dma_start3A_287 = arith.constant 0 : i32
      %dma_start3A_288 = tpu.memref_slice %arg10[%mul3A_128, %dma_start3A_287] : memref<10240x128xf32, #tpu.memory_space<vmem_shared>> -> memref<64x128xf32, #tpu.memory_space<vmem_shared>>
      %dma_start3A_289 = arith.constant 0 : i32
      %dma_start3A_290 = arith.constant 0 : i32
      %dma_start3A_291 = tpu.memref_slice %arg9[%dma_start3A_289, %dma_start3A_290] : memref<96x128xf32, #tpu.memory_space<vmem>> -> memref<64x128xf32, #tpu.memory_space<vmem>>
      %dma_start3A_292 = arith.constant 0 : i32
      %dma_start3A_293 = tpu.memref_slice %arg10[%mul3A_128, %dma_start3A_292] : memref<10240x128xf32, #tpu.memory_space<vmem_shared>> -> memref<64x128xf32, #tpu.memory_space<vmem_shared>>
      tpu.enqueue_dma source(%dma_start3A_293 : memref<64x128xf32, #tpu.memory_space<vmem_shared>>) target(%dma_start3A_291 : memref<64x128xf32, #tpu.memory_space<vmem>>) target_semaphore(%run_scoped3A : memref<!tpu.dma_semaphore, #tpu.memory_space<semaphore_mem>>)
      %dma_wait3A = arith.constant 0 : i32
      %dma_wait3A_294 = arith.constant 0 : i32
      %dma_wait3A_295 = tpu.memref_slice %arg9[%dma_wait3A, %dma_wait3A_294] : memref<96x128xf32, #tpu.memory_space<vmem>> -> memref<64x128xf32, #tpu.memory_space<vmem>>
      %dma_wait3A_296 = arith.constant 0 : i32
      %dma_wait3A_297 = tpu.memref_slice %arg10[%mul3A_128, %dma_wait3A_296] : memref<10240x128xf32, #tpu.memory_space<vmem_shared>> -> memref<64x128xf32, #tpu.memory_space<vmem_shared>>
      %dma_wait3A_298 = arith.constant 0 : i32
      %dma_wait3A_299 = arith.constant 0 : i32
      %dma_wait3A_300 = tpu.memref_slice %arg9[%dma_wait3A_298, %dma_wait3A_299] : memref<96x128xf32, #tpu.memory_space<vmem>> -> memref<64x128xf32, #tpu.memory_space<vmem>>
      %dma_wait3A_301 = arith.constant 0 : i32
      %dma_wait3A_302 = tpu.memref_slice %arg10[%mul3A_128, %dma_wait3A_301] : memref<10240x128xf32, #tpu.memory_space<vmem_shared>> -> memref<64x128xf32, #tpu.memory_space<vmem_shared>>
      tpu.wait_dma2 semaphore(%run_scoped3A : memref<!tpu.dma_semaphore, #tpu.memory_space<semaphore_mem>>) src(%dma_wait3A_302 : memref<64x128xf32, #tpu.memory_space<vmem_shared>>) dst(%dma_wait3A_300 : memref<64x128xf32, #tpu.memory_space<vmem>>)
      tpu.yield
    }) : () -> ()
    "tpu.region"() ({
      %run_scoped3A = tpu.sem_alloc : memref<!tpu.dma_semaphore, #tpu.memory_space<semaphore_mem>>
      %dma_start3A = arith.constant 0 : i32
      %dma_start3A_285 = arith.constant 0 : i32
      %dma_start3A_286 = tpu.memref_slice %arg9[%dma_start3A, %dma_start3A_285] : memref<96x128xf32, #tpu.memory_space<vmem>> -> memref<64x128xf32, #tpu.memory_space<vmem>>
      %dma_start3A_287 = arith.constant 0 : i32
      %dma_start3A_288 = tpu.memref_slice %arg6[%arg0, %mul3A_128, %dma_start3A_287] : memref<2x10240x128xf32, #tpu.memory_space<hbm>> -> memref<1x64x128xf32, #tpu.memory_space<hbm>>
      %dma_start3A_289 = tpu.memref_squeeze %dma_start3A_288 : memref<1x64x128xf32, #tpu.memory_space<hbm>> -> memref<64x128xf32, #tpu.memory_space<hbm>>
      %dma_start3A_290 = arith.constant 0 : i32
      %dma_start3A_291 = tpu.memref_slice %arg6[%arg0, %mul3A_128, %dma_start3A_290] : memref<2x10240x128xf32, #tpu.memory_space<hbm>> -> memref<1x64x128xf32, #tpu.memory_space<hbm>>
      %dma_start3A_292 = tpu.memref_squeeze %dma_start3A_291 : memref<1x64x128xf32, #tpu.memory_space<hbm>> -> memref<64x128xf32, #tpu.memory_space<hbm>>
      %dma_start3A_293 = arith.constant 0 : i32
      %dma_start3A_294 = arith.constant 0 : i32
      %dma_start3A_295 = tpu.memref_slice %arg9[%dma_start3A_293, %dma_start3A_294] : memref<96x128xf32, #tpu.memory_space<vmem>> -> memref<64x128xf32, #tpu.memory_space<vmem>>
      tpu.enqueue_dma source(%dma_start3A_295 : memref<64x128xf32, #tpu.memory_space<vmem>>) target(%dma_start3A_292 : memref<64x128xf32, #tpu.memory_space<hbm>>) target_semaphore(%run_scoped3A : memref<!tpu.dma_semaphore, #tpu.memory_space<semaphore_mem>>)
      %dma_wait3A = arith.constant 0 : i32
      %dma_wait3A_296 = arith.constant 0 : i32
      %dma_wait3A_297 = tpu.memref_slice %arg9[%dma_wait3A, %dma_wait3A_296] : memref<96x128xf32, #tpu.memory_space<vmem>> -> memref<64x128xf32, #tpu.memory_space<vmem>>
      %dma_wait3A_298 = arith.constant 0 : i32
      %dma_wait3A_299 = tpu.memref_slice %arg6[%arg0, %mul3A_128, %dma_wait3A_298] : memref<2x10240x128xf32, #tpu.memory_space<hbm>> -> memref<1x64x128xf32, #tpu.memory_space<hbm>>
      %dma_wait3A_300 = tpu.memref_squeeze %dma_wait3A_299 : memref<1x64x128xf32, #tpu.memory_space<hbm>> -> memref<64x128xf32, #tpu.memory_space<hbm>>
      %dma_wait3A_301 = arith.constant 0 : i32
      %dma_wait3A_302 = tpu.memref_slice %arg6[%arg0, %mul3A_128, %dma_wait3A_301] : memref<2x10240x128xf32, #tpu.memory_space<hbm>> -> memref<1x64x128xf32, #tpu.memory_space<hbm>>
      %dma_wait3A_303 = tpu.memref_squeeze %dma_wait3A_302 : memref<1x64x128xf32, #tpu.memory_space<hbm>> -> memref<64x128xf32, #tpu.memory_space<hbm>>
      %dma_wait3A_304 = arith.constant 0 : i32
      %dma_wait3A_305 = arith.constant 0 : i32
      %dma_wait3A_306 = tpu.memref_slice %arg9[%dma_wait3A_304, %dma_wait3A_305] : memref<96x128xf32, #tpu.memory_space<vmem>> -> memref<64x128xf32, #tpu.memory_space<vmem>>
      tpu.wait_dma2 semaphore(%run_scoped3A : memref<!tpu.dma_semaphore, #tpu.memory_space<semaphore_mem>>) src(%dma_wait3A_306 : memref<64x128xf32, #tpu.memory_space<vmem>>) dst(%dma_wait3A_303 : memref<64x128xf32, #tpu.memory_space<hbm>>)
      tpu.yield
    }) : () -> ()
    %mul3A_129 = arith.constant 10 : i32
    %mul3A_130 = arith.muli %arg1, %mul3A_129 : i32
    %add3A_131 = arith.constant 7 : i32
    %add3A_132 = arith.addi %mul3A_130, %add3A_131 : i32
    %mul3A_133 = arith.constant 64 : i32
    %mul3A_134 = arith.muli %add3A_132, %mul3A_133 : i32
    "tpu.region"() ({
      %run_scoped3A = tpu.sem_alloc : memref<!tpu.dma_semaphore, #tpu.memory_space<semaphore_mem>>
      %dma_start3A = arith.constant 0 : i32
      %dma_start3A_285 = arith.constant 0 : i32
      %dma_start3A_286 = tpu.memref_slice %arg9[%dma_start3A, %dma_start3A_285] : memref<96x128xf32, #tpu.memory_space<vmem>> -> memref<64x128xf32, #tpu.memory_space<vmem>>
      %dma_start3A_287 = arith.constant 0 : i32
      %dma_start3A_288 = tpu.memref_slice %arg10[%mul3A_134, %dma_start3A_287] : memref<10240x128xf32, #tpu.memory_space<vmem_shared>> -> memref<64x128xf32, #tpu.memory_space<vmem_shared>>
      %dma_start3A_289 = arith.constant 0 : i32
      %dma_start3A_290 = arith.constant 0 : i32
      %dma_start3A_291 = tpu.memref_slice %arg9[%dma_start3A_289, %dma_start3A_290] : memref<96x128xf32, #tpu.memory_space<vmem>> -> memref<64x128xf32, #tpu.memory_space<vmem>>
      %dma_start3A_292 = arith.constant 0 : i32
      %dma_start3A_293 = tpu.memref_slice %arg10[%mul3A_134, %dma_start3A_292] : memref<10240x128xf32, #tpu.memory_space<vmem_shared>> -> memref<64x128xf32, #tpu.memory_space<vmem_shared>>
      tpu.enqueue_dma source(%dma_start3A_293 : memref<64x128xf32, #tpu.memory_space<vmem_shared>>) target(%dma_start3A_291 : memref<64x128xf32, #tpu.memory_space<vmem>>) target_semaphore(%run_scoped3A : memref<!tpu.dma_semaphore, #tpu.memory_space<semaphore_mem>>)
      %dma_wait3A = arith.constant 0 : i32
      %dma_wait3A_294 = arith.constant 0 : i32
      %dma_wait3A_295 = tpu.memref_slice %arg9[%dma_wait3A, %dma_wait3A_294] : memref<96x128xf32, #tpu.memory_space<vmem>> -> memref<64x128xf32, #tpu.memory_space<vmem>>
      %dma_wait3A_296 = arith.constant 0 : i32
      %dma_wait3A_297 = tpu.memref_slice %arg10[%mul3A_134, %dma_wait3A_296] : memref<10240x128xf32, #tpu.memory_space<vmem_shared>> -> memref<64x128xf32, #tpu.memory_space<vmem_shared>>
      %dma_wait3A_298 = arith.constant 0 : i32
      %dma_wait3A_299 = arith.constant 0 : i32
      %dma_wait3A_300 = tpu.memref_slice %arg9[%dma_wait3A_298, %dma_wait3A_299] : memref<96x128xf32, #tpu.memory_space<vmem>> -> memref<64x128xf32, #tpu.memory_space<vmem>>
      %dma_wait3A_301 = arith.constant 0 : i32
      %dma_wait3A_302 = tpu.memref_slice %arg10[%mul3A_134, %dma_wait3A_301] : memref<10240x128xf32, #tpu.memory_space<vmem_shared>> -> memref<64x128xf32, #tpu.memory_space<vmem_shared>>
      tpu.wait_dma2 semaphore(%run_scoped3A : memref<!tpu.dma_semaphore, #tpu.memory_space<semaphore_mem>>) src(%dma_wait3A_302 : memref<64x128xf32, #tpu.memory_space<vmem_shared>>) dst(%dma_wait3A_300 : memref<64x128xf32, #tpu.memory_space<vmem>>)
      tpu.yield
    }) : () -> ()
    "tpu.region"() ({
      %run_scoped3A = tpu.sem_alloc : memref<!tpu.dma_semaphore, #tpu.memory_space<semaphore_mem>>
      %dma_start3A = arith.constant 0 : i32
      %dma_start3A_285 = arith.constant 0 : i32
      %dma_start3A_286 = tpu.memref_slice %arg9[%dma_start3A, %dma_start3A_285] : memref<96x128xf32, #tpu.memory_space<vmem>> -> memref<64x128xf32, #tpu.memory_space<vmem>>
      %dma_start3A_287 = arith.constant 0 : i32
      %dma_start3A_288 = tpu.memref_slice %arg6[%arg0, %mul3A_134, %dma_start3A_287] : memref<2x10240x128xf32, #tpu.memory_space<hbm>> -> memref<1x64x128xf32, #tpu.memory_space<hbm>>
      %dma_start3A_289 = tpu.memref_squeeze %dma_start3A_288 : memref<1x64x128xf32, #tpu.memory_space<hbm>> -> memref<64x128xf32, #tpu.memory_space<hbm>>
      %dma_start3A_290 = arith.constant 0 : i32
      %dma_start3A_291 = tpu.memref_slice %arg6[%arg0, %mul3A_134, %dma_start3A_290] : memref<2x10240x128xf32, #tpu.memory_space<hbm>> -> memref<1x64x128xf32, #tpu.memory_space<hbm>>
      %dma_start3A_292 = tpu.memref_squeeze %dma_start3A_291 : memref<1x64x128xf32, #tpu.memory_space<hbm>> -> memref<64x128xf32, #tpu.memory_space<hbm>>
      %dma_start3A_293 = arith.constant 0 : i32
      %dma_start3A_294 = arith.constant 0 : i32
      %dma_start3A_295 = tpu.memref_slice %arg9[%dma_start3A_293, %dma_start3A_294] : memref<96x128xf32, #tpu.memory_space<vmem>> -> memref<64x128xf32, #tpu.memory_space<vmem>>
      tpu.enqueue_dma source(%dma_start3A_295 : memref<64x128xf32, #tpu.memory_space<vmem>>) target(%dma_start3A_292 : memref<64x128xf32, #tpu.memory_space<hbm>>) target_semaphore(%run_scoped3A : memref<!tpu.dma_semaphore, #tpu.memory_space<semaphore_mem>>)
      %dma_wait3A = arith.constant 0 : i32
      %dma_wait3A_296 = arith.constant 0 : i32
      %dma_wait3A_297 = tpu.memref_slice %arg9[%dma_wait3A, %dma_wait3A_296] : memref<96x128xf32, #tpu.memory_space<vmem>> -> memref<64x128xf32, #tpu.memory_space<vmem>>
      %dma_wait3A_298 = arith.constant 0 : i32
      %dma_wait3A_299 = tpu.memref_slice %arg6[%arg0, %mul3A_134, %dma_wait3A_298] : memref<2x10240x128xf32, #tpu.memory_space<hbm>> -> memref<1x64x128xf32, #tpu.memory_space<hbm>>
      %dma_wait3A_300 = tpu.memref_squeeze %dma_wait3A_299 : memref<1x64x128xf32, #tpu.memory_space<hbm>> -> memref<64x128xf32, #tpu.memory_space<hbm>>
      %dma_wait3A_301 = arith.constant 0 : i32
      %dma_wait3A_302 = tpu.memref_slice %arg6[%arg0, %mul3A_134, %dma_wait3A_301] : memref<2x10240x128xf32, #tpu.memory_space<hbm>> -> memref<1x64x128xf32, #tpu.memory_space<hbm>>
      %dma_wait3A_303 = tpu.memref_squeeze %dma_wait3A_302 : memref<1x64x128xf32, #tpu.memory_space<hbm>> -> memref<64x128xf32, #tpu.memory_space<hbm>>
      %dma_wait3A_304 = arith.constant 0 : i32
      %dma_wait3A_305 = arith.constant 0 : i32
      %dma_wait3A_306 = tpu.memref_slice %arg9[%dma_wait3A_304, %dma_wait3A_305] : memref<96x128xf32, #tpu.memory_space<vmem>> -> memref<64x128xf32, #tpu.memory_space<vmem>>
      tpu.wait_dma2 semaphore(%run_scoped3A : memref<!tpu.dma_semaphore, #tpu.memory_space<semaphore_mem>>) src(%dma_wait3A_306 : memref<64x128xf32, #tpu.memory_space<vmem>>) dst(%dma_wait3A_303 : memref<64x128xf32, #tpu.memory_space<hbm>>)
      tpu.yield
    }) : () -> ()
    %mul3A_135 = arith.constant 10 : i32
    %mul3A_136 = arith.muli %arg1, %mul3A_135 : i32
    %add3A_137 = arith.constant 8 : i32
    %add3A_138 = arith.addi %mul3A_136, %add3A_137 : i32
    %mul3A_139 = arith.constant 64 : i32
    %mul3A_140 = arith.muli %add3A_138, %mul3A_139 : i32
    "tpu.region"() ({
      %run_scoped3A = tpu.sem_alloc : memref<!tpu.dma_semaphore, #tpu.memory_space<semaphore_mem>>
      %dma_start3A = arith.constant 0 : i32
      %dma_start3A_285 = arith.constant 0 : i32
      %dma_start3A_286 = tpu.memref_slice %arg9[%dma_start3A, %dma_start3A_285] : memref<96x128xf32, #tpu.memory_space<vmem>> -> memref<64x128xf32, #tpu.memory_space<vmem>>
      %dma_start3A_287 = arith.constant 0 : i32
      %dma_start3A_288 = tpu.memref_slice %arg10[%mul3A_140, %dma_start3A_287] : memref<10240x128xf32, #tpu.memory_space<vmem_shared>> -> memref<64x128xf32, #tpu.memory_space<vmem_shared>>
      %dma_start3A_289 = arith.constant 0 : i32
      %dma_start3A_290 = arith.constant 0 : i32
      %dma_start3A_291 = tpu.memref_slice %arg9[%dma_start3A_289, %dma_start3A_290] : memref<96x128xf32, #tpu.memory_space<vmem>> -> memref<64x128xf32, #tpu.memory_space<vmem>>
      %dma_start3A_292 = arith.constant 0 : i32
      %dma_start3A_293 = tpu.memref_slice %arg10[%mul3A_140, %dma_start3A_292] : memref<10240x128xf32, #tpu.memory_space<vmem_shared>> -> memref<64x128xf32, #tpu.memory_space<vmem_shared>>
      tpu.enqueue_dma source(%dma_start3A_293 : memref<64x128xf32, #tpu.memory_space<vmem_shared>>) target(%dma_start3A_291 : memref<64x128xf32, #tpu.memory_space<vmem>>) target_semaphore(%run_scoped3A : memref<!tpu.dma_semaphore, #tpu.memory_space<semaphore_mem>>)
      %dma_wait3A = arith.constant 0 : i32
      %dma_wait3A_294 = arith.constant 0 : i32
      %dma_wait3A_295 = tpu.memref_slice %arg9[%dma_wait3A, %dma_wait3A_294] : memref<96x128xf32, #tpu.memory_space<vmem>> -> memref<64x128xf32, #tpu.memory_space<vmem>>
      %dma_wait3A_296 = arith.constant 0 : i32
      %dma_wait3A_297 = tpu.memref_slice %arg10[%mul3A_140, %dma_wait3A_296] : memref<10240x128xf32, #tpu.memory_space<vmem_shared>> -> memref<64x128xf32, #tpu.memory_space<vmem_shared>>
      %dma_wait3A_298 = arith.constant 0 : i32
      %dma_wait3A_299 = arith.constant 0 : i32
      %dma_wait3A_300 = tpu.memref_slice %arg9[%dma_wait3A_298, %dma_wait3A_299] : memref<96x128xf32, #tpu.memory_space<vmem>> -> memref<64x128xf32, #tpu.memory_space<vmem>>
      %dma_wait3A_301 = arith.constant 0 : i32
      %dma_wait3A_302 = tpu.memref_slice %arg10[%mul3A_140, %dma_wait3A_301] : memref<10240x128xf32, #tpu.memory_space<vmem_shared>> -> memref<64x128xf32, #tpu.memory_space<vmem_shared>>
      tpu.wait_dma2 semaphore(%run_scoped3A : memref<!tpu.dma_semaphore, #tpu.memory_space<semaphore_mem>>) src(%dma_wait3A_302 : memref<64x128xf32, #tpu.memory_space<vmem_shared>>) dst(%dma_wait3A_300 : memref<64x128xf32, #tpu.memory_space<vmem>>)
      tpu.yield
    }) : () -> ()
    "tpu.region"() ({
      %run_scoped3A = tpu.sem_alloc : memref<!tpu.dma_semaphore, #tpu.memory_space<semaphore_mem>>
      %dma_start3A = arith.constant 0 : i32
      %dma_start3A_285 = arith.constant 0 : i32
      %dma_start3A_286 = tpu.memref_slice %arg9[%dma_start3A, %dma_start3A_285] : memref<96x128xf32, #tpu.memory_space<vmem>> -> memref<64x128xf32, #tpu.memory_space<vmem>>
      %dma_start3A_287 = arith.constant 0 : i32
      %dma_start3A_288 = tpu.memref_slice %arg6[%arg0, %mul3A_140, %dma_start3A_287] : memref<2x10240x128xf32, #tpu.memory_space<hbm>> -> memref<1x64x128xf32, #tpu.memory_space<hbm>>
      %dma_start3A_289 = tpu.memref_squeeze %dma_start3A_288 : memref<1x64x128xf32, #tpu.memory_space<hbm>> -> memref<64x128xf32, #tpu.memory_space<hbm>>
      %dma_start3A_290 = arith.constant 0 : i32
      %dma_start3A_291 = tpu.memref_slice %arg6[%arg0, %mul3A_140, %dma_start3A_290] : memref<2x10240x128xf32, #tpu.memory_space<hbm>> -> memref<1x64x128xf32, #tpu.memory_space<hbm>>
      %dma_start3A_292 = tpu.memref_squeeze %dma_start3A_291 : memref<1x64x128xf32, #tpu.memory_space<hbm>> -> memref<64x128xf32, #tpu.memory_space<hbm>>
      %dma_start3A_293 = arith.constant 0 : i32
      %dma_start3A_294 = arith.constant 0 : i32
      %dma_start3A_295 = tpu.memref_slice %arg9[%dma_start3A_293, %dma_start3A_294] : memref<96x128xf32, #tpu.memory_space<vmem>> -> memref<64x128xf32, #tpu.memory_space<vmem>>
      tpu.enqueue_dma source(%dma_start3A_295 : memref<64x128xf32, #tpu.memory_space<vmem>>) target(%dma_start3A_292 : memref<64x128xf32, #tpu.memory_space<hbm>>) target_semaphore(%run_scoped3A : memref<!tpu.dma_semaphore, #tpu.memory_space<semaphore_mem>>)
      %dma_wait3A = arith.constant 0 : i32
      %dma_wait3A_296 = arith.constant 0 : i32
      %dma_wait3A_297 = tpu.memref_slice %arg9[%dma_wait3A, %dma_wait3A_296] : memref<96x128xf32, #tpu.memory_space<vmem>> -> memref<64x128xf32, #tpu.memory_space<vmem>>
      %dma_wait3A_298 = arith.constant 0 : i32
      %dma_wait3A_299 = tpu.memref_slice %arg6[%arg0, %mul3A_140, %dma_wait3A_298] : memref<2x10240x128xf32, #tpu.memory_space<hbm>> -> memref<1x64x128xf32, #tpu.memory_space<hbm>>
      %dma_wait3A_300 = tpu.memref_squeeze %dma_wait3A_299 : memref<1x64x128xf32, #tpu.memory_space<hbm>> -> memref<64x128xf32, #tpu.memory_space<hbm>>
      %dma_wait3A_301 = arith.constant 0 : i32
      %dma_wait3A_302 = tpu.memref_slice %arg6[%arg0, %mul3A_140, %dma_wait3A_301] : memref<2x10240x128xf32, #tpu.memory_space<hbm>> -> memref<1x64x128xf32, #tpu.memory_space<hbm>>
      %dma_wait3A_303 = tpu.memref_squeeze %dma_wait3A_302 : memref<1x64x128xf32, #tpu.memory_space<hbm>> -> memref<64x128xf32, #tpu.memory_space<hbm>>
      %dma_wait3A_304 = arith.constant 0 : i32
      %dma_wait3A_305 = arith.constant 0 : i32
      %dma_wait3A_306 = tpu.memref_slice %arg9[%dma_wait3A_304, %dma_wait3A_305] : memref<96x128xf32, #tpu.memory_space<vmem>> -> memref<64x128xf32, #tpu.memory_space<vmem>>
      tpu.wait_dma2 semaphore(%run_scoped3A : memref<!tpu.dma_semaphore, #tpu.memory_space<semaphore_mem>>) src(%dma_wait3A_306 : memref<64x128xf32, #tpu.memory_space<vmem>>) dst(%dma_wait3A_303 : memref<64x128xf32, #tpu.memory_space<hbm>>)
      tpu.yield
    }) : () -> ()
    %mul3A_141 = arith.constant 10 : i32
    %mul3A_142 = arith.muli %arg1, %mul3A_141 : i32
    %add3A_143 = arith.constant 9 : i32
    %add3A_144 = arith.addi %mul3A_142, %add3A_143 : i32
    %mul3A_145 = arith.constant 64 : i32
    %mul3A_146 = arith.muli %add3A_144, %mul3A_145 : i32
    "tpu.region"() ({
      %run_scoped3A = tpu.sem_alloc : memref<!tpu.dma_semaphore, #tpu.memory_space<semaphore_mem>>
      %dma_start3A = arith.constant 0 : i32
      %dma_start3A_285 = arith.constant 0 : i32
      %dma_start3A_286 = tpu.memref_slice %arg9[%dma_start3A, %dma_start3A_285] : memref<96x128xf32, #tpu.memory_space<vmem>> -> memref<64x128xf32, #tpu.memory_space<vmem>>
      %dma_start3A_287 = arith.constant 0 : i32
      %dma_start3A_288 = tpu.memref_slice %arg10[%mul3A_146, %dma_start3A_287] : memref<10240x128xf32, #tpu.memory_space<vmem_shared>> -> memref<64x128xf32, #tpu.memory_space<vmem_shared>>
      %dma_start3A_289 = arith.constant 0 : i32
      %dma_start3A_290 = arith.constant 0 : i32
      %dma_start3A_291 = tpu.memref_slice %arg9[%dma_start3A_289, %dma_start3A_290] : memref<96x128xf32, #tpu.memory_space<vmem>> -> memref<64x128xf32, #tpu.memory_space<vmem>>
      %dma_start3A_292 = arith.constant 0 : i32
      %dma_start3A_293 = tpu.memref_slice %arg10[%mul3A_146, %dma_start3A_292] : memref<10240x128xf32, #tpu.memory_space<vmem_shared>> -> memref<64x128xf32, #tpu.memory_space<vmem_shared>>
      tpu.enqueue_dma source(%dma_start3A_293 : memref<64x128xf32, #tpu.memory_space<vmem_shared>>) target(%dma_start3A_291 : memref<64x128xf32, #tpu.memory_space<vmem>>) target_semaphore(%run_scoped3A : memref<!tpu.dma_semaphore, #tpu.memory_space<semaphore_mem>>)
      %dma_wait3A = arith.constant 0 : i32
      %dma_wait3A_294 = arith.constant 0 : i32
      %dma_wait3A_295 = tpu.memref_slice %arg9[%dma_wait3A, %dma_wait3A_294] : memref<96x128xf32, #tpu.memory_space<vmem>> -> memref<64x128xf32, #tpu.memory_space<vmem>>
      %dma_wait3A_296 = arith.constant 0 : i32
      %dma_wait3A_297 = tpu.memref_slice %arg10[%mul3A_146, %dma_wait3A_296] : memref<10240x128xf32, #tpu.memory_space<vmem_shared>> -> memref<64x128xf32, #tpu.memory_space<vmem_shared>>
      %dma_wait3A_298 = arith.constant 0 : i32
      %dma_wait3A_299 = arith.constant 0 : i32
      %dma_wait3A_300 = tpu.memref_slice %arg9[%dma_wait3A_298, %dma_wait3A_299] : memref<96x128xf32, #tpu.memory_space<vmem>> -> memref<64x128xf32, #tpu.memory_space<vmem>>
      %dma_wait3A_301 = arith.constant 0 : i32
      %dma_wait3A_302 = tpu.memref_slice %arg10[%mul3A_146, %dma_wait3A_301] : memref<10240x128xf32, #tpu.memory_space<vmem_shared>> -> memref<64x128xf32, #tpu.memory_space<vmem_shared>>
      tpu.wait_dma2 semaphore(%run_scoped3A : memref<!tpu.dma_semaphore, #tpu.memory_space<semaphore_mem>>) src(%dma_wait3A_302 : memref<64x128xf32, #tpu.memory_space<vmem_shared>>) dst(%dma_wait3A_300 : memref<64x128xf32, #tpu.memory_space<vmem>>)
      tpu.yield
    }) : () -> ()
    "tpu.region"() ({
      %run_scoped3A = tpu.sem_alloc : memref<!tpu.dma_semaphore, #tpu.memory_space<semaphore_mem>>
      %dma_start3A = arith.constant 0 : i32
      %dma_start3A_285 = arith.constant 0 : i32
      %dma_start3A_286 = tpu.memref_slice %arg9[%dma_start3A, %dma_start3A_285] : memref<96x128xf32, #tpu.memory_space<vmem>> -> memref<64x128xf32, #tpu.memory_space<vmem>>
      %dma_start3A_287 = arith.constant 0 : i32
      %dma_start3A_288 = tpu.memref_slice %arg6[%arg0, %mul3A_146, %dma_start3A_287] : memref<2x10240x128xf32, #tpu.memory_space<hbm>> -> memref<1x64x128xf32, #tpu.memory_space<hbm>>
      %dma_start3A_289 = tpu.memref_squeeze %dma_start3A_288 : memref<1x64x128xf32, #tpu.memory_space<hbm>> -> memref<64x128xf32, #tpu.memory_space<hbm>>
      %dma_start3A_290 = arith.constant 0 : i32
      %dma_start3A_291 = tpu.memref_slice %arg6[%arg0, %mul3A_146, %dma_start3A_290] : memref<2x10240x128xf32, #tpu.memory_space<hbm>> -> memref<1x64x128xf32, #tpu.memory_space<hbm>>
      %dma_start3A_292 = tpu.memref_squeeze %dma_start3A_291 : memref<1x64x128xf32, #tpu.memory_space<hbm>> -> memref<64x128xf32, #tpu.memory_space<hbm>>
      %dma_start3A_293 = arith.constant 0 : i32
      %dma_start3A_294 = arith.constant 0 : i32
      %dma_start3A_295 = tpu.memref_slice %arg9[%dma_start3A_293, %dma_start3A_294] : memref<96x128xf32, #tpu.memory_space<vmem>> -> memref<64x128xf32, #tpu.memory_space<vmem>>
      tpu.enqueue_dma source(%dma_start3A_295 : memref<64x128xf32, #tpu.memory_space<vmem>>) target(%dma_start3A_292 : memref<64x128xf32, #tpu.memory_space<hbm>>) target_semaphore(%run_scoped3A : memref<!tpu.dma_semaphore, #tpu.memory_space<semaphore_mem>>)
      %dma_wait3A = arith.constant 0 : i32
      %dma_wait3A_296 = arith.constant 0 : i32
      %dma_wait3A_297 = tpu.memref_slice %arg9[%dma_wait3A, %dma_wait3A_296] : memref<96x128xf32, #tpu.memory_space<vmem>> -> memref<64x128xf32, #tpu.memory_space<vmem>>
      %dma_wait3A_298 = arith.constant 0 : i32
      %dma_wait3A_299 = tpu.memref_slice %arg6[%arg0, %mul3A_146, %dma_wait3A_298] : memref<2x10240x128xf32, #tpu.memory_space<hbm>> -> memref<1x64x128xf32, #tpu.memory_space<hbm>>
      %dma_wait3A_300 = tpu.memref_squeeze %dma_wait3A_299 : memref<1x64x128xf32, #tpu.memory_space<hbm>> -> memref<64x128xf32, #tpu.memory_space<hbm>>
      %dma_wait3A_301 = arith.constant 0 : i32
      %dma_wait3A_302 = tpu.memref_slice %arg6[%arg0, %mul3A_146, %dma_wait3A_301] : memref<2x10240x128xf32, #tpu.memory_space<hbm>> -> memref<1x64x128xf32, #tpu.memory_space<hbm>>
      %dma_wait3A_303 = tpu.memref_squeeze %dma_wait3A_302 : memref<1x64x128xf32, #tpu.memory_space<hbm>> -> memref<64x128xf32, #tpu.memory_space<hbm>>
      %dma_wait3A_304 = arith.constant 0 : i32
      %dma_wait3A_305 = arith.constant 0 : i32
      %dma_wait3A_306 = tpu.memref_slice %arg9[%dma_wait3A_304, %dma_wait3A_305] : memref<96x128xf32, #tpu.memory_space<vmem>> -> memref<64x128xf32, #tpu.memory_space<vmem>>
      tpu.wait_dma2 semaphore(%run_scoped3A : memref<!tpu.dma_semaphore, #tpu.memory_space<semaphore_mem>>) src(%dma_wait3A_306 : memref<64x128xf32, #tpu.memory_space<vmem>>) dst(%dma_wait3A_303 : memref<64x128xf32, #tpu.memory_space<hbm>>)
      tpu.yield
    }) : () -> ()
    %broadcast_in_dim3A_147 = arith.constant 0.000000e+00 : f32
    %broadcast_in_dim3A_148 = vector.broadcast %broadcast_in_dim3A_147 : f32 to vector<16xf32>
    %scan3A_149 = arith.constant 0 : i32
    %scan3A_150 = arith.constant 0 : i32
    %scan3A_151 = arith.constant 96 : i32
    %scan3A_152 = arith.addi %scan3A_150, %scan3A_151 : i32
    %scan3A_153 = arith.constant 1 : i32
    %scan3A_154 = scf.for %scan3A_285 = %scan3A_150 to %scan3A_152 step %scan3A_153 iter_args(%scan3A_286 = %scan3A_149) -> (i32)  : i32 {
      %swap3A = arith.index_cast %scan3A_285 : i32 to index
      %swap3A_287 = arith.constant 0 : index
      %swap3A_288 = tpu.vector_load %arg9[%swap3A, %swap3A_287] {strides = array<i32>} : memref<96x128xf32, #tpu.memory_space<vmem>>, vector<1x16xf32>,
      %swap3A_289 = vector.shape_cast %swap3A_288 : vector<1x16xf32> to vector<16xf32>
      %swap3A_290 = vector.shape_cast %broadcast_in_dim3A_148 : vector<16xf32> to vector<1x16xf32>
      tpu.vector_store %arg9[%swap3A, %swap3A_287], %swap3A_290 {strides = array<i32>} : memref<96x128xf32, #tpu.memory_space<vmem>>, vector<1x16xf32>,
      %swap3A_291 = arith.index_cast %scan3A_285 : i32 to index
      %swap3A_292 = arith.constant 16 : index
      %swap3A_293 = tpu.vector_load %arg9[%swap3A_291, %swap3A_292] {strides = array<i32>} : memref<96x128xf32, #tpu.memory_space<vmem>>, vector<1x16xf32>,
      %swap3A_294 = vector.shape_cast %swap3A_293 : vector<1x16xf32> to vector<16xf32>
      %swap3A_295 = vector.shape_cast %broadcast_in_dim3A_148 : vector<16xf32> to vector<1x16xf32>
      tpu.vector_store %arg9[%swap3A_291, %swap3A_292], %swap3A_295 {strides = array<i32>} : memref<96x128xf32, #tpu.memory_space<vmem>>, vector<1x16xf32>,
      %swap3A_296 = arith.index_cast %scan3A_285 : i32 to index
      %swap3A_297 = arith.constant 32 : index
      %swap3A_298 = tpu.vector_load %arg9[%swap3A_296, %swap3A_297] {strides = array<i32>} : memref<96x128xf32, #tpu.memory_space<vmem>>, vector<1x16xf32>,
      %swap3A_299 = vector.shape_cast %swap3A_298 : vector<1x16xf32> to vector<16xf32>
      %swap3A_300 = vector.shape_cast %broadcast_in_dim3A_148 : vector<16xf32> to vector<1x16xf32>
      tpu.vector_store %arg9[%swap3A_296, %swap3A_297], %swap3A_300 {strides = array<i32>} : memref<96x128xf32, #tpu.memory_space<vmem>>, vector<1x16xf32>,
      %swap3A_301 = arith.index_cast %scan3A_285 : i32 to index
      %swap3A_302 = arith.constant 48 : index
      %swap3A_303 = tpu.vector_load %arg9[%swap3A_301, %swap3A_302] {strides = array<i32>} : memref<96x128xf32, #tpu.memory_space<vmem>>, vector<1x16xf32>,
      %swap3A_304 = vector.shape_cast %swap3A_303 : vector<1x16xf32> to vector<16xf32>
      %swap3A_305 = vector.shape_cast %broadcast_in_dim3A_148 : vector<16xf32> to vector<1x16xf32>
      tpu.vector_store %arg9[%swap3A_301, %swap3A_302], %swap3A_305 {strides = array<i32>} : memref<96x128xf32, #tpu.memory_space<vmem>>, vector<1x16xf32>,
      %swap3A_306 = arith.index_cast %scan3A_285 : i32 to index
      %swap3A_307 = arith.constant 64 : index
      %swap3A_308 = tpu.vector_load %arg9[%swap3A_306, %swap3A_307] {strides = array<i32>} : memref<96x128xf32, #tpu.memory_space<vmem>>, vector<1x16xf32>,
      %swap3A_309 = vector.shape_cast %swap3A_308 : vector<1x16xf32> to vector<16xf32>
      %swap3A_310 = vector.shape_cast %broadcast_in_dim3A_148 : vector<16xf32> to vector<1x16xf32>
      tpu.vector_store %arg9[%swap3A_306, %swap3A_307], %swap3A_310 {strides = array<i32>} : memref<96x128xf32, #tpu.memory_space<vmem>>, vector<1x16xf32>,
      %swap3A_311 = arith.index_cast %scan3A_285 : i32 to index
      %swap3A_312 = arith.constant 80 : index
      %swap3A_313 = tpu.vector_load %arg9[%swap3A_311, %swap3A_312] {strides = array<i32>} : memref<96x128xf32, #tpu.memory_space<vmem>>, vector<1x16xf32>,
      %swap3A_314 = vector.shape_cast %swap3A_313 : vector<1x16xf32> to vector<16xf32>
      %swap3A_315 = vector.shape_cast %broadcast_in_dim3A_148 : vector<16xf32> to vector<1x16xf32>
      tpu.vector_store %arg9[%swap3A_311, %swap3A_312], %swap3A_315 {strides = array<i32>} : memref<96x128xf32, #tpu.memory_space<vmem>>, vector<1x16xf32>,
      %swap3A_316 = arith.index_cast %scan3A_285 : i32 to index
      %swap3A_317 = arith.constant 96 : index
      %swap3A_318 = tpu.vector_load %arg9[%swap3A_316, %swap3A_317] {strides = array<i32>} : memref<96x128xf32, #tpu.memory_space<vmem>>, vector<1x16xf32>,
      %swap3A_319 = vector.shape_cast %swap3A_318 : vector<1x16xf32> to vector<16xf32>
      %swap3A_320 = vector.shape_cast %broadcast_in_dim3A_148 : vector<16xf32> to vector<1x16xf32>
      tpu.vector_store %arg9[%swap3A_316, %swap3A_317], %swap3A_320 {strides = array<i32>} : memref<96x128xf32, #tpu.memory_space<vmem>>, vector<1x16xf32>,
      %swap3A_321 = arith.index_cast %scan3A_285 : i32 to index
      %swap3A_322 = arith.constant 112 : index
      %swap3A_323 = tpu.vector_load %arg9[%swap3A_321, %swap3A_322] {strides = array<i32>} : memref<96x128xf32, #tpu.memory_space<vmem>>, vector<1x16xf32>,
      %swap3A_324 = vector.shape_cast %swap3A_323 : vector<1x16xf32> to vector<16xf32>
      %swap3A_325 = vector.shape_cast %broadcast_in_dim3A_148 : vector<16xf32> to vector<1x16xf32>
      tpu.vector_store %arg9[%swap3A_321, %swap3A_322], %swap3A_325 {strides = array<i32>} : memref<96x128xf32, #tpu.memory_space<vmem>>, vector<1x16xf32>,
      %scan3A_326 = arith.constant 0 : i32
      scf.yield %scan3A_326 : i32
    }
    %scan3A_155 = arith.constant 96 : i32
    %mul3A_156 = arith.constant 10 : i32
    %mul3A_157 = arith.muli %arg1, %mul3A_156 : i32
    %add3A_158 = arith.constant 0 : i32
    %add3A_159 = arith.addi %mul3A_157, %add3A_158 : i32
    %mul3A_160 = arith.constant 64 : i32
    %mul3A_161 = arith.muli %add3A_159, %mul3A_160 : i32
    "tpu.region"() ({
      %run_scoped3A = tpu.sem_alloc : memref<!tpu.dma_semaphore, #tpu.memory_space<semaphore_mem>>
      %dma_start3A = arith.constant 0 : i32
      %dma_start3A_285 = arith.constant 0 : i32
      %dma_start3A_286 = tpu.memref_slice %arg9[%dma_start3A, %dma_start3A_285] : memref<96x128xf32, #tpu.memory_space<vmem>> -> memref<64x128xf32, #tpu.memory_space<vmem>>
      %dma_start3A_287 = arith.constant 0 : i32
      %dma_start3A_288 = tpu.memref_slice %arg10[%mul3A_161, %dma_start3A_287] : memref<10240x128xf32, #tpu.memory_space<vmem_shared>> -> memref<64x128xf32, #tpu.memory_space<vmem_shared>>
      %dma_start3A_289 = arith.constant 0 : i32
      %dma_start3A_290 = tpu.memref_slice %arg10[%mul3A_161, %dma_start3A_289] : memref<10240x128xf32, #tpu.memory_space<vmem_shared>> -> memref<64x128xf32, #tpu.memory_space<vmem_shared>>
      %dma_start3A_291 = arith.constant 0 : i32
      %dma_start3A_292 = arith.constant 0 : i32
      %dma_start3A_293 = tpu.memref_slice %arg9[%dma_start3A_291, %dma_start3A_292] : memref<96x128xf32, #tpu.memory_space<vmem>> -> memref<64x128xf32, #tpu.memory_space<vmem>>
      tpu.enqueue_dma source(%dma_start3A_293 : memref<64x128xf32, #tpu.memory_space<vmem>>) target(%dma_start3A_290 : memref<64x128xf32, #tpu.memory_space<vmem_shared>>) target_semaphore(%run_scoped3A : memref<!tpu.dma_semaphore, #tpu.memory_space<semaphore_mem>>)
      %dma_wait3A = arith.constant 0 : i32
      %dma_wait3A_294 = arith.constant 0 : i32
      %dma_wait3A_295 = tpu.memref_slice %arg9[%dma_wait3A, %dma_wait3A_294] : memref<96x128xf32, #tpu.memory_space<vmem>> -> memref<64x128xf32, #tpu.memory_space<vmem>>
      %dma_wait3A_296 = arith.constant 0 : i32
      %dma_wait3A_297 = tpu.memref_slice %arg10[%mul3A_161, %dma_wait3A_296] : memref<10240x128xf32, #tpu.memory_space<vmem_shared>> -> memref<64x128xf32, #tpu.memory_space<vmem_shared>>
      %dma_wait3A_298 = arith.constant 0 : i32
      %dma_wait3A_299 = tpu.memref_slice %arg10[%mul3A_161, %dma_wait3A_298] : memref<10240x128xf32, #tpu.memory_space<vmem_shared>> -> memref<64x128xf32, #tpu.memory_space<vmem_shared>>
      %dma_wait3A_300 = arith.constant 0 : i32
      %dma_wait3A_301 = arith.constant 0 : i32
      %dma_wait3A_302 = tpu.memref_slice %arg9[%dma_wait3A_300, %dma_wait3A_301] : memref<96x128xf32, #tpu.memory_space<vmem>> -> memref<64x128xf32, #tpu.memory_space<vmem>>
      tpu.wait_dma2 semaphore(%run_scoped3A : memref<!tpu.dma_semaphore, #tpu.memory_space<semaphore_mem>>) src(%dma_wait3A_302 : memref<64x128xf32, #tpu.memory_space<vmem>>) dst(%dma_wait3A_299 : memref<64x128xf32, #tpu.memory_space<vmem_shared>>)
      tpu.yield
    }) : () -> ()
    %mul3A_162 = arith.constant 10 : i32
    %mul3A_163 = arith.muli %arg1, %mul3A_162 : i32
    %add3A_164 = arith.constant 1 : i32
    %add3A_165 = arith.addi %mul3A_163, %add3A_164 : i32
    %mul3A_166 = arith.constant 64 : i32
    %mul3A_167 = arith.muli %add3A_165, %mul3A_166 : i32
    "tpu.region"() ({
      %run_scoped3A = tpu.sem_alloc : memref<!tpu.dma_semaphore, #tpu.memory_space<semaphore_mem>>
      %dma_start3A = arith.constant 0 : i32
      %dma_start3A_285 = arith.constant 0 : i32
      %dma_start3A_286 = tpu.memref_slice %arg9[%dma_start3A, %dma_start3A_285] : memref<96x128xf32, #tpu.memory_space<vmem>> -> memref<64x128xf32, #tpu.memory_space<vmem>>
      %dma_start3A_287 = arith.constant 0 : i32
      %dma_start3A_288 = tpu.memref_slice %arg10[%mul3A_167, %dma_start3A_287] : memref<10240x128xf32, #tpu.memory_space<vmem_shared>> -> memref<64x128xf32, #tpu.memory_space<vmem_shared>>
      %dma_start3A_289 = arith.constant 0 : i32
      %dma_start3A_290 = tpu.memref_slice %arg10[%mul3A_167, %dma_start3A_289] : memref<10240x128xf32, #tpu.memory_space<vmem_shared>> -> memref<64x128xf32, #tpu.memory_space<vmem_shared>>
      %dma_start3A_291 = arith.constant 0 : i32
      %dma_start3A_292 = arith.constant 0 : i32
      %dma_start3A_293 = tpu.memref_slice %arg9[%dma_start3A_291, %dma_start3A_292] : memref<96x128xf32, #tpu.memory_space<vmem>> -> memref<64x128xf32, #tpu.memory_space<vmem>>
      tpu.enqueue_dma source(%dma_start3A_293 : memref<64x128xf32, #tpu.memory_space<vmem>>) target(%dma_start3A_290 : memref<64x128xf32, #tpu.memory_space<vmem_shared>>) target_semaphore(%run_scoped3A : memref<!tpu.dma_semaphore, #tpu.memory_space<semaphore_mem>>)
      %dma_wait3A = arith.constant 0 : i32
      %dma_wait3A_294 = arith.constant 0 : i32
      %dma_wait3A_295 = tpu.memref_slice %arg9[%dma_wait3A, %dma_wait3A_294] : memref<96x128xf32, #tpu.memory_space<vmem>> -> memref<64x128xf32, #tpu.memory_space<vmem>>
      %dma_wait3A_296 = arith.constant 0 : i32
      %dma_wait3A_297 = tpu.memref_slice %arg10[%mul3A_167, %dma_wait3A_296] : memref<10240x128xf32, #tpu.memory_space<vmem_shared>> -> memref<64x128xf32, #tpu.memory_space<vmem_shared>>
      %dma_wait3A_298 = arith.constant 0 : i32
      %dma_wait3A_299 = tpu.memref_slice %arg10[%mul3A_167, %dma_wait3A_298] : memref<10240x128xf32, #tpu.memory_space<vmem_shared>> -> memref<64x128xf32, #tpu.memory_space<vmem_shared>>
      %dma_wait3A_300 = arith.constant 0 : i32
      %dma_wait3A_301 = arith.constant 0 : i32
      %dma_wait3A_302 = tpu.memref_slice %arg9[%dma_wait3A_300, %dma_wait3A_301] : memref<96x128xf32, #tpu.memory_space<vmem>> -> memref<64x128xf32, #tpu.memory_space<vmem>>
      tpu.wait_dma2 semaphore(%run_scoped3A : memref<!tpu.dma_semaphore, #tpu.memory_space<semaphore_mem>>) src(%dma_wait3A_302 : memref<64x128xf32, #tpu.memory_space<vmem>>) dst(%dma_wait3A_299 : memref<64x128xf32, #tpu.memory_space<vmem_shared>>)
      tpu.yield
    }) : () -> ()
    %mul3A_168 = arith.constant 10 : i32
    %mul3A_169 = arith.muli %arg1, %mul3A_168 : i32
    %add3A_170 = arith.constant 2 : i32
    %add3A_171 = arith.addi %mul3A_169, %add3A_170 : i32
    %mul3A_172 = arith.constant 64 : i32
    %mul3A_173 = arith.muli %add3A_171, %mul3A_172 : i32
    "tpu.region"() ({
      %run_scoped3A = tpu.sem_alloc : memref<!tpu.dma_semaphore, #tpu.memory_space<semaphore_mem>>
      %dma_start3A = arith.constant 0 : i32
      %dma_start3A_285 = arith.constant 0 : i32
      %dma_start3A_286 = tpu.memref_slice %arg9[%dma_start3A, %dma_start3A_285] : memref<96x128xf32, #tpu.memory_space<vmem>> -> memref<64x128xf32, #tpu.memory_space<vmem>>
      %dma_start3A_287 = arith.constant 0 : i32
      %dma_start3A_288 = tpu.memref_slice %arg10[%mul3A_173, %dma_start3A_287] : memref<10240x128xf32, #tpu.memory_space<vmem_shared>> -> memref<64x128xf32, #tpu.memory_space<vmem_shared>>
      %dma_start3A_289 = arith.constant 0 : i32
      %dma_start3A_290 = tpu.memref_slice %arg10[%mul3A_173, %dma_start3A_289] : memref<10240x128xf32, #tpu.memory_space<vmem_shared>> -> memref<64x128xf32, #tpu.memory_space<vmem_shared>>
      %dma_start3A_291 = arith.constant 0 : i32
      %dma_start3A_292 = arith.constant 0 : i32
      %dma_start3A_293 = tpu.memref_slice %arg9[%dma_start3A_291, %dma_start3A_292] : memref<96x128xf32, #tpu.memory_space<vmem>> -> memref<64x128xf32, #tpu.memory_space<vmem>>
      tpu.enqueue_dma source(%dma_start3A_293 : memref<64x128xf32, #tpu.memory_space<vmem>>) target(%dma_start3A_290 : memref<64x128xf32, #tpu.memory_space<vmem_shared>>) target_semaphore(%run_scoped3A : memref<!tpu.dma_semaphore, #tpu.memory_space<semaphore_mem>>)
      %dma_wait3A = arith.constant 0 : i32
      %dma_wait3A_294 = arith.constant 0 : i32
      %dma_wait3A_295 = tpu.memref_slice %arg9[%dma_wait3A, %dma_wait3A_294] : memref<96x128xf32, #tpu.memory_space<vmem>> -> memref<64x128xf32, #tpu.memory_space<vmem>>
      %dma_wait3A_296 = arith.constant 0 : i32
      %dma_wait3A_297 = tpu.memref_slice %arg10[%mul3A_173, %dma_wait3A_296] : memref<10240x128xf32, #tpu.memory_space<vmem_shared>> -> memref<64x128xf32, #tpu.memory_space<vmem_shared>>
      %dma_wait3A_298 = arith.constant 0 : i32
      %dma_wait3A_299 = tpu.memref_slice %arg10[%mul3A_173, %dma_wait3A_298] : memref<10240x128xf32, #tpu.memory_space<vmem_shared>> -> memref<64x128xf32, #tpu.memory_space<vmem_shared>>
      %dma_wait3A_300 = arith.constant 0 : i32
      %dma_wait3A_301 = arith.constant 0 : i32
      %dma_wait3A_302 = tpu.memref_slice %arg9[%dma_wait3A_300, %dma_wait3A_301] : memref<96x128xf32, #tpu.memory_space<vmem>> -> memref<64x128xf32, #tpu.memory_space<vmem>>
      tpu.wait_dma2 semaphore(%run_scoped3A : memref<!tpu.dma_semaphore, #tpu.memory_space<semaphore_mem>>) src(%dma_wait3A_302 : memref<64x128xf32, #tpu.memory_space<vmem>>) dst(%dma_wait3A_299 : memref<64x128xf32, #tpu.memory_space<vmem_shared>>)
      tpu.yield
    }) : () -> ()
    %mul3A_174 = arith.constant 10 : i32
    %mul3A_175 = arith.muli %arg1, %mul3A_174 : i32
    %add3A_176 = arith.constant 3 : i32
    %add3A_177 = arith.addi %mul3A_175, %add3A_176 : i32
    %mul3A_178 = arith.constant 64 : i32
    %mul3A_179 = arith.muli %add3A_177, %mul3A_178 : i32
    "tpu.region"() ({
      %run_scoped3A = tpu.sem_alloc : memref<!tpu.dma_semaphore, #tpu.memory_space<semaphore_mem>>
      %dma_start3A = arith.constant 0 : i32
      %dma_start3A_285 = arith.constant 0 : i32
      %dma_start3A_286 = tpu.memref_slice %arg9[%dma_start3A, %dma_start3A_285] : memref<96x128xf32, #tpu.memory_space<vmem>> -> memref<64x128xf32, #tpu.memory_space<vmem>>
      %dma_start3A_287 = arith.constant 0 : i32
      %dma_start3A_288 = tpu.memref_slice %arg10[%mul3A_179, %dma_start3A_287] : memref<10240x128xf32, #tpu.memory_space<vmem_shared>> -> memref<64x128xf32, #tpu.memory_space<vmem_shared>>
      %dma_start3A_289 = arith.constant 0 : i32
      %dma_start3A_290 = tpu.memref_slice %arg10[%mul3A_179, %dma_start3A_289] : memref<10240x128xf32, #tpu.memory_space<vmem_shared>> -> memref<64x128xf32, #tpu.memory_space<vmem_shared>>
      %dma_start3A_291 = arith.constant 0 : i32
      %dma_start3A_292 = arith.constant 0 : i32
      %dma_start3A_293 = tpu.memref_slice %arg9[%dma_start3A_291, %dma_start3A_292] : memref<96x128xf32, #tpu.memory_space<vmem>> -> memref<64x128xf32, #tpu.memory_space<vmem>>
      tpu.enqueue_dma source(%dma_start3A_293 : memref<64x128xf32, #tpu.memory_space<vmem>>) target(%dma_start3A_290 : memref<64x128xf32, #tpu.memory_space<vmem_shared>>) target_semaphore(%run_scoped3A : memref<!tpu.dma_semaphore, #tpu.memory_space<semaphore_mem>>)
      %dma_wait3A = arith.constant 0 : i32
      %dma_wait3A_294 = arith.constant 0 : i32
      %dma_wait3A_295 = tpu.memref_slice %arg9[%dma_wait3A, %dma_wait3A_294] : memref<96x128xf32, #tpu.memory_space<vmem>> -> memref<64x128xf32, #tpu.memory_space<vmem>>
      %dma_wait3A_296 = arith.constant 0 : i32
      %dma_wait3A_297 = tpu.memref_slice %arg10[%mul3A_179, %dma_wait3A_296] : memref<10240x128xf32, #tpu.memory_space<vmem_shared>> -> memref<64x128xf32, #tpu.memory_space<vmem_shared>>
      %dma_wait3A_298 = arith.constant 0 : i32
      %dma_wait3A_299 = tpu.memref_slice %arg10[%mul3A_179, %dma_wait3A_298] : memref<10240x128xf32, #tpu.memory_space<vmem_shared>> -> memref<64x128xf32, #tpu.memory_space<vmem_shared>>
      %dma_wait3A_300 = arith.constant 0 : i32
      %dma_wait3A_301 = arith.constant 0 : i32
      %dma_wait3A_302 = tpu.memref_slice %arg9[%dma_wait3A_300, %dma_wait3A_301] : memref<96x128xf32, #tpu.memory_space<vmem>> -> memref<64x128xf32, #tpu.memory_space<vmem>>
      tpu.wait_dma2 semaphore(%run_scoped3A : memref<!tpu.dma_semaphore, #tpu.memory_space<semaphore_mem>>) src(%dma_wait3A_302 : memref<64x128xf32, #tpu.memory_space<vmem>>) dst(%dma_wait3A_299 : memref<64x128xf32, #tpu.memory_space<vmem_shared>>)
      tpu.yield
    }) : () -> ()
    %mul3A_180 = arith.constant 10 : i32
    %mul3A_181 = arith.muli %arg1, %mul3A_180 : i32
    %add3A_182 = arith.constant 4 : i32
    %add3A_183 = arith.addi %mul3A_181, %add3A_182 : i32
    %mul3A_184 = arith.constant 64 : i32
    %mul3A_185 = arith.muli %add3A_183, %mul3A_184 : i32
    "tpu.region"() ({
      %run_scoped3A = tpu.sem_alloc : memref<!tpu.dma_semaphore, #tpu.memory_space<semaphore_mem>>
      %dma_start3A = arith.constant 0 : i32
      %dma_start3A_285 = arith.constant 0 : i32
      %dma_start3A_286 = tpu.memref_slice %arg9[%dma_start3A, %dma_start3A_285] : memref<96x128xf32, #tpu.memory_space<vmem>> -> memref<64x128xf32, #tpu.memory_space<vmem>>
      %dma_start3A_287 = arith.constant 0 : i32
      %dma_start3A_288 = tpu.memref_slice %arg10[%mul3A_185, %dma_start3A_287] : memref<10240x128xf32, #tpu.memory_space<vmem_shared>> -> memref<64x128xf32, #tpu.memory_space<vmem_shared>>
      %dma_start3A_289 = arith.constant 0 : i32
      %dma_start3A_290 = tpu.memref_slice %arg10[%mul3A_185, %dma_start3A_289] : memref<10240x128xf32, #tpu.memory_space<vmem_shared>> -> memref<64x128xf32, #tpu.memory_space<vmem_shared>>
      %dma_start3A_291 = arith.constant 0 : i32
      %dma_start3A_292 = arith.constant 0 : i32
      %dma_start3A_293 = tpu.memref_slice %arg9[%dma_start3A_291, %dma_start3A_292] : memref<96x128xf32, #tpu.memory_space<vmem>> -> memref<64x128xf32, #tpu.memory_space<vmem>>
      tpu.enqueue_dma source(%dma_start3A_293 : memref<64x128xf32, #tpu.memory_space<vmem>>) target(%dma_start3A_290 : memref<64x128xf32, #tpu.memory_space<vmem_shared>>) target_semaphore(%run_scoped3A : memref<!tpu.dma_semaphore, #tpu.memory_space<semaphore_mem>>)
      %dma_wait3A = arith.constant 0 : i32
      %dma_wait3A_294 = arith.constant 0 : i32
      %dma_wait3A_295 = tpu.memref_slice %arg9[%dma_wait3A, %dma_wait3A_294] : memref<96x128xf32, #tpu.memory_space<vmem>> -> memref<64x128xf32, #tpu.memory_space<vmem>>
      %dma_wait3A_296 = arith.constant 0 : i32
      %dma_wait3A_297 = tpu.memref_slice %arg10[%mul3A_185, %dma_wait3A_296] : memref<10240x128xf32, #tpu.memory_space<vmem_shared>> -> memref<64x128xf32, #tpu.memory_space<vmem_shared>>
      %dma_wait3A_298 = arith.constant 0 : i32
      %dma_wait3A_299 = tpu.memref_slice %arg10[%mul3A_185, %dma_wait3A_298] : memref<10240x128xf32, #tpu.memory_space<vmem_shared>> -> memref<64x128xf32, #tpu.memory_space<vmem_shared>>
      %dma_wait3A_300 = arith.constant 0 : i32
      %dma_wait3A_301 = arith.constant 0 : i32
      %dma_wait3A_302 = tpu.memref_slice %arg9[%dma_wait3A_300, %dma_wait3A_301] : memref<96x128xf32, #tpu.memory_space<vmem>> -> memref<64x128xf32, #tpu.memory_space<vmem>>
      tpu.wait_dma2 semaphore(%run_scoped3A : memref<!tpu.dma_semaphore, #tpu.memory_space<semaphore_mem>>) src(%dma_wait3A_302 : memref<64x128xf32, #tpu.memory_space<vmem>>) dst(%dma_wait3A_299 : memref<64x128xf32, #tpu.memory_space<vmem_shared>>)
      tpu.yield
    }) : () -> ()
    %mul3A_186 = arith.constant 10 : i32
    %mul3A_187 = arith.muli %arg1, %mul3A_186 : i32
    %add3A_188 = arith.constant 5 : i32
    %add3A_189 = arith.addi %mul3A_187, %add3A_188 : i32
    %mul3A_190 = arith.constant 64 : i32
    %mul3A_191 = arith.muli %add3A_189, %mul3A_190 : i32
    "tpu.region"() ({
      %run_scoped3A = tpu.sem_alloc : memref<!tpu.dma_semaphore, #tpu.memory_space<semaphore_mem>>
      %dma_start3A = arith.constant 0 : i32
      %dma_start3A_285 = arith.constant 0 : i32
      %dma_start3A_286 = tpu.memref_slice %arg9[%dma_start3A, %dma_start3A_285] : memref<96x128xf32, #tpu.memory_space<vmem>> -> memref<64x128xf32, #tpu.memory_space<vmem>>
      %dma_start3A_287 = arith.constant 0 : i32
      %dma_start3A_288 = tpu.memref_slice %arg10[%mul3A_191, %dma_start3A_287] : memref<10240x128xf32, #tpu.memory_space<vmem_shared>> -> memref<64x128xf32, #tpu.memory_space<vmem_shared>>
      %dma_start3A_289 = arith.constant 0 : i32
      %dma_start3A_290 = tpu.memref_slice %arg10[%mul3A_191, %dma_start3A_289] : memref<10240x128xf32, #tpu.memory_space<vmem_shared>> -> memref<64x128xf32, #tpu.memory_space<vmem_shared>>
      %dma_start3A_291 = arith.constant 0 : i32
      %dma_start3A_292 = arith.constant 0 : i32
      %dma_start3A_293 = tpu.memref_slice %arg9[%dma_start3A_291, %dma_start3A_292] : memref<96x128xf32, #tpu.memory_space<vmem>> -> memref<64x128xf32, #tpu.memory_space<vmem>>
      tpu.enqueue_dma source(%dma_start3A_293 : memref<64x128xf32, #tpu.memory_space<vmem>>) target(%dma_start3A_290 : memref<64x128xf32, #tpu.memory_space<vmem_shared>>) target_semaphore(%run_scoped3A : memref<!tpu.dma_semaphore, #tpu.memory_space<semaphore_mem>>)
      %dma_wait3A = arith.constant 0 : i32
      %dma_wait3A_294 = arith.constant 0 : i32
      %dma_wait3A_295 = tpu.memref_slice %arg9[%dma_wait3A, %dma_wait3A_294] : memref<96x128xf32, #tpu.memory_space<vmem>> -> memref<64x128xf32, #tpu.memory_space<vmem>>
      %dma_wait3A_296 = arith.constant 0 : i32
      %dma_wait3A_297 = tpu.memref_slice %arg10[%mul3A_191, %dma_wait3A_296] : memref<10240x128xf32, #tpu.memory_space<vmem_shared>> -> memref<64x128xf32, #tpu.memory_space<vmem_shared>>
      %dma_wait3A_298 = arith.constant 0 : i32
      %dma_wait3A_299 = tpu.memref_slice %arg10[%mul3A_191, %dma_wait3A_298] : memref<10240x128xf32, #tpu.memory_space<vmem_shared>> -> memref<64x128xf32, #tpu.memory_space<vmem_shared>>
      %dma_wait3A_300 = arith.constant 0 : i32
      %dma_wait3A_301 = arith.constant 0 : i32
      %dma_wait3A_302 = tpu.memref_slice %arg9[%dma_wait3A_300, %dma_wait3A_301] : memref<96x128xf32, #tpu.memory_space<vmem>> -> memref<64x128xf32, #tpu.memory_space<vmem>>
      tpu.wait_dma2 semaphore(%run_scoped3A : memref<!tpu.dma_semaphore, #tpu.memory_space<semaphore_mem>>) src(%dma_wait3A_302 : memref<64x128xf32, #tpu.memory_space<vmem>>) dst(%dma_wait3A_299 : memref<64x128xf32, #tpu.memory_space<vmem_shared>>)
      tpu.yield
    }) : () -> ()
    %mul3A_192 = arith.constant 10 : i32
    %mul3A_193 = arith.muli %arg1, %mul3A_192 : i32
    %add3A_194 = arith.constant 6 : i32
    %add3A_195 = arith.addi %mul3A_193, %add3A_194 : i32
    %mul3A_196 = arith.constant 64 : i32
    %mul3A_197 = arith.muli %add3A_195, %mul3A_196 : i32
    "tpu.region"() ({
      %run_scoped3A = tpu.sem_alloc : memref<!tpu.dma_semaphore, #tpu.memory_space<semaphore_mem>>
      %dma_start3A = arith.constant 0 : i32
      %dma_start3A_285 = arith.constant 0 : i32
      %dma_start3A_286 = tpu.memref_slice %arg9[%dma_start3A, %dma_start3A_285] : memref<96x128xf32, #tpu.memory_space<vmem>> -> memref<64x128xf32, #tpu.memory_space<vmem>>
      %dma_start3A_287 = arith.constant 0 : i32
      %dma_start3A_288 = tpu.memref_slice %arg10[%mul3A_197, %dma_start3A_287] : memref<10240x128xf32, #tpu.memory_space<vmem_shared>> -> memref<64x128xf32, #tpu.memory_space<vmem_shared>>
      %dma_start3A_289 = arith.constant 0 : i32
      %dma_start3A_290 = tpu.memref_slice %arg10[%mul3A_197, %dma_start3A_289] : memref<10240x128xf32, #tpu.memory_space<vmem_shared>> -> memref<64x128xf32, #tpu.memory_space<vmem_shared>>
      %dma_start3A_291 = arith.constant 0 : i32
      %dma_start3A_292 = arith.constant 0 : i32
      %dma_start3A_293 = tpu.memref_slice %arg9[%dma_start3A_291, %dma_start3A_292] : memref<96x128xf32, #tpu.memory_space<vmem>> -> memref<64x128xf32, #tpu.memory_space<vmem>>
      tpu.enqueue_dma source(%dma_start3A_293 : memref<64x128xf32, #tpu.memory_space<vmem>>) target(%dma_start3A_290 : memref<64x128xf32, #tpu.memory_space<vmem_shared>>) target_semaphore(%run_scoped3A : memref<!tpu.dma_semaphore, #tpu.memory_space<semaphore_mem>>)
      %dma_wait3A = arith.constant 0 : i32
      %dma_wait3A_294 = arith.constant 0 : i32
      %dma_wait3A_295 = tpu.memref_slice %arg9[%dma_wait3A, %dma_wait3A_294] : memref<96x128xf32, #tpu.memory_space<vmem>> -> memref<64x128xf32, #tpu.memory_space<vmem>>
      %dma_wait3A_296 = arith.constant 0 : i32
      %dma_wait3A_297 = tpu.memref_slice %arg10[%mul3A_197, %dma_wait3A_296] : memref<10240x128xf32, #tpu.memory_space<vmem_shared>> -> memref<64x128xf32, #tpu.memory_space<vmem_shared>>
      %dma_wait3A_298 = arith.constant 0 : i32
      %dma_wait3A_299 = tpu.memref_slice %arg10[%mul3A_197, %dma_wait3A_298] : memref<10240x128xf32, #tpu.memory_space<vmem_shared>> -> memref<64x128xf32, #tpu.memory_space<vmem_shared>>
      %dma_wait3A_300 = arith.constant 0 : i32
      %dma_wait3A_301 = arith.constant 0 : i32
      %dma_wait3A_302 = tpu.memref_slice %arg9[%dma_wait3A_300, %dma_wait3A_301] : memref<96x128xf32, #tpu.memory_space<vmem>> -> memref<64x128xf32, #tpu.memory_space<vmem>>
      tpu.wait_dma2 semaphore(%run_scoped3A : memref<!tpu.dma_semaphore, #tpu.memory_space<semaphore_mem>>) src(%dma_wait3A_302 : memref<64x128xf32, #tpu.memory_space<vmem>>) dst(%dma_wait3A_299 : memref<64x128xf32, #tpu.memory_space<vmem_shared>>)
      tpu.yield
    }) : () -> ()
    %mul3A_198 = arith.constant 10 : i32
    %mul3A_199 = arith.muli %arg1, %mul3A_198 : i32
    %add3A_200 = arith.constant 7 : i32
    %add3A_201 = arith.addi %mul3A_199, %add3A_200 : i32
    %mul3A_202 = arith.constant 64 : i32
    %mul3A_203 = arith.muli %add3A_201, %mul3A_202 : i32
    "tpu.region"() ({
      %run_scoped3A = tpu.sem_alloc : memref<!tpu.dma_semaphore, #tpu.memory_space<semaphore_mem>>
      %dma_start3A = arith.constant 0 : i32
      %dma_start3A_285 = arith.constant 0 : i32
      %dma_start3A_286 = tpu.memref_slice %arg9[%dma_start3A, %dma_start3A_285] : memref<96x128xf32, #tpu.memory_space<vmem>> -> memref<64x128xf32, #tpu.memory_space<vmem>>
      %dma_start3A_287 = arith.constant 0 : i32
      %dma_start3A_288 = tpu.memref_slice %arg10[%mul3A_203, %dma_start3A_287] : memref<10240x128xf32, #tpu.memory_space<vmem_shared>> -> memref<64x128xf32, #tpu.memory_space<vmem_shared>>
      %dma_start3A_289 = arith.constant 0 : i32
      %dma_start3A_290 = tpu.memref_slice %arg10[%mul3A_203, %dma_start3A_289] : memref<10240x128xf32, #tpu.memory_space<vmem_shared>> -> memref<64x128xf32, #tpu.memory_space<vmem_shared>>
      %dma_start3A_291 = arith.constant 0 : i32
      %dma_start3A_292 = arith.constant 0 : i32
      %dma_start3A_293 = tpu.memref_slice %arg9[%dma_start3A_291, %dma_start3A_292] : memref<96x128xf32, #tpu.memory_space<vmem>> -> memref<64x128xf32, #tpu.memory_space<vmem>>
      tpu.enqueue_dma source(%dma_start3A_293 : memref<64x128xf32, #tpu.memory_space<vmem>>) target(%dma_start3A_290 : memref<64x128xf32, #tpu.memory_space<vmem_shared>>) target_semaphore(%run_scoped3A : memref<!tpu.dma_semaphore, #tpu.memory_space<semaphore_mem>>)
      %dma_wait3A = arith.constant 0 : i32
      %dma_wait3A_294 = arith.constant 0 : i32
      %dma_wait3A_295 = tpu.memref_slice %arg9[%dma_wait3A, %dma_wait3A_294] : memref<96x128xf32, #tpu.memory_space<vmem>> -> memref<64x128xf32, #tpu.memory_space<vmem>>
      %dma_wait3A_296 = arith.constant 0 : i32
      %dma_wait3A_297 = tpu.memref_slice %arg10[%mul3A_203, %dma_wait3A_296] : memref<10240x128xf32, #tpu.memory_space<vmem_shared>> -> memref<64x128xf32, #tpu.memory_space<vmem_shared>>
      %dma_wait3A_298 = arith.constant 0 : i32
      %dma_wait3A_299 = tpu.memref_slice %arg10[%mul3A_203, %dma_wait3A_298] : memref<10240x128xf32, #tpu.memory_space<vmem_shared>> -> memref<64x128xf32, #tpu.memory_space<vmem_shared>>
      %dma_wait3A_300 = arith.constant 0 : i32
      %dma_wait3A_301 = arith.constant 0 : i32
      %dma_wait3A_302 = tpu.memref_slice %arg9[%dma_wait3A_300, %dma_wait3A_301] : memref<96x128xf32, #tpu.memory_space<vmem>> -> memref<64x128xf32, #tpu.memory_space<vmem>>
      tpu.wait_dma2 semaphore(%run_scoped3A : memref<!tpu.dma_semaphore, #tpu.memory_space<semaphore_mem>>) src(%dma_wait3A_302 : memref<64x128xf32, #tpu.memory_space<vmem>>) dst(%dma_wait3A_299 : memref<64x128xf32, #tpu.memory_space<vmem_shared>>)
      tpu.yield
    }) : () -> ()
    %mul3A_204 = arith.constant 10 : i32
    %mul3A_205 = arith.muli %arg1, %mul3A_204 : i32
    %add3A_206 = arith.constant 8 : i32
    %add3A_207 = arith.addi %mul3A_205, %add3A_206 : i32
    %mul3A_208 = arith.constant 64 : i32
    %mul3A_209 = arith.muli %add3A_207, %mul3A_208 : i32
    "tpu.region"() ({
      %run_scoped3A = tpu.sem_alloc : memref<!tpu.dma_semaphore, #tpu.memory_space<semaphore_mem>>
      %dma_start3A = arith.constant 0 : i32
      %dma_start3A_285 = arith.constant 0 : i32
      %dma_start3A_286 = tpu.memref_slice %arg9[%dma_start3A, %dma_start3A_285] : memref<96x128xf32, #tpu.memory_space<vmem>> -> memref<64x128xf32, #tpu.memory_space<vmem>>
      %dma_start3A_287 = arith.constant 0 : i32
      %dma_start3A_288 = tpu.memref_slice %arg10[%mul3A_209, %dma_start3A_287] : memref<10240x128xf32, #tpu.memory_space<vmem_shared>> -> memref<64x128xf32, #tpu.memory_space<vmem_shared>>
      %dma_start3A_289 = arith.constant 0 : i32
      %dma_start3A_290 = tpu.memref_slice %arg10[%mul3A_209, %dma_start3A_289] : memref<10240x128xf32, #tpu.memory_space<vmem_shared>> -> memref<64x128xf32, #tpu.memory_space<vmem_shared>>
      %dma_start3A_291 = arith.constant 0 : i32
      %dma_start3A_292 = arith.constant 0 : i32
      %dma_start3A_293 = tpu.memref_slice %arg9[%dma_start3A_291, %dma_start3A_292] : memref<96x128xf32, #tpu.memory_space<vmem>> -> memref<64x128xf32, #tpu.memory_space<vmem>>
      tpu.enqueue_dma source(%dma_start3A_293 : memref<64x128xf32, #tpu.memory_space<vmem>>) target(%dma_start3A_290 : memref<64x128xf32, #tpu.memory_space<vmem_shared>>) target_semaphore(%run_scoped3A : memref<!tpu.dma_semaphore, #tpu.memory_space<semaphore_mem>>)
      %dma_wait3A = arith.constant 0 : i32
      %dma_wait3A_294 = arith.constant 0 : i32
      %dma_wait3A_295 = tpu.memref_slice %arg9[%dma_wait3A, %dma_wait3A_294] : memref<96x128xf32, #tpu.memory_space<vmem>> -> memref<64x128xf32, #tpu.memory_space<vmem>>
      %dma_wait3A_296 = arith.constant 0 : i32
      %dma_wait3A_297 = tpu.memref_slice %arg10[%mul3A_209, %dma_wait3A_296] : memref<10240x128xf32, #tpu.memory_space<vmem_shared>> -> memref<64x128xf32, #tpu.memory_space<vmem_shared>>
      %dma_wait3A_298 = arith.constant 0 : i32
      %dma_wait3A_299 = tpu.memref_slice %arg10[%mul3A_209, %dma_wait3A_298] : memref<10240x128xf32, #tpu.memory_space<vmem_shared>> -> memref<64x128xf32, #tpu.memory_space<vmem_shared>>
      %dma_wait3A_300 = arith.constant 0 : i32
      %dma_wait3A_301 = arith.constant 0 : i32
      %dma_wait3A_302 = tpu.memref_slice %arg9[%dma_wait3A_300, %dma_wait3A_301] : memref<96x128xf32, #tpu.memory_space<vmem>> -> memref<64x128xf32, #tpu.memory_space<vmem>>
      tpu.wait_dma2 semaphore(%run_scoped3A : memref<!tpu.dma_semaphore, #tpu.memory_space<semaphore_mem>>) src(%dma_wait3A_302 : memref<64x128xf32, #tpu.memory_space<vmem>>) dst(%dma_wait3A_299 : memref<64x128xf32, #tpu.memory_space<vmem_shared>>)
      tpu.yield
    }) : () -> ()
    %mul3A_210 = arith.constant 10 : i32
    %mul3A_211 = arith.muli %arg1, %mul3A_210 : i32
    %add3A_212 = arith.constant 9 : i32
    %add3A_213 = arith.addi %mul3A_211, %add3A_212 : i32
    %mul3A_214 = arith.constant 64 : i32
    %mul3A_215 = arith.muli %add3A_213, %mul3A_214 : i32
    "tpu.region"() ({
      %run_scoped3A = tpu.sem_alloc : memref<!tpu.dma_semaphore, #tpu.memory_space<semaphore_mem>>
      %dma_start3A = arith.constant 0 : i32
      %dma_start3A_285 = arith.constant 0 : i32
      %dma_start3A_286 = tpu.memref_slice %arg9[%dma_start3A, %dma_start3A_285] : memref<96x128xf32, #tpu.memory_space<vmem>> -> memref<64x128xf32, #tpu.memory_space<vmem>>
      %dma_start3A_287 = arith.constant 0 : i32
      %dma_start3A_288 = tpu.memref_slice %arg10[%mul3A_215, %dma_start3A_287] : memref<10240x128xf32, #tpu.memory_space<vmem_shared>> -> memref<64x128xf32, #tpu.memory_space<vmem_shared>>
      %dma_start3A_289 = arith.constant 0 : i32
      %dma_start3A_290 = tpu.memref_slice %arg10[%mul3A_215, %dma_start3A_289] : memref<10240x128xf32, #tpu.memory_space<vmem_shared>> -> memref<64x128xf32, #tpu.memory_space<vmem_shared>>
      %dma_start3A_291 = arith.constant 0 : i32
      %dma_start3A_292 = arith.constant 0 : i32
      %dma_start3A_293 = tpu.memref_slice %arg9[%dma_start3A_291, %dma_start3A_292] : memref<96x128xf32, #tpu.memory_space<vmem>> -> memref<64x128xf32, #tpu.memory_space<vmem>>
      tpu.enqueue_dma source(%dma_start3A_293 : memref<64x128xf32, #tpu.memory_space<vmem>>) target(%dma_start3A_290 : memref<64x128xf32, #tpu.memory_space<vmem_shared>>) target_semaphore(%run_scoped3A : memref<!tpu.dma_semaphore, #tpu.memory_space<semaphore_mem>>)
      %dma_wait3A = arith.constant 0 : i32
      %dma_wait3A_294 = arith.constant 0 : i32
      %dma_wait3A_295 = tpu.memref_slice %arg9[%dma_wait3A, %dma_wait3A_294] : memref<96x128xf32, #tpu.memory_space<vmem>> -> memref<64x128xf32, #tpu.memory_space<vmem>>
      %dma_wait3A_296 = arith.constant 0 : i32
      %dma_wait3A_297 = tpu.memref_slice %arg10[%mul3A_215, %dma_wait3A_296] : memref<10240x128xf32, #tpu.memory_space<vmem_shared>> -> memref<64x128xf32, #tpu.memory_space<vmem_shared>>
      %dma_wait3A_298 = arith.constant 0 : i32
      %dma_wait3A_299 = tpu.memref_slice %arg10[%mul3A_215, %dma_wait3A_298] : memref<10240x128xf32, #tpu.memory_space<vmem_shared>> -> memref<64x128xf32, #tpu.memory_space<vmem_shared>>
      %dma_wait3A_300 = arith.constant 0 : i32
      %dma_wait3A_301 = arith.constant 0 : i32
      %dma_wait3A_302 = tpu.memref_slice %arg9[%dma_wait3A_300, %dma_wait3A_301] : memref<96x128xf32, #tpu.memory_space<vmem>> -> memref<64x128xf32, #tpu.memory_space<vmem>>
      tpu.wait_dma2 semaphore(%run_scoped3A : memref<!tpu.dma_semaphore, #tpu.memory_space<semaphore_mem>>) src(%dma_wait3A_302 : memref<64x128xf32, #tpu.memory_space<vmem>>) dst(%dma_wait3A_299 : memref<64x128xf32, #tpu.memory_space<vmem_shared>>)
      tpu.yield
    }) : () -> ()
    %barrier3A_216 = arith.constant 0 : index
    tpu.barrier barrier_id(%barrier3A_216)
    %scan3A_217 = arith.constant 0 : i32
    %scan3A_218 = arith.constant 0 : i32
    %scan3A_219 = arith.constant 105 : i32
    %scan3A_220 = arith.addi %scan3A_218, %scan3A_219 : i32
    %scan3A_221 = arith.constant 1 : i32
    %scan3A_222 = scf.for %scan3A_285 = %scan3A_218 to %scan3A_220 step %scan3A_221 iter_args(%scan3A_286 = %scan3A_217) -> (i32)  : i32 {
      %mul3A_287 = arith.constant 96 : i32
      %mul3A_288 = arith.muli %scan3A_285, %mul3A_287 : i32
      %add3A_289 = arith.addi %mul3A_2, %mul3A_288 : i32
      "tpu.region"() ({
        %run_scoped3A = tpu.sem_alloc : memref<!tpu.dma_semaphore, #tpu.memory_space<semaphore_mem>>
        %dma_start3A_295 = tpu.memref_slice %arg3[%add3A_289] : memref<322560xi32, #tpu.memory_space<hbm>> -> memref<96xi32, #tpu.memory_space<hbm>>
        %dma_start3A_296 = tpu.memref_slice %arg3[%add3A_289] : memref<322560xi32, #tpu.memory_space<hbm>> -> memref<96xi32, #tpu.memory_space<hbm>>
        tpu.enqueue_dma source(%dma_start3A_296 : memref<96xi32, #tpu.memory_space<hbm>>) target(%arg7 : memref<96xi32, #tpu.memory_space<vmem>>) target_semaphore(%run_scoped3A : memref<!tpu.dma_semaphore, #tpu.memory_space<semaphore_mem>>)
        %dma_wait3A_297 = tpu.memref_slice %arg3[%add3A_289] : memref<322560xi32, #tpu.memory_space<hbm>> -> memref<96xi32, #tpu.memory_space<hbm>>
        %dma_wait3A_298 = tpu.memref_slice %arg3[%add3A_289] : memref<322560xi32, #tpu.memory_space<hbm>> -> memref<96xi32, #tpu.memory_space<hbm>>
        tpu.wait_dma2 semaphore(%run_scoped3A : memref<!tpu.dma_semaphore, #tpu.memory_space<semaphore_mem>>) src(%dma_wait3A_298 : memref<96xi32, #tpu.memory_space<hbm>>) dst(%arg7 : memref<96xi32, #tpu.memory_space<vmem>>)
        tpu.yield
      }) : () -> ()
      "tpu.region"() ({
        %run_scoped3A = tpu.sem_alloc : memref<!tpu.dma_semaphore, #tpu.memory_space<semaphore_mem>>
        %dma_start3A_295 = tpu.memref_slice %arg4[%add3A_289] : memref<322560xi32, #tpu.memory_space<hbm>> -> memref<96xi32, #tpu.memory_space<hbm>>
        %dma_start3A_296 = tpu.memref_slice %arg4[%add3A_289] : memref<322560xi32, #tpu.memory_space<hbm>> -> memref<96xi32, #tpu.memory_space<hbm>>
        tpu.enqueue_dma source(%dma_start3A_296 : memref<96xi32, #tpu.memory_space<hbm>>) target(%arg8 : memref<96xi32, #tpu.memory_space<vmem>>) target_semaphore(%run_scoped3A : memref<!tpu.dma_semaphore, #tpu.memory_space<semaphore_mem>>)
        %dma_wait3A_297 = tpu.memref_slice %arg4[%add3A_289] : memref<322560xi32, #tpu.memory_space<hbm>> -> memref<96xi32, #tpu.memory_space<hbm>>
        %dma_wait3A_298 = tpu.memref_slice %arg4[%add3A_289] : memref<322560xi32, #tpu.memory_space<hbm>> -> memref<96xi32, #tpu.memory_space<hbm>>
        tpu.wait_dma2 semaphore(%run_scoped3A : memref<!tpu.dma_semaphore, #tpu.memory_space<semaphore_mem>>) src(%dma_wait3A_298 : memref<96xi32, #tpu.memory_space<hbm>>) dst(%arg8 : memref<96xi32, #tpu.memory_space<vmem>>)
        tpu.yield
      }) : () -> ()
      %dma_start3A = arith.constant 0 : i32
      %dma_start3A_290 = arith.constant 0 : i32
      %dma_start3A_291 = tpu.memref_slice %arg2[%dma_start3A, %dma_start3A_290] : memref<10000x128xf32, #tpu.memory_space<hbm>> -> memref<10000x128xf32, #tpu.memory_space<hbm>>
      tpu.enqueue_indirect_dma source(%dma_start3A_291 : memref<10000x128xf32, #tpu.memory_space<hbm>>) target(%arg9 : memref<96x128xf32, #tpu.memory_space<vmem>>) offsets(%arg7 : memref<96xi32, #tpu.memory_space<vmem>>) semaphore(%arg11 : memref<!tpu.dma_semaphore, #tpu.memory_space<semaphore_mem>>)
      %dma_wait3A = arith.constant 0 : i32
      %dma_wait3A_292 = arith.constant 0 : i32
      %dma_wait3A_293 = tpu.memref_slice %arg2[%dma_wait3A, %dma_wait3A_292] : memref<10000x128xf32, #tpu.memory_space<hbm>> -> memref<10000x128xf32, #tpu.memory_space<hbm>>
      tpu.wait_indirect_dma semaphore(%arg11 : memref<!tpu.dma_semaphore, #tpu.memory_space<semaphore_mem>>) src(%dma_wait3A_293 : memref<10000x128xf32, #tpu.memory_space<hbm>>) dst(%arg9 : memref<96x128xf32, #tpu.memory_space<vmem>>)
      "tpu.region"() ({
        %run_scoped3A = tpu.sem_alloc : memref<!tpu.dma_semaphore, #tpu.memory_space<semaphore_mem>>
        %dma_start3A_295 = arith.constant 0 : i32
        %dma_start3A_296 = arith.constant 0 : i32
        %dma_start3A_297 = tpu.memref_slice %arg10[%dma_start3A_295, %dma_start3A_296] : memref<10240x128xf32, #tpu.memory_space<vmem_shared>> -> memref<10240x128xf32, #tpu.memory_space<vmem_shared>>
        tpu.enqueue_indirect_dma source(%arg9 : memref<96x128xf32, #tpu.memory_space<vmem>>) target(%dma_start3A_297 : memref<10240x128xf32, #tpu.memory_space<vmem_shared>>) offsets(%arg8 : memref<96xi32, #tpu.memory_space<vmem>>) semaphore(%run_scoped3A : memref<!tpu.dma_semaphore, #tpu.memory_space<semaphore_mem>>) {add = true}
        %dma_wait3A_298 = arith.constant 0 : i32
        %dma_wait3A_299 = arith.constant 0 : i32
        %dma_wait3A_300 = tpu.memref_slice %arg10[%dma_wait3A_298, %dma_wait3A_299] : memref<10240x128xf32, #tpu.memory_space<vmem_shared>> -> memref<10240x128xf32, #tpu.memory_space<vmem_shared>>
        tpu.wait_indirect_dma semaphore(%run_scoped3A : memref<!tpu.dma_semaphore, #tpu.memory_space<semaphore_mem>>) src(%arg9 : memref<96x128xf32, #tpu.memory_space<vmem>>) dst(%dma_wait3A_300 : memref<10240x128xf32, #tpu.memory_space<vmem_shared>>)
        tpu.yield
      }) : () -> ()
      %scan3A_294 = arith.constant 0 : i32
      scf.yield %scan3A_294 : i32
    }
    %scan3A_223 = arith.constant 105 : i32
    %barrier3A_224 = arith.constant 0 : index
    tpu.barrier barrier_id(%barrier3A_224)
    %mul3A_225 = arith.constant 10 : i32
    %mul3A_226 = arith.muli %arg1, %mul3A_225 : i32
    %add3A_227 = arith.constant 0 : i32
    %add3A_228 = arith.addi %mul3A_226, %add3A_227 : i32
    %mul3A_229 = arith.constant 64 : i32
    %mul3A_230 = arith.muli %add3A_228, %mul3A_229 : i32
    "tpu.region"() ({
      %run_scoped3A = tpu.sem_alloc : memref<!tpu.dma_semaphore, #tpu.memory_space<semaphore_mem>>
      %dma_start3A = arith.constant 0 : i32
      %dma_start3A_285 = arith.constant 0 : i32
      %dma_start3A_286 = tpu.memref_slice %arg9[%dma_start3A, %dma_start3A_285] : memref<96x128xf32, #tpu.memory_space<vmem>> -> memref<64x128xf32, #tpu.memory_space<vmem>>
      %dma_start3A_287 = arith.constant 0 : i32
      %dma_start3A_288 = tpu.memref_slice %arg10[%mul3A_230, %dma_start3A_287] : memref<10240x128xf32, #tpu.memory_space<vmem_shared>> -> memref<64x128xf32, #tpu.memory_space<vmem_shared>>
      %dma_start3A_289 = arith.constant 0 : i32
      %dma_start3A_290 = arith.constant 0 : i32
      %dma_start3A_291 = tpu.memref_slice %arg9[%dma_start3A_289, %dma_start3A_290] : memref<96x128xf32, #tpu.memory_space<vmem>> -> memref<64x128xf32, #tpu.memory_space<vmem>>
      %dma_start3A_292 = arith.constant 0 : i32
      %dma_start3A_293 = tpu.memref_slice %arg10[%mul3A_230, %dma_start3A_292] : memref<10240x128xf32, #tpu.memory_space<vmem_shared>> -> memref<64x128xf32, #tpu.memory_space<vmem_shared>>
      tpu.enqueue_dma source(%dma_start3A_293 : memref<64x128xf32, #tpu.memory_space<vmem_shared>>) target(%dma_start3A_291 : memref<64x128xf32, #tpu.memory_space<vmem>>) target_semaphore(%run_scoped3A : memref<!tpu.dma_semaphore, #tpu.memory_space<semaphore_mem>>)
      %dma_wait3A = arith.constant 0 : i32
      %dma_wait3A_294 = arith.constant 0 : i32
      %dma_wait3A_295 = tpu.memref_slice %arg9[%dma_wait3A, %dma_wait3A_294] : memref<96x128xf32, #tpu.memory_space<vmem>> -> memref<64x128xf32, #tpu.memory_space<vmem>>
      %dma_wait3A_296 = arith.constant 0 : i32
      %dma_wait3A_297 = tpu.memref_slice %arg10[%mul3A_230, %dma_wait3A_296] : memref<10240x128xf32, #tpu.memory_space<vmem_shared>> -> memref<64x128xf32, #tpu.memory_space<vmem_shared>>
      %dma_wait3A_298 = arith.constant 0 : i32
      %dma_wait3A_299 = arith.constant 0 : i32
      %dma_wait3A_300 = tpu.memref_slice %arg9[%dma_wait3A_298, %dma_wait3A_299] : memref<96x128xf32, #tpu.memory_space<vmem>> -> memref<64x128xf32, #tpu.memory_space<vmem>>
      %dma_wait3A_301 = arith.constant 0 : i32
      %dma_wait3A_302 = tpu.memref_slice %arg10[%mul3A_230, %dma_wait3A_301] : memref<10240x128xf32, #tpu.memory_space<vmem_shared>> -> memref<64x128xf32, #tpu.memory_space<vmem_shared>>
      tpu.wait_dma2 semaphore(%run_scoped3A : memref<!tpu.dma_semaphore, #tpu.memory_space<semaphore_mem>>) src(%dma_wait3A_302 : memref<64x128xf32, #tpu.memory_space<vmem_shared>>) dst(%dma_wait3A_300 : memref<64x128xf32, #tpu.memory_space<vmem>>)
      tpu.yield
    }) : () -> ()
    "tpu.region"() ({
      %run_scoped3A = tpu.sem_alloc : memref<!tpu.dma_semaphore, #tpu.memory_space<semaphore_mem>>
      %dma_start3A = arith.constant 0 : i32
      %dma_start3A_285 = arith.constant 0 : i32
      %dma_start3A_286 = tpu.memref_slice %arg9[%dma_start3A, %dma_start3A_285] : memref<96x128xf32, #tpu.memory_space<vmem>> -> memref<64x128xf32, #tpu.memory_space<vmem>>
      %dma_start3A_287 = arith.constant 0 : i32
      %dma_start3A_288 = tpu.memref_slice %arg5[%arg0, %mul3A_230, %dma_start3A_287] : memref<2x10240x128xf32, #tpu.memory_space<hbm>> -> memref<1x64x128xf32, #tpu.memory_space<hbm>>
      %dma_start3A_289 = tpu.memref_squeeze %dma_start3A_288 : memref<1x64x128xf32, #tpu.memory_space<hbm>> -> memref<64x128xf32, #tpu.memory_space<hbm>>
      %dma_start3A_290 = arith.constant 0 : i32
      %dma_start3A_291 = tpu.memref_slice %arg5[%arg0, %mul3A_230, %dma_start3A_290] : memref<2x10240x128xf32, #tpu.memory_space<hbm>> -> memref<1x64x128xf32, #tpu.memory_space<hbm>>
      %dma_start3A_292 = tpu.memref_squeeze %dma_start3A_291 : memref<1x64x128xf32, #tpu.memory_space<hbm>> -> memref<64x128xf32, #tpu.memory_space<hbm>>
      %dma_start3A_293 = arith.constant 0 : i32
      %dma_start3A_294 = arith.constant 0 : i32
      %dma_start3A_295 = tpu.memref_slice %arg9[%dma_start3A_293, %dma_start3A_294] : memref<96x128xf32, #tpu.memory_space<vmem>> -> memref<64x128xf32, #tpu.memory_space<vmem>>
      tpu.enqueue_dma source(%dma_start3A_295 : memref<64x128xf32, #tpu.memory_space<vmem>>) target(%dma_start3A_292 : memref<64x128xf32, #tpu.memory_space<hbm>>) target_semaphore(%run_scoped3A : memref<!tpu.dma_semaphore, #tpu.memory_space<semaphore_mem>>)
      %dma_wait3A = arith.constant 0 : i32
      %dma_wait3A_296 = arith.constant 0 : i32
      %dma_wait3A_297 = tpu.memref_slice %arg9[%dma_wait3A, %dma_wait3A_296] : memref<96x128xf32, #tpu.memory_space<vmem>> -> memref<64x128xf32, #tpu.memory_space<vmem>>
      %dma_wait3A_298 = arith.constant 0 : i32
      %dma_wait3A_299 = tpu.memref_slice %arg5[%arg0, %mul3A_230, %dma_wait3A_298] : memref<2x10240x128xf32, #tpu.memory_space<hbm>> -> memref<1x64x128xf32, #tpu.memory_space<hbm>>
      %dma_wait3A_300 = tpu.memref_squeeze %dma_wait3A_299 : memref<1x64x128xf32, #tpu.memory_space<hbm>> -> memref<64x128xf32, #tpu.memory_space<hbm>>
      %dma_wait3A_301 = arith.constant 0 : i32
      %dma_wait3A_302 = tpu.memref_slice %arg5[%arg0, %mul3A_230, %dma_wait3A_301] : memref<2x10240x128xf32, #tpu.memory_space<hbm>> -> memref<1x64x128xf32, #tpu.memory_space<hbm>>
      %dma_wait3A_303 = tpu.memref_squeeze %dma_wait3A_302 : memref<1x64x128xf32, #tpu.memory_space<hbm>> -> memref<64x128xf32, #tpu.memory_space<hbm>>
      %dma_wait3A_304 = arith.constant 0 : i32
      %dma_wait3A_305 = arith.constant 0 : i32
      %dma_wait3A_306 = tpu.memref_slice %arg9[%dma_wait3A_304, %dma_wait3A_305] : memref<96x128xf32, #tpu.memory_space<vmem>> -> memref<64x128xf32, #tpu.memory_space<vmem>>
      tpu.wait_dma2 semaphore(%run_scoped3A : memref<!tpu.dma_semaphore, #tpu.memory_space<semaphore_mem>>) src(%dma_wait3A_306 : memref<64x128xf32, #tpu.memory_space<vmem>>) dst(%dma_wait3A_303 : memref<64x128xf32, #tpu.memory_space<hbm>>)
      tpu.yield
    }) : () -> ()
    %mul3A_231 = arith.constant 10 : i32
    %mul3A_232 = arith.muli %arg1, %mul3A_231 : i32
    %add3A_233 = arith.constant 1 : i32
    %add3A_234 = arith.addi %mul3A_232, %add3A_233 : i32
    %mul3A_235 = arith.constant 64 : i32
    %mul3A_236 = arith.muli %add3A_234, %mul3A_235 : i32
    "tpu.region"() ({
      %run_scoped3A = tpu.sem_alloc : memref<!tpu.dma_semaphore, #tpu.memory_space<semaphore_mem>>
      %dma_start3A = arith.constant 0 : i32
      %dma_start3A_285 = arith.constant 0 : i32
      %dma_start3A_286 = tpu.memref_slice %arg9[%dma_start3A, %dma_start3A_285] : memref<96x128xf32, #tpu.memory_space<vmem>> -> memref<64x128xf32, #tpu.memory_space<vmem>>
      %dma_start3A_287 = arith.constant 0 : i32
      %dma_start3A_288 = tpu.memref_slice %arg10[%mul3A_236, %dma_start3A_287] : memref<10240x128xf32, #tpu.memory_space<vmem_shared>> -> memref<64x128xf32, #tpu.memory_space<vmem_shared>>
      %dma_start3A_289 = arith.constant 0 : i32
      %dma_start3A_290 = arith.constant 0 : i32
      %dma_start3A_291 = tpu.memref_slice %arg9[%dma_start3A_289, %dma_start3A_290] : memref<96x128xf32, #tpu.memory_space<vmem>> -> memref<64x128xf32, #tpu.memory_space<vmem>>
      %dma_start3A_292 = arith.constant 0 : i32
      %dma_start3A_293 = tpu.memref_slice %arg10[%mul3A_236, %dma_start3A_292] : memref<10240x128xf32, #tpu.memory_space<vmem_shared>> -> memref<64x128xf32, #tpu.memory_space<vmem_shared>>
      tpu.enqueue_dma source(%dma_start3A_293 : memref<64x128xf32, #tpu.memory_space<vmem_shared>>) target(%dma_start3A_291 : memref<64x128xf32, #tpu.memory_space<vmem>>) target_semaphore(%run_scoped3A : memref<!tpu.dma_semaphore, #tpu.memory_space<semaphore_mem>>)
      %dma_wait3A = arith.constant 0 : i32
      %dma_wait3A_294 = arith.constant 0 : i32
      %dma_wait3A_295 = tpu.memref_slice %arg9[%dma_wait3A, %dma_wait3A_294] : memref<96x128xf32, #tpu.memory_space<vmem>> -> memref<64x128xf32, #tpu.memory_space<vmem>>
      %dma_wait3A_296 = arith.constant 0 : i32
      %dma_wait3A_297 = tpu.memref_slice %arg10[%mul3A_236, %dma_wait3A_296] : memref<10240x128xf32, #tpu.memory_space<vmem_shared>> -> memref<64x128xf32, #tpu.memory_space<vmem_shared>>
      %dma_wait3A_298 = arith.constant 0 : i32
      %dma_wait3A_299 = arith.constant 0 : i32
      %dma_wait3A_300 = tpu.memref_slice %arg9[%dma_wait3A_298, %dma_wait3A_299] : memref<96x128xf32, #tpu.memory_space<vmem>> -> memref<64x128xf32, #tpu.memory_space<vmem>>
      %dma_wait3A_301 = arith.constant 0 : i32
      %dma_wait3A_302 = tpu.memref_slice %arg10[%mul3A_236, %dma_wait3A_301] : memref<10240x128xf32, #tpu.memory_space<vmem_shared>> -> memref<64x128xf32, #tpu.memory_space<vmem_shared>>
      tpu.wait_dma2 semaphore(%run_scoped3A : memref<!tpu.dma_semaphore, #tpu.memory_space<semaphore_mem>>) src(%dma_wait3A_302 : memref<64x128xf32, #tpu.memory_space<vmem_shared>>) dst(%dma_wait3A_300 : memref<64x128xf32, #tpu.memory_space<vmem>>)
      tpu.yield
    }) : () -> ()
    "tpu.region"() ({
      %run_scoped3A = tpu.sem_alloc : memref<!tpu.dma_semaphore, #tpu.memory_space<semaphore_mem>>
      %dma_start3A = arith.constant 0 : i32
      %dma_start3A_285 = arith.constant 0 : i32
      %dma_start3A_286 = tpu.memref_slice %arg9[%dma_start3A, %dma_start3A_285] : memref<96x128xf32, #tpu.memory_space<vmem>> -> memref<64x128xf32, #tpu.memory_space<vmem>>
      %dma_start3A_287 = arith.constant 0 : i32
      %dma_start3A_288 = tpu.memref_slice %arg5[%arg0, %mul3A_236, %dma_start3A_287] : memref<2x10240x128xf32, #tpu.memory_space<hbm>> -> memref<1x64x128xf32, #tpu.memory_space<hbm>>
      %dma_start3A_289 = tpu.memref_squeeze %dma_start3A_288 : memref<1x64x128xf32, #tpu.memory_space<hbm>> -> memref<64x128xf32, #tpu.memory_space<hbm>>
      %dma_start3A_290 = arith.constant 0 : i32
      %dma_start3A_291 = tpu.memref_slice %arg5[%arg0, %mul3A_236, %dma_start3A_290] : memref<2x10240x128xf32, #tpu.memory_space<hbm>> -> memref<1x64x128xf32, #tpu.memory_space<hbm>>
      %dma_start3A_292 = tpu.memref_squeeze %dma_start3A_291 : memref<1x64x128xf32, #tpu.memory_space<hbm>> -> memref<64x128xf32, #tpu.memory_space<hbm>>
      %dma_start3A_293 = arith.constant 0 : i32
      %dma_start3A_294 = arith.constant 0 : i32
      %dma_start3A_295 = tpu.memref_slice %arg9[%dma_start3A_293, %dma_start3A_294] : memref<96x128xf32, #tpu.memory_space<vmem>> -> memref<64x128xf32, #tpu.memory_space<vmem>>
      tpu.enqueue_dma source(%dma_start3A_295 : memref<64x128xf32, #tpu.memory_space<vmem>>) target(%dma_start3A_292 : memref<64x128xf32, #tpu.memory_space<hbm>>) target_semaphore(%run_scoped3A : memref<!tpu.dma_semaphore, #tpu.memory_space<semaphore_mem>>)
      %dma_wait3A = arith.constant 0 : i32
      %dma_wait3A_296 = arith.constant 0 : i32
      %dma_wait3A_297 = tpu.memref_slice %arg9[%dma_wait3A, %dma_wait3A_296] : memref<96x128xf32, #tpu.memory_space<vmem>> -> memref<64x128xf32, #tpu.memory_space<vmem>>
      %dma_wait3A_298 = arith.constant 0 : i32
      %dma_wait3A_299 = tpu.memref_slice %arg5[%arg0, %mul3A_236, %dma_wait3A_298] : memref<2x10240x128xf32, #tpu.memory_space<hbm>> -> memref<1x64x128xf32, #tpu.memory_space<hbm>>
      %dma_wait3A_300 = tpu.memref_squeeze %dma_wait3A_299 : memref<1x64x128xf32, #tpu.memory_space<hbm>> -> memref<64x128xf32, #tpu.memory_space<hbm>>
      %dma_wait3A_301 = arith.constant 0 : i32
      %dma_wait3A_302 = tpu.memref_slice %arg5[%arg0, %mul3A_236, %dma_wait3A_301] : memref<2x10240x128xf32, #tpu.memory_space<hbm>> -> memref<1x64x128xf32, #tpu.memory_space<hbm>>
      %dma_wait3A_303 = tpu.memref_squeeze %dma_wait3A_302 : memref<1x64x128xf32, #tpu.memory_space<hbm>> -> memref<64x128xf32, #tpu.memory_space<hbm>>
      %dma_wait3A_304 = arith.constant 0 : i32
      %dma_wait3A_305 = arith.constant 0 : i32
      %dma_wait3A_306 = tpu.memref_slice %arg9[%dma_wait3A_304, %dma_wait3A_305] : memref<96x128xf32, #tpu.memory_space<vmem>> -> memref<64x128xf32, #tpu.memory_space<vmem>>
      tpu.wait_dma2 semaphore(%run_scoped3A : memref<!tpu.dma_semaphore, #tpu.memory_space<semaphore_mem>>) src(%dma_wait3A_306 : memref<64x128xf32, #tpu.memory_space<vmem>>) dst(%dma_wait3A_303 : memref<64x128xf32, #tpu.memory_space<hbm>>)
      tpu.yield
    }) : () -> ()
    %mul3A_237 = arith.constant 10 : i32
    %mul3A_238 = arith.muli %arg1, %mul3A_237 : i32
    %add3A_239 = arith.constant 2 : i32
    %add3A_240 = arith.addi %mul3A_238, %add3A_239 : i32
    %mul3A_241 = arith.constant 64 : i32
    %mul3A_242 = arith.muli %add3A_240, %mul3A_241 : i32
    "tpu.region"() ({
      %run_scoped3A = tpu.sem_alloc : memref<!tpu.dma_semaphore, #tpu.memory_space<semaphore_mem>>
      %dma_start3A = arith.constant 0 : i32
      %dma_start3A_285 = arith.constant 0 : i32
      %dma_start3A_286 = tpu.memref_slice %arg9[%dma_start3A, %dma_start3A_285] : memref<96x128xf32, #tpu.memory_space<vmem>> -> memref<64x128xf32, #tpu.memory_space<vmem>>
      %dma_start3A_287 = arith.constant 0 : i32
      %dma_start3A_288 = tpu.memref_slice %arg10[%mul3A_242, %dma_start3A_287] : memref<10240x128xf32, #tpu.memory_space<vmem_shared>> -> memref<64x128xf32, #tpu.memory_space<vmem_shared>>
      %dma_start3A_289 = arith.constant 0 : i32
      %dma_start3A_290 = arith.constant 0 : i32
      %dma_start3A_291 = tpu.memref_slice %arg9[%dma_start3A_289, %dma_start3A_290] : memref<96x128xf32, #tpu.memory_space<vmem>> -> memref<64x128xf32, #tpu.memory_space<vmem>>
      %dma_start3A_292 = arith.constant 0 : i32
      %dma_start3A_293 = tpu.memref_slice %arg10[%mul3A_242, %dma_start3A_292] : memref<10240x128xf32, #tpu.memory_space<vmem_shared>> -> memref<64x128xf32, #tpu.memory_space<vmem_shared>>
      tpu.enqueue_dma source(%dma_start3A_293 : memref<64x128xf32, #tpu.memory_space<vmem_shared>>) target(%dma_start3A_291 : memref<64x128xf32, #tpu.memory_space<vmem>>) target_semaphore(%run_scoped3A : memref<!tpu.dma_semaphore, #tpu.memory_space<semaphore_mem>>)
      %dma_wait3A = arith.constant 0 : i32
      %dma_wait3A_294 = arith.constant 0 : i32
      %dma_wait3A_295 = tpu.memref_slice %arg9[%dma_wait3A, %dma_wait3A_294] : memref<96x128xf32, #tpu.memory_space<vmem>> -> memref<64x128xf32, #tpu.memory_space<vmem>>
      %dma_wait3A_296 = arith.constant 0 : i32
      %dma_wait3A_297 = tpu.memref_slice %arg10[%mul3A_242, %dma_wait3A_296] : memref<10240x128xf32, #tpu.memory_space<vmem_shared>> -> memref<64x128xf32, #tpu.memory_space<vmem_shared>>
      %dma_wait3A_298 = arith.constant 0 : i32
      %dma_wait3A_299 = arith.constant 0 : i32
      %dma_wait3A_300 = tpu.memref_slice %arg9[%dma_wait3A_298, %dma_wait3A_299] : memref<96x128xf32, #tpu.memory_space<vmem>> -> memref<64x128xf32, #tpu.memory_space<vmem>>
      %dma_wait3A_301 = arith.constant 0 : i32
      %dma_wait3A_302 = tpu.memref_slice %arg10[%mul3A_242, %dma_wait3A_301] : memref<10240x128xf32, #tpu.memory_space<vmem_shared>> -> memref<64x128xf32, #tpu.memory_space<vmem_shared>>
      tpu.wait_dma2 semaphore(%run_scoped3A : memref<!tpu.dma_semaphore, #tpu.memory_space<semaphore_mem>>) src(%dma_wait3A_302 : memref<64x128xf32, #tpu.memory_space<vmem_shared>>) dst(%dma_wait3A_300 : memref<64x128xf32, #tpu.memory_space<vmem>>)
      tpu.yield
    }) : () -> ()
    "tpu.region"() ({
      %run_scoped3A = tpu.sem_alloc : memref<!tpu.dma_semaphore, #tpu.memory_space<semaphore_mem>>
      %dma_start3A = arith.constant 0 : i32
      %dma_start3A_285 = arith.constant 0 : i32
      %dma_start3A_286 = tpu.memref_slice %arg9[%dma_start3A, %dma_start3A_285] : memref<96x128xf32, #tpu.memory_space<vmem>> -> memref<64x128xf32, #tpu.memory_space<vmem>>
      %dma_start3A_287 = arith.constant 0 : i32
      %dma_start3A_288 = tpu.memref_slice %arg5[%arg0, %mul3A_242, %dma_start3A_287] : memref<2x10240x128xf32, #tpu.memory_space<hbm>> -> memref<1x64x128xf32, #tpu.memory_space<hbm>>
      %dma_start3A_289 = tpu.memref_squeeze %dma_start3A_288 : memref<1x64x128xf32, #tpu.memory_space<hbm>> -> memref<64x128xf32, #tpu.memory_space<hbm>>
      %dma_start3A_290 = arith.constant 0 : i32
      %dma_start3A_291 = tpu.memref_slice %arg5[%arg0, %mul3A_242, %dma_start3A_290] : memref<2x10240x128xf32, #tpu.memory_space<hbm>> -> memref<1x64x128xf32, #tpu.memory_space<hbm>>
      %dma_start3A_292 = tpu.memref_squeeze %dma_start3A_291 : memref<1x64x128xf32, #tpu.memory_space<hbm>> -> memref<64x128xf32, #tpu.memory_space<hbm>>
      %dma_start3A_293 = arith.constant 0 : i32
      %dma_start3A_294 = arith.constant 0 : i32
      %dma_start3A_295 = tpu.memref_slice %arg9[%dma_start3A_293, %dma_start3A_294] : memref<96x128xf32, #tpu.memory_space<vmem>> -> memref<64x128xf32, #tpu.memory_space<vmem>>
      tpu.enqueue_dma source(%dma_start3A_295 : memref<64x128xf32, #tpu.memory_space<vmem>>) target(%dma_start3A_292 : memref<64x128xf32, #tpu.memory_space<hbm>>) target_semaphore(%run_scoped3A : memref<!tpu.dma_semaphore, #tpu.memory_space<semaphore_mem>>)
      %dma_wait3A = arith.constant 0 : i32
      %dma_wait3A_296 = arith.constant 0 : i32
      %dma_wait3A_297 = tpu.memref_slice %arg9[%dma_wait3A, %dma_wait3A_296] : memref<96x128xf32, #tpu.memory_space<vmem>> -> memref<64x128xf32, #tpu.memory_space<vmem>>
      %dma_wait3A_298 = arith.constant 0 : i32
      %dma_wait3A_299 = tpu.memref_slice %arg5[%arg0, %mul3A_242, %dma_wait3A_298] : memref<2x10240x128xf32, #tpu.memory_space<hbm>> -> memref<1x64x128xf32, #tpu.memory_space<hbm>>
      %dma_wait3A_300 = tpu.memref_squeeze %dma_wait3A_299 : memref<1x64x128xf32, #tpu.memory_space<hbm>> -> memref<64x128xf32, #tpu.memory_space<hbm>>
      %dma_wait3A_301 = arith.constant 0 : i32
      %dma_wait3A_302 = tpu.memref_slice %arg5[%arg0, %mul3A_242, %dma_wait3A_301] : memref<2x10240x128xf32, #tpu.memory_space<hbm>> -> memref<1x64x128xf32, #tpu.memory_space<hbm>>
      %dma_wait3A_303 = tpu.memref_squeeze %dma_wait3A_302 : memref<1x64x128xf32, #tpu.memory_space<hbm>> -> memref<64x128xf32, #tpu.memory_space<hbm>>
      %dma_wait3A_304 = arith.constant 0 : i32
      %dma_wait3A_305 = arith.constant 0 : i32
      %dma_wait3A_306 = tpu.memref_slice %arg9[%dma_wait3A_304, %dma_wait3A_305] : memref<96x128xf32, #tpu.memory_space<vmem>> -> memref<64x128xf32, #tpu.memory_space<vmem>>
      tpu.wait_dma2 semaphore(%run_scoped3A : memref<!tpu.dma_semaphore, #tpu.memory_space<semaphore_mem>>) src(%dma_wait3A_306 : memref<64x128xf32, #tpu.memory_space<vmem>>) dst(%dma_wait3A_303 : memref<64x128xf32, #tpu.memory_space<hbm>>)
      tpu.yield
    }) : () -> ()
    %mul3A_243 = arith.constant 10 : i32
    %mul3A_244 = arith.muli %arg1, %mul3A_243 : i32
    %add3A_245 = arith.constant 3 : i32
    %add3A_246 = arith.addi %mul3A_244, %add3A_245 : i32
    %mul3A_247 = arith.constant 64 : i32
    %mul3A_248 = arith.muli %add3A_246, %mul3A_247 : i32
    "tpu.region"() ({
      %run_scoped3A = tpu.sem_alloc : memref<!tpu.dma_semaphore, #tpu.memory_space<semaphore_mem>>
      %dma_start3A = arith.constant 0 : i32
      %dma_start3A_285 = arith.constant 0 : i32
      %dma_start3A_286 = tpu.memref_slice %arg9[%dma_start3A, %dma_start3A_285] : memref<96x128xf32, #tpu.memory_space<vmem>> -> memref<64x128xf32, #tpu.memory_space<vmem>>
      %dma_start3A_287 = arith.constant 0 : i32
      %dma_start3A_288 = tpu.memref_slice %arg10[%mul3A_248, %dma_start3A_287] : memref<10240x128xf32, #tpu.memory_space<vmem_shared>> -> memref<64x128xf32, #tpu.memory_space<vmem_shared>>
      %dma_start3A_289 = arith.constant 0 : i32
      %dma_start3A_290 = arith.constant 0 : i32
      %dma_start3A_291 = tpu.memref_slice %arg9[%dma_start3A_289, %dma_start3A_290] : memref<96x128xf32, #tpu.memory_space<vmem>> -> memref<64x128xf32, #tpu.memory_space<vmem>>
      %dma_start3A_292 = arith.constant 0 : i32
      %dma_start3A_293 = tpu.memref_slice %arg10[%mul3A_248, %dma_start3A_292] : memref<10240x128xf32, #tpu.memory_space<vmem_shared>> -> memref<64x128xf32, #tpu.memory_space<vmem_shared>>
      tpu.enqueue_dma source(%dma_start3A_293 : memref<64x128xf32, #tpu.memory_space<vmem_shared>>) target(%dma_start3A_291 : memref<64x128xf32, #tpu.memory_space<vmem>>) target_semaphore(%run_scoped3A : memref<!tpu.dma_semaphore, #tpu.memory_space<semaphore_mem>>)
      %dma_wait3A = arith.constant 0 : i32
      %dma_wait3A_294 = arith.constant 0 : i32
      %dma_wait3A_295 = tpu.memref_slice %arg9[%dma_wait3A, %dma_wait3A_294] : memref<96x128xf32, #tpu.memory_space<vmem>> -> memref<64x128xf32, #tpu.memory_space<vmem>>
      %dma_wait3A_296 = arith.constant 0 : i32
      %dma_wait3A_297 = tpu.memref_slice %arg10[%mul3A_248, %dma_wait3A_296] : memref<10240x128xf32, #tpu.memory_space<vmem_shared>> -> memref<64x128xf32, #tpu.memory_space<vmem_shared>>
      %dma_wait3A_298 = arith.constant 0 : i32
      %dma_wait3A_299 = arith.constant 0 : i32
      %dma_wait3A_300 = tpu.memref_slice %arg9[%dma_wait3A_298, %dma_wait3A_299] : memref<96x128xf32, #tpu.memory_space<vmem>> -> memref<64x128xf32, #tpu.memory_space<vmem>>
      %dma_wait3A_301 = arith.constant 0 : i32
      %dma_wait3A_302 = tpu.memref_slice %arg10[%mul3A_248, %dma_wait3A_301] : memref<10240x128xf32, #tpu.memory_space<vmem_shared>> -> memref<64x128xf32, #tpu.memory_space<vmem_shared>>
      tpu.wait_dma2 semaphore(%run_scoped3A : memref<!tpu.dma_semaphore, #tpu.memory_space<semaphore_mem>>) src(%dma_wait3A_302 : memref<64x128xf32, #tpu.memory_space<vmem_shared>>) dst(%dma_wait3A_300 : memref<64x128xf32, #tpu.memory_space<vmem>>)
      tpu.yield
    }) : () -> ()
    "tpu.region"() ({
      %run_scoped3A = tpu.sem_alloc : memref<!tpu.dma_semaphore, #tpu.memory_space<semaphore_mem>>
      %dma_start3A = arith.constant 0 : i32
      %dma_start3A_285 = arith.constant 0 : i32
      %dma_start3A_286 = tpu.memref_slice %arg9[%dma_start3A, %dma_start3A_285] : memref<96x128xf32, #tpu.memory_space<vmem>> -> memref<64x128xf32, #tpu.memory_space<vmem>>
      %dma_start3A_287 = arith.constant 0 : i32
      %dma_start3A_288 = tpu.memref_slice %arg5[%arg0, %mul3A_248, %dma_start3A_287] : memref<2x10240x128xf32, #tpu.memory_space<hbm>> -> memref<1x64x128xf32, #tpu.memory_space<hbm>>
      %dma_start3A_289 = tpu.memref_squeeze %dma_start3A_288 : memref<1x64x128xf32, #tpu.memory_space<hbm>> -> memref<64x128xf32, #tpu.memory_space<hbm>>
      %dma_start3A_290 = arith.constant 0 : i32
      %dma_start3A_291 = tpu.memref_slice %arg5[%arg0, %mul3A_248, %dma_start3A_290] : memref<2x10240x128xf32, #tpu.memory_space<hbm>> -> memref<1x64x128xf32, #tpu.memory_space<hbm>>
      %dma_start3A_292 = tpu.memref_squeeze %dma_start3A_291 : memref<1x64x128xf32, #tpu.memory_space<hbm>> -> memref<64x128xf32, #tpu.memory_space<hbm>>
      %dma_start3A_293 = arith.constant 0 : i32
      %dma_start3A_294 = arith.constant 0 : i32
      %dma_start3A_295 = tpu.memref_slice %arg9[%dma_start3A_293, %dma_start3A_294] : memref<96x128xf32, #tpu.memory_space<vmem>> -> memref<64x128xf32, #tpu.memory_space<vmem>>
      tpu.enqueue_dma source(%dma_start3A_295 : memref<64x128xf32, #tpu.memory_space<vmem>>) target(%dma_start3A_292 : memref<64x128xf32, #tpu.memory_space<hbm>>) target_semaphore(%run_scoped3A : memref<!tpu.dma_semaphore, #tpu.memory_space<semaphore_mem>>)
      %dma_wait3A = arith.constant 0 : i32
      %dma_wait3A_296 = arith.constant 0 : i32
      %dma_wait3A_297 = tpu.memref_slice %arg9[%dma_wait3A, %dma_wait3A_296] : memref<96x128xf32, #tpu.memory_space<vmem>> -> memref<64x128xf32, #tpu.memory_space<vmem>>
      %dma_wait3A_298 = arith.constant 0 : i32
      %dma_wait3A_299 = tpu.memref_slice %arg5[%arg0, %mul3A_248, %dma_wait3A_298] : memref<2x10240x128xf32, #tpu.memory_space<hbm>> -> memref<1x64x128xf32, #tpu.memory_space<hbm>>
      %dma_wait3A_300 = tpu.memref_squeeze %dma_wait3A_299 : memref<1x64x128xf32, #tpu.memory_space<hbm>> -> memref<64x128xf32, #tpu.memory_space<hbm>>
      %dma_wait3A_301 = arith.constant 0 : i32
      %dma_wait3A_302 = tpu.memref_slice %arg5[%arg0, %mul3A_248, %dma_wait3A_301] : memref<2x10240x128xf32, #tpu.memory_space<hbm>> -> memref<1x64x128xf32, #tpu.memory_space<hbm>>
      %dma_wait3A_303 = tpu.memref_squeeze %dma_wait3A_302 : memref<1x64x128xf32, #tpu.memory_space<hbm>> -> memref<64x128xf32, #tpu.memory_space<hbm>>
      %dma_wait3A_304 = arith.constant 0 : i32
      %dma_wait3A_305 = arith.constant 0 : i32
      %dma_wait3A_306 = tpu.memref_slice %arg9[%dma_wait3A_304, %dma_wait3A_305] : memref<96x128xf32, #tpu.memory_space<vmem>> -> memref<64x128xf32, #tpu.memory_space<vmem>>
      tpu.wait_dma2 semaphore(%run_scoped3A : memref<!tpu.dma_semaphore, #tpu.memory_space<semaphore_mem>>) src(%dma_wait3A_306 : memref<64x128xf32, #tpu.memory_space<vmem>>) dst(%dma_wait3A_303 : memref<64x128xf32, #tpu.memory_space<hbm>>)
      tpu.yield
    }) : () -> ()
    %mul3A_249 = arith.constant 10 : i32
    %mul3A_250 = arith.muli %arg1, %mul3A_249 : i32
    %add3A_251 = arith.constant 4 : i32
    %add3A_252 = arith.addi %mul3A_250, %add3A_251 : i32
    %mul3A_253 = arith.constant 64 : i32
    %mul3A_254 = arith.muli %add3A_252, %mul3A_253 : i32
    "tpu.region"() ({
      %run_scoped3A = tpu.sem_alloc : memref<!tpu.dma_semaphore, #tpu.memory_space<semaphore_mem>>
      %dma_start3A = arith.constant 0 : i32
      %dma_start3A_285 = arith.constant 0 : i32
      %dma_start3A_286 = tpu.memref_slice %arg9[%dma_start3A, %dma_start3A_285] : memref<96x128xf32, #tpu.memory_space<vmem>> -> memref<64x128xf32, #tpu.memory_space<vmem>>
      %dma_start3A_287 = arith.constant 0 : i32
      %dma_start3A_288 = tpu.memref_slice %arg10[%mul3A_254, %dma_start3A_287] : memref<10240x128xf32, #tpu.memory_space<vmem_shared>> -> memref<64x128xf32, #tpu.memory_space<vmem_shared>>
      %dma_start3A_289 = arith.constant 0 : i32
      %dma_start3A_290 = arith.constant 0 : i32
      %dma_start3A_291 = tpu.memref_slice %arg9[%dma_start3A_289, %dma_start3A_290] : memref<96x128xf32, #tpu.memory_space<vmem>> -> memref<64x128xf32, #tpu.memory_space<vmem>>
      %dma_start3A_292 = arith.constant 0 : i32
      %dma_start3A_293 = tpu.memref_slice %arg10[%mul3A_254, %dma_start3A_292] : memref<10240x128xf32, #tpu.memory_space<vmem_shared>> -> memref<64x128xf32, #tpu.memory_space<vmem_shared>>
      tpu.enqueue_dma source(%dma_start3A_293 : memref<64x128xf32, #tpu.memory_space<vmem_shared>>) target(%dma_start3A_291 : memref<64x128xf32, #tpu.memory_space<vmem>>) target_semaphore(%run_scoped3A : memref<!tpu.dma_semaphore, #tpu.memory_space<semaphore_mem>>)
      %dma_wait3A = arith.constant 0 : i32
      %dma_wait3A_294 = arith.constant 0 : i32
      %dma_wait3A_295 = tpu.memref_slice %arg9[%dma_wait3A, %dma_wait3A_294] : memref<96x128xf32, #tpu.memory_space<vmem>> -> memref<64x128xf32, #tpu.memory_space<vmem>>
      %dma_wait3A_296 = arith.constant 0 : i32
      %dma_wait3A_297 = tpu.memref_slice %arg10[%mul3A_254, %dma_wait3A_296] : memref<10240x128xf32, #tpu.memory_space<vmem_shared>> -> memref<64x128xf32, #tpu.memory_space<vmem_shared>>
      %dma_wait3A_298 = arith.constant 0 : i32
      %dma_wait3A_299 = arith.constant 0 : i32
      %dma_wait3A_300 = tpu.memref_slice %arg9[%dma_wait3A_298, %dma_wait3A_299] : memref<96x128xf32, #tpu.memory_space<vmem>> -> memref<64x128xf32, #tpu.memory_space<vmem>>
      %dma_wait3A_301 = arith.constant 0 : i32
      %dma_wait3A_302 = tpu.memref_slice %arg10[%mul3A_254, %dma_wait3A_301] : memref<10240x128xf32, #tpu.memory_space<vmem_shared>> -> memref<64x128xf32, #tpu.memory_space<vmem_shared>>
      tpu.wait_dma2 semaphore(%run_scoped3A : memref<!tpu.dma_semaphore, #tpu.memory_space<semaphore_mem>>) src(%dma_wait3A_302 : memref<64x128xf32, #tpu.memory_space<vmem_shared>>) dst(%dma_wait3A_300 : memref<64x128xf32, #tpu.memory_space<vmem>>)
      tpu.yield
    }) : () -> ()
    "tpu.region"() ({
      %run_scoped3A = tpu.sem_alloc : memref<!tpu.dma_semaphore, #tpu.memory_space<semaphore_mem>>
      %dma_start3A = arith.constant 0 : i32
      %dma_start3A_285 = arith.constant 0 : i32
      %dma_start3A_286 = tpu.memref_slice %arg9[%dma_start3A, %dma_start3A_285] : memref<96x128xf32, #tpu.memory_space<vmem>> -> memref<64x128xf32, #tpu.memory_space<vmem>>
      %dma_start3A_287 = arith.constant 0 : i32
      %dma_start3A_288 = tpu.memref_slice %arg5[%arg0, %mul3A_254, %dma_start3A_287] : memref<2x10240x128xf32, #tpu.memory_space<hbm>> -> memref<1x64x128xf32, #tpu.memory_space<hbm>>
      %dma_start3A_289 = tpu.memref_squeeze %dma_start3A_288 : memref<1x64x128xf32, #tpu.memory_space<hbm>> -> memref<64x128xf32, #tpu.memory_space<hbm>>
      %dma_start3A_290 = arith.constant 0 : i32
      %dma_start3A_291 = tpu.memref_slice %arg5[%arg0, %mul3A_254, %dma_start3A_290] : memref<2x10240x128xf32, #tpu.memory_space<hbm>> -> memref<1x64x128xf32, #tpu.memory_space<hbm>>
      %dma_start3A_292 = tpu.memref_squeeze %dma_start3A_291 : memref<1x64x128xf32, #tpu.memory_space<hbm>> -> memref<64x128xf32, #tpu.memory_space<hbm>>
      %dma_start3A_293 = arith.constant 0 : i32
      %dma_start3A_294 = arith.constant 0 : i32
      %dma_start3A_295 = tpu.memref_slice %arg9[%dma_start3A_293, %dma_start3A_294] : memref<96x128xf32, #tpu.memory_space<vmem>> -> memref<64x128xf32, #tpu.memory_space<vmem>>
      tpu.enqueue_dma source(%dma_start3A_295 : memref<64x128xf32, #tpu.memory_space<vmem>>) target(%dma_start3A_292 : memref<64x128xf32, #tpu.memory_space<hbm>>) target_semaphore(%run_scoped3A : memref<!tpu.dma_semaphore, #tpu.memory_space<semaphore_mem>>)
      %dma_wait3A = arith.constant 0 : i32
      %dma_wait3A_296 = arith.constant 0 : i32
      %dma_wait3A_297 = tpu.memref_slice %arg9[%dma_wait3A, %dma_wait3A_296] : memref<96x128xf32, #tpu.memory_space<vmem>> -> memref<64x128xf32, #tpu.memory_space<vmem>>
      %dma_wait3A_298 = arith.constant 0 : i32
      %dma_wait3A_299 = tpu.memref_slice %arg5[%arg0, %mul3A_254, %dma_wait3A_298] : memref<2x10240x128xf32, #tpu.memory_space<hbm>> -> memref<1x64x128xf32, #tpu.memory_space<hbm>>
      %dma_wait3A_300 = tpu.memref_squeeze %dma_wait3A_299 : memref<1x64x128xf32, #tpu.memory_space<hbm>> -> memref<64x128xf32, #tpu.memory_space<hbm>>
      %dma_wait3A_301 = arith.constant 0 : i32
      %dma_wait3A_302 = tpu.memref_slice %arg5[%arg0, %mul3A_254, %dma_wait3A_301] : memref<2x10240x128xf32, #tpu.memory_space<hbm>> -> memref<1x64x128xf32, #tpu.memory_space<hbm>>
      %dma_wait3A_303 = tpu.memref_squeeze %dma_wait3A_302 : memref<1x64x128xf32, #tpu.memory_space<hbm>> -> memref<64x128xf32, #tpu.memory_space<hbm>>
      %dma_wait3A_304 = arith.constant 0 : i32
      %dma_wait3A_305 = arith.constant 0 : i32
      %dma_wait3A_306 = tpu.memref_slice %arg9[%dma_wait3A_304, %dma_wait3A_305] : memref<96x128xf32, #tpu.memory_space<vmem>> -> memref<64x128xf32, #tpu.memory_space<vmem>>
      tpu.wait_dma2 semaphore(%run_scoped3A : memref<!tpu.dma_semaphore, #tpu.memory_space<semaphore_mem>>) src(%dma_wait3A_306 : memref<64x128xf32, #tpu.memory_space<vmem>>) dst(%dma_wait3A_303 : memref<64x128xf32, #tpu.memory_space<hbm>>)
      tpu.yield
    }) : () -> ()
    %mul3A_255 = arith.constant 10 : i32
    %mul3A_256 = arith.muli %arg1, %mul3A_255 : i32
    %add3A_257 = arith.constant 5 : i32
    %add3A_258 = arith.addi %mul3A_256, %add3A_257 : i32
    %mul3A_259 = arith.constant 64 : i32
    %mul3A_260 = arith.muli %add3A_258, %mul3A_259 : i32
    "tpu.region"() ({
      %run_scoped3A = tpu.sem_alloc : memref<!tpu.dma_semaphore, #tpu.memory_space<semaphore_mem>>
      %dma_start3A = arith.constant 0 : i32
      %dma_start3A_285 = arith.constant 0 : i32
      %dma_start3A_286 = tpu.memref_slice %arg9[%dma_start3A, %dma_start3A_285] : memref<96x128xf32, #tpu.memory_space<vmem>> -> memref<64x128xf32, #tpu.memory_space<vmem>>
      %dma_start3A_287 = arith.constant 0 : i32
      %dma_start3A_288 = tpu.memref_slice %arg10[%mul3A_260, %dma_start3A_287] : memref<10240x128xf32, #tpu.memory_space<vmem_shared>> -> memref<64x128xf32, #tpu.memory_space<vmem_shared>>
      %dma_start3A_289 = arith.constant 0 : i32
      %dma_start3A_290 = arith.constant 0 : i32
      %dma_start3A_291 = tpu.memref_slice %arg9[%dma_start3A_289, %dma_start3A_290] : memref<96x128xf32, #tpu.memory_space<vmem>> -> memref<64x128xf32, #tpu.memory_space<vmem>>
      %dma_start3A_292 = arith.constant 0 : i32
      %dma_start3A_293 = tpu.memref_slice %arg10[%mul3A_260, %dma_start3A_292] : memref<10240x128xf32, #tpu.memory_space<vmem_shared>> -> memref<64x128xf32, #tpu.memory_space<vmem_shared>>
      tpu.enqueue_dma source(%dma_start3A_293 : memref<64x128xf32, #tpu.memory_space<vmem_shared>>) target(%dma_start3A_291 : memref<64x128xf32, #tpu.memory_space<vmem>>) target_semaphore(%run_scoped3A : memref<!tpu.dma_semaphore, #tpu.memory_space<semaphore_mem>>)
      %dma_wait3A = arith.constant 0 : i32
      %dma_wait3A_294 = arith.constant 0 : i32
      %dma_wait3A_295 = tpu.memref_slice %arg9[%dma_wait3A, %dma_wait3A_294] : memref<96x128xf32, #tpu.memory_space<vmem>> -> memref<64x128xf32, #tpu.memory_space<vmem>>
      %dma_wait3A_296 = arith.constant 0 : i32
      %dma_wait3A_297 = tpu.memref_slice %arg10[%mul3A_260, %dma_wait3A_296] : memref<10240x128xf32, #tpu.memory_space<vmem_shared>> -> memref<64x128xf32, #tpu.memory_space<vmem_shared>>
      %dma_wait3A_298 = arith.constant 0 : i32
      %dma_wait3A_299 = arith.constant 0 : i32
      %dma_wait3A_300 = tpu.memref_slice %arg9[%dma_wait3A_298, %dma_wait3A_299] : memref<96x128xf32, #tpu.memory_space<vmem>> -> memref<64x128xf32, #tpu.memory_space<vmem>>
      %dma_wait3A_301 = arith.constant 0 : i32
      %dma_wait3A_302 = tpu.memref_slice %arg10[%mul3A_260, %dma_wait3A_301] : memref<10240x128xf32, #tpu.memory_space<vmem_shared>> -> memref<64x128xf32, #tpu.memory_space<vmem_shared>>
      tpu.wait_dma2 semaphore(%run_scoped3A : memref<!tpu.dma_semaphore, #tpu.memory_space<semaphore_mem>>) src(%dma_wait3A_302 : memref<64x128xf32, #tpu.memory_space<vmem_shared>>) dst(%dma_wait3A_300 : memref<64x128xf32, #tpu.memory_space<vmem>>)
      tpu.yield
    }) : () -> ()
    "tpu.region"() ({
      %run_scoped3A = tpu.sem_alloc : memref<!tpu.dma_semaphore, #tpu.memory_space<semaphore_mem>>
      %dma_start3A = arith.constant 0 : i32
      %dma_start3A_285 = arith.constant 0 : i32
      %dma_start3A_286 = tpu.memref_slice %arg9[%dma_start3A, %dma_start3A_285] : memref<96x128xf32, #tpu.memory_space<vmem>> -> memref<64x128xf32, #tpu.memory_space<vmem>>
      %dma_start3A_287 = arith.constant 0 : i32
      %dma_start3A_288 = tpu.memref_slice %arg5[%arg0, %mul3A_260, %dma_start3A_287] : memref<2x10240x128xf32, #tpu.memory_space<hbm>> -> memref<1x64x128xf32, #tpu.memory_space<hbm>>
      %dma_start3A_289 = tpu.memref_squeeze %dma_start3A_288 : memref<1x64x128xf32, #tpu.memory_space<hbm>> -> memref<64x128xf32, #tpu.memory_space<hbm>>
      %dma_start3A_290 = arith.constant 0 : i32
      %dma_start3A_291 = tpu.memref_slice %arg5[%arg0, %mul3A_260, %dma_start3A_290] : memref<2x10240x128xf32, #tpu.memory_space<hbm>> -> memref<1x64x128xf32, #tpu.memory_space<hbm>>
      %dma_start3A_292 = tpu.memref_squeeze %dma_start3A_291 : memref<1x64x128xf32, #tpu.memory_space<hbm>> -> memref<64x128xf32, #tpu.memory_space<hbm>>
      %dma_start3A_293 = arith.constant 0 : i32
      %dma_start3A_294 = arith.constant 0 : i32
      %dma_start3A_295 = tpu.memref_slice %arg9[%dma_start3A_293, %dma_start3A_294] : memref<96x128xf32, #tpu.memory_space<vmem>> -> memref<64x128xf32, #tpu.memory_space<vmem>>
      tpu.enqueue_dma source(%dma_start3A_295 : memref<64x128xf32, #tpu.memory_space<vmem>>) target(%dma_start3A_292 : memref<64x128xf32, #tpu.memory_space<hbm>>) target_semaphore(%run_scoped3A : memref<!tpu.dma_semaphore, #tpu.memory_space<semaphore_mem>>)
      %dma_wait3A = arith.constant 0 : i32
      %dma_wait3A_296 = arith.constant 0 : i32
      %dma_wait3A_297 = tpu.memref_slice %arg9[%dma_wait3A, %dma_wait3A_296] : memref<96x128xf32, #tpu.memory_space<vmem>> -> memref<64x128xf32, #tpu.memory_space<vmem>>
      %dma_wait3A_298 = arith.constant 0 : i32
      %dma_wait3A_299 = tpu.memref_slice %arg5[%arg0, %mul3A_260, %dma_wait3A_298] : memref<2x10240x128xf32, #tpu.memory_space<hbm>> -> memref<1x64x128xf32, #tpu.memory_space<hbm>>
      %dma_wait3A_300 = tpu.memref_squeeze %dma_wait3A_299 : memref<1x64x128xf32, #tpu.memory_space<hbm>> -> memref<64x128xf32, #tpu.memory_space<hbm>>
      %dma_wait3A_301 = arith.constant 0 : i32
      %dma_wait3A_302 = tpu.memref_slice %arg5[%arg0, %mul3A_260, %dma_wait3A_301] : memref<2x10240x128xf32, #tpu.memory_space<hbm>> -> memref<1x64x128xf32, #tpu.memory_space<hbm>>
      %dma_wait3A_303 = tpu.memref_squeeze %dma_wait3A_302 : memref<1x64x128xf32, #tpu.memory_space<hbm>> -> memref<64x128xf32, #tpu.memory_space<hbm>>
      %dma_wait3A_304 = arith.constant 0 : i32
      %dma_wait3A_305 = arith.constant 0 : i32
      %dma_wait3A_306 = tpu.memref_slice %arg9[%dma_wait3A_304, %dma_wait3A_305] : memref<96x128xf32, #tpu.memory_space<vmem>> -> memref<64x128xf32, #tpu.memory_space<vmem>>
      tpu.wait_dma2 semaphore(%run_scoped3A : memref<!tpu.dma_semaphore, #tpu.memory_space<semaphore_mem>>) src(%dma_wait3A_306 : memref<64x128xf32, #tpu.memory_space<vmem>>) dst(%dma_wait3A_303 : memref<64x128xf32, #tpu.memory_space<hbm>>)
      tpu.yield
    }) : () -> ()
    %mul3A_261 = arith.constant 10 : i32
    %mul3A_262 = arith.muli %arg1, %mul3A_261 : i32
    %add3A_263 = arith.constant 6 : i32
    %add3A_264 = arith.addi %mul3A_262, %add3A_263 : i32
    %mul3A_265 = arith.constant 64 : i32
    %mul3A_266 = arith.muli %add3A_264, %mul3A_265 : i32
    "tpu.region"() ({
      %run_scoped3A = tpu.sem_alloc : memref<!tpu.dma_semaphore, #tpu.memory_space<semaphore_mem>>
      %dma_start3A = arith.constant 0 : i32
      %dma_start3A_285 = arith.constant 0 : i32
      %dma_start3A_286 = tpu.memref_slice %arg9[%dma_start3A, %dma_start3A_285] : memref<96x128xf32, #tpu.memory_space<vmem>> -> memref<64x128xf32, #tpu.memory_space<vmem>>
      %dma_start3A_287 = arith.constant 0 : i32
      %dma_start3A_288 = tpu.memref_slice %arg10[%mul3A_266, %dma_start3A_287] : memref<10240x128xf32, #tpu.memory_space<vmem_shared>> -> memref<64x128xf32, #tpu.memory_space<vmem_shared>>
      %dma_start3A_289 = arith.constant 0 : i32
      %dma_start3A_290 = arith.constant 0 : i32
      %dma_start3A_291 = tpu.memref_slice %arg9[%dma_start3A_289, %dma_start3A_290] : memref<96x128xf32, #tpu.memory_space<vmem>> -> memref<64x128xf32, #tpu.memory_space<vmem>>
      %dma_start3A_292 = arith.constant 0 : i32
      %dma_start3A_293 = tpu.memref_slice %arg10[%mul3A_266, %dma_start3A_292] : memref<10240x128xf32, #tpu.memory_space<vmem_shared>> -> memref<64x128xf32, #tpu.memory_space<vmem_shared>>
      tpu.enqueue_dma source(%dma_start3A_293 : memref<64x128xf32, #tpu.memory_space<vmem_shared>>) target(%dma_start3A_291 : memref<64x128xf32, #tpu.memory_space<vmem>>) target_semaphore(%run_scoped3A : memref<!tpu.dma_semaphore, #tpu.memory_space<semaphore_mem>>)
      %dma_wait3A = arith.constant 0 : i32
      %dma_wait3A_294 = arith.constant 0 : i32
      %dma_wait3A_295 = tpu.memref_slice %arg9[%dma_wait3A, %dma_wait3A_294] : memref<96x128xf32, #tpu.memory_space<vmem>> -> memref<64x128xf32, #tpu.memory_space<vmem>>
      %dma_wait3A_296 = arith.constant 0 : i32
      %dma_wait3A_297 = tpu.memref_slice %arg10[%mul3A_266, %dma_wait3A_296] : memref<10240x128xf32, #tpu.memory_space<vmem_shared>> -> memref<64x128xf32, #tpu.memory_space<vmem_shared>>
      %dma_wait3A_298 = arith.constant 0 : i32
      %dma_wait3A_299 = arith.constant 0 : i32
      %dma_wait3A_300 = tpu.memref_slice %arg9[%dma_wait3A_298, %dma_wait3A_299] : memref<96x128xf32, #tpu.memory_space<vmem>> -> memref<64x128xf32, #tpu.memory_space<vmem>>
      %dma_wait3A_301 = arith.constant 0 : i32
      %dma_wait3A_302 = tpu.memref_slice %arg10[%mul3A_266, %dma_wait3A_301] : memref<10240x128xf32, #tpu.memory_space<vmem_shared>> -> memref<64x128xf32, #tpu.memory_space<vmem_shared>>
      tpu.wait_dma2 semaphore(%run_scoped3A : memref<!tpu.dma_semaphore, #tpu.memory_space<semaphore_mem>>) src(%dma_wait3A_302 : memref<64x128xf32, #tpu.memory_space<vmem_shared>>) dst(%dma_wait3A_300 : memref<64x128xf32, #tpu.memory_space<vmem>>)
      tpu.yield
    }) : () -> ()
    "tpu.region"() ({
      %run_scoped3A = tpu.sem_alloc : memref<!tpu.dma_semaphore, #tpu.memory_space<semaphore_mem>>
      %dma_start3A = arith.constant 0 : i32
      %dma_start3A_285 = arith.constant 0 : i32
      %dma_start3A_286 = tpu.memref_slice %arg9[%dma_start3A, %dma_start3A_285] : memref<96x128xf32, #tpu.memory_space<vmem>> -> memref<64x128xf32, #tpu.memory_space<vmem>>
      %dma_start3A_287 = arith.constant 0 : i32
      %dma_start3A_288 = tpu.memref_slice %arg5[%arg0, %mul3A_266, %dma_start3A_287] : memref<2x10240x128xf32, #tpu.memory_space<hbm>> -> memref<1x64x128xf32, #tpu.memory_space<hbm>>
      %dma_start3A_289 = tpu.memref_squeeze %dma_start3A_288 : memref<1x64x128xf32, #tpu.memory_space<hbm>> -> memref<64x128xf32, #tpu.memory_space<hbm>>
      %dma_start3A_290 = arith.constant 0 : i32
      %dma_start3A_291 = tpu.memref_slice %arg5[%arg0, %mul3A_266, %dma_start3A_290] : memref<2x10240x128xf32, #tpu.memory_space<hbm>> -> memref<1x64x128xf32, #tpu.memory_space<hbm>>
      %dma_start3A_292 = tpu.memref_squeeze %dma_start3A_291 : memref<1x64x128xf32, #tpu.memory_space<hbm>> -> memref<64x128xf32, #tpu.memory_space<hbm>>
      %dma_start3A_293 = arith.constant 0 : i32
      %dma_start3A_294 = arith.constant 0 : i32
      %dma_start3A_295 = tpu.memref_slice %arg9[%dma_start3A_293, %dma_start3A_294] : memref<96x128xf32, #tpu.memory_space<vmem>> -> memref<64x128xf32, #tpu.memory_space<vmem>>
      tpu.enqueue_dma source(%dma_start3A_295 : memref<64x128xf32, #tpu.memory_space<vmem>>) target(%dma_start3A_292 : memref<64x128xf32, #tpu.memory_space<hbm>>) target_semaphore(%run_scoped3A : memref<!tpu.dma_semaphore, #tpu.memory_space<semaphore_mem>>)
      %dma_wait3A = arith.constant 0 : i32
      %dma_wait3A_296 = arith.constant 0 : i32
      %dma_wait3A_297 = tpu.memref_slice %arg9[%dma_wait3A, %dma_wait3A_296] : memref<96x128xf32, #tpu.memory_space<vmem>> -> memref<64x128xf32, #tpu.memory_space<vmem>>
      %dma_wait3A_298 = arith.constant 0 : i32
      %dma_wait3A_299 = tpu.memref_slice %arg5[%arg0, %mul3A_266, %dma_wait3A_298] : memref<2x10240x128xf32, #tpu.memory_space<hbm>> -> memref<1x64x128xf32, #tpu.memory_space<hbm>>
      %dma_wait3A_300 = tpu.memref_squeeze %dma_wait3A_299 : memref<1x64x128xf32, #tpu.memory_space<hbm>> -> memref<64x128xf32, #tpu.memory_space<hbm>>
      %dma_wait3A_301 = arith.constant 0 : i32
      %dma_wait3A_302 = tpu.memref_slice %arg5[%arg0, %mul3A_266, %dma_wait3A_301] : memref<2x10240x128xf32, #tpu.memory_space<hbm>> -> memref<1x64x128xf32, #tpu.memory_space<hbm>>
      %dma_wait3A_303 = tpu.memref_squeeze %dma_wait3A_302 : memref<1x64x128xf32, #tpu.memory_space<hbm>> -> memref<64x128xf32, #tpu.memory_space<hbm>>
      %dma_wait3A_304 = arith.constant 0 : i32
      %dma_wait3A_305 = arith.constant 0 : i32
      %dma_wait3A_306 = tpu.memref_slice %arg9[%dma_wait3A_304, %dma_wait3A_305] : memref<96x128xf32, #tpu.memory_space<vmem>> -> memref<64x128xf32, #tpu.memory_space<vmem>>
      tpu.wait_dma2 semaphore(%run_scoped3A : memref<!tpu.dma_semaphore, #tpu.memory_space<semaphore_mem>>) src(%dma_wait3A_306 : memref<64x128xf32, #tpu.memory_space<vmem>>) dst(%dma_wait3A_303 : memref<64x128xf32, #tpu.memory_space<hbm>>)
      tpu.yield
    }) : () -> ()
    %mul3A_267 = arith.constant 10 : i32
    %mul3A_268 = arith.muli %arg1, %mul3A_267 : i32
    %add3A_269 = arith.constant 7 : i32
    %add3A_270 = arith.addi %mul3A_268, %add3A_269 : i32
    %mul3A_271 = arith.constant 64 : i32
    %mul3A_272 = arith.muli %add3A_270, %mul3A_271 : i32
    "tpu.region"() ({
      %run_scoped3A = tpu.sem_alloc : memref<!tpu.dma_semaphore, #tpu.memory_space<semaphore_mem>>
      %dma_start3A = arith.constant 0 : i32
      %dma_start3A_285 = arith.constant 0 : i32
      %dma_start3A_286 = tpu.memref_slice %arg9[%dma_start3A, %dma_start3A_285] : memref<96x128xf32, #tpu.memory_space<vmem>> -> memref<64x128xf32, #tpu.memory_space<vmem>>
      %dma_start3A_287 = arith.constant 0 : i32
      %dma_start3A_288 = tpu.memref_slice %arg10[%mul3A_272, %dma_start3A_287] : memref<10240x128xf32, #tpu.memory_space<vmem_shared>> -> memref<64x128xf32, #tpu.memory_space<vmem_shared>>
      %dma_start3A_289 = arith.constant 0 : i32
      %dma_start3A_290 = arith.constant 0 : i32
      %dma_start3A_291 = tpu.memref_slice %arg9[%dma_start3A_289, %dma_start3A_290] : memref<96x128xf32, #tpu.memory_space<vmem>> -> memref<64x128xf32, #tpu.memory_space<vmem>>
      %dma_start3A_292 = arith.constant 0 : i32
      %dma_start3A_293 = tpu.memref_slice %arg10[%mul3A_272, %dma_start3A_292] : memref<10240x128xf32, #tpu.memory_space<vmem_shared>> -> memref<64x128xf32, #tpu.memory_space<vmem_shared>>
      tpu.enqueue_dma source(%dma_start3A_293 : memref<64x128xf32, #tpu.memory_space<vmem_shared>>) target(%dma_start3A_291 : memref<64x128xf32, #tpu.memory_space<vmem>>) target_semaphore(%run_scoped3A : memref<!tpu.dma_semaphore, #tpu.memory_space<semaphore_mem>>)
      %dma_wait3A = arith.constant 0 : i32
      %dma_wait3A_294 = arith.constant 0 : i32
      %dma_wait3A_295 = tpu.memref_slice %arg9[%dma_wait3A, %dma_wait3A_294] : memref<96x128xf32, #tpu.memory_space<vmem>> -> memref<64x128xf32, #tpu.memory_space<vmem>>
      %dma_wait3A_296 = arith.constant 0 : i32
      %dma_wait3A_297 = tpu.memref_slice %arg10[%mul3A_272, %dma_wait3A_296] : memref<10240x128xf32, #tpu.memory_space<vmem_shared>> -> memref<64x128xf32, #tpu.memory_space<vmem_shared>>
      %dma_wait3A_298 = arith.constant 0 : i32
      %dma_wait3A_299 = arith.constant 0 : i32
      %dma_wait3A_300 = tpu.memref_slice %arg9[%dma_wait3A_298, %dma_wait3A_299] : memref<96x128xf32, #tpu.memory_space<vmem>> -> memref<64x128xf32, #tpu.memory_space<vmem>>
      %dma_wait3A_301 = arith.constant 0 : i32
      %dma_wait3A_302 = tpu.memref_slice %arg10[%mul3A_272, %dma_wait3A_301] : memref<10240x128xf32, #tpu.memory_space<vmem_shared>> -> memref<64x128xf32, #tpu.memory_space<vmem_shared>>
      tpu.wait_dma2 semaphore(%run_scoped3A : memref<!tpu.dma_semaphore, #tpu.memory_space<semaphore_mem>>) src(%dma_wait3A_302 : memref<64x128xf32, #tpu.memory_space<vmem_shared>>) dst(%dma_wait3A_300 : memref<64x128xf32, #tpu.memory_space<vmem>>)
      tpu.yield
    }) : () -> ()
    "tpu.region"() ({
      %run_scoped3A = tpu.sem_alloc : memref<!tpu.dma_semaphore, #tpu.memory_space<semaphore_mem>>
      %dma_start3A = arith.constant 0 : i32
      %dma_start3A_285 = arith.constant 0 : i32
      %dma_start3A_286 = tpu.memref_slice %arg9[%dma_start3A, %dma_start3A_285] : memref<96x128xf32, #tpu.memory_space<vmem>> -> memref<64x128xf32, #tpu.memory_space<vmem>>
      %dma_start3A_287 = arith.constant 0 : i32
      %dma_start3A_288 = tpu.memref_slice %arg5[%arg0, %mul3A_272, %dma_start3A_287] : memref<2x10240x128xf32, #tpu.memory_space<hbm>> -> memref<1x64x128xf32, #tpu.memory_space<hbm>>
      %dma_start3A_289 = tpu.memref_squeeze %dma_start3A_288 : memref<1x64x128xf32, #tpu.memory_space<hbm>> -> memref<64x128xf32, #tpu.memory_space<hbm>>
      %dma_start3A_290 = arith.constant 0 : i32
      %dma_start3A_291 = tpu.memref_slice %arg5[%arg0, %mul3A_272, %dma_start3A_290] : memref<2x10240x128xf32, #tpu.memory_space<hbm>> -> memref<1x64x128xf32, #tpu.memory_space<hbm>>
      %dma_start3A_292 = tpu.memref_squeeze %dma_start3A_291 : memref<1x64x128xf32, #tpu.memory_space<hbm>> -> memref<64x128xf32, #tpu.memory_space<hbm>>
      %dma_start3A_293 = arith.constant 0 : i32
      %dma_start3A_294 = arith.constant 0 : i32
      %dma_start3A_295 = tpu.memref_slice %arg9[%dma_start3A_293, %dma_start3A_294] : memref<96x128xf32, #tpu.memory_space<vmem>> -> memref<64x128xf32, #tpu.memory_space<vmem>>
      tpu.enqueue_dma source(%dma_start3A_295 : memref<64x128xf32, #tpu.memory_space<vmem>>) target(%dma_start3A_292 : memref<64x128xf32, #tpu.memory_space<hbm>>) target_semaphore(%run_scoped3A : memref<!tpu.dma_semaphore, #tpu.memory_space<semaphore_mem>>)
      %dma_wait3A = arith.constant 0 : i32
      %dma_wait3A_296 = arith.constant 0 : i32
      %dma_wait3A_297 = tpu.memref_slice %arg9[%dma_wait3A, %dma_wait3A_296] : memref<96x128xf32, #tpu.memory_space<vmem>> -> memref<64x128xf32, #tpu.memory_space<vmem>>
      %dma_wait3A_298 = arith.constant 0 : i32
      %dma_wait3A_299 = tpu.memref_slice %arg5[%arg0, %mul3A_272, %dma_wait3A_298] : memref<2x10240x128xf32, #tpu.memory_space<hbm>> -> memref<1x64x128xf32, #tpu.memory_space<hbm>>
      %dma_wait3A_300 = tpu.memref_squeeze %dma_wait3A_299 : memref<1x64x128xf32, #tpu.memory_space<hbm>> -> memref<64x128xf32, #tpu.memory_space<hbm>>
      %dma_wait3A_301 = arith.constant 0 : i32
      %dma_wait3A_302 = tpu.memref_slice %arg5[%arg0, %mul3A_272, %dma_wait3A_301] : memref<2x10240x128xf32, #tpu.memory_space<hbm>> -> memref<1x64x128xf32, #tpu.memory_space<hbm>>
      %dma_wait3A_303 = tpu.memref_squeeze %dma_wait3A_302 : memref<1x64x128xf32, #tpu.memory_space<hbm>> -> memref<64x128xf32, #tpu.memory_space<hbm>>
      %dma_wait3A_304 = arith.constant 0 : i32
      %dma_wait3A_305 = arith.constant 0 : i32
      %dma_wait3A_306 = tpu.memref_slice %arg9[%dma_wait3A_304, %dma_wait3A_305] : memref<96x128xf32, #tpu.memory_space<vmem>> -> memref<64x128xf32, #tpu.memory_space<vmem>>
      tpu.wait_dma2 semaphore(%run_scoped3A : memref<!tpu.dma_semaphore, #tpu.memory_space<semaphore_mem>>) src(%dma_wait3A_306 : memref<64x128xf32, #tpu.memory_space<vmem>>) dst(%dma_wait3A_303 : memref<64x128xf32, #tpu.memory_space<hbm>>)
      tpu.yield
    }) : () -> ()
    %mul3A_273 = arith.constant 10 : i32
    %mul3A_274 = arith.muli %arg1, %mul3A_273 : i32
    %add3A_275 = arith.constant 8 : i32
    %add3A_276 = arith.addi %mul3A_274, %add3A_275 : i32
    %mul3A_277 = arith.constant 64 : i32
    %mul3A_278 = arith.muli %add3A_276, %mul3A_277 : i32
    "tpu.region"() ({
      %run_scoped3A = tpu.sem_alloc : memref<!tpu.dma_semaphore, #tpu.memory_space<semaphore_mem>>
      %dma_start3A = arith.constant 0 : i32
      %dma_start3A_285 = arith.constant 0 : i32
      %dma_start3A_286 = tpu.memref_slice %arg9[%dma_start3A, %dma_start3A_285] : memref<96x128xf32, #tpu.memory_space<vmem>> -> memref<64x128xf32, #tpu.memory_space<vmem>>
      %dma_start3A_287 = arith.constant 0 : i32
      %dma_start3A_288 = tpu.memref_slice %arg10[%mul3A_278, %dma_start3A_287] : memref<10240x128xf32, #tpu.memory_space<vmem_shared>> -> memref<64x128xf32, #tpu.memory_space<vmem_shared>>
      %dma_start3A_289 = arith.constant 0 : i32
      %dma_start3A_290 = arith.constant 0 : i32
      %dma_start3A_291 = tpu.memref_slice %arg9[%dma_start3A_289, %dma_start3A_290] : memref<96x128xf32, #tpu.memory_space<vmem>> -> memref<64x128xf32, #tpu.memory_space<vmem>>
      %dma_start3A_292 = arith.constant 0 : i32
      %dma_start3A_293 = tpu.memref_slice %arg10[%mul3A_278, %dma_start3A_292] : memref<10240x128xf32, #tpu.memory_space<vmem_shared>> -> memref<64x128xf32, #tpu.memory_space<vmem_shared>>
      tpu.enqueue_dma source(%dma_start3A_293 : memref<64x128xf32, #tpu.memory_space<vmem_shared>>) target(%dma_start3A_291 : memref<64x128xf32, #tpu.memory_space<vmem>>) target_semaphore(%run_scoped3A : memref<!tpu.dma_semaphore, #tpu.memory_space<semaphore_mem>>)
      %dma_wait3A = arith.constant 0 : i32
      %dma_wait3A_294 = arith.constant 0 : i32
      %dma_wait3A_295 = tpu.memref_slice %arg9[%dma_wait3A, %dma_wait3A_294] : memref<96x128xf32, #tpu.memory_space<vmem>> -> memref<64x128xf32, #tpu.memory_space<vmem>>
      %dma_wait3A_296 = arith.constant 0 : i32
      %dma_wait3A_297 = tpu.memref_slice %arg10[%mul3A_278, %dma_wait3A_296] : memref<10240x128xf32, #tpu.memory_space<vmem_shared>> -> memref<64x128xf32, #tpu.memory_space<vmem_shared>>
      %dma_wait3A_298 = arith.constant 0 : i32
      %dma_wait3A_299 = arith.constant 0 : i32
      %dma_wait3A_300 = tpu.memref_slice %arg9[%dma_wait3A_298, %dma_wait3A_299] : memref<96x128xf32, #tpu.memory_space<vmem>> -> memref<64x128xf32, #tpu.memory_space<vmem>>
      %dma_wait3A_301 = arith.constant 0 : i32
      %dma_wait3A_302 = tpu.memref_slice %arg10[%mul3A_278, %dma_wait3A_301] : memref<10240x128xf32, #tpu.memory_space<vmem_shared>> -> memref<64x128xf32, #tpu.memory_space<vmem_shared>>
      tpu.wait_dma2 semaphore(%run_scoped3A : memref<!tpu.dma_semaphore, #tpu.memory_space<semaphore_mem>>) src(%dma_wait3A_302 : memref<64x128xf32, #tpu.memory_space<vmem_shared>>) dst(%dma_wait3A_300 : memref<64x128xf32, #tpu.memory_space<vmem>>)
      tpu.yield
    }) : () -> ()
    "tpu.region"() ({
      %run_scoped3A = tpu.sem_alloc : memref<!tpu.dma_semaphore, #tpu.memory_space<semaphore_mem>>
      %dma_start3A = arith.constant 0 : i32
      %dma_start3A_285 = arith.constant 0 : i32
      %dma_start3A_286 = tpu.memref_slice %arg9[%dma_start3A, %dma_start3A_285] : memref<96x128xf32, #tpu.memory_space<vmem>> -> memref<64x128xf32, #tpu.memory_space<vmem>>
      %dma_start3A_287 = arith.constant 0 : i32
      %dma_start3A_288 = tpu.memref_slice %arg5[%arg0, %mul3A_278, %dma_start3A_287] : memref<2x10240x128xf32, #tpu.memory_space<hbm>> -> memref<1x64x128xf32, #tpu.memory_space<hbm>>
      %dma_start3A_289 = tpu.memref_squeeze %dma_start3A_288 : memref<1x64x128xf32, #tpu.memory_space<hbm>> -> memref<64x128xf32, #tpu.memory_space<hbm>>
      %dma_start3A_290 = arith.constant 0 : i32
      %dma_start3A_291 = tpu.memref_slice %arg5[%arg0, %mul3A_278, %dma_start3A_290] : memref<2x10240x128xf32, #tpu.memory_space<hbm>> -> memref<1x64x128xf32, #tpu.memory_space<hbm>>
      %dma_start3A_292 = tpu.memref_squeeze %dma_start3A_291 : memref<1x64x128xf32, #tpu.memory_space<hbm>> -> memref<64x128xf32, #tpu.memory_space<hbm>>
      %dma_start3A_293 = arith.constant 0 : i32
      %dma_start3A_294 = arith.constant 0 : i32
      %dma_start3A_295 = tpu.memref_slice %arg9[%dma_start3A_293, %dma_start3A_294] : memref<96x128xf32, #tpu.memory_space<vmem>> -> memref<64x128xf32, #tpu.memory_space<vmem>>
      tpu.enqueue_dma source(%dma_start3A_295 : memref<64x128xf32, #tpu.memory_space<vmem>>) target(%dma_start3A_292 : memref<64x128xf32, #tpu.memory_space<hbm>>) target_semaphore(%run_scoped3A : memref<!tpu.dma_semaphore, #tpu.memory_space<semaphore_mem>>)
      %dma_wait3A = arith.constant 0 : i32
      %dma_wait3A_296 = arith.constant 0 : i32
      %dma_wait3A_297 = tpu.memref_slice %arg9[%dma_wait3A, %dma_wait3A_296] : memref<96x128xf32, #tpu.memory_space<vmem>> -> memref<64x128xf32, #tpu.memory_space<vmem>>
      %dma_wait3A_298 = arith.constant 0 : i32
      %dma_wait3A_299 = tpu.memref_slice %arg5[%arg0, %mul3A_278, %dma_wait3A_298] : memref<2x10240x128xf32, #tpu.memory_space<hbm>> -> memref<1x64x128xf32, #tpu.memory_space<hbm>>
      %dma_wait3A_300 = tpu.memref_squeeze %dma_wait3A_299 : memref<1x64x128xf32, #tpu.memory_space<hbm>> -> memref<64x128xf32, #tpu.memory_space<hbm>>
      %dma_wait3A_301 = arith.constant 0 : i32
      %dma_wait3A_302 = tpu.memref_slice %arg5[%arg0, %mul3A_278, %dma_wait3A_301] : memref<2x10240x128xf32, #tpu.memory_space<hbm>> -> memref<1x64x128xf32, #tpu.memory_space<hbm>>
      %dma_wait3A_303 = tpu.memref_squeeze %dma_wait3A_302 : memref<1x64x128xf32, #tpu.memory_space<hbm>> -> memref<64x128xf32, #tpu.memory_space<hbm>>
      %dma_wait3A_304 = arith.constant 0 : i32
      %dma_wait3A_305 = arith.constant 0 : i32
      %dma_wait3A_306 = tpu.memref_slice %arg9[%dma_wait3A_304, %dma_wait3A_305] : memref<96x128xf32, #tpu.memory_space<vmem>> -> memref<64x128xf32, #tpu.memory_space<vmem>>
      tpu.wait_dma2 semaphore(%run_scoped3A : memref<!tpu.dma_semaphore, #tpu.memory_space<semaphore_mem>>) src(%dma_wait3A_306 : memref<64x128xf32, #tpu.memory_space<vmem>>) dst(%dma_wait3A_303 : memref<64x128xf32, #tpu.memory_space<hbm>>)
      tpu.yield
    }) : () -> ()
    %mul3A_279 = arith.constant 10 : i32
    %mul3A_280 = arith.muli %arg1, %mul3A_279 : i32
    %add3A_281 = arith.constant 9 : i32
    %add3A_282 = arith.addi %mul3A_280, %add3A_281 : i32
    %mul3A_283 = arith.constant 64 : i32
    %mul3A_284 = arith.muli %add3A_282, %mul3A_283 : i32
    "tpu.region"() ({
      %run_scoped3A = tpu.sem_alloc : memref<!tpu.dma_semaphore, #tpu.memory_space<semaphore_mem>>
      %dma_start3A = arith.constant 0 : i32
      %dma_start3A_285 = arith.constant 0 : i32
      %dma_start3A_286 = tpu.memref_slice %arg9[%dma_start3A, %dma_start3A_285] : memref<96x128xf32, #tpu.memory_space<vmem>> -> memref<64x128xf32, #tpu.memory_space<vmem>>
      %dma_start3A_287 = arith.constant 0 : i32
      %dma_start3A_288 = tpu.memref_slice %arg10[%mul3A_284, %dma_start3A_287] : memref<10240x128xf32, #tpu.memory_space<vmem_shared>> -> memref<64x128xf32, #tpu.memory_space<vmem_shared>>
      %dma_start3A_289 = arith.constant 0 : i32
      %dma_start3A_290 = arith.constant 0 : i32
      %dma_start3A_291 = tpu.memref_slice %arg9[%dma_start3A_289, %dma_start3A_290] : memref<96x128xf32, #tpu.memory_space<vmem>> -> memref<64x128xf32, #tpu.memory_space<vmem>>
      %dma_start3A_292 = arith.constant 0 : i32
      %dma_start3A_293 = tpu.memref_slice %arg10[%mul3A_284, %dma_start3A_292] : memref<10240x128xf32, #tpu.memory_space<vmem_shared>> -> memref<64x128xf32, #tpu.memory_space<vmem_shared>>
      tpu.enqueue_dma source(%dma_start3A_293 : memref<64x128xf32, #tpu.memory_space<vmem_shared>>) target(%dma_start3A_291 : memref<64x128xf32, #tpu.memory_space<vmem>>) target_semaphore(%run_scoped3A : memref<!tpu.dma_semaphore, #tpu.memory_space<semaphore_mem>>)
      %dma_wait3A = arith.constant 0 : i32
      %dma_wait3A_294 = arith.constant 0 : i32
      %dma_wait3A_295 = tpu.memref_slice %arg9[%dma_wait3A, %dma_wait3A_294] : memref<96x128xf32, #tpu.memory_space<vmem>> -> memref<64x128xf32, #tpu.memory_space<vmem>>
      %dma_wait3A_296 = arith.constant 0 : i32
      %dma_wait3A_297 = tpu.memref_slice %arg10[%mul3A_284, %dma_wait3A_296] : memref<10240x128xf32, #tpu.memory_space<vmem_shared>> -> memref<64x128xf32, #tpu.memory_space<vmem_shared>>
      %dma_wait3A_298 = arith.constant 0 : i32
      %dma_wait3A_299 = arith.constant 0 : i32
      %dma_wait3A_300 = tpu.memref_slice %arg9[%dma_wait3A_298, %dma_wait3A_299] : memref<96x128xf32, #tpu.memory_space<vmem>> -> memref<64x128xf32, #tpu.memory_space<vmem>>
      %dma_wait3A_301 = arith.constant 0 : i32
      %dma_wait3A_302 = tpu.memref_slice %arg10[%mul3A_284, %dma_wait3A_301] : memref<10240x128xf32, #tpu.memory_space<vmem_shared>> -> memref<64x128xf32, #tpu.memory_space<vmem_shared>>
      tpu.wait_dma2 semaphore(%run_scoped3A : memref<!tpu.dma_semaphore, #tpu.memory_space<semaphore_mem>>) src(%dma_wait3A_302 : memref<64x128xf32, #tpu.memory_space<vmem_shared>>) dst(%dma_wait3A_300 : memref<64x128xf32, #tpu.memory_space<vmem>>)
      tpu.yield
    }) : () -> ()
    "tpu.region"() ({
      %run_scoped3A = tpu.sem_alloc : memref<!tpu.dma_semaphore, #tpu.memory_space<semaphore_mem>>
      %dma_start3A = arith.constant 0 : i32
      %dma_start3A_285 = arith.constant 0 : i32
      %dma_start3A_286 = tpu.memref_slice %arg9[%dma_start3A, %dma_start3A_285] : memref<96x128xf32, #tpu.memory_space<vmem>> -> memref<64x128xf32, #tpu.memory_space<vmem>>
      %dma_start3A_287 = arith.constant 0 : i32
      %dma_start3A_288 = tpu.memref_slice %arg5[%arg0, %mul3A_284, %dma_start3A_287] : memref<2x10240x128xf32, #tpu.memory_space<hbm>> -> memref<1x64x128xf32, #tpu.memory_space<hbm>>
      %dma_start3A_289 = tpu.memref_squeeze %dma_start3A_288 : memref<1x64x128xf32, #tpu.memory_space<hbm>> -> memref<64x128xf32, #tpu.memory_space<hbm>>
      %dma_start3A_290 = arith.constant 0 : i32
      %dma_start3A_291 = tpu.memref_slice %arg5[%arg0, %mul3A_284, %dma_start3A_290] : memref<2x10240x128xf32, #tpu.memory_space<hbm>> -> memref<1x64x128xf32, #tpu.memory_space<hbm>>
      %dma_start3A_292 = tpu.memref_squeeze %dma_start3A_291 : memref<1x64x128xf32, #tpu.memory_space<hbm>> -> memref<64x128xf32, #tpu.memory_space<hbm>>
      %dma_start3A_293 = arith.constant 0 : i32
      %dma_start3A_294 = arith.constant 0 : i32
      %dma_start3A_295 = tpu.memref_slice %arg9[%dma_start3A_293, %dma_start3A_294] : memref<96x128xf32, #tpu.memory_space<vmem>> -> memref<64x128xf32, #tpu.memory_space<vmem>>
      tpu.enqueue_dma source(%dma_start3A_295 : memref<64x128xf32, #tpu.memory_space<vmem>>) target(%dma_start3A_292 : memref<64x128xf32, #tpu.memory_space<hbm>>) target_semaphore(%run_scoped3A : memref<!tpu.dma_semaphore, #tpu.memory_space<semaphore_mem>>)
      %dma_wait3A = arith.constant 0 : i32
      %dma_wait3A_296 = arith.constant 0 : i32
      %dma_wait3A_297 = tpu.memref_slice %arg9[%dma_wait3A, %dma_wait3A_296] : memref<96x128xf32, #tpu.memory_space<vmem>> -> memref<64x128xf32, #tpu.memory_space<vmem>>
      %dma_wait3A_298 = arith.constant 0 : i32
      %dma_wait3A_299 = tpu.memref_slice %arg5[%arg0, %mul3A_284, %dma_wait3A_298] : memref<2x10240x128xf32, #tpu.memory_space<hbm>> -> memref<1x64x128xf32, #tpu.memory_space<hbm>>
      %dma_wait3A_300 = tpu.memref_squeeze %dma_wait3A_299 : memref<1x64x128xf32, #tpu.memory_space<hbm>> -> memref<64x128xf32, #tpu.memory_space<hbm>>
      %dma_wait3A_301 = arith.constant 0 : i32
      %dma_wait3A_302 = tpu.memref_slice %arg5[%arg0, %mul3A_284, %dma_wait3A_301] : memref<2x10240x128xf32, #tpu.memory_space<hbm>> -> memref<1x64x128xf32, #tpu.memory_space<hbm>>
      %dma_wait3A_303 = tpu.memref_squeeze %dma_wait3A_302 : memref<1x64x128xf32, #tpu.memory_space<hbm>> -> memref<64x128xf32, #tpu.memory_space<hbm>>
      %dma_wait3A_304 = arith.constant 0 : i32
      %dma_wait3A_305 = arith.constant 0 : i32
      %dma_wait3A_306 = tpu.memref_slice %arg9[%dma_wait3A_304, %dma_wait3A_305] : memref<96x128xf32, #tpu.memory_space<vmem>> -> memref<64x128xf32, #tpu.memory_space<vmem>>
      tpu.wait_dma2 semaphore(%run_scoped3A : memref<!tpu.dma_semaphore, #tpu.memory_space<semaphore_mem>>) src(%dma_wait3A_306 : memref<64x128xf32, #tpu.memory_space<vmem>>) dst(%dma_wait3A_303 : memref<64x128xf32, #tpu.memory_space<hbm>>)
      tpu.yield
    }) : () -> ()
    return
  }
}

module attributes {stable_mosaic.version = 14 : i64} {
  func.func @_layer1_tc(%arg0: i32, %arg1: memref<2x256x128xf32, #tpu.memory_space<vmem>>, %arg2: memref<256x1xf32, #tpu.memory_space<vmem>>, %arg3: memref<256x128xf32, #tpu.memory_space<vmem>>, %arg4: memref<128x128xf32, #tpu.memory_space<vmem>>, %arg5: memref<1x128xf32, #tpu.memory_space<vmem>>, %arg6: memref<128x128xf32, #tpu.memory_space<vmem>>, %arg7: memref<256x128xf32, #tpu.memory_space<vmem>>) attributes {dimension_semantics = [#tpu.dimension_semantics<arbitrary>], iteration_bounds = array<i64: 40>, scalar_prefetch = 0 : i64, scratch_operands = 0 : i64, tpu.core_type = #tpu.core_type<tc>, window_params = [{transform_indices = @transform_0, window_bounds = array<i64: 2, 256, 128>}, {transform_indices = @transform_1, window_bounds = array<i64: 256, 1>}, {transform_indices = @transform_2, window_bounds = array<i64: 256, 128>}, {pipeline_mode = #tpu.pipeline_mode<synchronous>, transform_indices = @transform_3, window_bounds = array<i64: 128, 128>}, {pipeline_mode = #tpu.pipeline_mode<synchronous>, transform_indices = @transform_4, window_bounds = array<i64: 1, 128>}, {pipeline_mode = #tpu.pipeline_mode<synchronous>, transform_indices = @transform_5, window_bounds = array<i64: 128, 128>}, {transform_indices = @transform_6, window_bounds = array<i64: 256, 128>}]} {
    %get3A = arith.constant 0 : index
    %get3A_0 = arith.constant 0 : index
    %get3A_1 = arith.constant 0 : index
    %get3A_2 = vector.load %arg1[%get3A, %get3A_0, %get3A_1] : memref<2x256x128xf32, #tpu.memory_space<vmem>>, vector<1x256x128xf32>
    %get3A_3 = vector.shape_cast %get3A_2 : vector<1x256x128xf32> to vector<256x128xf32>
    %get3A_4 = arith.constant 1 : index
    %get3A_5 = arith.constant 0 : index
    %get3A_6 = arith.constant 0 : index
    %get3A_7 = vector.load %arg1[%get3A_4, %get3A_5, %get3A_6] : memref<2x256x128xf32, #tpu.memory_space<vmem>>, vector<1x256x128xf32>
    %get3A_8 = vector.shape_cast %get3A_7 : vector<1x256x128xf32> to vector<256x128xf32>
    %add3A = arith.addf %get3A_3, %get3A_8 : vector<256x128xf32>
    %get3A_9 = arith.constant 0 : index
    %get3A_10 = arith.constant 0 : index
    %get3A_11 = vector.load %arg2[%get3A_9, %get3A_10] : memref<256x1xf32, #tpu.memory_space<vmem>>, vector<256x1xf32>
    %mul3A = vector.broadcast %get3A_11 : vector<256x1xf32> to vector<256x128xf32>
    %mul3A_12 = arith.mulf %add3A, %mul3A : vector<256x128xf32>
    %get3A_13 = arith.constant 0 : index
    %get3A_14 = arith.constant 0 : index
    %get3A_15 = vector.load %arg4[%get3A_13, %get3A_14] : memref<128x128xf32, #tpu.memory_space<vmem>>, vector<128x128xf32>
    %dot_general3A = arith.constant dense<0.000000e+00> : vector<256x128xf32>
    %dot_general3A_16 = tpu.matmul %mul3A_12, %get3A_15, %dot_general3A {dimension_numbers = #tpu.dot_dimension_numbers<[1], [0], [0], [1], [0, 0, 1, 1], [], []>, transpose_lhs_hint = false} : vector<256x128xf32>, vector<128x128xf32>, vector<256x128xf32> -> vector<256x128xf32>
    %get3A_17 = arith.constant 0 : index
    %get3A_18 = arith.constant 0 : index
    %get3A_19 = vector.load %arg3[%get3A_17, %get3A_18] : memref<256x128xf32, #tpu.memory_space<vmem>>, vector<256x128xf32>
    %get3A_20 = arith.constant 0 : index
    %get3A_21 = arith.constant 0 : index
    %get3A_22 = vector.load %arg6[%get3A_20, %get3A_21] : memref<128x128xf32, #tpu.memory_space<vmem>>, vector<128x128xf32>
    %dot_general3A_23 = arith.constant dense<0.000000e+00> : vector<256x128xf32>
    %dot_general3A_24 = tpu.matmul %get3A_19, %get3A_22, %dot_general3A_23 {dimension_numbers = #tpu.dot_dimension_numbers<[1], [0], [0], [1], [0, 0, 1, 1], [], []>, transpose_lhs_hint = false} : vector<256x128xf32>, vector<128x128xf32>, vector<256x128xf32> -> vector<256x128xf32>
    %add3A_25 = arith.addf %dot_general3A_16, %dot_general3A_24 : vector<256x128xf32>
    %get3A_26 = arith.constant 0 : index
    %get3A_27 = arith.constant 0 : index
    %get3A_28 = vector.load %arg5[%get3A_26, %get3A_27] : memref<1x128xf32, #tpu.memory_space<vmem>>, vector<1x128xf32>
    %add3A_29 = vector.broadcast %get3A_28 : vector<1x128xf32> to vector<256x128xf32>
    %add3A_30 = arith.addf %add3A_25, %add3A_29 : vector<256x128xf32>
    %max3A = arith.constant 0.000000e+00 : f32
    %max3A_31 = vector.broadcast %max3A : f32 to vector<256x128xf32>
    %max3A_32 = arith.maximumf %add3A_30, %max3A_31 : vector<256x128xf32>
    %swap3A = arith.constant 0 : index
    %swap3A_33 = arith.constant 0 : index
    %swap3A_34 = vector.load %arg7[%swap3A, %swap3A_33] : memref<256x128xf32, #tpu.memory_space<vmem>>, vector<256x128xf32>
    tpu.vector_store %arg7[%swap3A, %swap3A_33], %max3A_32 {strides = array<i32>} : memref<256x128xf32, #tpu.memory_space<vmem>>, vector<256x128xf32>,
    return
  }
  func.func @transform_0(%arg0: i32) -> (i32, i32, i32) {
    %c0_i32 = arith.constant 0 : i32
    %c0_i32_0 = arith.constant 0 : i32
    %c0_i32_1 = arith.constant 0 : i32
    return %c0_i32, %arg0, %c0_i32_0 : i32, i32, i32
  }
  func.func @transform_1(%arg0: i32) -> (i32, i32) {
    %c0_i32 = arith.constant 0 : i32
    %c0_i32_0 = arith.constant 0 : i32
    return %arg0, %c0_i32 : i32, i32
  }
  func.func @transform_2(%arg0: i32) -> (i32, i32) {
    %c0_i32 = arith.constant 0 : i32
    %c0_i32_0 = arith.constant 0 : i32
    return %arg0, %c0_i32 : i32, i32
  }
  func.func @transform_3(%arg0: i32) -> (i32, i32) {
    %c0_i32 = arith.constant 0 : i32
    %c0_i32_0 = arith.constant 0 : i32
    %c0_i32_1 = arith.constant 0 : i32
    return %c0_i32, %c0_i32_0 : i32, i32
  }
  func.func @transform_4(%arg0: i32) -> (i32, i32) {
    %c0_i32 = arith.constant 0 : i32
    %c0_i32_0 = arith.constant 0 : i32
    %c0_i32_1 = arith.constant 0 : i32
    return %c0_i32, %c0_i32_0 : i32, i32
  }
  func.func @transform_5(%arg0: i32) -> (i32, i32) {
    %c0_i32 = arith.constant 0 : i32
    %c0_i32_0 = arith.constant 0 : i32
    %c0_i32_1 = arith.constant 0 : i32
    return %c0_i32, %c0_i32_0 : i32, i32
  }
  func.func @transform_6(%arg0: i32) -> (i32, i32) {
    %c0_i32 = arith.constant 0 : i32
    %c0_i32_0 = arith.constant 0 : i32
    return %arg0, %c0_i32 : i32, i32
  }
}

module attributes {stable_mosaic.version = 14 : i64} {
  func.func @_layer2_tc(%arg0: i32, %arg1: memref<2x256x128xf32, #tpu.memory_space<vmem>>, %arg2: memref<256x1xf32, #tpu.memory_space<vmem>>, %arg3: memref<256x128xf32, #tpu.memory_space<vmem>>, %arg4: memref<128x128xf32, #tpu.memory_space<vmem>>, %arg5: memref<1x128xf32, #tpu.memory_space<vmem>>, %arg6: memref<128x128xf32, #tpu.memory_space<vmem>>, %arg7: memref<128x112xf32, #tpu.memory_space<vmem>>, %arg8: memref<1x112xf32, #tpu.memory_space<vmem>>, %arg9: memref<256x112xf32, #tpu.memory_space<vmem>>) attributes {dimension_semantics = [#tpu.dimension_semantics<arbitrary>], iteration_bounds = array<i64: 40>, scalar_prefetch = 0 : i64, scratch_operands = 0 : i64, tpu.core_type = #tpu.core_type<tc>, window_params = [{transform_indices = @transform_0, window_bounds = array<i64: 2, 256, 128>}, {transform_indices = @transform_1, window_bounds = array<i64: 256, 1>}, {transform_indices = @transform_2, window_bounds = array<i64: 256, 128>}, {pipeline_mode = #tpu.pipeline_mode<synchronous>, transform_indices = @transform_3, window_bounds = array<i64: 128, 128>}, {pipeline_mode = #tpu.pipeline_mode<synchronous>, transform_indices = @transform_4, window_bounds = array<i64: 1, 128>}, {pipeline_mode = #tpu.pipeline_mode<synchronous>, transform_indices = @transform_5, window_bounds = array<i64: 128, 128>}, {pipeline_mode = #tpu.pipeline_mode<synchronous>, transform_indices = @transform_6, window_bounds = array<i64: 128, 112>}, {pipeline_mode = #tpu.pipeline_mode<synchronous>, transform_indices = @transform_7, window_bounds = array<i64: 1, 112>}, {transform_indices = @transform_8, window_bounds = array<i64: 256, 112>}]} {
    %get3A = arith.constant 0 : index
    %get3A_0 = arith.constant 0 : index
    %get3A_1 = arith.constant 0 : index
    %get3A_2 = vector.load %arg1[%get3A, %get3A_0, %get3A_1] : memref<2x256x128xf32, #tpu.memory_space<vmem>>, vector<1x256x128xf32>
    %get3A_3 = vector.shape_cast %get3A_2 : vector<1x256x128xf32> to vector<256x128xf32>
    %get3A_4 = arith.constant 1 : index
    %get3A_5 = arith.constant 0 : index
    %get3A_6 = arith.constant 0 : index
    %get3A_7 = vector.load %arg1[%get3A_4, %get3A_5, %get3A_6] : memref<2x256x128xf32, #tpu.memory_space<vmem>>, vector<1x256x128xf32>
    %get3A_8 = vector.shape_cast %get3A_7 : vector<1x256x128xf32> to vector<256x128xf32>
    %add3A = arith.addf %get3A_3, %get3A_8 : vector<256x128xf32>
    %get3A_9 = arith.constant 0 : index
    %get3A_10 = arith.constant 0 : index
    %get3A_11 = vector.load %arg2[%get3A_9, %get3A_10] : memref<256x1xf32, #tpu.memory_space<vmem>>, vector<256x1xf32>
    %mul3A = vector.broadcast %get3A_11 : vector<256x1xf32> to vector<256x128xf32>
    %mul3A_12 = arith.mulf %add3A, %mul3A : vector<256x128xf32>
    %get3A_13 = arith.constant 0 : index
    %get3A_14 = arith.constant 0 : index
    %get3A_15 = vector.load %arg4[%get3A_13, %get3A_14] : memref<128x128xf32, #tpu.memory_space<vmem>>, vector<128x128xf32>
    %dot_general3A = arith.constant dense<0.000000e+00> : vector<256x128xf32>
    %dot_general3A_16 = tpu.matmul %mul3A_12, %get3A_15, %dot_general3A {dimension_numbers = #tpu.dot_dimension_numbers<[1], [0], [0], [1], [0, 0, 1, 1], [], []>, transpose_lhs_hint = false} : vector<256x128xf32>, vector<128x128xf32>, vector<256x128xf32> -> vector<256x128xf32>
    %get3A_17 = arith.constant 0 : index
    %get3A_18 = arith.constant 0 : index
    %get3A_19 = vector.load %arg3[%get3A_17, %get3A_18] : memref<256x128xf32, #tpu.memory_space<vmem>>, vector<256x128xf32>
    %get3A_20 = arith.constant 0 : index
    %get3A_21 = arith.constant 0 : index
    %get3A_22 = vector.load %arg6[%get3A_20, %get3A_21] : memref<128x128xf32, #tpu.memory_space<vmem>>, vector<128x128xf32>
    %dot_general3A_23 = arith.constant dense<0.000000e+00> : vector<256x128xf32>
    %dot_general3A_24 = tpu.matmul %get3A_19, %get3A_22, %dot_general3A_23 {dimension_numbers = #tpu.dot_dimension_numbers<[1], [0], [0], [1], [0, 0, 1, 1], [], []>, transpose_lhs_hint = false} : vector<256x128xf32>, vector<128x128xf32>, vector<256x128xf32> -> vector<256x128xf32>
    %add3A_25 = arith.addf %dot_general3A_16, %dot_general3A_24 : vector<256x128xf32>
    %get3A_26 = arith.constant 0 : index
    %get3A_27 = arith.constant 0 : index
    %get3A_28 = vector.load %arg5[%get3A_26, %get3A_27] : memref<1x128xf32, #tpu.memory_space<vmem>>, vector<1x128xf32>
    %add3A_29 = vector.broadcast %get3A_28 : vector<1x128xf32> to vector<256x128xf32>
    %add3A_30 = arith.addf %add3A_25, %add3A_29 : vector<256x128xf32>
    %max3A = arith.constant 0.000000e+00 : f32
    %max3A_31 = vector.broadcast %max3A : f32 to vector<256x128xf32>
    %max3A_32 = arith.maximumf %add3A_30, %max3A_31 : vector<256x128xf32>
    %get3A_33 = arith.constant 0 : index
    %get3A_34 = arith.constant 0 : index
    %get3A_35 = vector.load %arg7[%get3A_33, %get3A_34] : memref<128x112xf32, #tpu.memory_space<vmem>>, vector<128x112xf32>
    %dot_general3A_36 = arith.constant dense<0.000000e+00> : vector<256x112xf32>
    %dot_general3A_37 = tpu.matmul %max3A_32, %get3A_35, %dot_general3A_36 {dimension_numbers = #tpu.dot_dimension_numbers<[1], [0], [0], [1], [0, 0, 1, 1], [], []>, transpose_lhs_hint = false} : vector<256x128xf32>, vector<128x112xf32>, vector<256x112xf32> -> vector<256x112xf32>
    %get3A_38 = arith.constant 0 : index
    %get3A_39 = arith.constant 0 : index
    %get3A_40 = vector.load %arg8[%get3A_38, %get3A_39] : memref<1x112xf32, #tpu.memory_space<vmem>>, vector<1x112xf32>
    %add3A_41 = vector.broadcast %get3A_40 : vector<1x112xf32> to vector<256x112xf32>
    %add3A_42 = arith.addf %dot_general3A_37, %add3A_41 : vector<256x112xf32>
    %swap3A = arith.constant 0 : index
    %swap3A_43 = arith.constant 0 : index
    %swap3A_44 = vector.load %arg9[%swap3A, %swap3A_43] : memref<256x112xf32, #tpu.memory_space<vmem>>, vector<256x112xf32>
    tpu.vector_store %arg9[%swap3A, %swap3A_43], %add3A_42 {strides = array<i32>} : memref<256x112xf32, #tpu.memory_space<vmem>>, vector<256x112xf32>,
    return
  }
  func.func @transform_0(%arg0: i32) -> (i32, i32, i32) {
    %c0_i32 = arith.constant 0 : i32
    %c0_i32_0 = arith.constant 0 : i32
    %c0_i32_1 = arith.constant 0 : i32
    return %c0_i32, %arg0, %c0_i32_0 : i32, i32, i32
  }
  func.func @transform_1(%arg0: i32) -> (i32, i32) {
    %c0_i32 = arith.constant 0 : i32
    %c0_i32_0 = arith.constant 0 : i32
    return %arg0, %c0_i32 : i32, i32
  }
  func.func @transform_2(%arg0: i32) -> (i32, i32) {
    %c0_i32 = arith.constant 0 : i32
    %c0_i32_0 = arith.constant 0 : i32
    return %arg0, %c0_i32 : i32, i32
  }
  func.func @transform_3(%arg0: i32) -> (i32, i32) {
    %c0_i32 = arith.constant 0 : i32
    %c0_i32_0 = arith.constant 0 : i32
    %c0_i32_1 = arith.constant 0 : i32
    return %c0_i32, %c0_i32_0 : i32, i32
  }
  func.func @transform_4(%arg0: i32) -> (i32, i32) {
    %c0_i32 = arith.constant 0 : i32
    %c0_i32_0 = arith.constant 0 : i32
    %c0_i32_1 = arith.constant 0 : i32
    return %c0_i32, %c0_i32_0 : i32, i32
  }
  func.func @transform_5(%arg0: i32) -> (i32, i32) {
    %c0_i32 = arith.constant 0 : i32
    %c0_i32_0 = arith.constant 0 : i32
    %c0_i32_1 = arith.constant 0 : i32
    return %c0_i32, %c0_i32_0 : i32, i32
  }
  func.func @transform_6(%arg0: i32) -> (i32, i32) {
    %c0_i32 = arith.constant 0 : i32
    %c0_i32_0 = arith.constant 0 : i32
    %c0_i32_1 = arith.constant 0 : i32
    return %c0_i32, %c0_i32_0 : i32, i32
  }
  func.func @transform_7(%arg0: i32) -> (i32, i32) {
    %c0_i32 = arith.constant 0 : i32
    %c0_i32_0 = arith.constant 0 : i32
    %c0_i32_1 = arith.constant 0 : i32
    return %c0_i32, %c0_i32_0 : i32, i32
  }
  func.func @transform_8(%arg0: i32) -> (i32, i32) {
    %c0_i32 = arith.constant 0 : i32
    %c0_i32_0 = arith.constant 0 : i32
    return %arg0, %c0_i32 : i32, i32
  }
}

</mosaic_0001>

<sc_bundles>
// kernel: kernel.6.cloned.1.call-start
scs
__scs_entry_jumppad:
0x0: {  	(pc) =	sbr.rel $0x88, $3  }
0x1: {  	(tag) =	ssettag $0x0;
	lr =	simm.s32 $0x1  }
0x2: {  	[smem:$0x3F97] =	sst lr;
	_ =	strace $0xD0000000  }
0x3: {  	_ = 	snop  }
0x4: {  	_ = 	snop  }
0x5: {  	_ = 	snop  }
0x6: {  	_ = 	snop  }
0x7: {  	_ = 	snop  }
__scs_overlays_trampoline_lowered:
0x8: {  	[smem:$0x3FA6] =	sst s0  }
0x9: {  	[smem:$0x3FA7] =	sst s1  }
0xa: {  	[smem:$0x3FA8] =	sst s2  }
0xb: {  	[smem:$0x3FA9] =	sst s3  }
0xc: {  	[smem:$0x3FAA] =	sst s4  }
0xd: {  	[smem:$0x3FAB] =	sst s5  }
0xe: {  	[smem:$0x3FAC] =	sst s6  }
0xf: {  	[smem:$0x3FAD] =	sst s7  }
0x10: {  	[smem:$0x3FAE] =	sst s8  }
0x11: {  	[smem:$0x3FAF] =	sst s9;
	s0 =	simm.s32 @!p0 $0x0  }
0x12: {  	s1 =	sld [smem:$0x3F95];
	s0 =	simm.s32 @p0 $0x1  }
0x13: {  	[smem:$0x3FB0] =	sst s0;
	s0 =	simm.s32 @!p1 $0x0  }
0x14: {  	s2 =	sld [smem:$0x3F94];
	s0 =	simm.s32 @p1 $0x1  }
0x15: {  	[smem:$0x3FB1] =	sst s0;
	s0 =	simm.s32 @!p2 $0x0  }
0x16: {  	s3 =	sld [smem:$0x3FDB];
	s0 =	simm.s32 @p2 $0x1  }
0x17: {  	s4 =	simm.s32 $0x1BF5;
	[smem:$0x3FB3] =	sst s0  }
0x18: {  	s0 =	sld [smem:$0x3F96];
	_ =	swait.ge [sflag:s4], $0x0  }
0x19: {  	s7 =	sld [smem:$0x3F97]  }
0x1a: {  	s8 =	sadd.s32 $0xFFFFE003, lr  }
0x1b: {  	s9 =	sadd.s32 $0xFFFFFEF7, lr;
	s5 =	simm.s32 $0xFFFFFFFF;
	p2 =	slt.u32 s8, $0xFFFFF086  }
0x1c: {  	p1 =	slt.u32 s9, $0xF7A;
	s5 =	simm.s32 @!p2 $0x0  }
0x1d: {  	s5 =	simm.s32 @p1 $0x1;
	p0 =	seq.s32 s7, s2  }
0x1e: {  	s7 =	smul.u32 @!p0 $0xF7A, s2;
	p2 =	seq.s32 @!p0 s5, $0x0  }
0x1f: {  	s9 =	smul.u32 $0xF7A, s1;
	s8 =	simm.s32 @!p0 $0x1BF5;
	p2 =	por !p2, p0  }
0x20: {  	[sflag:s8] =	ssyncset.s32 @!p0 $0xFFFFF086;
	s6 =	sadd.s32 @!p0 s3, s7;
	s7 =	simm.s32 @!p0 $0x108  }
0x21: {  	s3 =	sadd.s32 s3, s9;
	s6 =	sadd.s32 @!p0 $0x88, s6;
	s7 =	simm.s32 @p2 $0x1082  }
0x22: {  	[simem:s7], [sflag:s8] =	dma.local @!p0 [hbm:s6], $0xF7A  }
0x23: {  	s9 =	sor.u32 $0xD0000000, s2;
	s6 =	simm.s32 $0x108;
	_ =	swait.ge @!p0 [sflag:s8], $0x0  }
0x24: {  	s3 =	sadd.s32 $0x88, s3;
	s6 =	simm.s32 @!p1 $0x1082;
	[sflag:s4] =	ssyncset.s32 $0xFFFFF086  }
0x25: {  	[simem:s6], [sflag:s4] =	dma.local [hbm:s3], $0xF7A  }
0x26: {  	[smem:$0x3F97] =	sst s1;
	(tag) =	ssettag s2;
	_ =	strace s9  }
0x27: {  	s1 =	sld [smem:$0x3FA7]  }
0x28: {  	s2 =	sld [smem:$0x3FA8]  }
0x29: {  	s4 =	sld [smem:$0x3FAA]  }
0x2a: {  	p0 =	seq.s32 s5, $0x0;
	s5 =	sld [smem:$0x3FAB]  }
0x2b: {  	s6 =	sld [smem:$0x3FAC]  }
0x2c: {  	s7 =	sld [smem:$0x3FAD]  }
0x2d: {  	s3 =	simm.s32 $0x108;
	s8 =	sld [smem:$0x3FAE]  }
0x2e: {  	s3 =	simm.s32 @!p0 $0x1082;
	s9 =	sld [smem:$0x3FAF]  }
0x2f: {  	lr =	sadd.s32 s0, s3;
	s0 =	sld [smem:$0x3FA6]  }
0x30: {  	s3 =	sld [smem:$0x3FA9]  }
0x31: {  	[smem:$0x3FB2] =	sst s10  }
0x32: {  	s10 =	sld [smem:$0x3FB0];
	_ =	sdelay $0x3  }
0x33: {  	p0 =	seq.s32 s10, $0x1;
	s10 =	sld [smem:$0x3FB2];
	_ =	sdelay $0x3  }
0x34: {  	[smem:$0x3FB2] =	sst s10  }
0x35: {  	s10 =	sld [smem:$0x3FB1];
	_ =	sdelay $0x3  }
0x36: {  	p1 =	seq.s32 s10, $0x1;
	s10 =	sld [smem:$0x3FB2];
	_ =	sdelay $0x3  }
0x37: {  	[smem:$0x3FB2] =	sst s10  }
0x38: {  	s10 =	sld [smem:$0x3FB3]  }
0x39: {  	_ = 	snop;
	(pc) =	sbr.ind lr, $3  }
0x3a: {  	_ = 	snop  }
0x3b: {  	_ = 	snop  }
0x3c: {  	p2 =	seq.s32 s10, $0x1;
	s10 =	sld [smem:$0x3FB2]  }
0x3d: {  	_ =	shalt  }
0x3e: {  	_ =	shalt  }
0x3f: {  	_ =	shalt  }
0x40: {  	_ =	shalt  }
0x41: {  	_ =	shalt  }
0x42: {  	_ =	shalt  }
0x43: {  	_ =	shalt  }
0x44: {  	_ =	shalt  }
0x45: {  	_ =	shalt  }
0x46: {  	_ =	shalt  }
0x47: {  	_ =	shalt  }
0x48: {  	_ =	shalt  }
0x49: {  	_ =	shalt  }
0x4a: {  	_ =	shalt  }
0x4b: {  	_ =	shalt  }
0x4c: {  	_ =	shalt  }
0x4d: {  	_ =	shalt  }
0x4e: {  	_ =	shalt  }
0x4f: {  	_ =	shalt  }
0x50: {  	_ =	shalt  }
0x51: {  	_ =	shalt  }
0x52: {  	_ =	shalt  }
0x53: {  	_ =	shalt  }
0x54: {  	_ =	shalt  }
0x55: {  	_ =	shalt  }
0x56: {  	_ =	shalt  }
0x57: {  	_ =	shalt  }
0x58: {  	_ =	shalt  }
0x59: {  	_ =	shalt  }
0x5a: {  	_ =	shalt  }
0x5b: {  	_ =	shalt  }
0x5c: {  	_ =	shalt  }
0x5d: {  	_ =	shalt  }
0x5e: {  	_ =	shalt  }
0x5f: {  	_ =	shalt  }
0x60: {  	_ =	shalt  }
0x61: {  	_ =	shalt  }
0x62: {  	_ =	shalt  }
0x63: {  	_ =	shalt  }
0x64: {  	_ =	shalt  }
0x65: {  	_ =	shalt  }
0x66: {  	_ =	shalt  }
0x67: {  	_ =	shalt  }
0x68: {  	_ =	shalt  }
0x69: {  	_ =	shalt  }
0x6a: {  	_ =	shalt  }
0x6b: {  	_ =	shalt  }
0x6c: {  	_ =	shalt  }
0x6d: {  	_ =	shalt  }
0x6e: {  	_ =	shalt  }
0x6f: {  	_ =	shalt  }
0x70: {  	_ =	shalt  }
0x71: {  	_ =	shalt  }
0x72: {  	_ =	shalt  }
0x73: {  	_ =	shalt  }
0x74: {  	_ =	shalt  }
0x75: {  	_ =	shalt  }
0x76: {  	_ =	shalt  }
0x77: {  	_ =	shalt  }
0x78: {  	_ =	shalt  }
0x79: {  	_ =	shalt  }
0x7a: {  	_ =	shalt  }
0x7b: {  	_ =	shalt  }
0x7c: {  	_ =	shalt  }
0x7d: {  	_ =	shalt  }
0x7e: {  	_ =	shalt  }
0x7f: {  	_ =	shalt  }
0x80: {  	_ =	shalt  }
0x81: {  	_ =	shalt  }
0x82: {  	_ =	shalt  }
0x83: {  	_ =	shalt  }
0x84: {  	_ =	shalt  }
0x85: {  	_ =	shalt  }
0x86: {  	_ =	shalt  }
0x87: {  	_ =	shalt  }
.Lfunc_end0:
.L_simem_size_0:
called_computation_lowered:
.L_overlay_start_0:
0x88: {  	s2 =	sld [smem:$0x3FD9]  }
0x89: {  	s3 =	sld [smem:$0x3FFE];
	_ =	sdelay $0x1  }
0x8a: {  	s1 =	srdreg.scid  }
0x8b: {  	s0 =	sand.u32 $0x1, s1  }
0x8c: {  	s17 =	sshll.u32 s0, $0xA;
	s2 =	sadd.s32 s3, s2  }
0x8d: {  	s2 =	sadd.s32 s2, s17  }
0x8e: {  	[smem:$0x3FBE] =	sst s2  }
0x8f: {  	_ = 	snop  }
0x90: {  	s2 =	sld [smem:$0x3FC9]  }
0x91: {  	s18 =	sld [smem:$0x3FD0];
	(tm) =	ssettm $0x1  }
0x92: {  	s4 =	sld [smem:$0x3FFB];
	_ =	sdelay $0x3  }
0x93: {  	_ =	strace s4  }
0x94: {  	s4 =	sld [smem:$0x3FFC];
	_ =	sdelay $0x3  }
0x95: {  	_ =	strace s4  }
0x96: {  	s4 =	sld [smem:$0x3FFD];
	_ =	sdelay $0x3  }
0x97: {  	_ =	strace s4  }
0x98: {  	_ =	strace $0x8FFFFFFF  }
0x99: {  	s19 =	sld [smem:$0x3FDB];
	_ =	sdelay $0x1  }
0x9a: {  	s5 =	simm.s32 $_scs_section_size  }
0x9b: {  	s6 =	simm.s32 $_size__tile_overlayer_lowered;
	s7 =	simm.s32 $_tile_overlayer_lowered  }
0x9c: {  	s22 =	simm.s32 $0x1BFF;
	s21 =	sshll.u32 s7, $0x1;
	s4 =	sadd.s32 s5, s19  }
0x9d: {  	s8 =	simm.s32 $0x0;
	s20 =	sshll.u32 s6, $0x1;
	s6 =	sadd.s32 s21, s4  }
0x9e: {  	[timem:s8], [sflag:s22] =	dma.local [hbm:s6], s20  }
0x9f: {  	_ =	swait.ge [sflag:s22], s20  }
0xa0: {  	s5 =	ssub.s32 $0x0, s20;
	[sflag:s22] =	ssyncset.done $0x0  }
0xa1: {  	[sflag:s22] =	ssyncadd.s32 s5;
	_ =	sdelay $0x1  }
0xa2: {  	s23 =	simm.s32 $0x1B8B  }
0xa3: {  	_ =	swait.ge [sflag:s23], $0x1  }
0xa4: {  	[sflag:s23] =	ssyncset.done $0x0  }
0xa5: {  	s25 =	simm.s32 $0x1B8E;
	s24 =	sld [smem:$0x3FFE];
	[sflag:s23] =	ssyncadd.s32 $0xFFFFFFFF  }
0xa6: {  	s26 =	simm.s32 $execute0_lowered;
	[smem:$0x3FD2] =	sst s25  }
0xa7: {  	s6 =	sshll.u32 s26, $0x1;
	_ =	strace $0x80000046;
	[dreg:$0x1] =	wrdreg $0xFFFFFFFF  }
0xa8: {  	s28 =	simm.s32 $_size_execute0_lowered;
	s4 =	sadd.s32 s4, s6;
	[dreg:$0x0] =	wrdreg $0x0  }
0xa9: {  	s6 =	sshll.u32 s28, $0x1;
	[dreg:$0x2] =	wrdreg s4  }
0xaa: {  	[dreg:$0x3] =	wrdreg s6  }
0xab: {  	[dreg:$0x4] =	wrdreg $0xC0  }
0xac: {  	_ =	task [dreg:s8], $0x5FFFF  }
0xad: {  	[dreg:$0x1] =	wrdreg $0xFFFFFFFF  }
0xae: {  	[dreg:$0x0] =	wrdreg $0x60  }
0xaf: {  	[dreg:$0x2] =	wrdreg s2  }
0xb0: {  	[dreg:$0x3] =	wrdreg s18  }
0xb1: {  	[dreg:$0x4] =	wrdreg s24  }
0xb2: {  	[dreg:$0x5] =	wrdreg $0x31000  }
0xb3: {  	[dreg:$0x6] =	wrdreg $0x9  }
0xb4: {  	_ =	task.clear_ibuf [dreg:s8], $0x7FFFF;
	_ =	strace $0x90000046  }
0xb5: {  	s29 =	simm.s32 $0x9;
	_ =	strace $0x80000048  }
0xb6: {  	_ =	swait.ge [sflag:s29], $0x1  }
0xb7: {  	[sflag:s29] =	ssyncadd.s32 $0xFFFFFFFF  }
0xb8: {  	_ =	strace $0x90000048  }
0xb9: {  	_ =	sfence  }
0xba: {  	s30 =	sld [smem:$0x0];
	_ =	sdelay $0x2  }
0xbb: {  	s31 =	sshll.u32 s1, $0xD;
	s1 =	sshrl.u32 s1, $0x2  }
0xbc: {  	s3 =	sand.u32 $0x4000, s31;
	s1 =	sadd.s32 s1, s30  }
0xbd: {  	s0 =	sor.u32 s3, s0;
	s1 =	sshll.u32 s1, $0x11  }
0xbe: {  	s0 =	sor.u32 s1, s0  }
0xbf: {  	s0 =	sadd.s32 $0x8F2B, s0  }
0xc0: {  	[sflag:s0] =	ssyncadd.remote.s32 $0x1  }
0xc1: {  	_ =	sfence.sel $0xFFFF  }
0xc2: {  	[dreg:$0x0] =	wrdreg $0xFFFFFFFF;
	(pc) =	sbr.abs _section_cstart, $3  }
0xc3: {  	[dreg:$0x1] =	wrdreg $0xFFFFFFFF  }
0xc4: {  	_ =	task.clear_ibuf [dreg:s8], $0x2FFFF;
	_ =	strace $0x9FFFFFFF  }
0xc5: {  	(tm) =	ssettm $0x7FFFFFFF  }
tec
execute0_lowered:
.L_overlay_start_1:
0x0: {  	(tag) =	ssettag $0x1  }
0x1: {  	s0 =	srdreg.scid;
	s24 =	stileid.u32;
	s1 =	simm.s32 $0x0  }
0x2: {  	s3 =	sand.u32 $0x1, s0;
	s4 =	smul.u32 $0x2760, s24;
	s0 =	rddreg [dreg:$0x2]  }
0x3: {  	[smem:$0x7FF] =	sst s1;
	s6 =	smul.u32 $0x14000, s24  }
0x4: {  	s2 =	smul.u32 $0x27600, s3;
	s25 =	ssub.s32 $0x2, s3;
	s7 =	sadd.s32 $0x5BE00, s0  }
0x5: {  	s8 =	sadd.s32 $0xBE00, s0;
	s3 =	smul.u32 $0x140000, s3;
	s5 =	sshrl.u32 s25, $0x1  }
0x6: {  	s21 =	sor.u32 $0x2000, s6;
	s9 =	sadd.s32 $0x4000, s6;
	s10 =	sadd.s32 $0x6000, s6  }
0x7: {  	s11 =	sadd.s32 $0x8000, s6;
	s12 =	sadd.s32 $0xA000, s6;
	s13 =	sadd.s32 $0xC000, s6  }
0x8: {  	s14 =	sadd.s32 $0xE000, s6;
	s2 =	sadd.s32 s4, s2;
	s4 =	ssub.s32 s25, s5  }
0x9: {  	s5 =	sadd.s32 $0x12000, s6;
	s15 =	sadd.s32 s3, s21;
	s16 =	sadd.s32 s3, s9  }
0xa: {  	s17 =	sadd.s32 s3, s10;
	[dreg:$0x15] =	wrdreg s4;
	s15 =	sshrl.u32 s15, $0x3  }
0xb: {  	s4 =	sadd.s32 $0x10000, s6;
	s6 =	sadd.s32 s6, s3;
	s26 =	sadd.s32 s8, s15  }
0xc: {  	s6 =	sshrl.u32 s6, $0x3;
	s15 =	sadd.s32 s7, s15;
	[dreg:$0x6] =	wrdreg s26  }
0xd: {  	s16 =	sshrl.u32 s16, $0x3;
	s25 =	sadd.s32 s8, s6;
	[dreg:$0x10] =	wrdreg s15  }
0xe: {  	s18 =	sadd.s32 s3, s11;
	s26 =	sadd.s32 s8, s16;
	[dreg:$0x5] =	wrdreg s25  }
0xf: {  	s19 =	sadd.s32 s3, s12;
	s6 =	sadd.s32 s7, s6;
	[dreg:$0x7] =	wrdreg s26  }
0x10: {  	s20 =	sadd.s32 s3, s13;
	s16 =	sadd.s32 s7, s16;
	[dreg:$0xf] =	wrdreg s6  }
0x11: {  	s22 =	sadd.s32 s3, s14;
	s17 =	sshrl.u32 s17, $0x3;
	[dreg:$0x11] =	wrdreg s16  }
0x12: {  	s2 =	sshrl.u32 s2, $0x3;
	s26 =	sadd.s32 s8, s17;
	s25 =	rddreg [dreg:$0x1]  }
0x13: {  	s18 =	sshrl.u32 s18, $0x3;
	s17 =	sadd.s32 s7, s17;
	[dreg:$0x8] =	wrdreg s26  }
0x14: {  	s19 =	sshrl.u32 s19, $0x3;
	s26 =	sadd.s32 s8, s18;
	[dreg:$0x12] =	wrdreg s17  }
0x15: {  	s20 =	sshrl.u32 s20, $0x3;
	s18 =	sadd.s32 s7, s18;
	[dreg:$0x9] =	wrdreg s26  }
0x16: {  	s22 =	sshrl.u32 s22, $0x3;
	s23 =	sadd.s32 s3, s4;
	[dreg:$0x13] =	wrdreg s18  }
0x17: {  	s3 =	sadd.s32 s3, s5;
	s26 =	sadd.s32 s8, s19;
	s18 =	rddreg [dreg:$0x0]  }
0x18: {  	s23 =	sshrl.u32 s23, $0x3;
	s19 =	sadd.s32 s7, s19;
	[dreg:$0xa] =	wrdreg s26  }
0x19: {  	s3 =	sshrl.u32 s3, $0x3;
	s26 =	sadd.s32 s8, s20;
	[dreg:$0x14] =	wrdreg s19  }
0x1a: {  	s15 =	sadd.s32 s2, s0;
	[dreg:$0xb] =	wrdreg s26;
	s26 =	sadd.s32 s8, s22  }
0x1b: {  	s19 =	sadd.s32 s7, s20;
	s20 =	sadd.s32 s7, s22;
	[dreg:$0xc] =	wrdreg s26  }
0x1c: {  	s22 =	sadd.s32 s7, s23;
	s26 =	sadd.s32 s8, s23;
	s23 =	rddreg [dreg:$0x3]  }
0x1d: {  	s6 =	sadd.s32 $0x2000, s15;
	s8 =	sadd.s32 s8, s3;
	[dreg:$0xd] =	wrdreg s26  }
0x1e: {  	s25 =	sadd.s32 s2, s25;
	[dreg:$0xe] =	wrdreg s8;
	s26 =	smul.u32 $0x50000, s24  }
0x1f: {  	s24 =	sadd.s32 s7, s3;
	s28 =	sadd.s32 s21, s23;
	s29 =	sadd.s32 s9, s23  }
0x20: {  	s30 =	sadd.s32 s10, s23;
	s31 =	sadd.s32 s11, s23;
	s21 =	sadd.s32 s12, s23  }
0x21: {  	s0 =	sadd.s32 s13, s23;
	s2 =	sadd.s32 s14, s23;
	s3 =	sadd.s32 s4, s23  }
0x22: {  	s4 =	sadd.s32 s5, s23;
	s7 =	simm.s32 $0x100;
	s8 =	simm.s32 $0x2  }
0x23: {  	s9 =	simm.s32 $0x80;
	s10 =	simm.s32 $0x60;
	_ =	strace $0x80000047  }
0x24: {  	s11 =	simm.s32 $0x1;
	s16 =	sshrl.u32 s26, $0x2;
	s17 =	rddreg [dreg:$0x15]  }
0x25: {  	v0 =	vimm.f32 $0.0e+00;
	v1 =	vimm.f32 $1.000000000e+00;
	s12 =	simm.s32 $0x0;
	s26 =	sadd.s32 s16, s23;
	s5 =	smax.u32 s17, $0x1  }
.LBB2_1:
0x26: {  	s13 =	simm.s32 $0x0;
	s14 =	simm.s32 $0x200  }
.LBB2_2:
0x27: {  	p0 =	sne.s32 s14, $0xBE00;
	[tilespmem:s13+$0x170] =	vst v0  }
0x28: {  	[tilespmem:s13+$0x100] =	vst v0  }
0x29: {  	[tilespmem:s13+$0x110] =	vst v0  }
.Ltmp0:
0x2a: {  	[tilespmem:s13+$0x120] =	vst v0;
	(pc) =	sbr.rel @p0 .LBB2_2-.Ltmp0, $4  }
0x2b: {  	[tilespmem:s13+$0x130] =	vst v0  }
0x2c: {  	[tilespmem:s13+$0x140] =	vst v0  }
0x2d: {  	[tilespmem:s13+$0x150] =	vst v0  }
0x2e: {  	[tilespmem:s13+$0x160] =	vst v0;
	s13 =	sshra.s32 s14, $0x2;
	s14 =	sadd.s32 $0x200, s14  }
0x2f: {  	[tilespmem:s13+$0x170] =	vst v0  }
0x30: {  	[tilespmem:s13+$0x100] =	vst v0  }
0x31: {  	[tilespmem:s13+$0x110] =	vst v0  }
0x32: {  	[tilespmem:s13+$0x120] =	vst v0  }
0x33: {  	[tilespmem:s13+$0x130] =	vst v0  }
0x34: {  	[tilespmem:s13+$0x140] =	vst v0  }
0x35: {  	[tilespmem:s13+$0x150] =	vst v0  }
0x36: {  	[tilespmem:s13+$0x160] =	vst v0  }
0x37: {  	[spmem:s26] =	stream.linear.scatter [tilespmem:s7], [sflag:$0x2], $0x2000, $0x38;
	[tilespmem:$0x17100] =	vst v63  }
0x38: {  	_ =	swait.ge [sflag:s8], $0x2000  }
0x39: {  	[sflag:s8] =	ssyncset.done $0x0  }
0x3a: {  	[sflag:s8] =	ssyncadd.s32 $0xFFFFE000  }
0x3b: {  	[spmem:s28] =	stream.linear.scatter [tilespmem:s7], [sflag:$0x2], $0x2000, $0x38;
	[tilespmem:$0x17100] =	vst v63  }
0x3c: {  	_ =	swait.ge [sflag:s8], $0x2000  }
0x3d: {  	[sflag:s8] =	ssyncset.done $0x0  }
0x3e: {  	[sflag:s8] =	ssyncadd.s32 $0xFFFFE000  }
0x3f: {  	[spmem:s29] =	stream.linear.scatter [tilespmem:s7], [sflag:$0x2], $0x2000, $0x38;
	[tilespmem:$0x17100] =	vst v63  }
0x40: {  	_ =	swait.ge [sflag:s8], $0x2000  }
0x41: {  	[sflag:s8] =	ssyncset.done $0x0  }
0x42: {  	[sflag:s8] =	ssyncadd.s32 $0xFFFFE000  }
0x43: {  	[spmem:s30] =	stream.linear.scatter [tilespmem:s7], [sflag:$0x2], $0x2000, $0x38;
	[tilespmem:$0x17100] =	vst v63  }
0x44: {  	_ =	swait.ge [sflag:s8], $0x2000  }
0x45: {  	[sflag:s8] =	ssyncset.done $0x0  }
0x46: {  	[sflag:s8] =	ssyncadd.s32 $0xFFFFE000  }
0x47: {  	[spmem:s31] =	stream.linear.scatter [tilespmem:s7], [sflag:$0x2], $0x2000, $0x38;
	[tilespmem:$0x17100] =	vst v63  }
0x48: {  	_ =	swait.ge [sflag:s8], $0x2000  }
0x49: {  	[sflag:s8] =	ssyncset.done $0x0  }
0x4a: {  	[sflag:s8] =	ssyncadd.s32 $0xFFFFE000  }
0x4b: {  	[spmem:s21] =	stream.linear.scatter [tilespmem:s7], [sflag:$0x2], $0x2000, $0x38;
	[tilespmem:$0x17100] =	vst v63  }
0x4c: {  	_ =	swait.ge [sflag:s8], $0x2000  }
0x4d: {  	[sflag:s8] =	ssyncset.done $0x0  }
0x4e: {  	[sflag:s8] =	ssyncadd.s32 $0xFFFFE000  }
0x4f: {  	[spmem:s0] =	stream.linear.scatter [tilespmem:s7], [sflag:$0x2], $0x2000, $0x38;
	[tilespmem:$0x17100] =	vst v63  }
0x50: {  	_ =	swait.ge [sflag:s8], $0x2000  }
0x51: {  	[sflag:s8] =	ssyncset.done $0x0  }
0x52: {  	[sflag:s8] =	ssyncadd.s32 $0xFFFFE000  }
0x53: {  	[spmem:s2] =	stream.linear.scatter [tilespmem:s7], [sflag:$0x2], $0x2000, $0x38;
	[tilespmem:$0x17100] =	vst v63  }
0x54: {  	_ =	swait.ge [sflag:s8], $0x2000  }
0x55: {  	[sflag:s8] =	ssyncset.done $0x0  }
0x56: {  	[sflag:s8] =	ssyncadd.s32 $0xFFFFE000  }
0x57: {  	[spmem:s3] =	stream.linear.scatter [tilespmem:s7], [sflag:$0x2], $0x2000, $0x38;
	[tilespmem:$0x17100] =	vst v63  }
0x58: {  	_ =	swait.ge [sflag:s8], $0x2000  }
0x59: {  	[sflag:s8] =	ssyncset.done $0x0  }
0x5a: {  	[sflag:s8] =	ssyncadd.s32 $0xFFFFE000  }
0x5b: {  	[spmem:s4] =	stream.linear.scatter [tilespmem:s7], [sflag:$0x2], $0x2000, $0x38;
	[tilespmem:$0x17100] =	vst v63  }
0x5c: {  	_ =	swait.ge [sflag:s8], $0x2000  }
0x5d: {  	[sflag:s8] =	ssyncset.done $0x0  }
0x5e: {  	[sflag:s8] =	ssyncadd.s32 $0xFFFFE000  }
0x5f: {  	s13 =	simm.s32 $0x0;
	s14 =	simm.s32 $0x200;
	[bflag:$0x0] =	sbarrier.arrive $0xFFFF  }
.LBB2_4:
0x60: {  	p0 =	sne.s32 s14, $0xBE00;
	[tilespmem:s13+$0x170] =	vst v1  }
0x61: {  	[tilespmem:s13+$0x100] =	vst v1  }
0x62: {  	[tilespmem:s13+$0x110] =	vst v1  }
.Ltmp1:
0x63: {  	[tilespmem:s13+$0x120] =	vst v1;
	(pc) =	sbr.rel @p0 .LBB2_4-.Ltmp1, $4  }
0x64: {  	[tilespmem:s13+$0x130] =	vst v1  }
0x65: {  	[tilespmem:s13+$0x140] =	vst v1  }
0x66: {  	[tilespmem:s13+$0x150] =	vst v1  }
0x67: {  	[tilespmem:s13+$0x160] =	vst v1;
	s13 =	sshra.s32 s14, $0x2;
	s14 =	sadd.s32 $0x200, s14  }
0x68: {  	[tilespmem:s13+$0x170] =	vst v1  }
0x69: {  	[tilespmem:s13+$0x100] =	vst v1  }
0x6a: {  	[tilespmem:s13+$0x110] =	vst v1  }
0x6b: {  	[tilespmem:s13+$0x120] =	vst v1  }
0x6c: {  	[tilespmem:s13+$0x130] =	vst v1  }
0x6d: {  	[tilespmem:s13+$0x140] =	vst v1  }
0x6e: {  	[tilespmem:s13+$0x150] =	vst v1  }
0x6f: {  	[tilespmem:s13+$0x160] =	vst v1;
	s17 =	sadd.s32 $0x0, s6  }
0x70: {  	[tilespmem:s9], [sflag:$0x2] =	stream.linear.gather [hbm4b:s17+s1], $0x60, $0x38;
	[tilespmem:$0x17100] =	vst v63  }
0x71: {  	_ =	swait.ge [sflag:s8], $0x60  }
0x72: {  	[sflag:s8] =	ssyncset.done $0x0  }
0x73: {  	[sflag:s8] =	ssyncadd.s32 $0xFFFFFFA0  }
0x74: {  	[spmem:s23] =	stream.indirect.scatter.add.f32 [tilespmem:s7], [sflag:$0x2], $0x80, s9, s10, $0xb8;
	[tilespmem:$0x17100] =	vst v63  }
0x75: {  	_ =	swait.ge [sflag:s8], $0x3000  }
0x76: {  	s13 =	simm.s32 $0xC;
	s14 =	simm.s32 $0x18;
	[sflag:s8] =	ssyncset.done $0x0  }
.LBB2_6:
0x77: {  	s15 =	sadd.s32 s13, s6  }
0x78: {  	[sflag:s8] =	ssyncadd.s32 $0xFFFFD000;
	s13 =	smov.u32 s14;
	s16 =	sadd.s32 $0xC, s14  }
0x79: {  	[tilespmem:s9], [sflag:$0x2] =	stream.linear.gather [hbm4b:s15+s1], $0x60, $0x38;
	[tilespmem:$0x17100] =	vst v63  }
0x7a: {  	p0 =	sne.s32 s14, $0x4E0;
	_ =	swait.ge [sflag:s8], $0x60  }
.Ltmp2:
0x7b: {  	[sflag:s8] =	ssyncset.done $0x0;
	(pc) =	sbr.rel @p0 .LBB2_6-.Ltmp2, $4  }
0x7c: {  	[sflag:s8] =	ssyncadd.s32 $0xFFFFFFA0  }
0x7d: {  	[spmem:s23] =	stream.indirect.scatter.add.f32 [tilespmem:s7], [sflag:$0x2], $0x80, s9, s10, $0xb8;
	[tilespmem:$0x17100] =	vst v63  }
0x7e: {  	_ =	swait.ge [sflag:s8], $0x3000  }
0x7f: {  	s14 =	smov.u32 s16;
	[sflag:s8] =	ssyncset.done $0x0  }
0x80: {  	s13 =	sadd.s32 s13, s6;
	[sflag:s8] =	ssyncadd.s32 $0xFFFFD000  }
0x81: {  	[tilespmem:s9], [sflag:$0x2] =	stream.linear.gather [hbm4b:s13+s1], $0x60, $0x38;
	[tilespmem:$0x17100] =	vst v63  }
0x82: {  	_ =	swait.ge [sflag:s8], $0x60  }
0x83: {  	[sflag:s8] =	ssyncset.done $0x0  }
0x84: {  	[sflag:s8] =	ssyncadd.s32 $0xFFFFFFA0  }
0x85: {  	[spmem:s23] =	stream.indirect.scatter.add.f32 [tilespmem:s7], [sflag:$0x2], $0x80, s9, s10, $0xb8;
	[tilespmem:$0x17100] =	vst v63  }
0x86: {  	_ =	swait.ge [sflag:s8], $0x3000  }
0x87: {  	[sflag:s8] =	ssyncset.done $0x0  }
0x88: {  	[sflag:s8] =	ssyncadd.s32 $0xFFFFD000  }
0x89: {  	[bflag:$0x0] =	sbarrier.arrive $0xFFFF  }
0x8a: {  	[tilespmem:s7], [sflag:$0x2] =	stream.linear.gather [spmem:s26], $0x2000, $0x38;
	[tilespmem:$0x17100] =	vst v63  }
0x8b: {  	_ =	swait.ge [sflag:s8], $0x2000  }
0x8c: {  	[sflag:s8] =	ssyncset.done $0x0  }
0x8d: {  	s13 =	simm.s32 $0x0;
	s14 =	rddreg [dreg:$0x5];
	[sflag:s8] =	ssyncadd.s32 $0xFFFFE000  }
0x8e: {  	[hbm4b:s14+s13] =	stream.linear.scatter [tilespmem:s7], [sflag:$0x2], $0x2000, $0x38;
	[tilespmem:$0x17100] =	vst v63  }
0x8f: {  	_ =	swait.ge [sflag:s8], $0x2000  }
0x90: {  	[sflag:s8] =	ssyncset.done $0x0  }
0x91: {  	[sflag:s8] =	ssyncadd.s32 $0xFFFFE000  }
0x92: {  	[tilespmem:s7], [sflag:$0x2] =	stream.linear.gather [spmem:s28], $0x2000, $0x38;
	[tilespmem:$0x17100] =	vst v63  }
0x93: {  	_ =	swait.ge [sflag:s8], $0x2000  }
0x94: {  	[sflag:s8] =	ssyncset.done $0x0  }
0x95: {  	s15 =	rddreg [dreg:$0x6];
	[sflag:s8] =	ssyncadd.s32 $0xFFFFE000  }
0x96: {  	[hbm4b:s15+s13] =	stream.linear.scatter [tilespmem:s7], [sflag:$0x2], $0x2000, $0x38;
	[tilespmem:$0x17100] =	vst v63  }
0x97: {  	_ =	swait.ge [sflag:s8], $0x2000  }
0x98: {  	[sflag:s8] =	ssyncset.done $0x0  }
0x99: {  	[sflag:s8] =	ssyncadd.s32 $0xFFFFE000  }
0x9a: {  	[tilespmem:s7], [sflag:$0x2] =	stream.linear.gather [spmem:s29], $0x2000, $0x38;
	[tilespmem:$0x17100] =	vst v63  }
0x9b: {  	_ =	swait.ge [sflag:s8], $0x2000  }
0x9c: {  	[sflag:s8] =	ssyncset.done $0x0  }
0x9d: {  	s16 =	rddreg [dreg:$0x7];
	[sflag:s8] =	ssyncadd.s32 $0xFFFFE000  }
0x9e: {  	[hbm4b:s16+s13] =	stream.linear.scatter [tilespmem:s7], [sflag:$0x2], $0x2000, $0x38;
	[tilespmem:$0x17100] =	vst v63  }
0x9f: {  	_ =	swait.ge [sflag:s8], $0x2000  }
0xa0: {  	[sflag:s8] =	ssyncset.done $0x0  }
0xa1: {  	[sflag:s8] =	ssyncadd.s32 $0xFFFFE000  }
0xa2: {  	[tilespmem:s7], [sflag:$0x2] =	stream.linear.gather [spmem:s30], $0x2000, $0x38;
	[tilespmem:$0x17100] =	vst v63  }
0xa3: {  	_ =	swait.ge [sflag:s8], $0x2000  }
0xa4: {  	[sflag:s8] =	ssyncset.done $0x0  }
0xa5: {  	s17 =	rddreg [dreg:$0x8];
	[sflag:s8] =	ssyncadd.s32 $0xFFFFE000  }
0xa6: {  	[hbm4b:s17+s13] =	stream.linear.scatter [tilespmem:s7], [sflag:$0x2], $0x2000, $0x38;
	[tilespmem:$0x17100] =	vst v63  }
0xa7: {  	_ =	swait.ge [sflag:s8], $0x2000  }
0xa8: {  	[sflag:s8] =	ssyncset.done $0x0  }
0xa9: {  	[sflag:s8] =	ssyncadd.s32 $0xFFFFE000  }
0xaa: {  	[tilespmem:s7], [sflag:$0x2] =	stream.linear.gather [spmem:s31], $0x2000, $0x38;
	[tilespmem:$0x17100] =	vst v63  }
0xab: {  	_ =	swait.ge [sflag:s8], $0x2000  }
0xac: {  	[sflag:s8] =	ssyncset.done $0x0  }
0xad: {  	s15 =	rddreg [dreg:$0x9];
	[sflag:s8] =	ssyncadd.s32 $0xFFFFE000  }
0xae: {  	[hbm4b:s15+s13] =	stream.linear.scatter [tilespmem:s7], [sflag:$0x2], $0x2000, $0x38;
	[tilespmem:$0x17100] =	vst v63  }
0xaf: {  	_ =	swait.ge [sflag:s8], $0x2000  }
0xb0: {  	[sflag:s8] =	ssyncset.done $0x0  }
0xb1: {  	[sflag:s8] =	ssyncadd.s32 $0xFFFFE000  }
0xb2: {  	[tilespmem:s7], [sflag:$0x2] =	stream.linear.gather [spmem:s21], $0x2000, $0x38;
	[tilespmem:$0x17100] =	vst v63  }
0xb3: {  	_ =	swait.ge [sflag:s8], $0x2000  }
0xb4: {  	[sflag:s8] =	ssyncset.done $0x0  }
0xb5: {  	s16 =	rddreg [dreg:$0xa];
	[sflag:s8] =	ssyncadd.s32 $0xFFFFE000  }
0xb6: {  	[hbm4b:s16+s13] =	stream.linear.scatter [tilespmem:s7], [sflag:$0x2], $0x2000, $0x38;
	[tilespmem:$0x17100] =	vst v63  }
0xb7: {  	_ =	swait.ge [sflag:s8], $0x2000  }
0xb8: {  	[sflag:s8] =	ssyncset.done $0x0  }
0xb9: {  	[sflag:s8] =	ssyncadd.s32 $0xFFFFE000  }
0xba: {  	[tilespmem:s7], [sflag:$0x2] =	stream.linear.gather [spmem:s0], $0x2000, $0x38;
	[tilespmem:$0x17100] =	vst v63  }
0xbb: {  	_ =	swait.ge [sflag:s8], $0x2000  }
0xbc: {  	[sflag:s8] =	ssyncset.done $0x0  }
0xbd: {  	s17 =	rddreg [dreg:$0xb];
	[sflag:s8] =	ssyncadd.s32 $0xFFFFE000  }
0xbe: {  	[hbm4b:s17+s13] =	stream.linear.scatter [tilespmem:s7], [sflag:$0x2], $0x2000, $0x38;
	[tilespmem:$0x17100] =	vst v63  }
0xbf: {  	_ =	swait.ge [sflag:s8], $0x2000  }
0xc0: {  	[sflag:s8] =	ssyncset.done $0x0  }
0xc1: {  	[sflag:s8] =	ssyncadd.s32 $0xFFFFE000  }
0xc2: {  	[tilespmem:s7], [sflag:$0x2] =	stream.linear.gather [spmem:s2], $0x2000, $0x38;
	[tilespmem:$0x17100] =	vst v63  }
0xc3: {  	_ =	swait.ge [sflag:s8], $0x2000  }
0xc4: {  	[sflag:s8] =	ssyncset.done $0x0  }
0xc5: {  	s15 =	rddreg [dreg:$0xc];
	[sflag:s8] =	ssyncadd.s32 $0xFFFFE000  }
0xc6: {  	[hbm4b:s15+s13] =	stream.linear.scatter [tilespmem:s7], [sflag:$0x2], $0x2000, $0x38;
	[tilespmem:$0x17100] =	vst v63  }
0xc7: {  	_ =	swait.ge [sflag:s8], $0x2000  }
0xc8: {  	[sflag:s8] =	ssyncset.done $0x0  }
0xc9: {  	[sflag:s8] =	ssyncadd.s32 $0xFFFFE000  }
0xca: {  	[tilespmem:s7], [sflag:$0x2] =	stream.linear.gather [spmem:s3], $0x2000, $0x38;
	[tilespmem:$0x17100] =	vst v63  }
0xcb: {  	_ =	swait.ge [sflag:s8], $0x2000  }
0xcc: {  	[sflag:s8] =	ssyncset.done $0x0  }
0xcd: {  	s16 =	rddreg [dreg:$0xd];
	[sflag:s8] =	ssyncadd.s32 $0xFFFFE000  }
0xce: {  	[hbm4b:s16+s13] =	stream.linear.scatter [tilespmem:s7], [sflag:$0x2], $0x2000, $0x38;
	[tilespmem:$0x17100] =	vst v63  }
0xcf: {  	_ =	swait.ge [sflag:s8], $0x2000  }
0xd0: {  	[sflag:s8] =	ssyncset.done $0x0  }
0xd1: {  	[sflag:s8] =	ssyncadd.s32 $0xFFFFE000  }
0xd2: {  	[tilespmem:s7], [sflag:$0x2] =	stream.linear.gather [spmem:s4], $0x2000, $0x38;
	[tilespmem:$0x17100] =	vst v63  }
0xd3: {  	_ =	swait.ge [sflag:s8], $0x2000  }
0xd4: {  	[sflag:s8] =	ssyncset.done $0x0  }
0xd5: {  	s17 =	rddreg [dreg:$0xe];
	[sflag:s8] =	ssyncadd.s32 $0xFFFFE000  }
0xd6: {  	[hbm4b:s17+s13] =	stream.linear.scatter [tilespmem:s7], [sflag:$0x2], $0x2000, $0x38;
	[tilespmem:$0x17100] =	vst v63  }
0xd7: {  	_ =	swait.ge [sflag:s8], $0x2000  }
0xd8: {  	[sflag:s8] =	ssyncset.done $0x0  }
0xd9: {  	s14 =	simm.s32 $0x200;
	s13 =	simm.s32 $0x0;
	[sflag:s8] =	ssyncadd.s32 $0xFFFFE000  }
.LBB2_8:
0xda: {  	p0 =	sne.s32 s14, $0xBE00;
	[tilespmem:s13+$0x170] =	vst v0  }
0xdb: {  	[tilespmem:s13+$0x100] =	vst v0  }
0xdc: {  	[tilespmem:s13+$0x110] =	vst v0  }
.Ltmp3:
0xdd: {  	[tilespmem:s13+$0x120] =	vst v0;
	(pc) =	sbr.rel @p0 .LBB2_8-.Ltmp3, $4  }
0xde: {  	[tilespmem:s13+$0x130] =	vst v0  }
0xdf: {  	[tilespmem:s13+$0x140] =	vst v0  }
0xe0: {  	[tilespmem:s13+$0x150] =	vst v0  }
0xe1: {  	[tilespmem:s13+$0x160] =	vst v0;
	s13 =	sshra.s32 s14, $0x2;
	s14 =	sadd.s32 $0x200, s14  }
0xe2: {  	[tilespmem:s13+$0x170] =	vst v0  }
0xe3: {  	[tilespmem:s13+$0x100] =	vst v0  }
0xe4: {  	[tilespmem:s13+$0x110] =	vst v0  }
0xe5: {  	[tilespmem:s13+$0x120] =	vst v0  }
0xe6: {  	[tilespmem:s13+$0x130] =	vst v0  }
0xe7: {  	[tilespmem:s13+$0x140] =	vst v0  }
0xe8: {  	[tilespmem:s13+$0x150] =	vst v0  }
0xe9: {  	[tilespmem:s13+$0x160] =	vst v0  }
0xea: {  	[spmem:s26] =	stream.linear.scatter [tilespmem:s7], [sflag:$0x2], $0x2000, $0x38;
	[tilespmem:$0x17100] =	vst v63  }
0xeb: {  	_ =	swait.ge [sflag:s8], $0x2000  }
0xec: {  	[sflag:s8] =	ssyncset.done $0x0  }
0xed: {  	[sflag:s8] =	ssyncadd.s32 $0xFFFFE000  }
0xee: {  	[spmem:s28] =	stream.linear.scatter [tilespmem:s7], [sflag:$0x2], $0x2000, $0x38;
	[tilespmem:$0x17100] =	vst v63  }
0xef: {  	_ =	swait.ge [sflag:s8], $0x2000  }
0xf0: {  	[sflag:s8] =	ssyncset.done $0x0  }
0xf1: {  	[sflag:s8] =	ssyncadd.s32 $0xFFFFE000  }
0xf2: {  	[spmem:s29] =	stream.linear.scatter [tilespmem:s7], [sflag:$0x2], $0x2000, $0x38;
	[tilespmem:$0x17100] =	vst v63  }
0xf3: {  	_ =	swait.ge [sflag:s8], $0x2000  }
0xf4: {  	[sflag:s8] =	ssyncset.done $0x0  }
0xf5: {  	[sflag:s8] =	ssyncadd.s32 $0xFFFFE000  }
0xf6: {  	[spmem:s30] =	stream.linear.scatter [tilespmem:s7], [sflag:$0x2], $0x2000, $0x38;
	[tilespmem:$0x17100] =	vst v63  }
0xf7: {  	_ =	swait.ge [sflag:s8], $0x2000  }
0xf8: {  	[sflag:s8] =	ssyncset.done $0x0  }
0xf9: {  	[sflag:s8] =	ssyncadd.s32 $0xFFFFE000  }
0xfa: {  	[spmem:s31] =	stream.linear.scatter [tilespmem:s7], [sflag:$0x2], $0x2000, $0x38;
	[tilespmem:$0x17100] =	vst v63  }
0xfb: {  	_ =	swait.ge [sflag:s8], $0x2000  }
0xfc: {  	[sflag:s8] =	ssyncset.done $0x0  }
0xfd: {  	[sflag:s8] =	ssyncadd.s32 $0xFFFFE000  }
0xfe: {  	[spmem:s21] =	stream.linear.scatter [tilespmem:s7], [sflag:$0x2], $0x2000, $0x38;
	[tilespmem:$0x17100] =	vst v63  }
0xff: {  	_ =	swait.ge [sflag:s8], $0x2000  }
0x100: {  	[sflag:s8] =	ssyncset.done $0x0  }
0x101: {  	[sflag:s8] =	ssyncadd.s32 $0xFFFFE000  }
0x102: {  	[spmem:s0] =	stream.linear.scatter [tilespmem:s7], [sflag:$0x2], $0x2000, $0x38;
	[tilespmem:$0x17100] =	vst v63  }
0x103: {  	_ =	swait.ge [sflag:s8], $0x2000  }
0x104: {  	[sflag:s8] =	ssyncset.done $0x0  }
0x105: {  	[sflag:s8] =	ssyncadd.s32 $0xFFFFE000  }
0x106: {  	[spmem:s2] =	stream.linear.scatter [tilespmem:s7], [sflag:$0x2], $0x2000, $0x38;
	[tilespmem:$0x17100] =	vst v63  }
0x107: {  	_ =	swait.ge [sflag:s8], $0x2000  }
0x108: {  	[sflag:s8] =	ssyncset.done $0x0  }
0x109: {  	[sflag:s8] =	ssyncadd.s32 $0xFFFFE000  }
0x10a: {  	[spmem:s3] =	stream.linear.scatter [tilespmem:s7], [sflag:$0x2], $0x2000, $0x38;
	[tilespmem:$0x17100] =	vst v63  }
0x10b: {  	_ =	swait.ge [sflag:s8], $0x2000  }
0x10c: {  	[sflag:s8] =	ssyncset.done $0x0  }
0x10d: {  	[sflag:s8] =	ssyncadd.s32 $0xFFFFE000  }
0x10e: {  	[spmem:s4] =	stream.linear.scatter [tilespmem:s7], [sflag:$0x2], $0x2000, $0x38;
	[tilespmem:$0x17100] =	vst v63  }
0x10f: {  	_ =	swait.ge [sflag:s8], $0x2000  }
0x110: {  	[sflag:s8] =	ssyncset.done $0x0  }
0x111: {  	[sflag:s8] =	ssyncadd.s32 $0xFFFFE000  }
0x112: {  	s16 =	sadd.s32 $0x0, s25;
	[bflag:$0x0] =	sbarrier.arrive $0xFFFF  }
0x113: {  	[tilespmem:s1], [sflag:$0x2] =	stream.linear.gather [hbm4b:s16+s1], $0x60, $0x38;
	[tilespmem:$0x17100] =	vst v63  }
0x114: {  	_ =	swait.ge [sflag:s8], $0x60  }
0x115: {  	[sflag:s8] =	ssyncset.done $0x0  }
0x116: {  	s17 =	sadd.s32 $0x0, s6;
	[sflag:s8] =	ssyncadd.s32 $0xFFFFFFA0  }
0x117: {  	[tilespmem:s9], [sflag:$0x2] =	stream.linear.gather [hbm4b:s17+s1], $0x60, $0x38;
	[tilespmem:$0x17100] =	vst v63  }
0x118: {  	_ =	swait.ge [sflag:s8], $0x60  }
0x119: {  	[sflag:s8] =	ssyncset.done $0x0  }
0x11a: {  	[sflag:s8] =	ssyncadd.s32 $0xFFFFFFA0  }
0x11b: {  	[tilespmem:s7], [sflag:$0x1] =	stream.indirect.gather [hbm4b:s18+s10], $0x80, s1, s10, $0xb8;
	[tilespmem:$0x17100] =	vst v63  }
0x11c: {  	_ =	swait.ge [sflag:s11], $0x3000  }
0x11d: {  	[sflag:s11] =	ssyncset.done $0x0  }
0x11e: {  	[sflag:s11] =	ssyncadd.s32 $0xFFFFD000  }
0x11f: {  	[spmem:s23] =	stream.indirect.scatter.add.f32 [tilespmem:s7], [sflag:$0x2], $0x80, s9, s10, $0xb8;
	[tilespmem:$0x17100] =	vst v63  }
0x120: {  	_ =	swait.ge [sflag:s8], $0x3000  }
0x121: {  	s13 =	simm.s32 $0xC;
	s14 =	simm.s32 $0x18;
	[sflag:s8] =	ssyncset.done $0x0  }
.LBB2_10:
0x122: {  	s15 =	sadd.s32 s13, s25  }
0x123: {  	[sflag:s8] =	ssyncadd.s32 $0xFFFFD000;
	s16 =	smov.u32 s14;
	s17 =	sadd.s32 $0xC, s14  }
0x124: {  	[tilespmem:s1], [sflag:$0x2] =	stream.linear.gather [hbm4b:s15+s1], $0x60, $0x38;
	[tilespmem:$0x17100] =	vst v63  }
0x125: {  	p0 =	sne.s32 s14, $0x4E0;
	_ =	swait.ge [sflag:s8], $0x60  }
0x126: {  	[sflag:s8] =	ssyncset.done $0x0  }
0x127: {  	s14 =	sadd.s32 s13, s6;
	s13 =	smov.u32 s16;
	[sflag:s8] =	ssyncadd.s32 $0xFFFFFFA0  }
0x128: {  	[tilespmem:s9], [sflag:$0x2] =	stream.linear.gather [hbm4b:s14+s1], $0x60, $0x38;
	[tilespmem:$0x17100] =	vst v63  }
0x129: {  	_ =	swait.ge [sflag:s8], $0x60  }
0x12a: {  	[sflag:s8] =	ssyncset.done $0x0  }
0x12b: {  	[sflag:s8] =	ssyncadd.s32 $0xFFFFFFA0  }
0x12c: {  	[tilespmem:s7], [sflag:$0x1] =	stream.indirect.gather [hbm4b:s18+s10], $0x80, s1, s10, $0xb8;
	[tilespmem:$0x17100] =	vst v63  }
0x12d: {  	_ =	swait.ge [sflag:s11], $0x3000  }
.Ltmp4:
0x12e: {  	[sflag:s11] =	ssyncset.done $0x0;
	(pc) =	sbr.rel @p0 .LBB2_10-.Ltmp4, $4  }
0x12f: {  	[sflag:s11] =	ssyncadd.s32 $0xFFFFD000  }
0x130: {  	[spmem:s23] =	stream.indirect.scatter.add.f32 [tilespmem:s7], [sflag:$0x2], $0x80, s9, s10, $0xb8;
	[tilespmem:$0x17100] =	vst v63  }
0x131: {  	_ =	swait.ge [sflag:s8], $0x3000  }
0x132: {  	s14 =	smov.u32 s17;
	[sflag:s8] =	ssyncset.done $0x0  }
0x133: {  	s14 =	sadd.s32 s13, s25;
	[sflag:s8] =	ssyncadd.s32 $0xFFFFD000  }
0x134: {  	[tilespmem:s1], [sflag:$0x2] =	stream.linear.gather [hbm4b:s14+s1], $0x60, $0x38;
	[tilespmem:$0x17100] =	vst v63  }
0x135: {  	_ =	swait.ge [sflag:s8], $0x60  }
0x136: {  	[sflag:s8] =	ssyncset.done $0x0  }
0x137: {  	s15 =	sadd.s32 s13, s6;
	[sflag:s8] =	ssyncadd.s32 $0xFFFFFFA0  }
0x138: {  	[tilespmem:s9], [sflag:$0x2] =	stream.linear.gather [hbm4b:s15+s1], $0x60, $0x38;
	[tilespmem:$0x17100] =	vst v63  }
0x139: {  	_ =	swait.ge [sflag:s8], $0x60  }
0x13a: {  	[sflag:s8] =	ssyncset.done $0x0  }
0x13b: {  	[sflag:s8] =	ssyncadd.s32 $0xFFFFFFA0  }
0x13c: {  	[tilespmem:s7], [sflag:$0x1] =	stream.indirect.gather [hbm4b:s18+s10], $0x80, s1, s10, $0xb8;
	[tilespmem:$0x17100] =	vst v63  }
0x13d: {  	_ =	swait.ge [sflag:s11], $0x3000  }
0x13e: {  	[sflag:s11] =	ssyncset.done $0x0  }
0x13f: {  	[sflag:s11] =	ssyncadd.s32 $0xFFFFD000  }
0x140: {  	[spmem:s23] =	stream.indirect.scatter.add.f32 [tilespmem:s7], [sflag:$0x2], $0x80, s9, s10, $0xb8;
	[tilespmem:$0x17100] =	vst v63  }
0x141: {  	_ =	swait.ge [sflag:s8], $0x3000  }
0x142: {  	[sflag:s8] =	ssyncset.done $0x0  }
0x143: {  	[sflag:s8] =	ssyncadd.s32 $0xFFFFD000  }
0x144: {  	[bflag:$0x0] =	sbarrier.arrive $0xFFFF  }
0x145: {  	[tilespmem:s7], [sflag:$0x2] =	stream.linear.gather [spmem:s26], $0x2000, $0x38;
	[tilespmem:$0x17100] =	vst v63  }
0x146: {  	_ =	swait.ge [sflag:s8], $0x2000  }
0x147: {  	[sflag:s8] =	ssyncset.done $0x0  }
0x148: {  	s16 =	rddreg [dreg:$0xf];
	[sflag:s8] =	ssyncadd.s32 $0xFFFFE000  }
0x149: {  	[hbm4b:s16+s1] =	stream.linear.scatter [tilespmem:s7], [sflag:$0x2], $0x2000, $0x38;
	[tilespmem:$0x17100] =	vst v63  }
0x14a: {  	_ =	swait.ge [sflag:s8], $0x2000  }
0x14b: {  	[sflag:s8] =	ssyncset.done $0x0  }
0x14c: {  	[sflag:s8] =	ssyncadd.s32 $0xFFFFE000  }
0x14d: {  	[tilespmem:s7], [sflag:$0x2] =	stream.linear.gather [spmem:s28], $0x2000, $0x38;
	[tilespmem:$0x17100] =	vst v63  }
0x14e: {  	_ =	swait.ge [sflag:s8], $0x2000  }
0x14f: {  	[sflag:s8] =	ssyncset.done $0x0  }
0x150: {  	s17 =	rddreg [dreg:$0x10];
	[sflag:s8] =	ssyncadd.s32 $0xFFFFE000  }
0x151: {  	[hbm4b:s17+s1] =	stream.linear.scatter [tilespmem:s7], [sflag:$0x2], $0x2000, $0x38;
	[tilespmem:$0x17100] =	vst v63  }
0x152: {  	_ =	swait.ge [sflag:s8], $0x2000  }
0x153: {  	[sflag:s8] =	ssyncset.done $0x0  }
0x154: {  	[sflag:s8] =	ssyncadd.s32 $0xFFFFE000  }
0x155: {  	[tilespmem:s7], [sflag:$0x2] =	stream.linear.gather [spmem:s29], $0x2000, $0x38;
	[tilespmem:$0x17100] =	vst v63  }
0x156: {  	_ =	swait.ge [sflag:s8], $0x2000  }
0x157: {  	[sflag:s8] =	ssyncset.done $0x0  }
0x158: {  	s14 =	rddreg [dreg:$0x11];
	[sflag:s8] =	ssyncadd.s32 $0xFFFFE000  }
0x159: {  	[hbm4b:s14+s1] =	stream.linear.scatter [tilespmem:s7], [sflag:$0x2], $0x2000, $0x38;
	[tilespmem:$0x17100] =	vst v63  }
0x15a: {  	_ =	swait.ge [sflag:s8], $0x2000  }
0x15b: {  	[sflag:s8] =	ssyncset.done $0x0  }
0x15c: {  	[sflag:s8] =	ssyncadd.s32 $0xFFFFE000  }
0x15d: {  	[tilespmem:s7], [sflag:$0x2] =	stream.linear.gather [spmem:s30], $0x2000, $0x38;
	[tilespmem:$0x17100] =	vst v63  }
0x15e: {  	_ =	swait.ge [sflag:s8], $0x2000  }
0x15f: {  	[sflag:s8] =	ssyncset.done $0x0  }
0x160: {  	s15 =	rddreg [dreg:$0x12];
	[sflag:s8] =	ssyncadd.s32 $0xFFFFE000  }
0x161: {  	[hbm4b:s15+s1] =	stream.linear.scatter [tilespmem:s7], [sflag:$0x2], $0x2000, $0x38;
	[tilespmem:$0x17100] =	vst v63  }
0x162: {  	_ =	swait.ge [sflag:s8], $0x2000  }
0x163: {  	[sflag:s8] =	ssyncset.done $0x0  }
0x164: {  	[sflag:s8] =	ssyncadd.s32 $0xFFFFE000  }
0x165: {  	[tilespmem:s7], [sflag:$0x2] =	stream.linear.gather [spmem:s31], $0x2000, $0x38;
	[tilespmem:$0x17100] =	vst v63  }
0x166: {  	_ =	swait.ge [sflag:s8], $0x2000  }
0x167: {  	[sflag:s8] =	ssyncset.done $0x0  }
0x168: {  	s16 =	rddreg [dreg:$0x13];
	[sflag:s8] =	ssyncadd.s32 $0xFFFFE000  }
0x169: {  	[hbm4b:s16+s1] =	stream.linear.scatter [tilespmem:s7], [sflag:$0x2], $0x2000, $0x38;
	[tilespmem:$0x17100] =	vst v63  }
0x16a: {  	_ =	swait.ge [sflag:s8], $0x2000  }
0x16b: {  	[sflag:s8] =	ssyncset.done $0x0  }
0x16c: {  	[sflag:s8] =	ssyncadd.s32 $0xFFFFE000  }
0x16d: {  	[tilespmem:s7], [sflag:$0x2] =	stream.linear.gather [spmem:s21], $0x2000, $0x38;
	[tilespmem:$0x17100] =	vst v63  }
0x16e: {  	_ =	swait.ge [sflag:s8], $0x2000  }
0x16f: {  	[sflag:s8] =	ssyncset.done $0x0  }
0x170: {  	s17 =	rddreg [dreg:$0x14];
	[sflag:s8] =	ssyncadd.s32 $0xFFFFE000  }
0x171: {  	[hbm4b:s17+s1] =	stream.linear.scatter [tilespmem:s7], [sflag:$0x2], $0x2000, $0x38;
	[tilespmem:$0x17100] =	vst v63  }
0x172: {  	_ =	swait.ge [sflag:s8], $0x2000  }
0x173: {  	[sflag:s8] =	ssyncset.done $0x0  }
0x174: {  	[sflag:s8] =	ssyncadd.s32 $0xFFFFE000  }
0x175: {  	[tilespmem:s7], [sflag:$0x2] =	stream.linear.gather [spmem:s0], $0x2000, $0x38;
	[tilespmem:$0x17100] =	vst v63  }
0x176: {  	_ =	swait.ge [sflag:s8], $0x2000  }
0x177: {  	[sflag:s8] =	ssyncset.done $0x0  }
0x178: {  	[sflag:s8] =	ssyncadd.s32 $0xFFFFE000  }
0x179: {  	[hbm4b:s19+s1] =	stream.linear.scatter [tilespmem:s7], [sflag:$0x2], $0x2000, $0x38;
	[tilespmem:$0x17100] =	vst v63  }
0x17a: {  	_ =	swait.ge [sflag:s8], $0x2000  }
0x17b: {  	[sflag:s8] =	ssyncset.done $0x0  }
0x17c: {  	[sflag:s8] =	ssyncadd.s32 $0xFFFFE000  }
0x17d: {  	[tilespmem:s7], [sflag:$0x2] =	stream.linear.gather [spmem:s2], $0x2000, $0x38;
	[tilespmem:$0x17100] =	vst v63  }
0x17e: {  	_ =	swait.ge [sflag:s8], $0x2000  }
0x17f: {  	[sflag:s8] =	ssyncset.done $0x0  }
0x180: {  	[sflag:s8] =	ssyncadd.s32 $0xFFFFE000  }
0x181: {  	[hbm4b:s20+s1] =	stream.linear.scatter [tilespmem:s7], [sflag:$0x2], $0x2000, $0x38;
	[tilespmem:$0x17100] =	vst v63  }
0x182: {  	_ =	swait.ge [sflag:s8], $0x2000  }
0x183: {  	[sflag:s8] =	ssyncset.done $0x0  }
0x184: {  	[sflag:s8] =	ssyncadd.s32 $0xFFFFE000  }
0x185: {  	[tilespmem:s7], [sflag:$0x2] =	stream.linear.gather [spmem:s3], $0x2000, $0x38;
	[tilespmem:$0x17100] =	vst v63  }
0x186: {  	_ =	swait.ge [sflag:s8], $0x2000  }
0x187: {  	[sflag:s8] =	ssyncset.done $0x0  }
0x188: {  	[sflag:s8] =	ssyncadd.s32 $0xFFFFE000  }
0x189: {  	[hbm4b:s22+s1] =	stream.linear.scatter [tilespmem:s7], [sflag:$0x2], $0x2000, $0x38;
	[tilespmem:$0x17100] =	vst v63  }
0x18a: {  	_ =	swait.ge [sflag:s8], $0x2000  }
0x18b: {  	[sflag:s8] =	ssyncset.done $0x0  }
0x18c: {  	[sflag:s8] =	ssyncadd.s32 $0xFFFFE000  }
0x18d: {  	[tilespmem:s7], [sflag:$0x2] =	stream.linear.gather [spmem:s4], $0x2000, $0x38;
	[tilespmem:$0x17100] =	vst v63  }
0x18e: {  	s12 =	sadd.s32 $0x1, s12;
	_ =	swait.ge [sflag:s8], $0x2000  }
0x18f: {  	p0 =	sne.s32 s12, s5;
	[sflag:s8] =	ssyncset.done $0x0  }
.Ltmp5:
0x190: {  	[sflag:s8] =	ssyncadd.s32 $0xFFFFE000;
	(pc) =	sbr.rel @p0 .LBB2_1-.Ltmp5, $4  }
0x191: {  	[hbm4b:s24+s1] =	stream.linear.scatter [tilespmem:s7], [sflag:$0x2], $0x2000, $0x38;
	[tilespmem:$0x17100] =	vst v63  }
0x192: {  	_ =	swait.ge [sflag:s8], $0x2000  }
0x193: {  	[sflag:s8] =	ssyncset.done $0x0  }
0x194: {  	[sflag:s8] =	ssyncadd.s32 $0xFFFFE000  }
0x195: {  	_ =	sfence.sel $0x180000  }
0x196: {  	[bflag:$0x0] =	sbarrier.arrive $0xFFFF  }
0x197: {  	_ =	strace $0x90000047  }
0x198: {  	s0 =	stileid.u32;
	[bflag:$0x2] =	sbarrier.arrive $0xFFFF  }
0x199: {  	p0 =	sne.s32 s0, $0x0;
	s0 =	rddreg [dreg:$0x4]  }
0x19a: {  	s0 =	sadd.s32 @!p0 $0x100000, s0  }
0x19b: {  	[sflag:s0] =	ssyncadd.tile.s32 @!p0 $0x1;
	_ =	shalt  }
.Lfunc_end2:
_tile_overlayer_lowered:
.L_overlay_start_2:
0x19c: {  	(tag) =	ssettag $0x2  }
0x19d: {  	s0 =	rddreg [dreg:$0x0];
	s2 =	stileid.u32  }
0x19e: {  	s1 =	rddreg [dreg:$0x1];
	p0 =	sne.s32 s2, $0x0  }
0x19f: {  	s3 =	rddreg [dreg:$0x2];
	[bflag:$0x3] =	sbarrier.arrive $0xFFFF;
	s2 =	simm.s32 @!p0 $0x1C02  }
0x1a0: {  	[timem:s3], [sflag:s2] =	dma.local @!p0 [hbm:s0], s1  }
0x1a1: {  	s0 =	simm.s32 @!p0 $0x2  }
0x1a2: {  	_ =	swait.ge @!p0 [sflag:s0], s1  }
0x1a3: {  	s1 =	ssub.s32 @!p0 $0x0, s1;
	[sflag:s0] =	ssyncset.done @!p0 $0x0  }
0x1a4: {  	[sflag:s0] =	ssyncadd.s32 @!p0 s1  }
0x1a5: {  	[bflag:$0x3] =	sbarrier.arrive $0xFFFF  }
0x1a6: {  	_ =	shalt  }

// kernel: kernel.9.cloned.1.call-start
scs
__scs_entry_jumppad:
0x0: {  	(pc) =	sbr.rel $0x88, $3  }
0x1: {  	(tag) =	ssettag $0x0;
	lr =	simm.s32 $0x1  }
0x2: {  	[smem:$0x3F97] =	sst lr;
	_ =	strace $0xD0000000  }
0x3: {  	_ = 	snop  }
0x4: {  	_ = 	snop  }
0x5: {  	_ = 	snop  }
0x6: {  	_ = 	snop  }
0x7: {  	_ = 	snop  }
__scs_overlays_trampoline_lowered:
0x8: {  	[smem:$0x3FA6] =	sst s0  }
0x9: {  	[smem:$0x3FA7] =	sst s1  }
0xa: {  	[smem:$0x3FA8] =	sst s2  }
0xb: {  	[smem:$0x3FA9] =	sst s3  }
0xc: {  	[smem:$0x3FAA] =	sst s4  }
0xd: {  	[smem:$0x3FAB] =	sst s5  }
0xe: {  	[smem:$0x3FAC] =	sst s6  }
0xf: {  	[smem:$0x3FAD] =	sst s7  }
0x10: {  	[smem:$0x3FAE] =	sst s8  }
0x11: {  	[smem:$0x3FAF] =	sst s9;
	s0 =	simm.s32 @!p0 $0x0  }
0x12: {  	s1 =	sld [smem:$0x3F95];
	s0 =	simm.s32 @p0 $0x1  }
0x13: {  	[smem:$0x3FB0] =	sst s0;
	s0 =	simm.s32 @!p1 $0x0  }
0x14: {  	s2 =	sld [smem:$0x3F94];
	s0 =	simm.s32 @p1 $0x1  }
0x15: {  	[smem:$0x3FB1] =	sst s0;
	s0 =	simm.s32 @!p2 $0x0  }
0x16: {  	s3 =	sld [smem:$0x3FDB];
	s0 =	simm.s32 @p2 $0x1  }
0x17: {  	s4 =	simm.s32 $0x1BF5;
	[smem:$0x3FB3] =	sst s0  }
0x18: {  	s0 =	sld [smem:$0x3F96];
	_ =	swait.ge [sflag:s4], $0x0  }
0x19: {  	s7 =	sld [smem:$0x3F97]  }
0x1a: {  	s8 =	sadd.s32 $0xFFFFE003, lr  }
0x1b: {  	s9 =	sadd.s32 $0xFFFFFEF7, lr;
	s5 =	simm.s32 $0xFFFFFFFF;
	p2 =	slt.u32 s8, $0xFFFFF086  }
0x1c: {  	p1 =	slt.u32 s9, $0xF7A;
	s5 =	simm.s32 @!p2 $0x0  }
0x1d: {  	s5 =	simm.s32 @p1 $0x1;
	p0 =	seq.s32 s7, s2  }
0x1e: {  	s7 =	smul.u32 @!p0 $0xF7A, s2;
	p2 =	seq.s32 @!p0 s5, $0x0  }
0x1f: {  	s9 =	smul.u32 $0xF7A, s1;
	s8 =	simm.s32 @!p0 $0x1BF5;
	p2 =	por !p2, p0  }
0x20: {  	[sflag:s8] =	ssyncset.s32 @!p0 $0xFFFFF086;
	s6 =	sadd.s32 @!p0 s3, s7;
	s7 =	simm.s32 @!p0 $0x108  }
0x21: {  	s3 =	sadd.s32 s3, s9;
	s6 =	sadd.s32 @!p0 $0x88, s6;
	s7 =	simm.s32 @p2 $0x1082  }
0x22: {  	[simem:s7], [sflag:s8] =	dma.local @!p0 [hbm:s6], $0xF7A  }
0x23: {  	s9 =	sor.u32 $0xD0000000, s2;
	s6 =	simm.s32 $0x108;
	_ =	swait.ge @!p0 [sflag:s8], $0x0  }
0x24: {  	s3 =	sadd.s32 $0x88, s3;
	s6 =	simm.s32 @!p1 $0x1082;
	[sflag:s4] =	ssyncset.s32 $0xFFFFF086  }
0x25: {  	[simem:s6], [sflag:s4] =	dma.local [hbm:s3], $0xF7A  }
0x26: {  	[smem:$0x3F97] =	sst s1;
	(tag) =	ssettag s2;
	_ =	strace s9  }
0x27: {  	s1 =	sld [smem:$0x3FA7]  }
0x28: {  	s2 =	sld [smem:$0x3FA8]  }
0x29: {  	s4 =	sld [smem:$0x3FAA]  }
0x2a: {  	p0 =	seq.s32 s5, $0x0;
	s5 =	sld [smem:$0x3FAB]  }
0x2b: {  	s6 =	sld [smem:$0x3FAC]  }
0x2c: {  	s7 =	sld [smem:$0x3FAD]  }
0x2d: {  	s3 =	simm.s32 $0x108;
	s8 =	sld [smem:$0x3FAE]  }
0x2e: {  	s3 =	simm.s32 @!p0 $0x1082;
	s9 =	sld [smem:$0x3FAF]  }
0x2f: {  	lr =	sadd.s32 s0, s3;
	s0 =	sld [smem:$0x3FA6]  }
0x30: {  	s3 =	sld [smem:$0x3FA9]  }
0x31: {  	[smem:$0x3FB2] =	sst s10  }
0x32: {  	s10 =	sld [smem:$0x3FB0];
	_ =	sdelay $0x3  }
0x33: {  	p0 =	seq.s32 s10, $0x1;
	s10 =	sld [smem:$0x3FB2];
	_ =	sdelay $0x3  }
0x34: {  	[smem:$0x3FB2] =	sst s10  }
0x35: {  	s10 =	sld [smem:$0x3FB1];
	_ =	sdelay $0x3  }
0x36: {  	p1 =	seq.s32 s10, $0x1;
	s10 =	sld [smem:$0x3FB2];
	_ =	sdelay $0x3  }
0x37: {  	[smem:$0x3FB2] =	sst s10  }
0x38: {  	s10 =	sld [smem:$0x3FB3]  }
0x39: {  	_ = 	snop;
	(pc) =	sbr.ind lr, $3  }
0x3a: {  	_ = 	snop  }
0x3b: {  	_ = 	snop  }
0x3c: {  	p2 =	seq.s32 s10, $0x1;
	s10 =	sld [smem:$0x3FB2]  }
0x3d: {  	_ =	shalt  }
0x3e: {  	_ =	shalt  }
0x3f: {  	_ =	shalt  }
0x40: {  	_ =	shalt  }
0x41: {  	_ =	shalt  }
0x42: {  	_ =	shalt  }
0x43: {  	_ =	shalt  }
0x44: {  	_ =	shalt  }
0x45: {  	_ =	shalt  }
0x46: {  	_ =	shalt  }
0x47: {  	_ =	shalt  }
0x48: {  	_ =	shalt  }
0x49: {  	_ =	shalt  }
0x4a: {  	_ =	shalt  }
0x4b: {  	_ =	shalt  }
0x4c: {  	_ =	shalt  }
0x4d: {  	_ =	shalt  }
0x4e: {  	_ =	shalt  }
0x4f: {  	_ =	shalt  }
0x50: {  	_ =	shalt  }
0x51: {  	_ =	shalt  }
0x52: {  	_ =	shalt  }
0x53: {  	_ =	shalt  }
0x54: {  	_ =	shalt  }
0x55: {  	_ =	shalt  }
0x56: {  	_ =	shalt  }
0x57: {  	_ =	shalt  }
0x58: {  	_ =	shalt  }
0x59: {  	_ =	shalt  }
0x5a: {  	_ =	shalt  }
0x5b: {  	_ =	shalt  }
0x5c: {  	_ =	shalt  }
0x5d: {  	_ =	shalt  }
0x5e: {  	_ =	shalt  }
0x5f: {  	_ =	shalt  }
0x60: {  	_ =	shalt  }
0x61: {  	_ =	shalt  }
0x62: {  	_ =	shalt  }
0x63: {  	_ =	shalt  }
0x64: {  	_ =	shalt  }
0x65: {  	_ =	shalt  }
0x66: {  	_ =	shalt  }
0x67: {  	_ =	shalt  }
0x68: {  	_ =	shalt  }
0x69: {  	_ =	shalt  }
0x6a: {  	_ =	shalt  }
0x6b: {  	_ =	shalt  }
0x6c: {  	_ =	shalt  }
0x6d: {  	_ =	shalt  }
0x6e: {  	_ =	shalt  }
0x6f: {  	_ =	shalt  }
0x70: {  	_ =	shalt  }
0x71: {  	_ =	shalt  }
0x72: {  	_ =	shalt  }
0x73: {  	_ =	shalt  }
0x74: {  	_ =	shalt  }
0x75: {  	_ =	shalt  }
0x76: {  	_ =	shalt  }
0x77: {  	_ =	shalt  }
0x78: {  	_ =	shalt  }
0x79: {  	_ =	shalt  }
0x7a: {  	_ =	shalt  }
0x7b: {  	_ =	shalt  }
0x7c: {  	_ =	shalt  }
0x7d: {  	_ =	shalt  }
0x7e: {  	_ =	shalt  }
0x7f: {  	_ =	shalt  }
0x80: {  	_ =	shalt  }
0x81: {  	_ =	shalt  }
0x82: {  	_ =	shalt  }
0x83: {  	_ =	shalt  }
0x84: {  	_ =	shalt  }
0x85: {  	_ =	shalt  }
0x86: {  	_ =	shalt  }
0x87: {  	_ =	shalt  }
.Lfunc_end0:
.L_simem_size_0:
called_computation.1_lowered:
.L_overlay_start_0:
0x88: {  	s2 =	sld [smem:$0x3FD9]  }
0x89: {  	s3 =	sld [smem:$0x3FFE];
	_ =	sdelay $0x1  }
0x8a: {  	s1 =	srdreg.scid  }
0x8b: {  	s0 =	sand.u32 $0x1, s1  }
0x8c: {  	s17 =	sshll.u32 s0, $0xA;
	s2 =	sadd.s32 s3, s2  }
0x8d: {  	s2 =	sadd.s32 s2, s17  }
0x8e: {  	[smem:$0x3FBE] =	sst s2  }
0x8f: {  	_ = 	snop  }
0x90: {  	s2 =	sld [smem:$0x3FD0];
	(tm) =	ssettm $0x1  }
0x91: {  	s18 =	sld [smem:$0x3FFB];
	_ =	sdelay $0x3  }
0x92: {  	_ =	strace s18  }
0x93: {  	s3 =	sld [smem:$0x3FFC];
	_ =	sdelay $0x3  }
0x94: {  	_ =	strace s3  }
0x95: {  	s3 =	sld [smem:$0x3FFD];
	_ =	sdelay $0x3  }
0x96: {  	_ =	strace s3  }
0x97: {  	_ =	strace $0x8FFFFFFF  }
0x98: {  	s19 =	sld [smem:$0x3FDB];
	_ =	sdelay $0x1  }
0x99: {  	s4 =	simm.s32 $_scs_section_size  }
0x9a: {  	s5 =	simm.s32 $_size__tile_overlayer_lowered;
	s6 =	simm.s32 $_tile_overlayer_lowered  }
0x9b: {  	s22 =	simm.s32 $0x1BFF;
	s21 =	sshll.u32 s6, $0x1;
	s3 =	sadd.s32 s4, s19  }
0x9c: {  	s7 =	simm.s32 $0x0;
	s20 =	sshll.u32 s5, $0x1;
	s5 =	sadd.s32 s21, s3  }
0x9d: {  	[timem:s7], [sflag:s22] =	dma.local [hbm:s5], s20  }
0x9e: {  	_ =	swait.ge [sflag:s22], s20  }
0x9f: {  	s4 =	ssub.s32 $0x0, s20;
	[sflag:s22] =	ssyncset.done $0x0  }
0xa0: {  	[sflag:s22] =	ssyncadd.s32 s4;
	_ =	sdelay $0x1  }
0xa1: {  	s23 =	simm.s32 $0x1B8B  }
0xa2: {  	_ =	swait.ge [sflag:s23], $0x1  }
0xa3: {  	[sflag:s23] =	ssyncset.done $0x0  }
0xa4: {  	s25 =	simm.s32 $0x1B8E;
	s24 =	sld [smem:$0x3FFE];
	[sflag:s23] =	ssyncadd.s32 $0xFFFFFFFF  }
0xa5: {  	s26 =	simm.s32 $execute0_lowered;
	[smem:$0x3FD2] =	sst s25  }
0xa6: {  	s5 =	sshll.u32 s26, $0x1;
	_ =	strace $0x80000049;
	[dreg:$0x1] =	wrdreg $0xFFFFFFFF  }
0xa7: {  	s28 =	simm.s32 $_size_execute0_lowered;
	s3 =	sadd.s32 s3, s5;
	[dreg:$0x0] =	wrdreg $0x0  }
0xa8: {  	s5 =	sshll.u32 s28, $0x1;
	[dreg:$0x2] =	wrdreg s3  }
0xa9: {  	[dreg:$0x3] =	wrdreg s5  }
0xaa: {  	[dreg:$0x4] =	wrdreg $0xC0  }
0xab: {  	_ =	task [dreg:s7], $0x5FFFF  }
0xac: {  	[dreg:$0x1] =	wrdreg $0xFFFFFFFF  }
0xad: {  	[dreg:$0x0] =	wrdreg $0x60  }
0xae: {  	[dreg:$0x2] =	wrdreg s24  }
0xaf: {  	[dreg:$0x3] =	wrdreg s2  }
0xb0: {  	[dreg:$0x4] =	wrdreg $0x31000  }
0xb1: {  	[dreg:$0x5] =	wrdreg $0x9  }
0xb2: {  	_ =	task.clear_ibuf [dreg:s7], $0x6FFFF;
	_ =	strace $0x90000049  }
0xb3: {  	s29 =	simm.s32 $0x9;
	_ =	strace $0x8000004B  }
0xb4: {  	_ =	swait.ge [sflag:s29], $0x1  }
0xb5: {  	[sflag:s29] =	ssyncadd.s32 $0xFFFFFFFF  }
0xb6: {  	_ =	strace $0x9000004B  }
0xb7: {  	_ =	sfence  }
0xb8: {  	s30 =	sld [smem:$0x0];
	_ =	sdelay $0x2  }
0xb9: {  	s31 =	sshll.u32 s1, $0xD;
	s1 =	sshrl.u32 s1, $0x2  }
0xba: {  	s3 =	sand.u32 $0x4000, s31;
	s1 =	sadd.s32 s1, s30  }
0xbb: {  	s0 =	sor.u32 s3, s0;
	s1 =	sshll.u32 s1, $0x11  }
0xbc: {  	s0 =	sor.u32 s1, s0  }
0xbd: {  	s0 =	sadd.s32 $0x8F2B, s0  }
0xbe: {  	[sflag:s0] =	ssyncadd.remote.s32 $0x1  }
0xbf: {  	_ =	sfence.sel $0xFFFF  }
0xc0: {  	[dreg:$0x0] =	wrdreg $0xFFFFFFFF;
	(pc) =	sbr.abs _section_cstart, $3  }
0xc1: {  	[dreg:$0x1] =	wrdreg $0xFFFFFFFF  }
0xc2: {  	_ =	task.clear_ibuf [dreg:s7], $0x2FFFF;
	_ =	strace $0x9FFFFFFF  }
0xc3: {  	(tm) =	ssettm $0x7FFFFFFF  }
tec
execute0_lowered:
.L_overlay_start_1:
0x0: {  	(tag) =	ssettag $0x1  }
0x1: {  	s0 =	srdreg.scid  }
0x2: {  	s2 =	rddreg [dreg:$0x0];
	s13 =	stileid.u32  }
0x3: {  	s4 =	rddreg [dreg:$0x1];
	s1 =	simm.s32 $0x0;
	s29 =	simm.s32 $0x100  }
0x4: {  	s30 =	simm.s32 $0x2;
	s31 =	simm.s32 $0x80;
	s5 =	smul.u32 $0x2760, s13  }
0x5: {  	s0 =	sand.u32 $0x1, s0;
	[smem:$0x7FF] =	sst s1;
	s7 =	smul.u32 $0x14000, s13  }
0x6: {  	s9 =	sadd.s32 $0x33000, s2;
	s3 =	smul.u32 $0x27600, s0;
	s6 =	ssub.s32 $0x2, s0  }
0x7: {  	s0 =	smul.u32 $0x140000, s0;
	s26 =	sshrl.u32 s6, $0x1;
	s17 =	sor.u32 $0x2000, s7  }
0x8: {  	s18 =	sadd.s32 $0x4000, s7;
	s19 =	sadd.s32 $0x6000, s7;
	s20 =	sadd.s32 $0x8000, s7  }
0x9: {  	s21 =	sadd.s32 $0xA000, s7;
	s22 =	sadd.s32 $0xC000, s7;
	s23 =	sadd.s32 $0xE000, s7  }
0xa: {  	s24 =	sadd.s32 $0x10000, s7;
	s25 =	sadd.s32 $0x12000, s7;
	s3 =	sadd.s32 s5, s3  }
0xb: {  	s26 =	ssub.s32 s6, s26;
	s7 =	sadd.s32 s7, s0;
	s8 =	sadd.s32 s0, s17  }
0xc: {  	s10 =	sadd.s32 s0, s18;
	s14 =	sadd.s32 s0, s19;
	s15 =	sadd.s32 s0, s20  }
0xd: {  	s16 =	sadd.s32 s0, s21;
	s3 =	sshrl.u32 s3, $0x3;
	s5 =	sshrl.u32 s7, $0x3  }
0xe: {  	s6 =	sshrl.u32 s8, $0x3;
	s12 =	sshrl.u32 s10, $0x3;
	s7 =	sshrl.u32 s16, $0x3  }
0xf: {  	s10 =	sadd.s32 s0, s23;
	s16 =	smul.u32 $0x50000, s13;
	s26 =	smax.u32 s26, $0x1  }
0x10: {  	s5 =	sadd.s32 s9, s5;
	s11 =	sadd.s32 s9, s6;
	s6 =	sshrl.u32 s15, $0x3  }
0x11: {  	s8 =	sadd.s32 s9, s7;
	s10 =	sshrl.u32 s10, $0x3;
	[dreg:$0x4] =	wrdreg s5  }
0x12: {  	s15 =	sadd.s32 $0xBE00, s2;
	[dreg:$0x5] =	wrdreg s11;
	s5 =	sadd.s32 s9, s12  }
0x13: {  	s6 =	sadd.s32 s9, s6;
	[dreg:$0x9] =	wrdreg s8;
	s8 =	sadd.s32 s0, s22  }
0x14: {  	s11 =	sadd.s32 s0, s24;
	s10 =	sadd.s32 s9, s10;
	s12 =	rddreg [dreg:$0x2]  }
0x15: {  	s0 =	sadd.s32 s0, s25;
	s16 =	sshrl.u32 s16, $0x2;
	[dreg:$0x6] =	wrdreg s5  }
0x16: {  	s5 =	sshrl.u32 s14, $0x3;
	[dreg:$0x8] =	wrdreg s6;
	s8 =	sshrl.u32 s8, $0x3  }
0x17: {  	s11 =	sshrl.u32 s11, $0x3;
	s0 =	sshrl.u32 s0, $0x3;
	s14 =	sadd.s32 s3, s4  }
0x18: {  	s16 =	sadd.s32 s16, s12;
	s17 =	sadd.s32 s17, s12;
	s18 =	sadd.s32 s18, s12  }
0x19: {  	s19 =	sadd.s32 s19, s12;
	s20 =	sadd.s32 s20, s12;
	s21 =	sadd.s32 s21, s12  }
0x1a: {  	s22 =	sadd.s32 s22, s12;
	s23 =	sadd.s32 s23, s12;
	s24 =	sadd.s32 s24, s12  }
0x1b: {  	s25 =	sadd.s32 s25, s12;
	s5 =	sadd.s32 s9, s5;
	s8 =	sadd.s32 s9, s8  }
0x1c: {  	s11 =	sadd.s32 s9, s11;
	s13 =	sadd.s32 s9, s0;
	s9 =	sadd.s32 s3, s2  }
0x1d: {  	s0 =	simm.s32 $0x1;
	s2 =	simm.s32 $0x0;
	[dreg:$0x7] =	wrdreg s5  }
0x1e: {  	v0 =	vimm.f32 $0.0e+00;
	s28 =	sadd.s32 $0x2000, s9;
	s9 =	simm.s32 $0x60;
	_ =	strace $0x8000004A  }
.LBB2_1:
0x1f: {  	s3 =	simm.s32 $0x0;
	s4 =	simm.s32 $0x200  }
.LBB2_2:
0x20: {  	p0 =	sne.s32 s4, $0xBE00;
	[tilespmem:s3+$0x170] =	vst v0  }
0x21: {  	[tilespmem:s3+$0x100] =	vst v0  }
0x22: {  	[tilespmem:s3+$0x110] =	vst v0  }
.Ltmp0:
0x23: {  	[tilespmem:s3+$0x120] =	vst v0;
	(pc) =	sbr.rel @p0 .LBB2_2-.Ltmp0, $4  }
0x24: {  	[tilespmem:s3+$0x130] =	vst v0  }
0x25: {  	[tilespmem:s3+$0x140] =	vst v0  }
0x26: {  	[tilespmem:s3+$0x150] =	vst v0  }
0x27: {  	[tilespmem:s3+$0x160] =	vst v0;
	s3 =	sshra.s32 s4, $0x2;
	s4 =	sadd.s32 $0x200, s4  }
0x28: {  	[tilespmem:s3+$0x170] =	vst v0  }
0x29: {  	[tilespmem:s3+$0x100] =	vst v0  }
0x2a: {  	[tilespmem:s3+$0x110] =	vst v0  }
0x2b: {  	[tilespmem:s3+$0x120] =	vst v0  }
0x2c: {  	[tilespmem:s3+$0x130] =	vst v0  }
0x2d: {  	[tilespmem:s3+$0x140] =	vst v0  }
0x2e: {  	[tilespmem:s3+$0x150] =	vst v0  }
0x2f: {  	[tilespmem:s3+$0x160] =	vst v0  }
0x30: {  	[spmem:s16] =	stream.linear.scatter [tilespmem:s29], [sflag:$0x2], $0x2000, $0x38;
	[tilespmem:$0x17100] =	vst v63  }
0x31: {  	_ =	swait.ge [sflag:s30], $0x2000  }
0x32: {  	[sflag:s30] =	ssyncset.done $0x0  }
0x33: {  	[sflag:s30] =	ssyncadd.s32 $0xFFFFE000  }
0x34: {  	[spmem:s17] =	stream.linear.scatter [tilespmem:s29], [sflag:$0x2], $0x2000, $0x38;
	[tilespmem:$0x17100] =	vst v63  }
0x35: {  	_ =	swait.ge [sflag:s30], $0x2000  }
0x36: {  	[sflag:s30] =	ssyncset.done $0x0  }
0x37: {  	[sflag:s30] =	ssyncadd.s32 $0xFFFFE000  }
0x38: {  	[spmem:s18] =	stream.linear.scatter [tilespmem:s29], [sflag:$0x2], $0x2000, $0x38;
	[tilespmem:$0x17100] =	vst v63  }
0x39: {  	_ =	swait.ge [sflag:s30], $0x2000  }
0x3a: {  	[sflag:s30] =	ssyncset.done $0x0  }
0x3b: {  	[sflag:s30] =	ssyncadd.s32 $0xFFFFE000  }
0x3c: {  	[spmem:s19] =	stream.linear.scatter [tilespmem:s29], [sflag:$0x2], $0x2000, $0x38;
	[tilespmem:$0x17100] =	vst v63  }
0x3d: {  	_ =	swait.ge [sflag:s30], $0x2000  }
0x3e: {  	[sflag:s30] =	ssyncset.done $0x0  }
0x3f: {  	[sflag:s30] =	ssyncadd.s32 $0xFFFFE000  }
0x40: {  	[spmem:s20] =	stream.linear.scatter [tilespmem:s29], [sflag:$0x2], $0x2000, $0x38;
	[tilespmem:$0x17100] =	vst v63  }
0x41: {  	_ =	swait.ge [sflag:s30], $0x2000  }
0x42: {  	[sflag:s30] =	ssyncset.done $0x0  }
0x43: {  	[sflag:s30] =	ssyncadd.s32 $0xFFFFE000  }
0x44: {  	[spmem:s21] =	stream.linear.scatter [tilespmem:s29], [sflag:$0x2], $0x2000, $0x38;
	[tilespmem:$0x17100] =	vst v63  }
0x45: {  	_ =	swait.ge [sflag:s30], $0x2000  }
0x46: {  	[sflag:s30] =	ssyncset.done $0x0  }
0x47: {  	[sflag:s30] =	ssyncadd.s32 $0xFFFFE000  }
0x48: {  	[spmem:s22] =	stream.linear.scatter [tilespmem:s29], [sflag:$0x2], $0x2000, $0x38;
	[tilespmem:$0x17100] =	vst v63  }
0x49: {  	_ =	swait.ge [sflag:s30], $0x2000  }
0x4a: {  	[sflag:s30] =	ssyncset.done $0x0  }
0x4b: {  	[sflag:s30] =	ssyncadd.s32 $0xFFFFE000  }
0x4c: {  	[spmem:s23] =	stream.linear.scatter [tilespmem:s29], [sflag:$0x2], $0x2000, $0x38;
	[tilespmem:$0x17100] =	vst v63  }
0x4d: {  	_ =	swait.ge [sflag:s30], $0x2000  }
0x4e: {  	[sflag:s30] =	ssyncset.done $0x0  }
0x4f: {  	[sflag:s30] =	ssyncadd.s32 $0xFFFFE000  }
0x50: {  	[spmem:s24] =	stream.linear.scatter [tilespmem:s29], [sflag:$0x2], $0x2000, $0x38;
	[tilespmem:$0x17100] =	vst v63  }
0x51: {  	_ =	swait.ge [sflag:s30], $0x2000  }
0x52: {  	[sflag:s30] =	ssyncset.done $0x0  }
0x53: {  	[sflag:s30] =	ssyncadd.s32 $0xFFFFE000  }
0x54: {  	[spmem:s25] =	stream.linear.scatter [tilespmem:s29], [sflag:$0x2], $0x2000, $0x38;
	[tilespmem:$0x17100] =	vst v63  }
0x55: {  	_ =	swait.ge [sflag:s30], $0x2000  }
0x56: {  	[sflag:s30] =	ssyncset.done $0x0  }
0x57: {  	[sflag:s30] =	ssyncadd.s32 $0xFFFFE000  }
0x58: {  	s6 =	sadd.s32 $0x0, s14;
	[bflag:$0x0] =	sbarrier.arrive $0xFFFF  }
0x59: {  	[tilespmem:s1], [sflag:$0x2] =	stream.linear.gather [hbm4b:s6+s1], $0x60, $0x38;
	[tilespmem:$0x17100] =	vst v63  }
0x5a: {  	_ =	swait.ge [sflag:s30], $0x60  }
0x5b: {  	[sflag:s30] =	ssyncset.done $0x0  }
0x5c: {  	s7 =	sadd.s32 $0x0, s28;
	[sflag:s30] =	ssyncadd.s32 $0xFFFFFFA0  }
0x5d: {  	[tilespmem:s31], [sflag:$0x2] =	stream.linear.gather [hbm4b:s7+s1], $0x60, $0x38;
	[tilespmem:$0x17100] =	vst v63  }
0x5e: {  	_ =	swait.ge [sflag:s30], $0x60  }
0x5f: {  	[sflag:s30] =	ssyncset.done $0x0  }
0x60: {  	[sflag:s30] =	ssyncadd.s32 $0xFFFFFFA0  }
0x61: {  	[tilespmem:s29], [sflag:$0x1] =	stream.indirect.gather [hbm4b:s15+s9], $0x80, s1, s9, $0xb8;
	[tilespmem:$0x17100] =	vst v63  }
0x62: {  	_ =	swait.ge [sflag:s0], $0x3000  }
0x63: {  	[sflag:s0] =	ssyncset.done $0x0  }
0x64: {  	[sflag:s0] =	ssyncadd.s32 $0xFFFFD000  }
0x65: {  	[spmem:s12] =	stream.indirect.scatter.add.f32 [tilespmem:s29], [sflag:$0x2], $0x80, s31, s9, $0xb8;
	[tilespmem:$0x17100] =	vst v63  }
0x66: {  	_ =	swait.ge [sflag:s30], $0x3000  }
0x67: {  	s3 =	simm.s32 $0xC;
	s4 =	simm.s32 $0x18;
	[sflag:s30] =	ssyncset.done $0x0  }
.LBB2_4:
0x68: {  	s5 =	sadd.s32 s3, s14  }
0x69: {  	[sflag:s30] =	ssyncadd.s32 $0xFFFFD000;
	s6 =	smov.u32 s4;
	s7 =	sadd.s32 $0xC, s4  }
0x6a: {  	[tilespmem:s1], [sflag:$0x2] =	stream.linear.gather [hbm4b:s5+s1], $0x60, $0x38;
	[tilespmem:$0x17100] =	vst v63  }
0x6b: {  	p0 =	sne.s32 s4, $0x4E0;
	_ =	swait.ge [sflag:s30], $0x60  }
0x6c: {  	[sflag:s30] =	ssyncset.done $0x0  }
0x6d: {  	s4 =	sadd.s32 s3, s28;
	s3 =	smov.u32 s6;
	[sflag:s30] =	ssyncadd.s32 $0xFFFFFFA0  }
0x6e: {  	[tilespmem:s31], [sflag:$0x2] =	stream.linear.gather [hbm4b:s4+s1], $0x60, $0x38;
	[tilespmem:$0x17100] =	vst v63  }
0x6f: {  	_ =	swait.ge [sflag:s30], $0x60  }
0x70: {  	[sflag:s30] =	ssyncset.done $0x0  }
0x71: {  	[sflag:s30] =	ssyncadd.s32 $0xFFFFFFA0  }
0x72: {  	[tilespmem:s29], [sflag:$0x1] =	stream.indirect.gather [hbm4b:s15+s9], $0x80, s1, s9, $0xb8;
	[tilespmem:$0x17100] =	vst v63  }
0x73: {  	_ =	swait.ge [sflag:s0], $0x3000  }
.Ltmp1:
0x74: {  	[sflag:s0] =	ssyncset.done $0x0;
	(pc) =	sbr.rel @p0 .LBB2_4-.Ltmp1, $4  }
0x75: {  	[sflag:s0] =	ssyncadd.s32 $0xFFFFD000  }
0x76: {  	[spmem:s12] =	stream.indirect.scatter.add.f32 [tilespmem:s29], [sflag:$0x2], $0x80, s31, s9, $0xb8;
	[tilespmem:$0x17100] =	vst v63  }
0x77: {  	_ =	swait.ge [sflag:s30], $0x3000  }
0x78: {  	s4 =	smov.u32 s7;
	[sflag:s30] =	ssyncset.done $0x0  }
0x79: {  	s4 =	sadd.s32 s3, s14;
	[sflag:s30] =	ssyncadd.s32 $0xFFFFD000  }
0x7a: {  	[tilespmem:s1], [sflag:$0x2] =	stream.linear.gather [hbm4b:s4+s1], $0x60, $0x38;
	[tilespmem:$0x17100] =	vst v63  }
0x7b: {  	_ =	swait.ge [sflag:s30], $0x60  }
0x7c: {  	[sflag:s30] =	ssyncset.done $0x0  }
0x7d: {  	s5 =	sadd.s32 s3, s28;
	[sflag:s30] =	ssyncadd.s32 $0xFFFFFFA0  }
0x7e: {  	[tilespmem:s31], [sflag:$0x2] =	stream.linear.gather [hbm4b:s5+s1], $0x60, $0x38;
	[tilespmem:$0x17100] =	vst v63  }
0x7f: {  	_ =	swait.ge [sflag:s30], $0x60  }
0x80: {  	[sflag:s30] =	ssyncset.done $0x0  }
0x81: {  	[sflag:s30] =	ssyncadd.s32 $0xFFFFFFA0  }
0x82: {  	[tilespmem:s29], [sflag:$0x1] =	stream.indirect.gather [hbm4b:s15+s9], $0x80, s1, s9, $0xb8;
	[tilespmem:$0x17100] =	vst v63  }
0x83: {  	_ =	swait.ge [sflag:s0], $0x3000  }
0x84: {  	[sflag:s0] =	ssyncset.done $0x0  }
0x85: {  	[sflag:s0] =	ssyncadd.s32 $0xFFFFD000  }
0x86: {  	[spmem:s12] =	stream.indirect.scatter.add.f32 [tilespmem:s29], [sflag:$0x2], $0x80, s31, s9, $0xb8;
	[tilespmem:$0x17100] =	vst v63  }
0x87: {  	_ =	swait.ge [sflag:s30], $0x3000  }
0x88: {  	[sflag:s30] =	ssyncset.done $0x0  }
0x89: {  	[sflag:s30] =	ssyncadd.s32 $0xFFFFD000  }
0x8a: {  	[bflag:$0x0] =	sbarrier.arrive $0xFFFF  }
0x8b: {  	[tilespmem:s29], [sflag:$0x2] =	stream.linear.gather [spmem:s16], $0x2000, $0x38;
	[tilespmem:$0x17100] =	vst v63  }
0x8c: {  	_ =	swait.ge [sflag:s30], $0x2000  }
0x8d: {  	[sflag:s30] =	ssyncset.done $0x0  }
0x8e: {  	s6 =	rddreg [dreg:$0x4];
	[sflag:s30] =	ssyncadd.s32 $0xFFFFE000  }
0x8f: {  	[hbm4b:s6+s1] =	stream.linear.scatter [tilespmem:s29], [sflag:$0x2], $0x2000, $0x38;
	[tilespmem:$0x17100] =	vst v63  }
0x90: {  	_ =	swait.ge [sflag:s30], $0x2000  }
0x91: {  	[sflag:s30] =	ssyncset.done $0x0  }
0x92: {  	[sflag:s30] =	ssyncadd.s32 $0xFFFFE000  }
0x93: {  	[tilespmem:s29], [sflag:$0x2] =	stream.linear.gather [spmem:s17], $0x2000, $0x38;
	[tilespmem:$0x17100] =	vst v63  }
0x94: {  	_ =	swait.ge [sflag:s30], $0x2000  }
0x95: {  	[sflag:s30] =	ssyncset.done $0x0  }
0x96: {  	s7 =	rddreg [dreg:$0x5];
	[sflag:s30] =	ssyncadd.s32 $0xFFFFE000  }
0x97: {  	[hbm4b:s7+s1] =	stream.linear.scatter [tilespmem:s29], [sflag:$0x2], $0x2000, $0x38;
	[tilespmem:$0x17100] =	vst v63  }
0x98: {  	_ =	swait.ge [sflag:s30], $0x2000  }
0x99: {  	[sflag:s30] =	ssyncset.done $0x0  }
0x9a: {  	[sflag:s30] =	ssyncadd.s32 $0xFFFFE000  }
0x9b: {  	[tilespmem:s29], [sflag:$0x2] =	stream.linear.gather [spmem:s18], $0x2000, $0x38;
	[tilespmem:$0x17100] =	vst v63  }
0x9c: {  	_ =	swait.ge [sflag:s30], $0x2000  }
0x9d: {  	[sflag:s30] =	ssyncset.done $0x0  }
0x9e: {  	s4 =	rddreg [dreg:$0x6];
	[sflag:s30] =	ssyncadd.s32 $0xFFFFE000  }
0x9f: {  	[hbm4b:s4+s1] =	stream.linear.scatter [tilespmem:s29], [sflag:$0x2], $0x2000, $0x38;
	[tilespmem:$0x17100] =	vst v63  }
0xa0: {  	_ =	swait.ge [sflag:s30], $0x2000  }
0xa1: {  	[sflag:s30] =	ssyncset.done $0x0  }
0xa2: {  	[sflag:s30] =	ssyncadd.s32 $0xFFFFE000  }
0xa3: {  	[tilespmem:s29], [sflag:$0x2] =	stream.linear.gather [spmem:s19], $0x2000, $0x38;
	[tilespmem:$0x17100] =	vst v63  }
0xa4: {  	_ =	swait.ge [sflag:s30], $0x2000  }
0xa5: {  	[sflag:s30] =	ssyncset.done $0x0  }
0xa6: {  	s5 =	rddreg [dreg:$0x7];
	[sflag:s30] =	ssyncadd.s32 $0xFFFFE000  }
0xa7: {  	[hbm4b:s5+s1] =	stream.linear.scatter [tilespmem:s29], [sflag:$0x2], $0x2000, $0x38;
	[tilespmem:$0x17100] =	vst v63  }
0xa8: {  	_ =	swait.ge [sflag:s30], $0x2000  }
0xa9: {  	[sflag:s30] =	ssyncset.done $0x0  }
0xaa: {  	[sflag:s30] =	ssyncadd.s32 $0xFFFFE000  }
0xab: {  	[tilespmem:s29], [sflag:$0x2] =	stream.linear.gather [spmem:s20], $0x2000, $0x38;
	[tilespmem:$0x17100] =	vst v63  }
0xac: {  	_ =	swait.ge [sflag:s30], $0x2000  }
0xad: {  	[sflag:s30] =	ssyncset.done $0x0  }
0xae: {  	s6 =	rddreg [dreg:$0x8];
	[sflag:s30] =	ssyncadd.s32 $0xFFFFE000  }
0xaf: {  	[hbm4b:s6+s1] =	stream.linear.scatter [tilespmem:s29], [sflag:$0x2], $0x2000, $0x38;
	[tilespmem:$0x17100] =	vst v63  }
0xb0: {  	_ =	swait.ge [sflag:s30], $0x2000  }
0xb1: {  	[sflag:s30] =	ssyncset.done $0x0  }
0xb2: {  	[sflag:s30] =	ssyncadd.s32 $0xFFFFE000  }
0xb3: {  	[tilespmem:s29], [sflag:$0x2] =	stream.linear.gather [spmem:s21], $0x2000, $0x38;
	[tilespmem:$0x17100] =	vst v63  }
0xb4: {  	_ =	swait.ge [sflag:s30], $0x2000  }
0xb5: {  	[sflag:s30] =	ssyncset.done $0x0  }
0xb6: {  	s7 =	rddreg [dreg:$0x9];
	[sflag:s30] =	ssyncadd.s32 $0xFFFFE000  }
0xb7: {  	[hbm4b:s7+s1] =	stream.linear.scatter [tilespmem:s29], [sflag:$0x2], $0x2000, $0x38;
	[tilespmem:$0x17100] =	vst v63  }
0xb8: {  	_ =	swait.ge [sflag:s30], $0x2000  }
0xb9: {  	[sflag:s30] =	ssyncset.done $0x0  }
0xba: {  	[sflag:s30] =	ssyncadd.s32 $0xFFFFE000  }
0xbb: {  	[tilespmem:s29], [sflag:$0x2] =	stream.linear.gather [spmem:s22], $0x2000, $0x38;
	[tilespmem:$0x17100] =	vst v63  }
0xbc: {  	_ =	swait.ge [sflag:s30], $0x2000  }
0xbd: {  	[sflag:s30] =	ssyncset.done $0x0  }
0xbe: {  	[sflag:s30] =	ssyncadd.s32 $0xFFFFE000  }
0xbf: {  	[hbm4b:s8+s1] =	stream.linear.scatter [tilespmem:s29], [sflag:$0x2], $0x2000, $0x38;
	[tilespmem:$0x17100] =	vst v63  }
0xc0: {  	_ =	swait.ge [sflag:s30], $0x2000  }
0xc1: {  	[sflag:s30] =	ssyncset.done $0x0  }
0xc2: {  	[sflag:s30] =	ssyncadd.s32 $0xFFFFE000  }
0xc3: {  	[tilespmem:s29], [sflag:$0x2] =	stream.linear.gather [spmem:s23], $0x2000, $0x38;
	[tilespmem:$0x17100] =	vst v63  }
0xc4: {  	_ =	swait.ge [sflag:s30], $0x2000  }
0xc5: {  	[sflag:s30] =	ssyncset.done $0x0  }
0xc6: {  	[sflag:s30] =	ssyncadd.s32 $0xFFFFE000  }
0xc7: {  	[hbm4b:s10+s1] =	stream.linear.scatter [tilespmem:s29], [sflag:$0x2], $0x2000, $0x38;
	[tilespmem:$0x17100] =	vst v63  }
0xc8: {  	_ =	swait.ge [sflag:s30], $0x2000  }
0xc9: {  	[sflag:s30] =	ssyncset.done $0x0  }
0xca: {  	[sflag:s30] =	ssyncadd.s32 $0xFFFFE000  }
0xcb: {  	[tilespmem:s29], [sflag:$0x2] =	stream.linear.gather [spmem:s24], $0x2000, $0x38;
	[tilespmem:$0x17100] =	vst v63  }
0xcc: {  	_ =	swait.ge [sflag:s30], $0x2000  }
0xcd: {  	[sflag:s30] =	ssyncset.done $0x0  }
0xce: {  	[sflag:s30] =	ssyncadd.s32 $0xFFFFE000  }
0xcf: {  	[hbm4b:s11+s1] =	stream.linear.scatter [tilespmem:s29], [sflag:$0x2], $0x2000, $0x38;
	[tilespmem:$0x17100] =	vst v63  }
0xd0: {  	_ =	swait.ge [sflag:s30], $0x2000  }
0xd1: {  	[sflag:s30] =	ssyncset.done $0x0  }
0xd2: {  	[sflag:s30] =	ssyncadd.s32 $0xFFFFE000  }
0xd3: {  	[tilespmem:s29], [sflag:$0x2] =	stream.linear.gather [spmem:s25], $0x2000, $0x38;
	[tilespmem:$0x17100] =	vst v63  }
0xd4: {  	s2 =	sadd.s32 $0x1, s2;
	_ =	swait.ge [sflag:s30], $0x2000  }
0xd5: {  	p0 =	sne.s32 s2, s26;
	[sflag:s30] =	ssyncset.done $0x0  }
.Ltmp2:
0xd6: {  	[sflag:s30] =	ssyncadd.s32 $0xFFFFE000;
	(pc) =	sbr.rel @p0 .LBB2_1-.Ltmp2, $4  }
0xd7: {  	[hbm4b:s13+s1] =	stream.linear.scatter [tilespmem:s29], [sflag:$0x2], $0x2000, $0x38;
	[tilespmem:$0x17100] =	vst v63  }
0xd8: {  	_ =	swait.ge [sflag:s30], $0x2000  }
0xd9: {  	[sflag:s30] =	ssyncset.done $0x0  }
0xda: {  	[sflag:s30] =	ssyncadd.s32 $0xFFFFE000  }
0xdb: {  	_ =	sfence.sel $0x180000  }
0xdc: {  	[bflag:$0x0] =	sbarrier.arrive $0xFFFF  }
0xdd: {  	_ =	strace $0x9000004A  }
0xde: {  	s0 =	stileid.u32;
	[bflag:$0x2] =	sbarrier.arrive $0xFFFF  }
0xdf: {  	p0 =	sne.s32 s0, $0x0;
	s0 =	rddreg [dreg:$0x3]  }
0xe0: {  	s0 =	sadd.s32 @!p0 $0x100000, s0  }
0xe1: {  	[sflag:s0] =	ssyncadd.tile.s32 @!p0 $0x1;
	_ =	shalt  }
.Lfunc_end2:
_tile_overlayer_lowered:
.L_overlay_start_2:
0xe2: {  	(tag) =	ssettag $0x2  }
0xe3: {  	s0 =	rddreg [dreg:$0x0];
	s2 =	stileid.u32  }
0xe4: {  	s1 =	rddreg [dreg:$0x1];
	p0 =	sne.s32 s2, $0x0  }
0xe5: {  	s3 =	rddreg [dreg:$0x2];
	[bflag:$0x3] =	sbarrier.arrive $0xFFFF;
	s2 =	simm.s32 @!p0 $0x1C02  }
0xe6: {  	[timem:s3], [sflag:s2] =	dma.local @!p0 [hbm:s0], s1  }
0xe7: {  	s0 =	simm.s32 @!p0 $0x2  }
0xe8: {  	_ =	swait.ge @!p0 [sflag:s0], s1  }
0xe9: {  	s1 =	ssub.s32 @!p0 $0x0, s1;
	[sflag:s0] =	ssyncset.done @!p0 $0x0  }
0xea: {  	[sflag:s0] =	ssyncadd.s32 @!p0 s1  }
0xeb: {  	[bflag:$0x3] =	sbarrier.arrive $0xFFFF  }
0xec: {  	_ =	shalt  }

</sc_bundles>
